<compile_context>
chip_gen: v7x
topology: tpu7x:2x2x1
jax: 0.10.2.dev20260603
libtpu: 0.0.44.dev20260713+nightly
codegen_flags: <defaults>
</compile_context>

<pallas_src>
import functools

import jax
import jax.numpy as jnp
from jax import lax
from jax.experimental import pallas as pl
from jax.experimental.pallas import tpu as pltpu
from jax.experimental.pallas import tpu_sc as plsc

N = 10000
NP = 10240
E = 320000
H = 128
K = 1544
TRASH = 10000
BM = 128
GM = 79
NT = 16
CPB = 16
NB = 10
NCH = CPB * NB
ECAP = NCH * 128
EP = NT * ECAP
EROW = EP // 128
ROWS_PER_TILE = NP // NT


def _leaky(v):
    return jnp.where(v > 0, v, 0.01 * v)



def _front_body(x_ref, wbig_ref, bbig_ref, win_ref, bin_ref, pa_ref,
                ws_ref, bs_ref, yy_ref):
    x = x_ref[...]
    h1 = jnp.dot(x, wbig_ref[...], preferred_element_type=jnp.float32)
    h1 = _leaky(h1 + bbig_ref[...])
    h = jnp.dot(h1, win_ref[...], preferred_element_type=jnp.float32)
    h = h + bin_ref[...]
    h = jnp.where(h > 0, h, pa_ref[...] * h)
    for t in range(3):
        yy_ref[t] = (
            jnp.dot(h, ws_ref[t], preferred_element_type=jnp.float32)
            + bs_ref[t])


def _combine(root, s, cnt):
    c0 = jnp.maximum(cnt[0, :, 0:1], 1.0)
    c1 = jnp.maximum(cnt[1, :, 0:1], 1.0)
    return root + s[0] / c0 + s[1] / c1


def _mid_body(yy_ref, s_ref, cnt_ref, ws_ref, bs_ref, yy2_ref):
    h = _combine(yy_ref[0], s_ref[...], cnt_ref[...])
    for t in range(3):
        yy2_ref[t] = (
            jnp.dot(h, ws_ref[t], preferred_element_type=jnp.float32)
            + bs_ref[t])


def _final_body(yy_ref, s_ref, cnt_ref, wcls_ref, bcls_ref, out_ref):
    h = _combine(yy_ref[0], s_ref[...], cnt_ref[...])
    out_ref[...] = (
        jnp.dot(h, wcls_ref[...], preferred_element_type=jnp.float32)
        + bcls_ref[...])


def _prep_body(src_ref, dst_ref, et_ref, p_ref, s_ref):
    s = src_ref[...]
    d = dst_ref[...]
    t = et_ref[...]
    trash = TRASH + lax.broadcasted_iota(jnp.int32, s.shape, 1)
    p_ref[...] = s + d * 16384
    s_ref[0] = jnp.where(t == 0, d, trash)
    s_ref[1] = jnp.where(t == 1, d, trash)


def _FULL(shape):
    return pl.BlockSpec(shape, lambda *_: tuple(0 for _ in shape))


def _YY3(rw=False):
    return pl.BlockSpec((3, BM, H), lambda i: (0, i, 0))


def _ROWB(nd=1):
    if nd == 1:
        return pl.BlockSpec((BM, H), lambda i: (i, 0))
    return pl.BlockSpec((2, BM, H), lambda i: (0, i, 0))


def _front(x, wbig, bbig, win, b_in, pa, wstack, bstack):
    return pl.pallas_call(
        _front_body,
        grid=(GM,),
        in_specs=[
            pl.BlockSpec((BM, K), lambda i: (i, 0)),
            _FULL((K, H)), _FULL((1, H)), _FULL((H, H)), _FULL((1, H)),
            _FULL((1, H)), _FULL((3, H, H)), _FULL((3, 1, H)),
        ],
        out_specs=_YY3(),
        out_shape=jax.ShapeDtypeStruct((3, NP, H), jnp.float32),
    )(x, wbig, bbig, win, b_in, pa, wstack, bstack)


def _mid(yy, s, cnt, wstack, bstack):
    return pl.pallas_call(
        _mid_body,
        grid=(GM,),
        in_specs=[
            _YY3(), _ROWB(2), _ROWB(2), _FULL((3, H, H)), _FULL((3, 1, H)),
        ],
        out_specs=_YY3(),
        out_shape=jax.ShapeDtypeStruct((3, NP, H), jnp.float32),
    )(yy, s, cnt, wstack, bstack)


def _final(yy, s, cnt, wcls, bcls):
    return pl.pallas_call(
        _final_body,
        grid=(GM,),
        in_specs=[_YY3(), _ROWB(2), _ROWB(2), _FULL((H, H)), _FULL((1, H))],
        out_specs=_ROWB(),
        out_shape=jax.ShapeDtypeStruct((N, H), jnp.float32),
    )(yy, s, cnt, wcls, bcls)


def _prep(src2d, dst2d, et2d):
    return pl.pallas_call(
        _prep_body,
        grid=(NCH,),
        in_specs=[pl.BlockSpec((EROW // NCH, 128), lambda i: (i, 0))] * 3,
        out_specs=[
            pl.BlockSpec((EROW // NCH, 128), lambda i: (i, 0)),
            pl.BlockSpec((2, EROW // NCH, 128), lambda i: (0, i, 0)),
        ],
        out_shape=[
            jax.ShapeDtypeStruct((EROW, 128), jnp.int32),
            jax.ShapeDtypeStruct((2, EROW, 128), jnp.int32),
        ],
    )(src2d, dst2d, et2d)



def _zero_buf(buf, rows):
    def _zrow(i, carry):
        for j in range(H // 16):
            buf[i, pl.ds(j * 16, 16)] = jnp.zeros((16,), jnp.float32)
        return carry
    lax.fori_loop(0, rows, _zrow, 0)


def _zero_acc(buf, acc, row0, rows=128):
    def _zcopy(kk, carry):
        pltpu.sync_copy(buf, acc.at[pl.ds(row0 + kk * rows, rows)])
        return carry
    lax.fori_loop(0, ROWS_PER_TILE // rows, _zcopy, 0)


def _write_out(buf, acc, out_hbm, c, row0, rows=128):
    def _obody(kk, carry):
        pltpu.sync_copy(acc.at[pl.ds(row0 + kk * rows, rows)], buf)
        pltpu.sync_copy(buf, out_hbm.at[c, pl.ds(row0 + kk * rows, rows)])
        return carry
    lax.fori_loop(0, ROWS_PER_TILE // rows, _obody, 0)


def _sc_cnt_body(pk_hbm, sidx_hbm, out_hbm, gidxc_hbm, sidxc_hbm,
                 cnt16_hbm, sidx_v, pk_v, list_v, ones_v, zbuf, cntv, acc):
    c = lax.axis_index("c")
    s = lax.axis_index("s")
    row0 = s * ROWS_PER_TILE
    erow0 = s * NB * CPB

    _zero_buf(zbuf, 16)
    e0 = jnp.where(lax.broadcasted_iota(jnp.int32, (16,), 0) == 0, 1.0, 0.0)

    def _orow(i, carry):
        ones_v[i, pl.ds(0, 16)] = e0
        for j in range(1, H // 16):
            ones_v[i, pl.ds(j * 16, 16)] = jnp.zeros((16,), jnp.float32)
        return carry
    lax.fori_loop(0, 128, _orow, 0)

    _zero_acc(zbuf, acc, row0, rows=16)

    lane = lax.broadcasted_iota(jnp.int32, (16,), 0)

    def _fill(i, carry):
        d = TRASH + s * 15 + ((i * 16 + lane) % 15)
        list_v[pl.ds(i * 16, 16)] = d * 16384
        return carry
    lax.fori_loop(0, ECAP // 16, _fill, 0)
    plsc.subcore_barrier()

    def _block(nb, off):
        pltpu.sync_copy(sidx_hbm.at[c, pl.ds(erow0 + nb * CPB, CPB)], sidx_v)
        pltpu.sync_copy(pk_hbm.at[pl.ds(erow0 + nb * CPB, CPB)], pk_v)

        def _row(r, off2):
            for l in range(8):
                sv = sidx_v[r, pl.ds(l * 16, 16)]
                pv = pk_v[r, pl.ds(l * 16, 16)]
                m = sv < TRASH
                pos = plsc.cumsum(jnp.where(m, 1, 0))
                idx = jnp.where(m, off2 + pos - 1,
                                ECAP + lax.broadcasted_iota(jnp.int32, (16,), 0))
                plsc.store_scatter(list_v, [idx], pv)
                off2 = off2 + plsc.all_reduce_population_count(m)
            return off2
        off = lax.fori_loop(0, CPB, _row, off)
        return off
    off = lax.fori_loop(0, NB, _block, jnp.zeros((16,), jnp.int32))
    plsc.subcore_barrier()

    cntv[...] = off
    pltpu.sync_copy(cntv, cnt16_hbm.at[c, s])

    base = (1 + c) * NP
    ncht = (jnp.max(cntv[...]) + 127) // 128
    nblk = (ncht + CPB - 1) // CPB

    def _ublk(nb, carry):
        def _urow(r, carry2):
            for l in range(8):
                pp = list_v[pl.ds(nb * 2048 + r * 128 + l * 16, 16)]
                d = lax.shift_right_logical(pp, 14)
                pk_v[r, pl.ds(l * 16, 16)] = pp - d * 16384 + base
                sidx_v[r, pl.ds(l * 16, 16)] = d
            return carry2
        lax.fori_loop(0, CPB, _urow, 0)
        pltpu.sync_copy(pk_v, gidxc_hbm.at[c, s, pl.ds(nb * CPB, CPB)])
        pltpu.sync_copy(sidx_v, sidxc_hbm.at[c, s, pl.ds(nb * CPB, CPB)])

        def _sct(j, carry2):
            @pl.when(nb * CPB + j < ncht)
            def _():
                pltpu.sync_copy(ones_v, acc.at[sidx_v.at[j]], add=True)
            return carry2
        lax.fori_loop(0, CPB, _sct, 0)
        return carry
    lax.fori_loop(0, nblk, _ublk, 0)

    plsc.subcore_barrier()
    _write_out(zbuf, acc, out_hbm, c, row0, rows=16)


def _sc_agg_body(yy_hbm, gidxc_hbm, sidxc_hbm, cnt16_hbm, out_hbm,
                 gidx_v, sidx_v, buf0, buf1, cntv, acc, sem):
    c = lax.axis_index("c")
    s = lax.axis_index("s")
    row0 = s * ROWS_PER_TILE

    _zero_buf(buf0, 128)
    _zero_acc(buf0, acc, row0)

    pltpu.sync_copy(cnt16_hbm.at[c, s], cntv)
    cnt = jnp.max(cntv[...])
    nfull = cnt // (CPB * 128)
    nrem = (cnt - nfull * (CPB * 128) + 127) // 128
    plsc.subcore_barrier()

    def _block(nb, carry):
        pltpu.sync_copy(gidxc_hbm.at[c, s, pl.ds(nb * CPB, CPB)], gidx_v)
        pltpu.sync_copy(sidxc_hbm.at[c, s, pl.ds(nb * CPB, CPB)], sidx_v)
        pltpu.async_copy(yy_hbm.at[gidx_v.at[0]], buf0, sem)

        def _mbody(g, carry2):
            for b in range(2):
                bufa = buf0 if b == 0 else buf1
                bufb = buf1 if b == 0 else buf0
                j = g * 2 + b
                pltpu.make_async_copy(yy_hbm.at[gidx_v.at[j]], bufa,
                                      sem).wait()
                jn = jnp.minimum(j + 1, CPB - 1)
                pltpu.async_copy(yy_hbm.at[gidx_v.at[jn]], bufb, sem)
                pltpu.sync_copy(bufa, acc.at[sidx_v.at[j]], add=True)
            return carry2
        lax.fori_loop(0, CPB // 2, _mbody, 0)
        pltpu.make_async_copy(yy_hbm.at[gidx_v.at[0]], buf0, sem).wait()
        return carry
    lax.fori_loop(0, nfull, _block, 0)

    @pl.when(nrem > 0)
    def _():
        pltpu.sync_copy(gidxc_hbm.at[c, s, pl.ds(nfull * CPB, CPB)], gidx_v)
        pltpu.sync_copy(sidxc_hbm.at[c, s, pl.ds(nfull * CPB, CPB)], sidx_v)

        def _rchunk(j, carry):
            pltpu.async_copy(yy_hbm.at[gidx_v.at[j]], buf0, sem).wait()
            pltpu.sync_copy(buf0, acc.at[sidx_v.at[j]], add=True)
            return carry
        lax.fori_loop(0, nrem, _rchunk, 0)
    plsc.subcore_barrier()

    _write_out(buf1, acc, out_hbm, c, row0)


def _sc_mesh():
    return plsc.VectorSubcoreMesh(
        core_axis_name="c", subcore_axis_name="s",
        num_cores=2, num_subcores=NT)


@functools.cache
def _make_sc_cnt():
    return pl.kernel(
        _sc_cnt_body,
        out_type=(
            jax.ShapeDtypeStruct((2, NP, H), jnp.float32),
            jax.ShapeDtypeStruct((2, NT, NCH, 128), jnp.int32),
            jax.ShapeDtypeStruct((2, NT, NCH, 128), jnp.int32),
            jax.ShapeDtypeStruct((2, NT, 16), jnp.int32),
        ),
        mesh=_sc_mesh(),
        compiler_params=pltpu.CompilerParams(needs_layout_passes=False),
        scratch_types=[
            pltpu.VMEM((CPB, 128), jnp.int32),
            pltpu.VMEM((CPB, 128), jnp.int32),
            pltpu.VMEM((ECAP + 16,), jnp.int32),
            pltpu.VMEM((128, H), jnp.float32),
            pltpu.VMEM((16, H), jnp.float32),
            pltpu.VMEM((16,), jnp.int32),
            pltpu.VMEM_SHARED((NP, H), jnp.float32),
        ],
    )


@functools.cache
def _make_sc_agg():
    return pl.kernel(
        _sc_agg_body,
        out_type=jax.ShapeDtypeStruct((2, NP, H), jnp.float32),
        mesh=_sc_mesh(),
        compiler_params=pltpu.CompilerParams(needs_layout_passes=False),
        scratch_types=[
            pltpu.VMEM((CPB, 128), jnp.int32),
            pltpu.VMEM((CPB, 128), jnp.int32),
            pltpu.VMEM((128, H), jnp.float32),
            pltpu.VMEM((128, H), jnp.float32),
            pltpu.VMEM((16,), jnp.int32),
            pltpu.VMEM_SHARED((NP, H), jnp.float32),
            pltpu.SemaphoreType.DMA,
        ],
    )



def kernel(x, edge_index, edge_type, W_des, b_des, W_tweet, b_tweet,
           W_num, b_num, W_cat, b_cat, W_in, b_in, prelu_a,
           W_rel1, W_root1, b1, W_rel2, W_root2, b2, W_cls, b_cls):
    f32 = jnp.float32
    D_NUM, D_TWEET, D_CAT = 5, 768, 3

    wbig = jnp.zeros((K, H), f32)
    wbig = wbig.at[0:D_NUM, 64:96].set(W_num)
    wbig = wbig.at[D_NUM:D_NUM + D_TWEET, 32:64].set(W_tweet)
    wbig = wbig.at[D_NUM + D_TWEET:D_NUM + D_TWEET + D_CAT, 96:128].set(W_cat)
    wbig = wbig.at[D_NUM + D_TWEET + D_CAT:K, 0:32].set(W_des)
    bbig = jnp.concatenate([b_des, b_tweet, b_num, b_cat])[None, :]
    wstack1 = jnp.stack([W_root1, W_rel1[0], W_rel1[1]])
    bstack1 = jnp.stack([b1, jnp.zeros_like(b1), jnp.zeros_like(b1)])[:, None]
    wstack2 = jnp.stack([W_root2, W_rel2[0], W_rel2[1]])
    bstack2 = jnp.stack([b2, jnp.zeros_like(b2), jnp.zeros_like(b2)])[:, None]

    src = jnp.pad(edge_index[0].astype(jnp.int32), (0, EP - E))
    dst = jnp.pad(edge_index[1].astype(jnp.int32), (0, EP - E))
    et = jnp.pad(edge_type.astype(jnp.int32), (0, EP - E),
                 constant_values=2)
    packed, sidx = _prep(src.reshape(EROW, 128), dst.reshape(EROW, 128),
                         et.reshape(EROW, 128))

    cnts, gidxc, sidxc, cnt16 = _make_sc_cnt()(packed, sidx)
    yy1 = _front(x, wbig, bbig, W_in, b_in[None, :], prelu_a[None, :],
                 wstack1, bstack1)
    s1 = _make_sc_agg()(yy1.reshape(3 * NP, H), gidxc, sidxc, cnt16)
    yy2 = _mid(yy1, s1, cnts, wstack2, bstack2)
    s2 = _make_sc_agg()(yy2.reshape(3 * NP, H), gidxc, sidxc, cnt16)
    return _final(yy2, s2, cnts, W_cls, b_cls[None, :])

# --- scband reference (transcript-rebuilt; emitter-appended) ---
"""Pipeline reference for scband-bot-rgcn-14224931684700 (READ-ONLY COPY).

The authoritative reference and input builder live on the scoring server;
editing this copy changes nothing except your own understanding.
"""

import jax, jax.numpy as jnp
import numpy as np

N = 10000
E = 320000
D_NUM = 5
D_TWEET = 768
D_CAT = 3
D_DES = 768
IN_DIM = 128
H = 128
R = 2
Q = IN_DIM // 4


def _lin(k, fi, fo):
    s = 1.0 / np.sqrt(fi)
    return jax.random.uniform(k, (fi, fo), jnp.float32, -s, s)


def setup_inputs(seed: int = 0):
    key = jax.random.key(seed)
    ks = jax.random.split(key, 16)
    inp = {}
    inp["x"] = jax.random.normal(ks[0], (N, D_NUM + D_TWEET + D_CAT + D_DES), jnp.float32)
    inp["edge_index"] = jax.random.randint(ks[1], (2, E), 0, N)
    inp["edge_type"] = jax.random.randint(ks[2], (E,), 0, R)
    inp["W_des"] = _lin(ks[3], D_DES, Q); inp["b_des"] = jnp.zeros((Q,), jnp.float32)
    inp["W_tweet"] = _lin(ks[4], D_TWEET, Q); inp["b_tweet"] = jnp.zeros((Q,), jnp.float32)
    inp["W_num"] = _lin(ks[5], D_NUM, Q); inp["b_num"] = jnp.zeros((Q,), jnp.float32)
    inp["W_cat"] = _lin(ks[6], D_CAT, Q); inp["b_cat"] = jnp.zeros((Q,), jnp.float32)
    inp["W_in"] = _lin(ks[7], IN_DIM, H); inp["b_in"] = jnp.zeros((H,), jnp.float32)
    inp["prelu_a"] = jnp.full((H,), 0.25, jnp.float32)
    inp["W_rel1"] = jax.random.normal(ks[8], (R, H, H), jnp.float32) * (1.0 / np.sqrt(H))
    inp["W_root1"] = _lin(ks[9], H, H); inp["b1"] = jnp.zeros((H,), jnp.float32)
    inp["W_rel2"] = jax.random.normal(ks[10], (R, H, H), jnp.float32) * (1.0 / np.sqrt(H))
    inp["W_root2"] = _lin(ks[11], H, H); inp["b2"] = jnp.zeros((H,), jnp.float32)
    inp["W_cls"] = _lin(ks[12], H, H); inp["b_cls"] = jnp.zeros((H,), jnp.float32)
    return inp


def _leaky(v):
    return jnp.where(v > 0, v, 0.01 * v)


def _rgcn(x, edge_index, edge_type, W_rel, W_root, b):
    src = edge_index[0]
    dst = edge_index[1]
    out = x @ W_root + b
    xs = x[src]
    for r in range(R):
        m = (edge_type == r).astype(x.dtype)
        agg = jax.ops.segment_sum(xs * m[:, None], dst, num_segments=x.shape[0])
        cnt = jax.ops.segment_sum(m, dst, num_segments=x.shape[0])
        agg = agg / jnp.maximum(cnt, 1.0)[:, None]
        out = out + agg @ W_rel[r]
    return out


def reference(x, edge_index, edge_type, W_des, b_des, W_tweet, b_tweet, W_num, b_num, W_cat, b_cat, W_in, b_in, prelu_a, W_rel1, W_root1, b1, W_rel2, W_root2, b2, W_cls, b_cls):
    num_prop = x[:, :D_NUM]
    tweet = x[:, D_NUM:D_NUM + D_TWEET]
    cat_prop = x[:, D_NUM + D_TWEET:D_NUM + D_TWEET + D_CAT]
    des = x[:, D_NUM + D_TWEET + D_CAT:]
    d = _leaky(des @ W_des + b_des)
    t = _leaky(tweet @ W_tweet + b_tweet)
    n = _leaky(num_prop @ W_num + b_num)
    c = _leaky(cat_prop @ W_cat + b_cat)
    h = jnp.concatenate([d, t, n, c], axis=1)
    h = h @ W_in + b_in
    h = jnp.where(h > 0, h, prelu_a * h)
    h = _rgcn(h, edge_index, edge_type, W_rel1, W_root1, b1)
    h = _rgcn(h, edge_index, edge_type, W_rel2, W_root2, b2)
    return h @ W_cls + b_cls

if __name__ == "__main__":
    import jax
    _d = setup_inputs()
    print(jax.jit(kernel)(*tuple(_d.values())))

</pallas_src>

<mosaic_0001>
#map = affine_map<(d0, d1) -> (0, 0)>
#map1 = affine_map<(d0, d1) -> (0, 0, 0, 0)>
#map2 = affine_map<(d0, d1) -> (0, 0, 0)>
module attributes {stable_mosaic.version = 14 : i64} {
  func.func @_sc_agg_body(%arg0: i32, %arg1: i32, %arg2: memref<30720x128xf32, #tpu.memory_space<hbm>>, %arg3: memref<2x16x160x128xi32, #tpu.memory_space<hbm>>, %arg4: memref<2x16x160x128xi32, #tpu.memory_space<hbm>>, %arg5: memref<2x16x16xi32, #tpu.memory_space<hbm>>, %arg6: memref<2x10240x128xf32, #tpu.memory_space<hbm>>, %arg7: memref<16x128xi32, #tpu.memory_space<vmem>>, %arg8: memref<16x128xi32, #tpu.memory_space<vmem>>, %arg9: memref<128x128xf32, #tpu.memory_space<vmem>>, %arg10: memref<128x128xf32, #tpu.memory_space<vmem>>, %arg11: memref<16xi32, #tpu.memory_space<vmem>>, %arg12: memref<10240x128xf32, #tpu.memory_space<vmem_shared>>, %arg13: memref<!tpu.dma_semaphore, #tpu.memory_space<semaphore_mem>>) attributes {dimension_semantics = [#tpu.dimension_semantics<core_parallel>, #tpu.dimension_semantics<subcore_parallel>], iteration_bounds = array<i64: 2, 16>, scalar_prefetch = 0 : i64, scratch_operands = 7 : i64, tpu.core_type = #tpu.core_type<sc_vector_subcore>, window_params = [{transform_indices = #map}, {transform_indices = #map1}, {transform_indices = #map1}, {transform_indices = #map2}, {transform_indices = #map2}]} {
    %mul3A = arith.constant 640 : i32
    %mul3A_0 = arith.muli %arg1, %mul3A : i32
    %scan3A = arith.constant 0 : i32
    %scan3A_1 = arith.constant 0 : i32
    %scan3A_2 = arith.constant 128 : i32
    %scan3A_3 = arith.addi %scan3A_1, %scan3A_2 : i32
    %scan3A_4 = arith.constant 1 : i32
    scf.for %scan3A_82 = %scan3A_1 to %scan3A_3 step %scan3A_4  : i32 {
      %broadcast_in_dim3A = arith.constant 0.000000e+00 : f32
      %broadcast_in_dim3A_83 = vector.broadcast %broadcast_in_dim3A : f32 to vector<16xf32>
      %swap3A = arith.index_cast %scan3A_82 : i32 to index
      %swap3A_84 = arith.constant 0 : index
      %swap3A_85 = tpu.vector_load %arg9[%swap3A, %swap3A_84] {strides = array<i32>} : memref<128x128xf32, #tpu.memory_space<vmem>>, vector<16xf32>,
      tpu.vector_store %arg9[%swap3A, %swap3A_84], %broadcast_in_dim3A_83 {strides = array<i32>} : memref<128x128xf32, #tpu.memory_space<vmem>>, vector<16xf32>,
      %broadcast_in_dim3A_86 = arith.constant 0.000000e+00 : f32
      %broadcast_in_dim3A_87 = vector.broadcast %broadcast_in_dim3A_86 : f32 to vector<16xf32>
      %swap3A_88 = arith.index_cast %scan3A_82 : i32 to index
      %swap3A_89 = arith.constant 16 : index
      %swap3A_90 = tpu.vector_load %arg9[%swap3A_88, %swap3A_89] {strides = array<i32>} : memref<128x128xf32, #tpu.memory_space<vmem>>, vector<16xf32>,
      tpu.vector_store %arg9[%swap3A_88, %swap3A_89], %broadcast_in_dim3A_87 {strides = array<i32>} : memref<128x128xf32, #tpu.memory_space<vmem>>, vector<16xf32>,
      %broadcast_in_dim3A_91 = arith.constant 0.000000e+00 : f32
      %broadcast_in_dim3A_92 = vector.broadcast %broadcast_in_dim3A_91 : f32 to vector<16xf32>
      %swap3A_93 = arith.index_cast %scan3A_82 : i32 to index
      %swap3A_94 = arith.constant 32 : index
      %swap3A_95 = tpu.vector_load %arg9[%swap3A_93, %swap3A_94] {strides = array<i32>} : memref<128x128xf32, #tpu.memory_space<vmem>>, vector<16xf32>,
      tpu.vector_store %arg9[%swap3A_93, %swap3A_94], %broadcast_in_dim3A_92 {strides = array<i32>} : memref<128x128xf32, #tpu.memory_space<vmem>>, vector<16xf32>,
      %broadcast_in_dim3A_96 = arith.constant 0.000000e+00 : f32
      %broadcast_in_dim3A_97 = vector.broadcast %broadcast_in_dim3A_96 : f32 to vector<16xf32>
      %swap3A_98 = arith.index_cast %scan3A_82 : i32 to index
      %swap3A_99 = arith.constant 48 : index
      %swap3A_100 = tpu.vector_load %arg9[%swap3A_98, %swap3A_99] {strides = array<i32>} : memref<128x128xf32, #tpu.memory_space<vmem>>, vector<16xf32>,
      tpu.vector_store %arg9[%swap3A_98, %swap3A_99], %broadcast_in_dim3A_97 {strides = array<i32>} : memref<128x128xf32, #tpu.memory_space<vmem>>, vector<16xf32>,
      %broadcast_in_dim3A_101 = arith.constant 0.000000e+00 : f32
      %broadcast_in_dim3A_102 = vector.broadcast %broadcast_in_dim3A_101 : f32 to vector<16xf32>
      %swap3A_103 = arith.index_cast %scan3A_82 : i32 to index
      %swap3A_104 = arith.constant 64 : index
      %swap3A_105 = tpu.vector_load %arg9[%swap3A_103, %swap3A_104] {strides = array<i32>} : memref<128x128xf32, #tpu.memory_space<vmem>>, vector<16xf32>,
      tpu.vector_store %arg9[%swap3A_103, %swap3A_104], %broadcast_in_dim3A_102 {strides = array<i32>} : memref<128x128xf32, #tpu.memory_space<vmem>>, vector<16xf32>,
      %broadcast_in_dim3A_106 = arith.constant 0.000000e+00 : f32
      %broadcast_in_dim3A_107 = vector.broadcast %broadcast_in_dim3A_106 : f32 to vector<16xf32>
      %swap3A_108 = arith.index_cast %scan3A_82 : i32 to index
      %swap3A_109 = arith.constant 80 : index
      %swap3A_110 = tpu.vector_load %arg9[%swap3A_108, %swap3A_109] {strides = array<i32>} : memref<128x128xf32, #tpu.memory_space<vmem>>, vector<16xf32>,
      tpu.vector_store %arg9[%swap3A_108, %swap3A_109], %broadcast_in_dim3A_107 {strides = array<i32>} : memref<128x128xf32, #tpu.memory_space<vmem>>, vector<16xf32>,
      %broadcast_in_dim3A_111 = arith.constant 0.000000e+00 : f32
      %broadcast_in_dim3A_112 = vector.broadcast %broadcast_in_dim3A_111 : f32 to vector<16xf32>
      %swap3A_113 = arith.index_cast %scan3A_82 : i32 to index
      %swap3A_114 = arith.constant 96 : index
      %swap3A_115 = tpu.vector_load %arg9[%swap3A_113, %swap3A_114] {strides = array<i32>} : memref<128x128xf32, #tpu.memory_space<vmem>>, vector<16xf32>,
      tpu.vector_store %arg9[%swap3A_113, %swap3A_114], %broadcast_in_dim3A_112 {strides = array<i32>} : memref<128x128xf32, #tpu.memory_space<vmem>>, vector<16xf32>,
      %broadcast_in_dim3A_116 = arith.constant 0.000000e+00 : f32
      %broadcast_in_dim3A_117 = vector.broadcast %broadcast_in_dim3A_116 : f32 to vector<16xf32>
      %swap3A_118 = arith.index_cast %scan3A_82 : i32 to index
      %swap3A_119 = arith.constant 112 : index
      %swap3A_120 = tpu.vector_load %arg9[%swap3A_118, %swap3A_119] {strides = array<i32>} : memref<128x128xf32, #tpu.memory_space<vmem>>, vector<16xf32>,
      tpu.vector_store %arg9[%swap3A_118, %swap3A_119], %broadcast_in_dim3A_117 {strides = array<i32>} : memref<128x128xf32, #tpu.memory_space<vmem>>, vector<16xf32>,
    }
    %scan3A_5 = arith.constant 128 : i32
    %scan3A_6 = arith.constant 0 : i32
    %scan3A_7 = arith.constant 0 : i32
    %scan3A_8 = arith.constant 5 : i32
    %scan3A_9 = arith.addi %scan3A_7, %scan3A_8 : i32
    %scan3A_10 = arith.constant 1 : i32
    scf.for %scan3A_82 = %scan3A_7 to %scan3A_9 step %scan3A_10  : i32 {
      %mul3A_83 = arith.constant 128 : i32
      %mul3A_84 = arith.muli %scan3A_82, %mul3A_83 : i32
      %add3A_85 = arith.addi %mul3A_0, %mul3A_84 : i32
      "tpu.region"() ({
        %run_scoped3A = tpu.sem_alloc : memref<!tpu.dma_semaphore, #tpu.memory_space<semaphore_mem>>
        %dma_start3A = arith.constant 0 : i32
        %dma_start3A_86 = tpu.memref_slice %arg12[%add3A_85, %dma_start3A] : memref<10240x128xf32, #tpu.memory_space<vmem_shared>> -> memref<128x128xf32, #tpu.memory_space<vmem_shared>>
        %dma_start3A_87 = arith.constant 0 : i32
        %dma_start3A_88 = tpu.memref_slice %arg12[%add3A_85, %dma_start3A_87] : memref<10240x128xf32, #tpu.memory_space<vmem_shared>> -> memref<128x128xf32, #tpu.memory_space<vmem_shared>>
        tpu.enqueue_dma source(%arg9 : memref<128x128xf32, #tpu.memory_space<vmem>>) target(%dma_start3A_88 : memref<128x128xf32, #tpu.memory_space<vmem_shared>>) target_semaphore(%run_scoped3A : memref<!tpu.dma_semaphore, #tpu.memory_space<semaphore_mem>>)
        %dma_wait3A = arith.constant 0 : i32
        %dma_wait3A_89 = tpu.memref_slice %arg12[%add3A_85, %dma_wait3A] : memref<10240x128xf32, #tpu.memory_space<vmem_shared>> -> memref<128x128xf32, #tpu.memory_space<vmem_shared>>
        %dma_wait3A_90 = arith.constant 0 : i32
        %dma_wait3A_91 = tpu.memref_slice %arg12[%add3A_85, %dma_wait3A_90] : memref<10240x128xf32, #tpu.memory_space<vmem_shared>> -> memref<128x128xf32, #tpu.memory_space<vmem_shared>>
        tpu.wait_dma2 semaphore(%run_scoped3A : memref<!tpu.dma_semaphore, #tpu.memory_space<semaphore_mem>>) src(%arg9 : memref<128x128xf32, #tpu.memory_space<vmem>>) dst(%dma_wait3A_91 : memref<128x128xf32, #tpu.memory_space<vmem_shared>>)
        tpu.yield
      }) : () -> ()
    }
    %scan3A_11 = arith.constant 5 : i32
    "tpu.region"() ({
      %run_scoped3A = tpu.sem_alloc : memref<!tpu.dma_semaphore, #tpu.memory_space<semaphore_mem>>
      %dma_start3A = arith.constant 0 : i32
      %dma_start3A_82 = tpu.memref_slice %arg5[%arg0, %arg1, %dma_start3A] : memref<2x16x16xi32, #tpu.memory_space<hbm>> -> memref<1x1x16xi32, #tpu.memory_space<hbm>>
      %dma_start3A_83 = tpu.memref_squeeze %dma_start3A_82 : memref<1x1x16xi32, #tpu.memory_space<hbm>> -> memref<16xi32, #tpu.memory_space<hbm>>
      %dma_start3A_84 = arith.constant 0 : i32
      %dma_start3A_85 = tpu.memref_slice %arg5[%arg0, %arg1, %dma_start3A_84] : memref<2x16x16xi32, #tpu.memory_space<hbm>> -> memref<1x1x16xi32, #tpu.memory_space<hbm>>
      %dma_start3A_86 = tpu.memref_squeeze %dma_start3A_85 : memref<1x1x16xi32, #tpu.memory_space<hbm>> -> memref<16xi32, #tpu.memory_space<hbm>>
      tpu.enqueue_dma source(%dma_start3A_86 : memref<16xi32, #tpu.memory_space<hbm>>) target(%arg11 : memref<16xi32, #tpu.memory_space<vmem>>) target_semaphore(%run_scoped3A : memref<!tpu.dma_semaphore, #tpu.memory_space<semaphore_mem>>)
      %dma_wait3A = arith.constant 0 : i32
      %dma_wait3A_87 = tpu.memref_slice %arg5[%arg0, %arg1, %dma_wait3A] : memref<2x16x16xi32, #tpu.memory_space<hbm>> -> memref<1x1x16xi32, #tpu.memory_space<hbm>>
      %dma_wait3A_88 = tpu.memref_squeeze %dma_wait3A_87 : memref<1x1x16xi32, #tpu.memory_space<hbm>> -> memref<16xi32, #tpu.memory_space<hbm>>
      %dma_wait3A_89 = arith.constant 0 : i32
      %dma_wait3A_90 = tpu.memref_slice %arg5[%arg0, %arg1, %dma_wait3A_89] : memref<2x16x16xi32, #tpu.memory_space<hbm>> -> memref<1x1x16xi32, #tpu.memory_space<hbm>>
      %dma_wait3A_91 = tpu.memref_squeeze %dma_wait3A_90 : memref<1x1x16xi32, #tpu.memory_space<hbm>> -> memref<16xi32, #tpu.memory_space<hbm>>
      tpu.wait_dma2 semaphore(%run_scoped3A : memref<!tpu.dma_semaphore, #tpu.memory_space<semaphore_mem>>) src(%dma_wait3A_91 : memref<16xi32, #tpu.memory_space<hbm>>) dst(%arg11 : memref<16xi32, #tpu.memory_space<vmem>>)
      tpu.yield
    }) : () -> ()
    %get3A = arith.constant 0 : index
    %get3A_12 = tpu.vector_load %arg11[%get3A] {strides = array<i32>} : memref<16xi32, #tpu.memory_space<vmem>>, vector<16xi32>,
    %reduce_max3A = arith.constant true
    %reduce_max3A_13 = vector.broadcast %reduce_max3A : i1 to vector<16xi1>
    %reduce_max3A_14 = arith.constant -2147483648 : i32
    %reduce_max3A_15 = vector.broadcast %reduce_max3A_14 : i32 to vector<16xi32>
    %reduce_max3A_16 = arith.xori %get3A_12, %reduce_max3A_15 : vector<16xi32>
    %reduce_max3A_17 = tpu.scan <max>, %reduce_max3A_16 masked %reduce_max3A_13 : vector<16xi32>, vector<16xi1> -> vector<16xi32>
    %reduce_max3A_18 = arith.xori %reduce_max3A_17, %reduce_max3A_15 : vector<16xi32>
    %reduce_max3A_19 = vector.extract %reduce_max3A_18[15] : i32 from vector<16xi32>
    %jit3A = arith.constant 2048 : i32
    %div3A = arith.divsi %reduce_max3A_19, %jit3A : i32
    %sign3A = arith.constant 0 : i32
    %sign3A_20 = arith.cmpi sgt, %reduce_max3A_19, %sign3A : i32
    %sign3A_21 = arith.extui %sign3A_20 : i1 to i32
    %sign3A_22 = arith.constant 0 : i32
    %sign3A_23 = arith.cmpi slt, %reduce_max3A_19, %sign3A_22 : i32
    %sign3A_24 = arith.extui %sign3A_23 : i1 to i32
    %sign3A_25 = arith.subi %sign3A_21, %sign3A_24 : i32
    %sign3A_26 = arith.constant 0 : i32
    %sign3A_27 = arith.cmpi sgt, %jit3A, %sign3A_26 : i32
    %sign3A_28 = arith.extui %sign3A_27 : i1 to i32
    %sign3A_29 = arith.constant 0 : i32
    %sign3A_30 = arith.cmpi slt, %jit3A, %sign3A_29 : i32
    %sign3A_31 = arith.extui %sign3A_30 : i1 to i32
    %sign3A_32 = arith.subi %sign3A_28, %sign3A_31 : i32
    %ne3A = arith.cmpi ne, %sign3A_25, %sign3A_32 : i32
    %rem3A = arith.remsi %reduce_max3A_19, %jit3A : i32
    %ne3A_33 = arith.constant 0 : i32
    %ne3A_34 = arith.cmpi ne, %rem3A, %ne3A_33 : i32
    %and3A = arith.andi %ne3A, %ne3A_34 : i1
    %sub3A = arith.constant 1 : i32
    %sub3A_35 = arith.subi %div3A, %sub3A : i32
    %select_n3A = arith.select %and3A, %sub3A_35, %div3A : i32
    %mul3A_36 = arith.constant 2048 : i32
    %mul3A_37 = arith.muli %select_n3A, %mul3A_36 : i32
    %sub3A_38 = arith.subi %reduce_max3A_19, %mul3A_37 : i32
    %add3A = arith.constant 127 : i32
    %add3A_39 = arith.addi %sub3A_38, %add3A : i32
    %jit3A_40 = arith.constant 128 : i32
    %div3A_41 = arith.divsi %add3A_39, %jit3A_40 : i32
    %sign3A_42 = arith.constant 0 : i32
    %sign3A_43 = arith.cmpi sgt, %add3A_39, %sign3A_42 : i32
    %sign3A_44 = arith.extui %sign3A_43 : i1 to i32
    %sign3A_45 = arith.constant 0 : i32
    %sign3A_46 = arith.cmpi slt, %add3A_39, %sign3A_45 : i32
    %sign3A_47 = arith.extui %sign3A_46 : i1 to i32
    %sign3A_48 = arith.subi %sign3A_44, %sign3A_47 : i32
    %sign3A_49 = arith.constant 0 : i32
    %sign3A_50 = arith.cmpi sgt, %jit3A_40, %sign3A_49 : i32
    %sign3A_51 = arith.extui %sign3A_50 : i1 to i32
    %sign3A_52 = arith.constant 0 : i32
    %sign3A_53 = arith.cmpi slt, %jit3A_40, %sign3A_52 : i32
    %sign3A_54 = arith.extui %sign3A_53 : i1 to i32
    %sign3A_55 = arith.subi %sign3A_51, %sign3A_54 : i32
    %ne3A_56 = arith.cmpi ne, %sign3A_48, %sign3A_55 : i32
    %rem3A_57 = arith.remsi %add3A_39, %jit3A_40 : i32
    %ne3A_58 = arith.constant 0 : i32
    %ne3A_59 = arith.cmpi ne, %rem3A_57, %ne3A_58 : i32
    %and3A_60 = arith.andi %ne3A_56, %ne3A_59 : i1
    %sub3A_61 = arith.constant 1 : i32
    %sub3A_62 = arith.subi %div3A_41, %sub3A_61 : i32
    %select_n3A_63 = arith.select %and3A_60, %sub3A_62, %div3A_41 : i32
    %barrier3A = arith.constant 0 : index
    tpu.barrier barrier_id(%barrier3A)
    %while3A = arith.constant 0 : i32
    %while3A_64 = arith.constant 0 : i32
    %while3A_65 = arith.subi %select_n3A, %while3A_64 : i32
    %while3A_66 = arith.addi %while3A_64, %while3A_65 : i32
    %while3A_67 = arith.constant 1 : i32
    %while3A_68 = arith.divsi %while3A_65, %while3A_67 : i32
    %while3A_69 = arith.muli %while3A_68, %while3A_67 : i32
    %while3A_70 = arith.addi %while3A_64, %while3A_69 : i32
    %while3A_71 = arith.constant 1 : i32
    scf.for %while3A_82 = %while3A_64 to %while3A_70 step %while3A_71  : i32 {
      %mul3A_83 = arith.constant 16 : i32
      %mul3A_84 = arith.muli %while3A_82, %mul3A_83 : i32
      "tpu.region"() ({
        %run_scoped3A = tpu.sem_alloc : memref<!tpu.dma_semaphore, #tpu.memory_space<semaphore_mem>>
        %dma_start3A_105 = arith.constant 0 : i32
        %dma_start3A_106 = tpu.memref_slice %arg3[%arg0, %arg1, %mul3A_84, %dma_start3A_105] : memref<2x16x160x128xi32, #tpu.memory_space<hbm>> -> memref<1x1x16x128xi32, #tpu.memory_space<hbm>>
        %dma_start3A_107 = tpu.memref_squeeze %dma_start3A_106 : memref<1x1x16x128xi32, #tpu.memory_space<hbm>> -> memref<16x128xi32, #tpu.memory_space<hbm>>
        %dma_start3A_108 = arith.constant 0 : i32
        %dma_start3A_109 = tpu.memref_slice %arg3[%arg0, %arg1, %mul3A_84, %dma_start3A_108] : memref<2x16x160x128xi32, #tpu.memory_space<hbm>> -> memref<1x1x16x128xi32, #tpu.memory_space<hbm>>
        %dma_start3A_110 = tpu.memref_squeeze %dma_start3A_109 : memref<1x1x16x128xi32, #tpu.memory_space<hbm>> -> memref<16x128xi32, #tpu.memory_space<hbm>>
        tpu.enqueue_dma source(%dma_start3A_110 : memref<16x128xi32, #tpu.memory_space<hbm>>) target(%arg7 : memref<16x128xi32, #tpu.memory_space<vmem>>) target_semaphore(%run_scoped3A : memref<!tpu.dma_semaphore, #tpu.memory_space<semaphore_mem>>)
        %dma_wait3A_111 = arith.constant 0 : i32
        %dma_wait3A_112 = tpu.memref_slice %arg3[%arg0, %arg1, %mul3A_84, %dma_wait3A_111] : memref<2x16x160x128xi32, #tpu.memory_space<hbm>> -> memref<1x1x16x128xi32, #tpu.memory_space<hbm>>
        %dma_wait3A_113 = tpu.memref_squeeze %dma_wait3A_112 : memref<1x1x16x128xi32, #tpu.memory_space<hbm>> -> memref<16x128xi32, #tpu.memory_space<hbm>>
        %dma_wait3A_114 = arith.constant 0 : i32
        %dma_wait3A_115 = tpu.memref_slice %arg3[%arg0, %arg1, %mul3A_84, %dma_wait3A_114] : memref<2x16x160x128xi32, #tpu.memory_space<hbm>> -> memref<1x1x16x128xi32, #tpu.memory_space<hbm>>
        %dma_wait3A_116 = tpu.memref_squeeze %dma_wait3A_115 : memref<1x1x16x128xi32, #tpu.memory_space<hbm>> -> memref<16x128xi32, #tpu.memory_space<hbm>>
        tpu.wait_dma2 semaphore(%run_scoped3A : memref<!tpu.dma_semaphore, #tpu.memory_space<semaphore_mem>>) src(%dma_wait3A_116 : memref<16x128xi32, #tpu.memory_space<hbm>>) dst(%arg7 : memref<16x128xi32, #tpu.memory_space<vmem>>)
        tpu.yield
      }) : () -> ()
      %mul3A_85 = arith.constant 16 : i32
      %mul3A_86 = arith.muli %while3A_82, %mul3A_85 : i32
      "tpu.region"() ({
        %run_scoped3A = tpu.sem_alloc : memref<!tpu.dma_semaphore, #tpu.memory_space<semaphore_mem>>
        %dma_start3A_105 = arith.constant 0 : i32
        %dma_start3A_106 = tpu.memref_slice %arg4[%arg0, %arg1, %mul3A_86, %dma_start3A_105] : memref<2x16x160x128xi32, #tpu.memory_space<hbm>> -> memref<1x1x16x128xi32, #tpu.memory_space<hbm>>
        %dma_start3A_107 = tpu.memref_squeeze %dma_start3A_106 : memref<1x1x16x128xi32, #tpu.memory_space<hbm>> -> memref<16x128xi32, #tpu.memory_space<hbm>>
        %dma_start3A_108 = arith.constant 0 : i32
        %dma_start3A_109 = tpu.memref_slice %arg4[%arg0, %arg1, %mul3A_86, %dma_start3A_108] : memref<2x16x160x128xi32, #tpu.memory_space<hbm>> -> memref<1x1x16x128xi32, #tpu.memory_space<hbm>>
        %dma_start3A_110 = tpu.memref_squeeze %dma_start3A_109 : memref<1x1x16x128xi32, #tpu.memory_space<hbm>> -> memref<16x128xi32, #tpu.memory_space<hbm>>
        tpu.enqueue_dma source(%dma_start3A_110 : memref<16x128xi32, #tpu.memory_space<hbm>>) target(%arg8 : memref<16x128xi32, #tpu.memory_space<vmem>>) target_semaphore(%run_scoped3A : memref<!tpu.dma_semaphore, #tpu.memory_space<semaphore_mem>>)
        %dma_wait3A_111 = arith.constant 0 : i32
        %dma_wait3A_112 = tpu.memref_slice %arg4[%arg0, %arg1, %mul3A_86, %dma_wait3A_111] : memref<2x16x160x128xi32, #tpu.memory_space<hbm>> -> memref<1x1x16x128xi32, #tpu.memory_space<hbm>>
        %dma_wait3A_113 = tpu.memref_squeeze %dma_wait3A_112 : memref<1x1x16x128xi32, #tpu.memory_space<hbm>> -> memref<16x128xi32, #tpu.memory_space<hbm>>
        %dma_wait3A_114 = arith.constant 0 : i32
        %dma_wait3A_115 = tpu.memref_slice %arg4[%arg0, %arg1, %mul3A_86, %dma_wait3A_114] : memref<2x16x160x128xi32, #tpu.memory_space<hbm>> -> memref<1x1x16x128xi32, #tpu.memory_space<hbm>>
        %dma_wait3A_116 = tpu.memref_squeeze %dma_wait3A_115 : memref<1x1x16x128xi32, #tpu.memory_space<hbm>> -> memref<16x128xi32, #tpu.memory_space<hbm>>
        tpu.wait_dma2 semaphore(%run_scoped3A : memref<!tpu.dma_semaphore, #tpu.memory_space<semaphore_mem>>) src(%dma_wait3A_116 : memref<16x128xi32, #tpu.memory_space<hbm>>) dst(%arg8 : memref<16x128xi32, #tpu.memory_space<vmem>>)
        tpu.yield
      }) : () -> ()
      %dma_start3A = arith.constant 0 : i32
      %dma_start3A_87 = arith.constant 0 : i32
      %dma_start3A_88 = tpu.memref_slice %arg7[%dma_start3A, %dma_start3A_87] : memref<16x128xi32, #tpu.memory_space<vmem>> -> memref<1x128xi32, #tpu.memory_space<vmem>>
      %dma_start3A_89 = tpu.memref_squeeze %dma_start3A_88 : memref<1x128xi32, #tpu.memory_space<vmem>> -> memref<128xi32, #tpu.memory_space<vmem>>
      %dma_start3A_90 = arith.constant 0 : i32
      %dma_start3A_91 = arith.constant 0 : i32
      %dma_start3A_92 = tpu.memref_slice %arg2[%dma_start3A_90, %dma_start3A_91] : memref<30720x128xf32, #tpu.memory_space<hbm>> -> memref<30720x128xf32, #tpu.memory_space<hbm>>
      tpu.enqueue_indirect_dma source(%dma_start3A_92 : memref<30720x128xf32, #tpu.memory_space<hbm>>) target(%arg9 : memref<128x128xf32, #tpu.memory_space<vmem>>) offsets(%dma_start3A_89 : memref<128xi32, #tpu.memory_space<vmem>>) semaphore(%arg13 : memref<!tpu.dma_semaphore, #tpu.memory_space<semaphore_mem>>)
      %scan3A_93 = arith.constant 0 : i32
      %scan3A_94 = arith.constant 0 : i32
      %scan3A_95 = arith.constant 8 : i32
      %scan3A_96 = arith.addi %scan3A_94, %scan3A_95 : i32
      %scan3A_97 = arith.constant 1 : i32
      scf.for %scan3A_105 = %scan3A_94 to %scan3A_96 step %scan3A_97  : i32 {
        %mul3A_106 = arith.constant 2 : i32
        %mul3A_107 = arith.muli %scan3A_105, %mul3A_106 : i32
        %add3A_108 = arith.constant 0 : i32
        %add3A_109 = arith.addi %mul3A_107, %add3A_108 : i32
        %dma_wait3A_110 = arith.constant 0 : i32
        %dma_wait3A_111 = tpu.memref_slice %arg7[%add3A_109, %dma_wait3A_110] : memref<16x128xi32, #tpu.memory_space<vmem>> -> memref<1x128xi32, #tpu.memory_space<vmem>>
        %dma_wait3A_112 = tpu.memref_squeeze %dma_wait3A_111 : memref<1x128xi32, #tpu.memory_space<vmem>> -> memref<128xi32, #tpu.memory_space<vmem>>
        %dma_wait3A_113 = arith.constant 0 : i32
        %dma_wait3A_114 = arith.constant 0 : i32
        %dma_wait3A_115 = tpu.memref_slice %arg2[%dma_wait3A_113, %dma_wait3A_114] : memref<30720x128xf32, #tpu.memory_space<hbm>> -> memref<30720x128xf32, #tpu.memory_space<hbm>>
        tpu.wait_indirect_dma semaphore(%arg13 : memref<!tpu.dma_semaphore, #tpu.memory_space<semaphore_mem>>) src(%dma_wait3A_115 : memref<30720x128xf32, #tpu.memory_space<hbm>>) dst(%arg9 : memref<128x128xf32, #tpu.memory_space<vmem>>)
        %add3A_116 = arith.constant 1 : i32
        %add3A_117 = arith.addi %add3A_109, %add3A_116 : i32
        %min3A = arith.constant 15 : i32
        %min3A_118 = arith.minsi %add3A_117, %min3A : i32
        %dma_start3A_119 = arith.constant 0 : i32
        %dma_start3A_120 = tpu.memref_slice %arg7[%min3A_118, %dma_start3A_119] : memref<16x128xi32, #tpu.memory_space<vmem>> -> memref<1x128xi32, #tpu.memory_space<vmem>>
        %dma_start3A_121 = tpu.memref_squeeze %dma_start3A_120 : memref<1x128xi32, #tpu.memory_space<vmem>> -> memref<128xi32, #tpu.memory_space<vmem>>
        %dma_start3A_122 = arith.constant 0 : i32
        %dma_start3A_123 = arith.constant 0 : i32
        %dma_start3A_124 = tpu.memref_slice %arg2[%dma_start3A_122, %dma_start3A_123] : memref<30720x128xf32, #tpu.memory_space<hbm>> -> memref<30720x128xf32, #tpu.memory_space<hbm>>
        tpu.enqueue_indirect_dma source(%dma_start3A_124 : memref<30720x128xf32, #tpu.memory_space<hbm>>) target(%arg10 : memref<128x128xf32, #tpu.memory_space<vmem>>) offsets(%dma_start3A_121 : memref<128xi32, #tpu.memory_space<vmem>>) semaphore(%arg13 : memref<!tpu.dma_semaphore, #tpu.memory_space<semaphore_mem>>)
        "tpu.region"() ({
          %run_scoped3A = tpu.sem_alloc : memref<!tpu.dma_semaphore, #tpu.memory_space<semaphore_mem>>
          %dma_start3A_145 = arith.constant 0 : i32
          %dma_start3A_146 = tpu.memref_slice %arg8[%add3A_109, %dma_start3A_145] : memref<16x128xi32, #tpu.memory_space<vmem>> -> memref<1x128xi32, #tpu.memory_space<vmem>>
          %dma_start3A_147 = tpu.memref_squeeze %dma_start3A_146 : memref<1x128xi32, #tpu.memory_space<vmem>> -> memref<128xi32, #tpu.memory_space<vmem>>
          %dma_start3A_148 = arith.constant 0 : i32
          %dma_start3A_149 = arith.constant 0 : i32
          %dma_start3A_150 = tpu.memref_slice %arg12[%dma_start3A_148, %dma_start3A_149] : memref<10240x128xf32, #tpu.memory_space<vmem_shared>> -> memref<10240x128xf32, #tpu.memory_space<vmem_shared>>
          tpu.enqueue_indirect_dma source(%arg9 : memref<128x128xf32, #tpu.memory_space<vmem>>) target(%dma_start3A_150 : memref<10240x128xf32, #tpu.memory_space<vmem_shared>>) offsets(%dma_start3A_147 : memref<128xi32, #tpu.memory_space<vmem>>) semaphore(%run_scoped3A : memref<!tpu.dma_semaphore, #tpu.memory_space<semaphore_mem>>) {add = true}
          %dma_wait3A_151 = arith.constant 0 : i32
          %dma_wait3A_152 = tpu.memref_slice %arg8[%add3A_109, %dma_wait3A_151] : memref<16x128xi32, #tpu.memory_space<vmem>> -> memref<1x128xi32, #tpu.memory_space<vmem>>
          %dma_wait3A_153 = tpu.memref_squeeze %dma_wait3A_152 : memref<1x128xi32, #tpu.memory_space<vmem>> -> memref<128xi32, #tpu.memory_space<vmem>>
          %dma_wait3A_154 = arith.constant 0 : i32
          %dma_wait3A_155 = arith.constant 0 : i32
          %dma_wait3A_156 = tpu.memref_slice %arg12[%dma_wait3A_154, %dma_wait3A_155] : memref<10240x128xf32, #tpu.memory_space<vmem_shared>> -> memref<10240x128xf32, #tpu.memory_space<vmem_shared>>
          tpu.wait_indirect_dma semaphore(%run_scoped3A : memref<!tpu.dma_semaphore, #tpu.memory_space<semaphore_mem>>) src(%arg9 : memref<128x128xf32, #tpu.memory_space<vmem>>) dst(%dma_wait3A_156 : memref<10240x128xf32, #tpu.memory_space<vmem_shared>>)
          tpu.yield
        }) : () -> ()
        %mul3A_125 = arith.constant 2 : i32
        %mul3A_126 = arith.muli %scan3A_105, %mul3A_125 : i32
        %add3A_127 = arith.constant 1 : i32
        %add3A_128 = arith.addi %mul3A_126, %add3A_127 : i32
        %dma_wait3A_129 = arith.constant 0 : i32
        %dma_wait3A_130 = tpu.memref_slice %arg7[%add3A_128, %dma_wait3A_129] : memref<16x128xi32, #tpu.memory_space<vmem>> -> memref<1x128xi32, #tpu.memory_space<vmem>>
        %dma_wait3A_131 = tpu.memref_squeeze %dma_wait3A_130 : memref<1x128xi32, #tpu.memory_space<vmem>> -> memref<128xi32, #tpu.memory_space<vmem>>
        %dma_wait3A_132 = arith.constant 0 : i32
        %dma_wait3A_133 = arith.constant 0 : i32
        %dma_wait3A_134 = tpu.memref_slice %arg2[%dma_wait3A_132, %dma_wait3A_133] : memref<30720x128xf32, #tpu.memory_space<hbm>> -> memref<30720x128xf32, #tpu.memory_space<hbm>>
        tpu.wait_indirect_dma semaphore(%arg13 : memref<!tpu.dma_semaphore, #tpu.memory_space<semaphore_mem>>) src(%dma_wait3A_134 : memref<30720x128xf32, #tpu.memory_space<hbm>>) dst(%arg10 : memref<128x128xf32, #tpu.memory_space<vmem>>)
        %add3A_135 = arith.constant 1 : i32
        %add3A_136 = arith.addi %add3A_128, %add3A_135 : i32
        %min3A_137 = arith.constant 15 : i32
        %min3A_138 = arith.minsi %add3A_136, %min3A_137 : i32
        %dma_start3A_139 = arith.constant 0 : i32
        %dma_start3A_140 = tpu.memref_slice %arg7[%min3A_138, %dma_start3A_139] : memref<16x128xi32, #tpu.memory_space<vmem>> -> memref<1x128xi32, #tpu.memory_space<vmem>>
        %dma_start3A_141 = tpu.memref_squeeze %dma_start3A_140 : memref<1x128xi32, #tpu.memory_space<vmem>> -> memref<128xi32, #tpu.memory_space<vmem>>
        %dma_start3A_142 = arith.constant 0 : i32
        %dma_start3A_143 = arith.constant 0 : i32
        %dma_start3A_144 = tpu.memref_slice %arg2[%dma_start3A_142, %dma_start3A_143] : memref<30720x128xf32, #tpu.memory_space<hbm>> -> memref<30720x128xf32, #tpu.memory_space<hbm>>
        tpu.enqueue_indirect_dma source(%dma_start3A_144 : memref<30720x128xf32, #tpu.memory_space<hbm>>) target(%arg9 : memref<128x128xf32, #tpu.memory_space<vmem>>) offsets(%dma_start3A_141 : memref<128xi32, #tpu.memory_space<vmem>>) semaphore(%arg13 : memref<!tpu.dma_semaphore, #tpu.memory_space<semaphore_mem>>)
        "tpu.region"() ({
          %run_scoped3A = tpu.sem_alloc : memref<!tpu.dma_semaphore, #tpu.memory_space<semaphore_mem>>
          %dma_start3A_145 = arith.constant 0 : i32
          %dma_start3A_146 = tpu.memref_slice %arg8[%add3A_128, %dma_start3A_145] : memref<16x128xi32, #tpu.memory_space<vmem>> -> memref<1x128xi32, #tpu.memory_space<vmem>>
          %dma_start3A_147 = tpu.memref_squeeze %dma_start3A_146 : memref<1x128xi32, #tpu.memory_space<vmem>> -> memref<128xi32, #tpu.memory_space<vmem>>
          %dma_start3A_148 = arith.constant 0 : i32
          %dma_start3A_149 = arith.constant 0 : i32
          %dma_start3A_150 = tpu.memref_slice %arg12[%dma_start3A_148, %dma_start3A_149] : memref<10240x128xf32, #tpu.memory_space<vmem_shared>> -> memref<10240x128xf32, #tpu.memory_space<vmem_shared>>
          tpu.enqueue_indirect_dma source(%arg10 : memref<128x128xf32, #tpu.memory_space<vmem>>) target(%dma_start3A_150 : memref<10240x128xf32, #tpu.memory_space<vmem_shared>>) offsets(%dma_start3A_147 : memref<128xi32, #tpu.memory_space<vmem>>) semaphore(%run_scoped3A : memref<!tpu.dma_semaphore, #tpu.memory_space<semaphore_mem>>) {add = true}
          %dma_wait3A_151 = arith.constant 0 : i32
          %dma_wait3A_152 = tpu.memref_slice %arg8[%add3A_128, %dma_wait3A_151] : memref<16x128xi32, #tpu.memory_space<vmem>> -> memref<1x128xi32, #tpu.memory_space<vmem>>
          %dma_wait3A_153 = tpu.memref_squeeze %dma_wait3A_152 : memref<1x128xi32, #tpu.memory_space<vmem>> -> memref<128xi32, #tpu.memory_space<vmem>>
          %dma_wait3A_154 = arith.constant 0 : i32
          %dma_wait3A_155 = arith.constant 0 : i32
          %dma_wait3A_156 = tpu.memref_slice %arg12[%dma_wait3A_154, %dma_wait3A_155] : memref<10240x128xf32, #tpu.memory_space<vmem_shared>> -> memref<10240x128xf32, #tpu.memory_space<vmem_shared>>
          tpu.wait_indirect_dma semaphore(%run_scoped3A : memref<!tpu.dma_semaphore, #tpu.memory_space<semaphore_mem>>) src(%arg10 : memref<128x128xf32, #tpu.memory_space<vmem>>) dst(%dma_wait3A_156 : memref<10240x128xf32, #tpu.memory_space<vmem_shared>>)
          tpu.yield
        }) : () -> ()
      }
      %scan3A_98 = arith.constant 8 : i32
      %dma_wait3A = arith.constant 0 : i32
      %dma_wait3A_99 = arith.constant 0 : i32
      %dma_wait3A_100 = tpu.memref_slice %arg7[%dma_wait3A, %dma_wait3A_99] : memref<16x128xi32, #tpu.memory_space<vmem>> -> memref<1x128xi32, #tpu.memory_space<vmem>>
      %dma_wait3A_101 = tpu.memref_squeeze %dma_wait3A_100 : memref<1x128xi32, #tpu.memory_space<vmem>> -> memref<128xi32, #tpu.memory_space<vmem>>
      %dma_wait3A_102 = arith.constant 0 : i32
      %dma_wait3A_103 = arith.constant 0 : i32
      %dma_wait3A_104 = tpu.memref_slice %arg2[%dma_wait3A_102, %dma_wait3A_103] : memref<30720x128xf32, #tpu.memory_space<hbm>> -> memref<30720x128xf32, #tpu.memory_space<hbm>>
      tpu.wait_indirect_dma semaphore(%arg13 : memref<!tpu.dma_semaphore, #tpu.memory_space<semaphore_mem>>) src(%dma_wait3A_104 : memref<30720x128xf32, #tpu.memory_space<hbm>>) dst(%arg9 : memref<128x128xf32, #tpu.memory_space<vmem>>)
    }
    %while3A_72 = arith.constant 1 : i32
    scf.for %while3A_82 = %while3A_70 to %while3A_66 step %while3A_72  : i32 {
      %mul3A_83 = arith.constant 16 : i32
      %mul3A_84 = arith.muli %while3A_82, %mul3A_83 : i32
      "tpu.region"() ({
        %run_scoped3A = tpu.sem_alloc : memref<!tpu.dma_semaphore, #tpu.memory_space<semaphore_mem>>
        %dma_start3A_105 = arith.constant 0 : i32
        %dma_start3A_106 = tpu.memref_slice %arg3[%arg0, %arg1, %mul3A_84, %dma_start3A_105] : memref<2x16x160x128xi32, #tpu.memory_space<hbm>> -> memref<1x1x16x128xi32, #tpu.memory_space<hbm>>
        %dma_start3A_107 = tpu.memref_squeeze %dma_start3A_106 : memref<1x1x16x128xi32, #tpu.memory_space<hbm>> -> memref<16x128xi32, #tpu.memory_space<hbm>>
        %dma_start3A_108 = arith.constant 0 : i32
        %dma_start3A_109 = tpu.memref_slice %arg3[%arg0, %arg1, %mul3A_84, %dma_start3A_108] : memref<2x16x160x128xi32, #tpu.memory_space<hbm>> -> memref<1x1x16x128xi32, #tpu.memory_space<hbm>>
        %dma_start3A_110 = tpu.memref_squeeze %dma_start3A_109 : memref<1x1x16x128xi32, #tpu.memory_space<hbm>> -> memref<16x128xi32, #tpu.memory_space<hbm>>
        tpu.enqueue_dma source(%dma_start3A_110 : memref<16x128xi32, #tpu.memory_space<hbm>>) target(%arg7 : memref<16x128xi32, #tpu.memory_space<vmem>>) target_semaphore(%run_scoped3A : memref<!tpu.dma_semaphore, #tpu.memory_space<semaphore_mem>>)
        %dma_wait3A_111 = arith.constant 0 : i32
        %dma_wait3A_112 = tpu.memref_slice %arg3[%arg0, %arg1, %mul3A_84, %dma_wait3A_111] : memref<2x16x160x128xi32, #tpu.memory_space<hbm>> -> memref<1x1x16x128xi32, #tpu.memory_space<hbm>>
        %dma_wait3A_113 = tpu.memref_squeeze %dma_wait3A_112 : memref<1x1x16x128xi32, #tpu.memory_space<hbm>> -> memref<16x128xi32, #tpu.memory_space<hbm>>
        %dma_wait3A_114 = arith.constant 0 : i32
        %dma_wait3A_115 = tpu.memref_slice %arg3[%arg0, %arg1, %mul3A_84, %dma_wait3A_114] : memref<2x16x160x128xi32, #tpu.memory_space<hbm>> -> memref<1x1x16x128xi32, #tpu.memory_space<hbm>>
        %dma_wait3A_116 = tpu.memref_squeeze %dma_wait3A_115 : memref<1x1x16x128xi32, #tpu.memory_space<hbm>> -> memref<16x128xi32, #tpu.memory_space<hbm>>
        tpu.wait_dma2 semaphore(%run_scoped3A : memref<!tpu.dma_semaphore, #tpu.memory_space<semaphore_mem>>) src(%dma_wait3A_116 : memref<16x128xi32, #tpu.memory_space<hbm>>) dst(%arg7 : memref<16x128xi32, #tpu.memory_space<vmem>>)
        tpu.yield
      }) : () -> ()
      %mul3A_85 = arith.constant 16 : i32
      %mul3A_86 = arith.muli %while3A_82, %mul3A_85 : i32
      "tpu.region"() ({
        %run_scoped3A = tpu.sem_alloc : memref<!tpu.dma_semaphore, #tpu.memory_space<semaphore_mem>>
        %dma_start3A_105 = arith.constant 0 : i32
        %dma_start3A_106 = tpu.memref_slice %arg4[%arg0, %arg1, %mul3A_86, %dma_start3A_105] : memref<2x16x160x128xi32, #tpu.memory_space<hbm>> -> memref<1x1x16x128xi32, #tpu.memory_space<hbm>>
        %dma_start3A_107 = tpu.memref_squeeze %dma_start3A_106 : memref<1x1x16x128xi32, #tpu.memory_space<hbm>> -> memref<16x128xi32, #tpu.memory_space<hbm>>
        %dma_start3A_108 = arith.constant 0 : i32
        %dma_start3A_109 = tpu.memref_slice %arg4[%arg0, %arg1, %mul3A_86, %dma_start3A_108] : memref<2x16x160x128xi32, #tpu.memory_space<hbm>> -> memref<1x1x16x128xi32, #tpu.memory_space<hbm>>
        %dma_start3A_110 = tpu.memref_squeeze %dma_start3A_109 : memref<1x1x16x128xi32, #tpu.memory_space<hbm>> -> memref<16x128xi32, #tpu.memory_space<hbm>>
        tpu.enqueue_dma source(%dma_start3A_110 : memref<16x128xi32, #tpu.memory_space<hbm>>) target(%arg8 : memref<16x128xi32, #tpu.memory_space<vmem>>) target_semaphore(%run_scoped3A : memref<!tpu.dma_semaphore, #tpu.memory_space<semaphore_mem>>)
        %dma_wait3A_111 = arith.constant 0 : i32
        %dma_wait3A_112 = tpu.memref_slice %arg4[%arg0, %arg1, %mul3A_86, %dma_wait3A_111] : memref<2x16x160x128xi32, #tpu.memory_space<hbm>> -> memref<1x1x16x128xi32, #tpu.memory_space<hbm>>
        %dma_wait3A_113 = tpu.memref_squeeze %dma_wait3A_112 : memref<1x1x16x128xi32, #tpu.memory_space<hbm>> -> memref<16x128xi32, #tpu.memory_space<hbm>>
        %dma_wait3A_114 = arith.constant 0 : i32
        %dma_wait3A_115 = tpu.memref_slice %arg4[%arg0, %arg1, %mul3A_86, %dma_wait3A_114] : memref<2x16x160x128xi32, #tpu.memory_space<hbm>> -> memref<1x1x16x128xi32, #tpu.memory_space<hbm>>
        %dma_wait3A_116 = tpu.memref_squeeze %dma_wait3A_115 : memref<1x1x16x128xi32, #tpu.memory_space<hbm>> -> memref<16x128xi32, #tpu.memory_space<hbm>>
        tpu.wait_dma2 semaphore(%run_scoped3A : memref<!tpu.dma_semaphore, #tpu.memory_space<semaphore_mem>>) src(%dma_wait3A_116 : memref<16x128xi32, #tpu.memory_space<hbm>>) dst(%arg8 : memref<16x128xi32, #tpu.memory_space<vmem>>)
        tpu.yield
      }) : () -> ()
      %dma_start3A = arith.constant 0 : i32
      %dma_start3A_87 = arith.constant 0 : i32
      %dma_start3A_88 = tpu.memref_slice %arg7[%dma_start3A, %dma_start3A_87] : memref<16x128xi32, #tpu.memory_space<vmem>> -> memref<1x128xi32, #tpu.memory_space<vmem>>
      %dma_start3A_89 = tpu.memref_squeeze %dma_start3A_88 : memref<1x128xi32, #tpu.memory_space<vmem>> -> memref<128xi32, #tpu.memory_space<vmem>>
      %dma_start3A_90 = arith.constant 0 : i32
      %dma_start3A_91 = arith.constant 0 : i32
      %dma_start3A_92 = tpu.memref_slice %arg2[%dma_start3A_90, %dma_start3A_91] : memref<30720x128xf32, #tpu.memory_space<hbm>> -> memref<30720x128xf32, #tpu.memory_space<hbm>>
      tpu.enqueue_indirect_dma source(%dma_start3A_92 : memref<30720x128xf32, #tpu.memory_space<hbm>>) target(%arg9 : memref<128x128xf32, #tpu.memory_space<vmem>>) offsets(%dma_start3A_89 : memref<128xi32, #tpu.memory_space<vmem>>) semaphore(%arg13 : memref<!tpu.dma_semaphore, #tpu.memory_space<semaphore_mem>>)
      %scan3A_93 = arith.constant 0 : i32
      %scan3A_94 = arith.constant 0 : i32
      %scan3A_95 = arith.constant 8 : i32
      %scan3A_96 = arith.addi %scan3A_94, %scan3A_95 : i32
      %scan3A_97 = arith.constant 1 : i32
      scf.for %scan3A_105 = %scan3A_94 to %scan3A_96 step %scan3A_97  : i32 {
        %mul3A_106 = arith.constant 2 : i32
        %mul3A_107 = arith.muli %scan3A_105, %mul3A_106 : i32
        %add3A_108 = arith.constant 0 : i32
        %add3A_109 = arith.addi %mul3A_107, %add3A_108 : i32
        %dma_wait3A_110 = arith.constant 0 : i32
        %dma_wait3A_111 = tpu.memref_slice %arg7[%add3A_109, %dma_wait3A_110] : memref<16x128xi32, #tpu.memory_space<vmem>> -> memref<1x128xi32, #tpu.memory_space<vmem>>
        %dma_wait3A_112 = tpu.memref_squeeze %dma_wait3A_111 : memref<1x128xi32, #tpu.memory_space<vmem>> -> memref<128xi32, #tpu.memory_space<vmem>>
        %dma_wait3A_113 = arith.constant 0 : i32
        %dma_wait3A_114 = arith.constant 0 : i32
        %dma_wait3A_115 = tpu.memref_slice %arg2[%dma_wait3A_113, %dma_wait3A_114] : memref<30720x128xf32, #tpu.memory_space<hbm>> -> memref<30720x128xf32, #tpu.memory_space<hbm>>
        tpu.wait_indirect_dma semaphore(%arg13 : memref<!tpu.dma_semaphore, #tpu.memory_space<semaphore_mem>>) src(%dma_wait3A_115 : memref<30720x128xf32, #tpu.memory_space<hbm>>) dst(%arg9 : memref<128x128xf32, #tpu.memory_space<vmem>>)
        %add3A_116 = arith.constant 1 : i32
        %add3A_117 = arith.addi %add3A_109, %add3A_116 : i32
        %min3A = arith.constant 15 : i32
        %min3A_118 = arith.minsi %add3A_117, %min3A : i32
        %dma_start3A_119 = arith.constant 0 : i32
        %dma_start3A_120 = tpu.memref_slice %arg7[%min3A_118, %dma_start3A_119] : memref<16x128xi32, #tpu.memory_space<vmem>> -> memref<1x128xi32, #tpu.memory_space<vmem>>
        %dma_start3A_121 = tpu.memref_squeeze %dma_start3A_120 : memref<1x128xi32, #tpu.memory_space<vmem>> -> memref<128xi32, #tpu.memory_space<vmem>>
        %dma_start3A_122 = arith.constant 0 : i32
        %dma_start3A_123 = arith.constant 0 : i32
        %dma_start3A_124 = tpu.memref_slice %arg2[%dma_start3A_122, %dma_start3A_123] : memref<30720x128xf32, #tpu.memory_space<hbm>> -> memref<30720x128xf32, #tpu.memory_space<hbm>>
        tpu.enqueue_indirect_dma source(%dma_start3A_124 : memref<30720x128xf32, #tpu.memory_space<hbm>>) target(%arg10 : memref<128x128xf32, #tpu.memory_space<vmem>>) offsets(%dma_start3A_121 : memref<128xi32, #tpu.memory_space<vmem>>) semaphore(%arg13 : memref<!tpu.dma_semaphore, #tpu.memory_space<semaphore_mem>>)
        "tpu.region"() ({
          %run_scoped3A = tpu.sem_alloc : memref<!tpu.dma_semaphore, #tpu.memory_space<semaphore_mem>>
          %dma_start3A_145 = arith.constant 0 : i32
          %dma_start3A_146 = tpu.memref_slice %arg8[%add3A_109, %dma_start3A_145] : memref<16x128xi32, #tpu.memory_space<vmem>> -> memref<1x128xi32, #tpu.memory_space<vmem>>
          %dma_start3A_147 = tpu.memref_squeeze %dma_start3A_146 : memref<1x128xi32, #tpu.memory_space<vmem>> -> memref<128xi32, #tpu.memory_space<vmem>>
          %dma_start3A_148 = arith.constant 0 : i32
          %dma_start3A_149 = arith.constant 0 : i32
          %dma_start3A_150 = tpu.memref_slice %arg12[%dma_start3A_148, %dma_start3A_149] : memref<10240x128xf32, #tpu.memory_space<vmem_shared>> -> memref<10240x128xf32, #tpu.memory_space<vmem_shared>>
          tpu.enqueue_indirect_dma source(%arg9 : memref<128x128xf32, #tpu.memory_space<vmem>>) target(%dma_start3A_150 : memref<10240x128xf32, #tpu.memory_space<vmem_shared>>) offsets(%dma_start3A_147 : memref<128xi32, #tpu.memory_space<vmem>>) semaphore(%run_scoped3A : memref<!tpu.dma_semaphore, #tpu.memory_space<semaphore_mem>>) {add = true}
          %dma_wait3A_151 = arith.constant 0 : i32
          %dma_wait3A_152 = tpu.memref_slice %arg8[%add3A_109, %dma_wait3A_151] : memref<16x128xi32, #tpu.memory_space<vmem>> -> memref<1x128xi32, #tpu.memory_space<vmem>>
          %dma_wait3A_153 = tpu.memref_squeeze %dma_wait3A_152 : memref<1x128xi32, #tpu.memory_space<vmem>> -> memref<128xi32, #tpu.memory_space<vmem>>
          %dma_wait3A_154 = arith.constant 0 : i32
          %dma_wait3A_155 = arith.constant 0 : i32
          %dma_wait3A_156 = tpu.memref_slice %arg12[%dma_wait3A_154, %dma_wait3A_155] : memref<10240x128xf32, #tpu.memory_space<vmem_shared>> -> memref<10240x128xf32, #tpu.memory_space<vmem_shared>>
          tpu.wait_indirect_dma semaphore(%run_scoped3A : memref<!tpu.dma_semaphore, #tpu.memory_space<semaphore_mem>>) src(%arg9 : memref<128x128xf32, #tpu.memory_space<vmem>>) dst(%dma_wait3A_156 : memref<10240x128xf32, #tpu.memory_space<vmem_shared>>)
          tpu.yield
        }) : () -> ()
        %mul3A_125 = arith.constant 2 : i32
        %mul3A_126 = arith.muli %scan3A_105, %mul3A_125 : i32
        %add3A_127 = arith.constant 1 : i32
        %add3A_128 = arith.addi %mul3A_126, %add3A_127 : i32
        %dma_wait3A_129 = arith.constant 0 : i32
        %dma_wait3A_130 = tpu.memref_slice %arg7[%add3A_128, %dma_wait3A_129] : memref<16x128xi32, #tpu.memory_space<vmem>> -> memref<1x128xi32, #tpu.memory_space<vmem>>
        %dma_wait3A_131 = tpu.memref_squeeze %dma_wait3A_130 : memref<1x128xi32, #tpu.memory_space<vmem>> -> memref<128xi32, #tpu.memory_space<vmem>>
        %dma_wait3A_132 = arith.constant 0 : i32
        %dma_wait3A_133 = arith.constant 0 : i32
        %dma_wait3A_134 = tpu.memref_slice %arg2[%dma_wait3A_132, %dma_wait3A_133] : memref<30720x128xf32, #tpu.memory_space<hbm>> -> memref<30720x128xf32, #tpu.memory_space<hbm>>
        tpu.wait_indirect_dma semaphore(%arg13 : memref<!tpu.dma_semaphore, #tpu.memory_space<semaphore_mem>>) src(%dma_wait3A_134 : memref<30720x128xf32, #tpu.memory_space<hbm>>) dst(%arg10 : memref<128x128xf32, #tpu.memory_space<vmem>>)
        %add3A_135 = arith.constant 1 : i32
        %add3A_136 = arith.addi %add3A_128, %add3A_135 : i32
        %min3A_137 = arith.constant 15 : i32
        %min3A_138 = arith.minsi %add3A_136, %min3A_137 : i32
        %dma_start3A_139 = arith.constant 0 : i32
        %dma_start3A_140 = tpu.memref_slice %arg7[%min3A_138, %dma_start3A_139] : memref<16x128xi32, #tpu.memory_space<vmem>> -> memref<1x128xi32, #tpu.memory_space<vmem>>
        %dma_start3A_141 = tpu.memref_squeeze %dma_start3A_140 : memref<1x128xi32, #tpu.memory_space<vmem>> -> memref<128xi32, #tpu.memory_space<vmem>>
        %dma_start3A_142 = arith.constant 0 : i32
        %dma_start3A_143 = arith.constant 0 : i32
        %dma_start3A_144 = tpu.memref_slice %arg2[%dma_start3A_142, %dma_start3A_143] : memref<30720x128xf32, #tpu.memory_space<hbm>> -> memref<30720x128xf32, #tpu.memory_space<hbm>>
        tpu.enqueue_indirect_dma source(%dma_start3A_144 : memref<30720x128xf32, #tpu.memory_space<hbm>>) target(%arg9 : memref<128x128xf32, #tpu.memory_space<vmem>>) offsets(%dma_start3A_141 : memref<128xi32, #tpu.memory_space<vmem>>) semaphore(%arg13 : memref<!tpu.dma_semaphore, #tpu.memory_space<semaphore_mem>>)
        "tpu.region"() ({
          %run_scoped3A = tpu.sem_alloc : memref<!tpu.dma_semaphore, #tpu.memory_space<semaphore_mem>>
          %dma_start3A_145 = arith.constant 0 : i32
          %dma_start3A_146 = tpu.memref_slice %arg8[%add3A_128, %dma_start3A_145] : memref<16x128xi32, #tpu.memory_space<vmem>> -> memref<1x128xi32, #tpu.memory_space<vmem>>
          %dma_start3A_147 = tpu.memref_squeeze %dma_start3A_146 : memref<1x128xi32, #tpu.memory_space<vmem>> -> memref<128xi32, #tpu.memory_space<vmem>>
          %dma_start3A_148 = arith.constant 0 : i32
          %dma_start3A_149 = arith.constant 0 : i32
          %dma_start3A_150 = tpu.memref_slice %arg12[%dma_start3A_148, %dma_start3A_149] : memref<10240x128xf32, #tpu.memory_space<vmem_shared>> -> memref<10240x128xf32, #tpu.memory_space<vmem_shared>>
          tpu.enqueue_indirect_dma source(%arg10 : memref<128x128xf32, #tpu.memory_space<vmem>>) target(%dma_start3A_150 : memref<10240x128xf32, #tpu.memory_space<vmem_shared>>) offsets(%dma_start3A_147 : memref<128xi32, #tpu.memory_space<vmem>>) semaphore(%run_scoped3A : memref<!tpu.dma_semaphore, #tpu.memory_space<semaphore_mem>>) {add = true}
          %dma_wait3A_151 = arith.constant 0 : i32
          %dma_wait3A_152 = tpu.memref_slice %arg8[%add3A_128, %dma_wait3A_151] : memref<16x128xi32, #tpu.memory_space<vmem>> -> memref<1x128xi32, #tpu.memory_space<vmem>>
          %dma_wait3A_153 = tpu.memref_squeeze %dma_wait3A_152 : memref<1x128xi32, #tpu.memory_space<vmem>> -> memref<128xi32, #tpu.memory_space<vmem>>
          %dma_wait3A_154 = arith.constant 0 : i32
          %dma_wait3A_155 = arith.constant 0 : i32
          %dma_wait3A_156 = tpu.memref_slice %arg12[%dma_wait3A_154, %dma_wait3A_155] : memref<10240x128xf32, #tpu.memory_space<vmem_shared>> -> memref<10240x128xf32, #tpu.memory_space<vmem_shared>>
          tpu.wait_indirect_dma semaphore(%run_scoped3A : memref<!tpu.dma_semaphore, #tpu.memory_space<semaphore_mem>>) src(%arg10 : memref<128x128xf32, #tpu.memory_space<vmem>>) dst(%dma_wait3A_156 : memref<10240x128xf32, #tpu.memory_space<vmem_shared>>)
          tpu.yield
        }) : () -> ()
      }
      %scan3A_98 = arith.constant 8 : i32
      %dma_wait3A = arith.constant 0 : i32
      %dma_wait3A_99 = arith.constant 0 : i32
      %dma_wait3A_100 = tpu.memref_slice %arg7[%dma_wait3A, %dma_wait3A_99] : memref<16x128xi32, #tpu.memory_space<vmem>> -> memref<1x128xi32, #tpu.memory_space<vmem>>
      %dma_wait3A_101 = tpu.memref_squeeze %dma_wait3A_100 : memref<1x128xi32, #tpu.memory_space<vmem>> -> memref<128xi32, #tpu.memory_space<vmem>>
      %dma_wait3A_102 = arith.constant 0 : i32
      %dma_wait3A_103 = arith.constant 0 : i32
      %dma_wait3A_104 = tpu.memref_slice %arg2[%dma_wait3A_102, %dma_wait3A_103] : memref<30720x128xf32, #tpu.memory_space<hbm>> -> memref<30720x128xf32, #tpu.memory_space<hbm>>
      tpu.wait_indirect_dma semaphore(%arg13 : memref<!tpu.dma_semaphore, #tpu.memory_space<semaphore_mem>>) src(%dma_wait3A_104 : memref<30720x128xf32, #tpu.memory_space<hbm>>) dst(%arg9 : memref<128x128xf32, #tpu.memory_space<vmem>>)
    }
    %gt3A = arith.constant 0 : i32
    %gt3A_73 = arith.cmpi sgt, %select_n3A_63, %gt3A : i32
    %convert_element_type3A = arith.extui %gt3A_73 : i1 to i32
    %cond3A = arith.constant 0 : i32
    %cond3A_74 = arith.cmpi ne, %convert_element_type3A, %cond3A : i32
    scf.if %cond3A_74 {
      %mul3A_82 = arith.constant 16 : i32
      %mul3A_83 = arith.muli %select_n3A, %mul3A_82 : i32
      "tpu.region"() ({
        %run_scoped3A = tpu.sem_alloc : memref<!tpu.dma_semaphore, #tpu.memory_space<semaphore_mem>>
        %dma_start3A = arith.constant 0 : i32
        %dma_start3A_96 = tpu.memref_slice %arg3[%arg0, %arg1, %mul3A_83, %dma_start3A] : memref<2x16x160x128xi32, #tpu.memory_space<hbm>> -> memref<1x1x16x128xi32, #tpu.memory_space<hbm>>
        %dma_start3A_97 = tpu.memref_squeeze %dma_start3A_96 : memref<1x1x16x128xi32, #tpu.memory_space<hbm>> -> memref<16x128xi32, #tpu.memory_space<hbm>>
        %dma_start3A_98 = arith.constant 0 : i32
        %dma_start3A_99 = tpu.memref_slice %arg3[%arg0, %arg1, %mul3A_83, %dma_start3A_98] : memref<2x16x160x128xi32, #tpu.memory_space<hbm>> -> memref<1x1x16x128xi32, #tpu.memory_space<hbm>>
        %dma_start3A_100 = tpu.memref_squeeze %dma_start3A_99 : memref<1x1x16x128xi32, #tpu.memory_space<hbm>> -> memref<16x128xi32, #tpu.memory_space<hbm>>
        tpu.enqueue_dma source(%dma_start3A_100 : memref<16x128xi32, #tpu.memory_space<hbm>>) target(%arg7 : memref<16x128xi32, #tpu.memory_space<vmem>>) target_semaphore(%run_scoped3A : memref<!tpu.dma_semaphore, #tpu.memory_space<semaphore_mem>>)
        %dma_wait3A = arith.constant 0 : i32
        %dma_wait3A_101 = tpu.memref_slice %arg3[%arg0, %arg1, %mul3A_83, %dma_wait3A] : memref<2x16x160x128xi32, #tpu.memory_space<hbm>> -> memref<1x1x16x128xi32, #tpu.memory_space<hbm>>
        %dma_wait3A_102 = tpu.memref_squeeze %dma_wait3A_101 : memref<1x1x16x128xi32, #tpu.memory_space<hbm>> -> memref<16x128xi32, #tpu.memory_space<hbm>>
        %dma_wait3A_103 = arith.constant 0 : i32
        %dma_wait3A_104 = tpu.memref_slice %arg3[%arg0, %arg1, %mul3A_83, %dma_wait3A_103] : memref<2x16x160x128xi32, #tpu.memory_space<hbm>> -> memref<1x1x16x128xi32, #tpu.memory_space<hbm>>
        %dma_wait3A_105 = tpu.memref_squeeze %dma_wait3A_104 : memref<1x1x16x128xi32, #tpu.memory_space<hbm>> -> memref<16x128xi32, #tpu.memory_space<hbm>>
        tpu.wait_dma2 semaphore(%run_scoped3A : memref<!tpu.dma_semaphore, #tpu.memory_space<semaphore_mem>>) src(%dma_wait3A_105 : memref<16x128xi32, #tpu.memory_space<hbm>>) dst(%arg7 : memref<16x128xi32, #tpu.memory_space<vmem>>)
        tpu.yield
      }) : () -> ()
      %mul3A_84 = arith.constant 16 : i32
      %mul3A_85 = arith.muli %select_n3A, %mul3A_84 : i32
      "tpu.region"() ({
        %run_scoped3A = tpu.sem_alloc : memref<!tpu.dma_semaphore, #tpu.memory_space<semaphore_mem>>
        %dma_start3A = arith.constant 0 : i32
        %dma_start3A_96 = tpu.memref_slice %arg4[%arg0, %arg1, %mul3A_85, %dma_start3A] : memref<2x16x160x128xi32, #tpu.memory_space<hbm>> -> memref<1x1x16x128xi32, #tpu.memory_space<hbm>>
        %dma_start3A_97 = tpu.memref_squeeze %dma_start3A_96 : memref<1x1x16x128xi32, #tpu.memory_space<hbm>> -> memref<16x128xi32, #tpu.memory_space<hbm>>
        %dma_start3A_98 = arith.constant 0 : i32
        %dma_start3A_99 = tpu.memref_slice %arg4[%arg0, %arg1, %mul3A_85, %dma_start3A_98] : memref<2x16x160x128xi32, #tpu.memory_space<hbm>> -> memref<1x1x16x128xi32, #tpu.memory_space<hbm>>
        %dma_start3A_100 = tpu.memref_squeeze %dma_start3A_99 : memref<1x1x16x128xi32, #tpu.memory_space<hbm>> -> memref<16x128xi32, #tpu.memory_space<hbm>>
        tpu.enqueue_dma source(%dma_start3A_100 : memref<16x128xi32, #tpu.memory_space<hbm>>) target(%arg8 : memref<16x128xi32, #tpu.memory_space<vmem>>) target_semaphore(%run_scoped3A : memref<!tpu.dma_semaphore, #tpu.memory_space<semaphore_mem>>)
        %dma_wait3A = arith.constant 0 : i32
        %dma_wait3A_101 = tpu.memref_slice %arg4[%arg0, %arg1, %mul3A_85, %dma_wait3A] : memref<2x16x160x128xi32, #tpu.memory_space<hbm>> -> memref<1x1x16x128xi32, #tpu.memory_space<hbm>>
        %dma_wait3A_102 = tpu.memref_squeeze %dma_wait3A_101 : memref<1x1x16x128xi32, #tpu.memory_space<hbm>> -> memref<16x128xi32, #tpu.memory_space<hbm>>
        %dma_wait3A_103 = arith.constant 0 : i32
        %dma_wait3A_104 = tpu.memref_slice %arg4[%arg0, %arg1, %mul3A_85, %dma_wait3A_103] : memref<2x16x160x128xi32, #tpu.memory_space<hbm>> -> memref<1x1x16x128xi32, #tpu.memory_space<hbm>>
        %dma_wait3A_105 = tpu.memref_squeeze %dma_wait3A_104 : memref<1x1x16x128xi32, #tpu.memory_space<hbm>> -> memref<16x128xi32, #tpu.memory_space<hbm>>
        tpu.wait_dma2 semaphore(%run_scoped3A : memref<!tpu.dma_semaphore, #tpu.memory_space<semaphore_mem>>) src(%dma_wait3A_105 : memref<16x128xi32, #tpu.memory_space<hbm>>) dst(%arg8 : memref<16x128xi32, #tpu.memory_space<vmem>>)
        tpu.yield
      }) : () -> ()
      %while3A_86 = arith.constant 0 : i32
      %while3A_87 = arith.constant 0 : i32
      %while3A_88 = arith.subi %select_n3A_63, %while3A_87 : i32
      %while3A_89 = arith.addi %while3A_87, %while3A_88 : i32
      %while3A_90 = arith.constant 1 : i32
      %while3A_91 = arith.divsi %while3A_88, %while3A_90 : i32
      %while3A_92 = arith.muli %while3A_91, %while3A_90 : i32
      %while3A_93 = arith.addi %while3A_87, %while3A_92 : i32
      %while3A_94 = arith.constant 1 : i32
      scf.for %while3A_96 = %while3A_87 to %while3A_93 step %while3A_94  : i32 {
        %dma_start3A = arith.constant 0 : i32
        %dma_start3A_97 = tpu.memref_slice %arg7[%while3A_96, %dma_start3A] : memref<16x128xi32, #tpu.memory_space<vmem>> -> memref<1x128xi32, #tpu.memory_space<vmem>>
        %dma_start3A_98 = tpu.memref_squeeze %dma_start3A_97 : memref<1x128xi32, #tpu.memory_space<vmem>> -> memref<128xi32, #tpu.memory_space<vmem>>
        %dma_start3A_99 = arith.constant 0 : i32
        %dma_start3A_100 = arith.constant 0 : i32
        %dma_start3A_101 = tpu.memref_slice %arg2[%dma_start3A_99, %dma_start3A_100] : memref<30720x128xf32, #tpu.memory_space<hbm>> -> memref<30720x128xf32, #tpu.memory_space<hbm>>
        tpu.enqueue_indirect_dma source(%dma_start3A_101 : memref<30720x128xf32, #tpu.memory_space<hbm>>) target(%arg9 : memref<128x128xf32, #tpu.memory_space<vmem>>) offsets(%dma_start3A_98 : memref<128xi32, #tpu.memory_space<vmem>>) semaphore(%arg13 : memref<!tpu.dma_semaphore, #tpu.memory_space<semaphore_mem>>)
        %dma_wait3A = arith.constant 0 : i32
        %dma_wait3A_102 = tpu.memref_slice %arg7[%while3A_96, %dma_wait3A] : memref<16x128xi32, #tpu.memory_space<vmem>> -> memref<1x128xi32, #tpu.memory_space<vmem>>
        %dma_wait3A_103 = tpu.memref_squeeze %dma_wait3A_102 : memref<1x128xi32, #tpu.memory_space<vmem>> -> memref<128xi32, #tpu.memory_space<vmem>>
        %dma_wait3A_104 = arith.constant 0 : i32
        %dma_wait3A_105 = arith.constant 0 : i32
        %dma_wait3A_106 = tpu.memref_slice %arg2[%dma_wait3A_104, %dma_wait3A_105] : memref<30720x128xf32, #tpu.memory_space<hbm>> -> memref<30720x128xf32, #tpu.memory_space<hbm>>
        tpu.wait_indirect_dma semaphore(%arg13 : memref<!tpu.dma_semaphore, #tpu.memory_space<semaphore_mem>>) src(%dma_wait3A_106 : memref<30720x128xf32, #tpu.memory_space<hbm>>) dst(%arg9 : memref<128x128xf32, #tpu.memory_space<vmem>>)
        "tpu.region"() ({
          %run_scoped3A = tpu.sem_alloc : memref<!tpu.dma_semaphore, #tpu.memory_space<semaphore_mem>>
          %dma_start3A_107 = arith.constant 0 : i32
          %dma_start3A_108 = tpu.memref_slice %arg8[%while3A_96, %dma_start3A_107] : memref<16x128xi32, #tpu.memory_space<vmem>> -> memref<1x128xi32, #tpu.memory_space<vmem>>
          %dma_start3A_109 = tpu.memref_squeeze %dma_start3A_108 : memref<1x128xi32, #tpu.memory_space<vmem>> -> memref<128xi32, #tpu.memory_space<vmem>>
          %dma_start3A_110 = arith.constant 0 : i32
          %dma_start3A_111 = arith.constant 0 : i32
          %dma_start3A_112 = tpu.memref_slice %arg12[%dma_start3A_110, %dma_start3A_111] : memref<10240x128xf32, #tpu.memory_space<vmem_shared>> -> memref<10240x128xf32, #tpu.memory_space<vmem_shared>>
          tpu.enqueue_indirect_dma source(%arg9 : memref<128x128xf32, #tpu.memory_space<vmem>>) target(%dma_start3A_112 : memref<10240x128xf32, #tpu.memory_space<vmem_shared>>) offsets(%dma_start3A_109 : memref<128xi32, #tpu.memory_space<vmem>>) semaphore(%run_scoped3A : memref<!tpu.dma_semaphore, #tpu.memory_space<semaphore_mem>>) {add = true}
          %dma_wait3A_113 = arith.constant 0 : i32
          %dma_wait3A_114 = tpu.memref_slice %arg8[%while3A_96, %dma_wait3A_113] : memref<16x128xi32, #tpu.memory_space<vmem>> -> memref<1x128xi32, #tpu.memory_space<vmem>>
          %dma_wait3A_115 = tpu.memref_squeeze %dma_wait3A_114 : memref<1x128xi32, #tpu.memory_space<vmem>> -> memref<128xi32, #tpu.memory_space<vmem>>
          %dma_wait3A_116 = arith.constant 0 : i32
          %dma_wait3A_117 = arith.constant 0 : i32
          %dma_wait3A_118 = tpu.memref_slice %arg12[%dma_wait3A_116, %dma_wait3A_117] : memref<10240x128xf32, #tpu.memory_space<vmem_shared>> -> memref<10240x128xf32, #tpu.memory_space<vmem_shared>>
          tpu.wait_indirect_dma semaphore(%run_scoped3A : memref<!tpu.dma_semaphore, #tpu.memory_space<semaphore_mem>>) src(%arg9 : memref<128x128xf32, #tpu.memory_space<vmem>>) dst(%dma_wait3A_118 : memref<10240x128xf32, #tpu.memory_space<vmem_shared>>)
          tpu.yield
        }) : () -> ()
      }
      %while3A_95 = arith.constant 1 : i32
      scf.for %while3A_96 = %while3A_93 to %while3A_89 step %while3A_95  : i32 {
        %dma_start3A = arith.constant 0 : i32
        %dma_start3A_97 = tpu.memref_slice %arg7[%while3A_96, %dma_start3A] : memref<16x128xi32, #tpu.memory_space<vmem>> -> memref<1x128xi32, #tpu.memory_space<vmem>>
        %dma_start3A_98 = tpu.memref_squeeze %dma_start3A_97 : memref<1x128xi32, #tpu.memory_space<vmem>> -> memref<128xi32, #tpu.memory_space<vmem>>
        %dma_start3A_99 = arith.constant 0 : i32
        %dma_start3A_100 = arith.constant 0 : i32
        %dma_start3A_101 = tpu.memref_slice %arg2[%dma_start3A_99, %dma_start3A_100] : memref<30720x128xf32, #tpu.memory_space<hbm>> -> memref<30720x128xf32, #tpu.memory_space<hbm>>
        tpu.enqueue_indirect_dma source(%dma_start3A_101 : memref<30720x128xf32, #tpu.memory_space<hbm>>) target(%arg9 : memref<128x128xf32, #tpu.memory_space<vmem>>) offsets(%dma_start3A_98 : memref<128xi32, #tpu.memory_space<vmem>>) semaphore(%arg13 : memref<!tpu.dma_semaphore, #tpu.memory_space<semaphore_mem>>)
        %dma_wait3A = arith.constant 0 : i32
        %dma_wait3A_102 = tpu.memref_slice %arg7[%while3A_96, %dma_wait3A] : memref<16x128xi32, #tpu.memory_space<vmem>> -> memref<1x128xi32, #tpu.memory_space<vmem>>
        %dma_wait3A_103 = tpu.memref_squeeze %dma_wait3A_102 : memref<1x128xi32, #tpu.memory_space<vmem>> -> memref<128xi32, #tpu.memory_space<vmem>>
        %dma_wait3A_104 = arith.constant 0 : i32
        %dma_wait3A_105 = arith.constant 0 : i32
        %dma_wait3A_106 = tpu.memref_slice %arg2[%dma_wait3A_104, %dma_wait3A_105] : memref<30720x128xf32, #tpu.memory_space<hbm>> -> memref<30720x128xf32, #tpu.memory_space<hbm>>
        tpu.wait_indirect_dma semaphore(%arg13 : memref<!tpu.dma_semaphore, #tpu.memory_space<semaphore_mem>>) src(%dma_wait3A_106 : memref<30720x128xf32, #tpu.memory_space<hbm>>) dst(%arg9 : memref<128x128xf32, #tpu.memory_space<vmem>>)
        "tpu.region"() ({
          %run_scoped3A = tpu.sem_alloc : memref<!tpu.dma_semaphore, #tpu.memory_space<semaphore_mem>>
          %dma_start3A_107 = arith.constant 0 : i32
          %dma_start3A_108 = tpu.memref_slice %arg8[%while3A_96, %dma_start3A_107] : memref<16x128xi32, #tpu.memory_space<vmem>> -> memref<1x128xi32, #tpu.memory_space<vmem>>
          %dma_start3A_109 = tpu.memref_squeeze %dma_start3A_108 : memref<1x128xi32, #tpu.memory_space<vmem>> -> memref<128xi32, #tpu.memory_space<vmem>>
          %dma_start3A_110 = arith.constant 0 : i32
          %dma_start3A_111 = arith.constant 0 : i32
          %dma_start3A_112 = tpu.memref_slice %arg12[%dma_start3A_110, %dma_start3A_111] : memref<10240x128xf32, #tpu.memory_space<vmem_shared>> -> memref<10240x128xf32, #tpu.memory_space<vmem_shared>>
          tpu.enqueue_indirect_dma source(%arg9 : memref<128x128xf32, #tpu.memory_space<vmem>>) target(%dma_start3A_112 : memref<10240x128xf32, #tpu.memory_space<vmem_shared>>) offsets(%dma_start3A_109 : memref<128xi32, #tpu.memory_space<vmem>>) semaphore(%run_scoped3A : memref<!tpu.dma_semaphore, #tpu.memory_space<semaphore_mem>>) {add = true}
          %dma_wait3A_113 = arith.constant 0 : i32
          %dma_wait3A_114 = tpu.memref_slice %arg8[%while3A_96, %dma_wait3A_113] : memref<16x128xi32, #tpu.memory_space<vmem>> -> memref<1x128xi32, #tpu.memory_space<vmem>>
          %dma_wait3A_115 = tpu.memref_squeeze %dma_wait3A_114 : memref<1x128xi32, #tpu.memory_space<vmem>> -> memref<128xi32, #tpu.memory_space<vmem>>
          %dma_wait3A_116 = arith.constant 0 : i32
          %dma_wait3A_117 = arith.constant 0 : i32
          %dma_wait3A_118 = tpu.memref_slice %arg12[%dma_wait3A_116, %dma_wait3A_117] : memref<10240x128xf32, #tpu.memory_space<vmem_shared>> -> memref<10240x128xf32, #tpu.memory_space<vmem_shared>>
          tpu.wait_indirect_dma semaphore(%run_scoped3A : memref<!tpu.dma_semaphore, #tpu.memory_space<semaphore_mem>>) src(%arg9 : memref<128x128xf32, #tpu.memory_space<vmem>>) dst(%dma_wait3A_118 : memref<10240x128xf32, #tpu.memory_space<vmem_shared>>)
          tpu.yield
        }) : () -> ()
      }
    } else {
    }
    %barrier3A_75 = arith.constant 0 : index
    tpu.barrier barrier_id(%barrier3A_75)
    %scan3A_76 = arith.constant 0 : i32
    %scan3A_77 = arith.constant 0 : i32
    %scan3A_78 = arith.constant 5 : i32
    %scan3A_79 = arith.addi %scan3A_77, %scan3A_78 : i32
    %scan3A_80 = arith.constant 1 : i32
    scf.for %scan3A_82 = %scan3A_77 to %scan3A_79 step %scan3A_80  : i32 {
      %mul3A_83 = arith.constant 128 : i32
      %mul3A_84 = arith.muli %scan3A_82, %mul3A_83 : i32
      %add3A_85 = arith.addi %mul3A_0, %mul3A_84 : i32
      "tpu.region"() ({
        %run_scoped3A = tpu.sem_alloc : memref<!tpu.dma_semaphore, #tpu.memory_space<semaphore_mem>>
        %dma_start3A = arith.constant 0 : i32
        %dma_start3A_89 = tpu.memref_slice %arg12[%add3A_85, %dma_start3A] : memref<10240x128xf32, #tpu.memory_space<vmem_shared>> -> memref<128x128xf32, #tpu.memory_space<vmem_shared>>
        %dma_start3A_90 = arith.constant 0 : i32
        %dma_start3A_91 = tpu.memref_slice %arg12[%add3A_85, %dma_start3A_90] : memref<10240x128xf32, #tpu.memory_space<vmem_shared>> -> memref<128x128xf32, #tpu.memory_space<vmem_shared>>
        tpu.enqueue_dma source(%dma_start3A_91 : memref<128x128xf32, #tpu.memory_space<vmem_shared>>) target(%arg10 : memref<128x128xf32, #tpu.memory_space<vmem>>) target_semaphore(%run_scoped3A : memref<!tpu.dma_semaphore, #tpu.memory_space<semaphore_mem>>)
        %dma_wait3A = arith.constant 0 : i32
        %dma_wait3A_92 = tpu.memref_slice %arg12[%add3A_85, %dma_wait3A] : memref<10240x128xf32, #tpu.memory_space<vmem_shared>> -> memref<128x128xf32, #tpu.memory_space<vmem_shared>>
        %dma_wait3A_93 = arith.constant 0 : i32
        %dma_wait3A_94 = tpu.memref_slice %arg12[%add3A_85, %dma_wait3A_93] : memref<10240x128xf32, #tpu.memory_space<vmem_shared>> -> memref<128x128xf32, #tpu.memory_space<vmem_shared>>
        tpu.wait_dma2 semaphore(%run_scoped3A : memref<!tpu.dma_semaphore, #tpu.memory_space<semaphore_mem>>) src(%dma_wait3A_94 : memref<128x128xf32, #tpu.memory_space<vmem_shared>>) dst(%arg10 : memref<128x128xf32, #tpu.memory_space<vmem>>)
        tpu.yield
      }) : () -> ()
      %mul3A_86 = arith.constant 128 : i32
      %mul3A_87 = arith.muli %scan3A_82, %mul3A_86 : i32
      %add3A_88 = arith.addi %mul3A_0, %mul3A_87 : i32
      "tpu.region"() ({
        %run_scoped3A = tpu.sem_alloc : memref<!tpu.dma_semaphore, #tpu.memory_space<semaphore_mem>>
        %dma_start3A = arith.constant 0 : i32
        %dma_start3A_89 = tpu.memref_slice %arg6[%arg0, %add3A_88, %dma_start3A] : memref<2x10240x128xf32, #tpu.memory_space<hbm>> -> memref<1x128x128xf32, #tpu.memory_space<hbm>>
        %dma_start3A_90 = tpu.memref_squeeze %dma_start3A_89 : memref<1x128x128xf32, #tpu.memory_space<hbm>> -> memref<128x128xf32, #tpu.memory_space<hbm>>
        %dma_start3A_91 = arith.constant 0 : i32
        %dma_start3A_92 = tpu.memref_slice %arg6[%arg0, %add3A_88, %dma_start3A_91] : memref<2x10240x128xf32, #tpu.memory_space<hbm>> -> memref<1x128x128xf32, #tpu.memory_space<hbm>>
        %dma_start3A_93 = tpu.memref_squeeze %dma_start3A_92 : memref<1x128x128xf32, #tpu.memory_space<hbm>> -> memref<128x128xf32, #tpu.memory_space<hbm>>
        tpu.enqueue_dma source(%arg10 : memref<128x128xf32, #tpu.memory_space<vmem>>) target(%dma_start3A_93 : memref<128x128xf32, #tpu.memory_space<hbm>>) target_semaphore(%run_scoped3A : memref<!tpu.dma_semaphore, #tpu.memory_space<semaphore_mem>>)
        %dma_wait3A = arith.constant 0 : i32
        %dma_wait3A_94 = tpu.memref_slice %arg6[%arg0, %add3A_88, %dma_wait3A] : memref<2x10240x128xf32, #tpu.memory_space<hbm>> -> memref<1x128x128xf32, #tpu.memory_space<hbm>>
        %dma_wait3A_95 = tpu.memref_squeeze %dma_wait3A_94 : memref<1x128x128xf32, #tpu.memory_space<hbm>> -> memref<128x128xf32, #tpu.memory_space<hbm>>
        %dma_wait3A_96 = arith.constant 0 : i32
        %dma_wait3A_97 = tpu.memref_slice %arg6[%arg0, %add3A_88, %dma_wait3A_96] : memref<2x10240x128xf32, #tpu.memory_space<hbm>> -> memref<1x128x128xf32, #tpu.memory_space<hbm>>
        %dma_wait3A_98 = tpu.memref_squeeze %dma_wait3A_97 : memref<1x128x128xf32, #tpu.memory_space<hbm>> -> memref<128x128xf32, #tpu.memory_space<hbm>>
        tpu.wait_dma2 semaphore(%run_scoped3A : memref<!tpu.dma_semaphore, #tpu.memory_space<semaphore_mem>>) src(%arg10 : memref<128x128xf32, #tpu.memory_space<vmem>>) dst(%dma_wait3A_98 : memref<128x128xf32, #tpu.memory_space<hbm>>)
        tpu.yield
      }) : () -> ()
    }
    %scan3A_81 = arith.constant 5 : i32
    return
  }
}

#map = affine_map<(d0, d1) -> (0, 0)>
#map1 = affine_map<(d0, d1) -> (0, 0, 0)>
#map2 = affine_map<(d0, d1) -> (0, 0, 0, 0)>
module attributes {stable_mosaic.version = 14 : i64} {
  func.func @_sc_cnt_body(%arg0: i32, %arg1: i32, %arg2: memref<2560x128xi32, #tpu.memory_space<hbm>>, %arg3: memref<2x2560x128xi32, #tpu.memory_space<hbm>>, %arg4: memref<2x10240x128xf32, #tpu.memory_space<hbm>>, %arg5: memref<2x16x160x128xi32, #tpu.memory_space<hbm>>, %arg6: memref<2x16x160x128xi32, #tpu.memory_space<hbm>>, %arg7: memref<2x16x16xi32, #tpu.memory_space<hbm>>, %arg8: memref<16x128xi32, #tpu.memory_space<vmem>>, %arg9: memref<16x128xi32, #tpu.memory_space<vmem>>, %arg10: memref<20496xi32, #tpu.memory_space<vmem>>, %arg11: memref<128x128xf32, #tpu.memory_space<vmem>>, %arg12: memref<16x128xf32, #tpu.memory_space<vmem>>, %arg13: memref<16xi32, #tpu.memory_space<vmem>>, %arg14: memref<10240x128xf32, #tpu.memory_space<vmem_shared>>) attributes {dimension_semantics = [#tpu.dimension_semantics<core_parallel>, #tpu.dimension_semantics<subcore_parallel>], iteration_bounds = array<i64: 2, 16>, scalar_prefetch = 0 : i64, scratch_operands = 7 : i64, tpu.core_type = #tpu.core_type<sc_vector_subcore>, window_params = [{transform_indices = #map}, {transform_indices = #map1}, {transform_indices = #map1}, {transform_indices = #map2}, {transform_indices = #map2}, {transform_indices = #map1}]} {
    %mul3A = arith.constant 640 : i32
    %mul3A_0 = arith.muli %arg1, %mul3A : i32
    %mul3A_1 = arith.constant 10 : i32
    %mul3A_2 = arith.muli %arg1, %mul3A_1 : i32
    %mul3A_3 = arith.constant 16 : i32
    %mul3A_4 = arith.muli %mul3A_2, %mul3A_3 : i32
    %scan3A = arith.constant 0 : i32
    %scan3A_5 = arith.constant 0 : i32
    %scan3A_6 = arith.constant 16 : i32
    %scan3A_7 = arith.addi %scan3A_5, %scan3A_6 : i32
    %scan3A_8 = arith.constant 1 : i32
    scf.for %scan3A_118 = %scan3A_5 to %scan3A_7 step %scan3A_8  : i32 {
      %broadcast_in_dim3A_119 = arith.constant 0.000000e+00 : f32
      %broadcast_in_dim3A_120 = vector.broadcast %broadcast_in_dim3A_119 : f32 to vector<16xf32>
      %swap3A_121 = arith.index_cast %scan3A_118 : i32 to index
      %swap3A_122 = arith.constant 0 : index
      %swap3A_123 = tpu.vector_load %arg12[%swap3A_121, %swap3A_122] {strides = array<i32>} : memref<16x128xf32, #tpu.memory_space<vmem>>, vector<16xf32>,
      tpu.vector_store %arg12[%swap3A_121, %swap3A_122], %broadcast_in_dim3A_120 {strides = array<i32>} : memref<16x128xf32, #tpu.memory_space<vmem>>, vector<16xf32>,
      %broadcast_in_dim3A_124 = arith.constant 0.000000e+00 : f32
      %broadcast_in_dim3A_125 = vector.broadcast %broadcast_in_dim3A_124 : f32 to vector<16xf32>
      %swap3A_126 = arith.index_cast %scan3A_118 : i32 to index
      %swap3A_127 = arith.constant 16 : index
      %swap3A_128 = tpu.vector_load %arg12[%swap3A_126, %swap3A_127] {strides = array<i32>} : memref<16x128xf32, #tpu.memory_space<vmem>>, vector<16xf32>,
      tpu.vector_store %arg12[%swap3A_126, %swap3A_127], %broadcast_in_dim3A_125 {strides = array<i32>} : memref<16x128xf32, #tpu.memory_space<vmem>>, vector<16xf32>,
      %broadcast_in_dim3A_129 = arith.constant 0.000000e+00 : f32
      %broadcast_in_dim3A_130 = vector.broadcast %broadcast_in_dim3A_129 : f32 to vector<16xf32>
      %swap3A_131 = arith.index_cast %scan3A_118 : i32 to index
      %swap3A_132 = arith.constant 32 : index
      %swap3A_133 = tpu.vector_load %arg12[%swap3A_131, %swap3A_132] {strides = array<i32>} : memref<16x128xf32, #tpu.memory_space<vmem>>, vector<16xf32>,
      tpu.vector_store %arg12[%swap3A_131, %swap3A_132], %broadcast_in_dim3A_130 {strides = array<i32>} : memref<16x128xf32, #tpu.memory_space<vmem>>, vector<16xf32>,
      %broadcast_in_dim3A_134 = arith.constant 0.000000e+00 : f32
      %broadcast_in_dim3A_135 = vector.broadcast %broadcast_in_dim3A_134 : f32 to vector<16xf32>
      %swap3A_136 = arith.index_cast %scan3A_118 : i32 to index
      %swap3A_137 = arith.constant 48 : index
      %swap3A_138 = tpu.vector_load %arg12[%swap3A_136, %swap3A_137] {strides = array<i32>} : memref<16x128xf32, #tpu.memory_space<vmem>>, vector<16xf32>,
      tpu.vector_store %arg12[%swap3A_136, %swap3A_137], %broadcast_in_dim3A_135 {strides = array<i32>} : memref<16x128xf32, #tpu.memory_space<vmem>>, vector<16xf32>,
      %broadcast_in_dim3A_139 = arith.constant 0.000000e+00 : f32
      %broadcast_in_dim3A_140 = vector.broadcast %broadcast_in_dim3A_139 : f32 to vector<16xf32>
      %swap3A_141 = arith.index_cast %scan3A_118 : i32 to index
      %swap3A_142 = arith.constant 64 : index
      %swap3A_143 = tpu.vector_load %arg12[%swap3A_141, %swap3A_142] {strides = array<i32>} : memref<16x128xf32, #tpu.memory_space<vmem>>, vector<16xf32>,
      tpu.vector_store %arg12[%swap3A_141, %swap3A_142], %broadcast_in_dim3A_140 {strides = array<i32>} : memref<16x128xf32, #tpu.memory_space<vmem>>, vector<16xf32>,
      %broadcast_in_dim3A_144 = arith.constant 0.000000e+00 : f32
      %broadcast_in_dim3A_145 = vector.broadcast %broadcast_in_dim3A_144 : f32 to vector<16xf32>
      %swap3A_146 = arith.index_cast %scan3A_118 : i32 to index
      %swap3A_147 = arith.constant 80 : index
      %swap3A_148 = tpu.vector_load %arg12[%swap3A_146, %swap3A_147] {strides = array<i32>} : memref<16x128xf32, #tpu.memory_space<vmem>>, vector<16xf32>,
      tpu.vector_store %arg12[%swap3A_146, %swap3A_147], %broadcast_in_dim3A_145 {strides = array<i32>} : memref<16x128xf32, #tpu.memory_space<vmem>>, vector<16xf32>,
      %broadcast_in_dim3A_149 = arith.constant 0.000000e+00 : f32
      %broadcast_in_dim3A_150 = vector.broadcast %broadcast_in_dim3A_149 : f32 to vector<16xf32>
      %swap3A_151 = arith.index_cast %scan3A_118 : i32 to index
      %swap3A_152 = arith.constant 96 : index
      %swap3A_153 = tpu.vector_load %arg12[%swap3A_151, %swap3A_152] {strides = array<i32>} : memref<16x128xf32, #tpu.memory_space<vmem>>, vector<16xf32>,
      tpu.vector_store %arg12[%swap3A_151, %swap3A_152], %broadcast_in_dim3A_150 {strides = array<i32>} : memref<16x128xf32, #tpu.memory_space<vmem>>, vector<16xf32>,
      %broadcast_in_dim3A_154 = arith.constant 0.000000e+00 : f32
      %broadcast_in_dim3A_155 = vector.broadcast %broadcast_in_dim3A_154 : f32 to vector<16xf32>
      %swap3A_156 = arith.index_cast %scan3A_118 : i32 to index
      %swap3A_157 = arith.constant 112 : index
      %swap3A_158 = tpu.vector_load %arg12[%swap3A_156, %swap3A_157] {strides = array<i32>} : memref<16x128xf32, #tpu.memory_space<vmem>>, vector<16xf32>,
      tpu.vector_store %arg12[%swap3A_156, %swap3A_157], %broadcast_in_dim3A_155 {strides = array<i32>} : memref<16x128xf32, #tpu.memory_space<vmem>>, vector<16xf32>,
    }
    %scan3A_9 = arith.constant 16 : i32
    %iota3A = tpu.iota {dimensions = array<i32: 0>} : vector<16xi32>
    %eq3A = arith.constant 0 : i32
    %eq3A_10 = vector.broadcast %eq3A : i32 to vector<16xi32>
    %eq3A_11 = arith.cmpi eq, %iota3A, %eq3A_10 : vector<16xi32>
    %jit3A = arith.constant 1.000000e+00 : f32
    %jit3A_12 = arith.constant 0.000000e+00 : f32
    %broadcast_in_dim3A = vector.broadcast %jit3A : f32 to vector<16xf32>
    %broadcast_in_dim3A_13 = vector.broadcast %jit3A_12 : f32 to vector<16xf32>
    %select_n3A = arith.select %eq3A_11, %broadcast_in_dim3A, %broadcast_in_dim3A_13 : vector<16xi1>, vector<16xf32>
    %scan3A_14 = arith.constant 0 : i32
    %scan3A_15 = arith.constant 0 : i32
    %scan3A_16 = arith.constant 128 : i32
    %scan3A_17 = arith.addi %scan3A_15, %scan3A_16 : i32
    %scan3A_18 = arith.constant 1 : i32
    scf.for %scan3A_118 = %scan3A_15 to %scan3A_17 step %scan3A_18  : i32 {
      %swap3A_119 = arith.index_cast %scan3A_118 : i32 to index
      %swap3A_120 = arith.constant 0 : index
      %swap3A_121 = tpu.vector_load %arg11[%swap3A_119, %swap3A_120] {strides = array<i32>} : memref<128x128xf32, #tpu.memory_space<vmem>>, vector<16xf32>,
      tpu.vector_store %arg11[%swap3A_119, %swap3A_120], %select_n3A {strides = array<i32>} : memref<128x128xf32, #tpu.memory_space<vmem>>, vector<16xf32>,
      %broadcast_in_dim3A_122 = arith.constant 0.000000e+00 : f32
      %broadcast_in_dim3A_123 = vector.broadcast %broadcast_in_dim3A_122 : f32 to vector<16xf32>
      %swap3A_124 = arith.index_cast %scan3A_118 : i32 to index
      %swap3A_125 = arith.constant 16 : index
      %swap3A_126 = tpu.vector_load %arg11[%swap3A_124, %swap3A_125] {strides = array<i32>} : memref<128x128xf32, #tpu.memory_space<vmem>>, vector<16xf32>,
      tpu.vector_store %arg11[%swap3A_124, %swap3A_125], %broadcast_in_dim3A_123 {strides = array<i32>} : memref<128x128xf32, #tpu.memory_space<vmem>>, vector<16xf32>,
      %broadcast_in_dim3A_127 = arith.constant 0.000000e+00 : f32
      %broadcast_in_dim3A_128 = vector.broadcast %broadcast_in_dim3A_127 : f32 to vector<16xf32>
      %swap3A_129 = arith.index_cast %scan3A_118 : i32 to index
      %swap3A_130 = arith.constant 32 : index
      %swap3A_131 = tpu.vector_load %arg11[%swap3A_129, %swap3A_130] {strides = array<i32>} : memref<128x128xf32, #tpu.memory_space<vmem>>, vector<16xf32>,
      tpu.vector_store %arg11[%swap3A_129, %swap3A_130], %broadcast_in_dim3A_128 {strides = array<i32>} : memref<128x128xf32, #tpu.memory_space<vmem>>, vector<16xf32>,
      %broadcast_in_dim3A_132 = arith.constant 0.000000e+00 : f32
      %broadcast_in_dim3A_133 = vector.broadcast %broadcast_in_dim3A_132 : f32 to vector<16xf32>
      %swap3A_134 = arith.index_cast %scan3A_118 : i32 to index
      %swap3A_135 = arith.constant 48 : index
      %swap3A_136 = tpu.vector_load %arg11[%swap3A_134, %swap3A_135] {strides = array<i32>} : memref<128x128xf32, #tpu.memory_space<vmem>>, vector<16xf32>,
      tpu.vector_store %arg11[%swap3A_134, %swap3A_135], %broadcast_in_dim3A_133 {strides = array<i32>} : memref<128x128xf32, #tpu.memory_space<vmem>>, vector<16xf32>,
      %broadcast_in_dim3A_137 = arith.constant 0.000000e+00 : f32
      %broadcast_in_dim3A_138 = vector.broadcast %broadcast_in_dim3A_137 : f32 to vector<16xf32>
      %swap3A_139 = arith.index_cast %scan3A_118 : i32 to index
      %swap3A_140 = arith.constant 64 : index
      %swap3A_141 = tpu.vector_load %arg11[%swap3A_139, %swap3A_140] {strides = array<i32>} : memref<128x128xf32, #tpu.memory_space<vmem>>, vector<16xf32>,
      tpu.vector_store %arg11[%swap3A_139, %swap3A_140], %broadcast_in_dim3A_138 {strides = array<i32>} : memref<128x128xf32, #tpu.memory_space<vmem>>, vector<16xf32>,
      %broadcast_in_dim3A_142 = arith.constant 0.000000e+00 : f32
      %broadcast_in_dim3A_143 = vector.broadcast %broadcast_in_dim3A_142 : f32 to vector<16xf32>
      %swap3A_144 = arith.index_cast %scan3A_118 : i32 to index
      %swap3A_145 = arith.constant 80 : index
      %swap3A_146 = tpu.vector_load %arg11[%swap3A_144, %swap3A_145] {strides = array<i32>} : memref<128x128xf32, #tpu.memory_space<vmem>>, vector<16xf32>,
      tpu.vector_store %arg11[%swap3A_144, %swap3A_145], %broadcast_in_dim3A_143 {strides = array<i32>} : memref<128x128xf32, #tpu.memory_space<vmem>>, vector<16xf32>,
      %broadcast_in_dim3A_147 = arith.constant 0.000000e+00 : f32
      %broadcast_in_dim3A_148 = vector.broadcast %broadcast_in_dim3A_147 : f32 to vector<16xf32>
      %swap3A_149 = arith.index_cast %scan3A_118 : i32 to index
      %swap3A_150 = arith.constant 96 : index
      %swap3A_151 = tpu.vector_load %arg11[%swap3A_149, %swap3A_150] {strides = array<i32>} : memref<128x128xf32, #tpu.memory_space<vmem>>, vector<16xf32>,
      tpu.vector_store %arg11[%swap3A_149, %swap3A_150], %broadcast_in_dim3A_148 {strides = array<i32>} : memref<128x128xf32, #tpu.memory_space<vmem>>, vector<16xf32>,
      %broadcast_in_dim3A_152 = arith.constant 0.000000e+00 : f32
      %broadcast_in_dim3A_153 = vector.broadcast %broadcast_in_dim3A_152 : f32 to vector<16xf32>
      %swap3A_154 = arith.index_cast %scan3A_118 : i32 to index
      %swap3A_155 = arith.constant 112 : index
      %swap3A_156 = tpu.vector_load %arg11[%swap3A_154, %swap3A_155] {strides = array<i32>} : memref<128x128xf32, #tpu.memory_space<vmem>>, vector<16xf32>,
      tpu.vector_store %arg11[%swap3A_154, %swap3A_155], %broadcast_in_dim3A_153 {strides = array<i32>} : memref<128x128xf32, #tpu.memory_space<vmem>>, vector<16xf32>,
    }
    %scan3A_19 = arith.constant 128 : i32
    %scan3A_20 = arith.constant 0 : i32
    %scan3A_21 = arith.constant 0 : i32
    %scan3A_22 = arith.constant 40 : i32
    %scan3A_23 = arith.addi %scan3A_21, %scan3A_22 : i32
    %scan3A_24 = arith.constant 1 : i32
    scf.for %scan3A_118 = %scan3A_21 to %scan3A_23 step %scan3A_24  : i32 {
      %mul3A_119 = arith.constant 16 : i32
      %mul3A_120 = arith.muli %scan3A_118, %mul3A_119 : i32
      %add3A_121 = arith.addi %mul3A_0, %mul3A_120 : i32
      "tpu.region"() ({
        %run_scoped3A = tpu.sem_alloc : memref<!tpu.dma_semaphore, #tpu.memory_space<semaphore_mem>>
        %dma_start3A = arith.constant 0 : i32
        %dma_start3A_122 = tpu.memref_slice %arg14[%add3A_121, %dma_start3A] : memref<10240x128xf32, #tpu.memory_space<vmem_shared>> -> memref<16x128xf32, #tpu.memory_space<vmem_shared>>
        %dma_start3A_123 = arith.constant 0 : i32
        %dma_start3A_124 = tpu.memref_slice %arg14[%add3A_121, %dma_start3A_123] : memref<10240x128xf32, #tpu.memory_space<vmem_shared>> -> memref<16x128xf32, #tpu.memory_space<vmem_shared>>
        tpu.enqueue_dma source(%arg12 : memref<16x128xf32, #tpu.memory_space<vmem>>) target(%dma_start3A_124 : memref<16x128xf32, #tpu.memory_space<vmem_shared>>) target_semaphore(%run_scoped3A : memref<!tpu.dma_semaphore, #tpu.memory_space<semaphore_mem>>)
        %dma_wait3A = arith.constant 0 : i32
        %dma_wait3A_125 = tpu.memref_slice %arg14[%add3A_121, %dma_wait3A] : memref<10240x128xf32, #tpu.memory_space<vmem_shared>> -> memref<16x128xf32, #tpu.memory_space<vmem_shared>>
        %dma_wait3A_126 = arith.constant 0 : i32
        %dma_wait3A_127 = tpu.memref_slice %arg14[%add3A_121, %dma_wait3A_126] : memref<10240x128xf32, #tpu.memory_space<vmem_shared>> -> memref<16x128xf32, #tpu.memory_space<vmem_shared>>
        tpu.wait_dma2 semaphore(%run_scoped3A : memref<!tpu.dma_semaphore, #tpu.memory_space<semaphore_mem>>) src(%arg12 : memref<16x128xf32, #tpu.memory_space<vmem>>) dst(%dma_wait3A_127 : memref<16x128xf32, #tpu.memory_space<vmem_shared>>)
        tpu.yield
      }) : () -> ()
    }
    %scan3A_25 = arith.constant 40 : i32
    %iota3A_26 = tpu.iota {dimensions = array<i32: 0>} : vector<16xi32>
    %scan3A_27 = arith.constant 0 : i32
    %scan3A_28 = arith.constant 0 : i32
    %scan3A_29 = arith.constant 1280 : i32
    %scan3A_30 = arith.addi %scan3A_28, %scan3A_29 : i32
    %scan3A_31 = arith.constant 1 : i32
    scf.for %scan3A_118 = %scan3A_28 to %scan3A_30 step %scan3A_31  : i32 {
      %mul3A_119 = arith.constant 15 : i32
      %mul3A_120 = arith.muli %arg1, %mul3A_119 : i32
      %add3A_121 = arith.constant 10000 : i32
      %add3A_122 = arith.addi %add3A_121, %mul3A_120 : i32
      %mul3A_123 = arith.constant 16 : i32
      %mul3A_124 = arith.muli %scan3A_118, %mul3A_123 : i32
      %add3A_125 = vector.broadcast %mul3A_124 : i32 to vector<16xi32>
      %add3A_126 = arith.addi %add3A_125, %iota3A_26 : vector<16xi32>
      %jit3A_127 = arith.constant 15 : i32
      %eq3A_128 = arith.constant 0 : i32
      %eq3A_129 = arith.cmpi eq, %jit3A_127, %eq3A_128 : i32
      %jit3A_130 = arith.constant 1 : i32
      %select_n3A_131 = arith.select %eq3A_129, %jit3A_130, %jit3A_127 : i32
      %rem3A_132 = vector.broadcast %select_n3A_131 : i32 to vector<16xi32>
      %rem3A_133 = arith.remsi %add3A_126, %rem3A_132 : vector<16xi32>
      %ne3A_134 = arith.constant 0 : i32
      %ne3A_135 = vector.broadcast %ne3A_134 : i32 to vector<16xi32>
      %ne3A_136 = arith.cmpi ne, %rem3A_133, %ne3A_135 : vector<16xi32>
      %lt3A = arith.constant 0 : i32
      %lt3A_137 = vector.broadcast %lt3A : i32 to vector<16xi32>
      %lt3A_138 = arith.cmpi slt, %rem3A_133, %lt3A_137 : vector<16xi32>
      %lt3A_139 = arith.constant 0 : i32
      %lt3A_140 = arith.cmpi slt, %select_n3A_131, %lt3A_139 : i32
      %ne3A_141 = vector.broadcast %lt3A_140 : i1 to vector<16xi1>
      %ne3A_142 = vector.broadcast %ne3A_141 : vector<16xi1> to vector<16xi1>
      %ne3A_143 = arith.xori %lt3A_138, %ne3A_142 : vector<16xi1>
      %and3A_144 = arith.andi %ne3A_143, %ne3A_136 : vector<16xi1>
      %add3A_145 = vector.broadcast %select_n3A_131 : i32 to vector<16xi32>
      %add3A_146 = arith.addi %rem3A_133, %add3A_145 : vector<16xi32>
      %select_n3A_147 = arith.select %and3A_144, %add3A_146, %rem3A_133 : vector<16xi1>, vector<16xi32>
      %add3A_148 = vector.broadcast %add3A_122 : i32 to vector<16xi32>
      %add3A_149 = arith.addi %add3A_148, %select_n3A_147 : vector<16xi32>
      %mul3A_150 = arith.constant 16384 : i32
      %mul3A_151 = vector.broadcast %mul3A_150 : i32 to vector<16xi32>
      %mul3A_152 = arith.muli %add3A_149, %mul3A_151 : vector<16xi32>
      %mul3A_153 = arith.constant 16 : i32
      %mul3A_154 = arith.muli %scan3A_118, %mul3A_153 : i32
      %swap3A_155 = arith.index_cast %mul3A_154 : i32 to index
      %swap3A_156 = tpu.vector_load %arg10[%swap3A_155] {strides = array<i32>} : memref<20496xi32, #tpu.memory_space<vmem>>, vector<16xi32>,
      tpu.vector_store %arg10[%swap3A_155], %mul3A_152 {strides = array<i32>} : memref<20496xi32, #tpu.memory_space<vmem>>, vector<16xi32>,
    }
    %scan3A_32 = arith.constant 1280 : i32
    %barrier3A = arith.constant 0 : index
    tpu.barrier barrier_id(%barrier3A)
    %broadcast_in_dim3A_33 = arith.constant 0 : i32
    %broadcast_in_dim3A_34 = vector.broadcast %broadcast_in_dim3A_33 : i32 to vector<16xi32>
    %scan3A_35 = arith.constant 0 : i32
    %scan3A_36 = arith.constant 10 : i32
    %scan3A_37 = arith.addi %scan3A_35, %scan3A_36 : i32
    %scan3A_38 = arith.constant 1 : i32
    %scan3A_39 = scf.for %scan3A_118 = %scan3A_35 to %scan3A_37 step %scan3A_38 iter_args(%scan3A_119 = %broadcast_in_dim3A_34) -> (vector<16xi32>)  : i32 {
      %mul3A_120 = arith.constant 16 : i32
      %mul3A_121 = arith.muli %scan3A_118, %mul3A_120 : i32
      %add3A_122 = arith.addi %mul3A_4, %mul3A_121 : i32
      "tpu.region"() ({
        %run_scoped3A = tpu.sem_alloc : memref<!tpu.dma_semaphore, #tpu.memory_space<semaphore_mem>>
        %dma_start3A = arith.constant 0 : i32
        %dma_start3A_132 = tpu.memref_slice %arg3[%arg0, %add3A_122, %dma_start3A] : memref<2x2560x128xi32, #tpu.memory_space<hbm>> -> memref<1x16x128xi32, #tpu.memory_space<hbm>>
        %dma_start3A_133 = tpu.memref_squeeze %dma_start3A_132 : memref<1x16x128xi32, #tpu.memory_space<hbm>> -> memref<16x128xi32, #tpu.memory_space<hbm>>
        %dma_start3A_134 = arith.constant 0 : i32
        %dma_start3A_135 = tpu.memref_slice %arg3[%arg0, %add3A_122, %dma_start3A_134] : memref<2x2560x128xi32, #tpu.memory_space<hbm>> -> memref<1x16x128xi32, #tpu.memory_space<hbm>>
        %dma_start3A_136 = tpu.memref_squeeze %dma_start3A_135 : memref<1x16x128xi32, #tpu.memory_space<hbm>> -> memref<16x128xi32, #tpu.memory_space<hbm>>
        tpu.enqueue_dma source(%dma_start3A_136 : memref<16x128xi32, #tpu.memory_space<hbm>>) target(%arg8 : memref<16x128xi32, #tpu.memory_space<vmem>>) target_semaphore(%run_scoped3A : memref<!tpu.dma_semaphore, #tpu.memory_space<semaphore_mem>>)
        %dma_wait3A = arith.constant 0 : i32
        %dma_wait3A_137 = tpu.memref_slice %arg3[%arg0, %add3A_122, %dma_wait3A] : memref<2x2560x128xi32, #tpu.memory_space<hbm>> -> memref<1x16x128xi32, #tpu.memory_space<hbm>>
        %dma_wait3A_138 = tpu.memref_squeeze %dma_wait3A_137 : memref<1x16x128xi32, #tpu.memory_space<hbm>> -> memref<16x128xi32, #tpu.memory_space<hbm>>
        %dma_wait3A_139 = arith.constant 0 : i32
        %dma_wait3A_140 = tpu.memref_slice %arg3[%arg0, %add3A_122, %dma_wait3A_139] : memref<2x2560x128xi32, #tpu.memory_space<hbm>> -> memref<1x16x128xi32, #tpu.memory_space<hbm>>
        %dma_wait3A_141 = tpu.memref_squeeze %dma_wait3A_140 : memref<1x16x128xi32, #tpu.memory_space<hbm>> -> memref<16x128xi32, #tpu.memory_space<hbm>>
        tpu.wait_dma2 semaphore(%run_scoped3A : memref<!tpu.dma_semaphore, #tpu.memory_space<semaphore_mem>>) src(%dma_wait3A_141 : memref<16x128xi32, #tpu.memory_space<hbm>>) dst(%arg8 : memref<16x128xi32, #tpu.memory_space<vmem>>)
        tpu.yield
      }) : () -> ()
      %mul3A_123 = arith.constant 16 : i32
      %mul3A_124 = arith.muli %scan3A_118, %mul3A_123 : i32
      %add3A_125 = arith.addi %mul3A_4, %mul3A_124 : i32
      "tpu.region"() ({
        %run_scoped3A = tpu.sem_alloc : memref<!tpu.dma_semaphore, #tpu.memory_space<semaphore_mem>>
        %dma_start3A = arith.constant 0 : i32
        %dma_start3A_132 = tpu.memref_slice %arg2[%add3A_125, %dma_start3A] : memref<2560x128xi32, #tpu.memory_space<hbm>> -> memref<16x128xi32, #tpu.memory_space<hbm>>
        %dma_start3A_133 = arith.constant 0 : i32
        %dma_start3A_134 = tpu.memref_slice %arg2[%add3A_125, %dma_start3A_133] : memref<2560x128xi32, #tpu.memory_space<hbm>> -> memref<16x128xi32, #tpu.memory_space<hbm>>
        tpu.enqueue_dma source(%dma_start3A_134 : memref<16x128xi32, #tpu.memory_space<hbm>>) target(%arg9 : memref<16x128xi32, #tpu.memory_space<vmem>>) target_semaphore(%run_scoped3A : memref<!tpu.dma_semaphore, #tpu.memory_space<semaphore_mem>>)
        %dma_wait3A = arith.constant 0 : i32
        %dma_wait3A_135 = tpu.memref_slice %arg2[%add3A_125, %dma_wait3A] : memref<2560x128xi32, #tpu.memory_space<hbm>> -> memref<16x128xi32, #tpu.memory_space<hbm>>
        %dma_wait3A_136 = arith.constant 0 : i32
        %dma_wait3A_137 = tpu.memref_slice %arg2[%add3A_125, %dma_wait3A_136] : memref<2560x128xi32, #tpu.memory_space<hbm>> -> memref<16x128xi32, #tpu.memory_space<hbm>>
        tpu.wait_dma2 semaphore(%run_scoped3A : memref<!tpu.dma_semaphore, #tpu.memory_space<semaphore_mem>>) src(%dma_wait3A_137 : memref<16x128xi32, #tpu.memory_space<hbm>>) dst(%arg9 : memref<16x128xi32, #tpu.memory_space<vmem>>)
        tpu.yield
      }) : () -> ()
      %scan3A_126 = arith.constant 0 : i32
      %scan3A_127 = arith.constant 16 : i32
      %scan3A_128 = arith.addi %scan3A_126, %scan3A_127 : i32
      %scan3A_129 = arith.constant 1 : i32
      %scan3A_130 = scf.for %scan3A_132 = %scan3A_126 to %scan3A_128 step %scan3A_129 iter_args(%scan3A_133 = %scan3A_119) -> (vector<16xi32>)  : i32 {
        %get3A_134 = arith.index_cast %scan3A_132 : i32 to index
        %get3A_135 = arith.constant 0 : index
        %get3A_136 = tpu.vector_load %arg8[%get3A_134, %get3A_135] {strides = array<i32>} : memref<16x128xi32, #tpu.memory_space<vmem>>, vector<16xi32>,
        %get3A_137 = arith.index_cast %scan3A_132 : i32 to index
        %get3A_138 = arith.constant 0 : index
        %get3A_139 = tpu.vector_load %arg9[%get3A_137, %get3A_138] {strides = array<i32>} : memref<16x128xi32, #tpu.memory_space<vmem>>, vector<16xi32>,
        %lt3A = arith.constant 10000 : i32
        %lt3A_140 = vector.broadcast %lt3A : i32 to vector<16xi32>
        %lt3A_141 = arith.cmpi slt, %get3A_136, %lt3A_140 : vector<16xi32>
        %jit3A_142 = arith.constant 1 : i32
        %jit3A_143 = arith.constant 0 : i32
        %broadcast_in_dim3A_144 = vector.broadcast %jit3A_142 : i32 to vector<16xi32>
        %broadcast_in_dim3A_145 = vector.broadcast %jit3A_143 : i32 to vector<16xi32>
        %select_n3A_146 = arith.select %lt3A_141, %broadcast_in_dim3A_144, %broadcast_in_dim3A_145 : vector<16xi1>, vector<16xi32>
        %broadcast_in_dim3A_147 = arith.constant true
        %broadcast_in_dim3A_148 = vector.broadcast %broadcast_in_dim3A_147 : i1 to vector<16xi1>
        %masked_cumsum3A = tpu.scan <sum>, %select_n3A_146 masked %broadcast_in_dim3A_148 : vector<16xi32>, vector<16xi1> -> vector<16xi32>
        %add3A_149 = arith.addi %scan3A_133, %masked_cumsum3A : vector<16xi32>
        %sub3A_150 = arith.constant 1 : i32
        %sub3A_151 = vector.broadcast %sub3A_150 : i32 to vector<16xi32>
        %sub3A_152 = arith.subi %add3A_149, %sub3A_151 : vector<16xi32>
        %iota3A_153 = tpu.iota {dimensions = array<i32: 0>} : vector<16xi32>
        %add3A_154 = arith.constant 20480 : i32
        %add3A_155 = vector.broadcast %add3A_154 : i32 to vector<16xi32>
        %add3A_156 = arith.addi %add3A_155, %iota3A_153 : vector<16xi32>
        %select_n3A_157 = arith.select %lt3A_141, %sub3A_152, %add3A_156 : vector<16xi1>, vector<16xi32>
        tpu.vector_store_idx %arg10[%select_n3A_157], %get3A_139 : memref<20496xi32, #tpu.memory_space<vmem>>[vector<16xi32>], vector<16xi32>,
        %all_reduce_population_count3A = tpu.all_reduce %lt3A_141 {dim = 0 : i64, kind = #tpu.reduction_kind<sum>} : vector<16xi1> -> vector<16xi32>
        %add3A_158 = arith.addi %scan3A_133, %all_reduce_population_count3A : vector<16xi32>
        %get3A_159 = arith.index_cast %scan3A_132 : i32 to index
        %get3A_160 = arith.constant 16 : index
        %get3A_161 = tpu.vector_load %arg8[%get3A_159, %get3A_160] {strides = array<i32>} : memref<16x128xi32, #tpu.memory_space<vmem>>, vector<16xi32>,
        %get3A_162 = arith.index_cast %scan3A_132 : i32 to index
        %get3A_163 = arith.constant 16 : index
        %get3A_164 = tpu.vector_load %arg9[%get3A_162, %get3A_163] {strides = array<i32>} : memref<16x128xi32, #tpu.memory_space<vmem>>, vector<16xi32>,
        %lt3A_165 = arith.constant 10000 : i32
        %lt3A_166 = vector.broadcast %lt3A_165 : i32 to vector<16xi32>
        %lt3A_167 = arith.cmpi slt, %get3A_161, %lt3A_166 : vector<16xi32>
        %jit3A_168 = arith.constant 1 : i32
        %jit3A_169 = arith.constant 0 : i32
        %broadcast_in_dim3A_170 = vector.broadcast %jit3A_168 : i32 to vector<16xi32>
        %broadcast_in_dim3A_171 = vector.broadcast %jit3A_169 : i32 to vector<16xi32>
        %select_n3A_172 = arith.select %lt3A_167, %broadcast_in_dim3A_170, %broadcast_in_dim3A_171 : vector<16xi1>, vector<16xi32>
        %broadcast_in_dim3A_173 = arith.constant true
        %broadcast_in_dim3A_174 = vector.broadcast %broadcast_in_dim3A_173 : i1 to vector<16xi1>
        %masked_cumsum3A_175 = tpu.scan <sum>, %select_n3A_172 masked %broadcast_in_dim3A_174 : vector<16xi32>, vector<16xi1> -> vector<16xi32>
        %add3A_176 = arith.addi %add3A_158, %masked_cumsum3A_175 : vector<16xi32>
        %sub3A_177 = arith.constant 1 : i32
        %sub3A_178 = vector.broadcast %sub3A_177 : i32 to vector<16xi32>
        %sub3A_179 = arith.subi %add3A_176, %sub3A_178 : vector<16xi32>
        %iota3A_180 = tpu.iota {dimensions = array<i32: 0>} : vector<16xi32>
        %add3A_181 = arith.constant 20480 : i32
        %add3A_182 = vector.broadcast %add3A_181 : i32 to vector<16xi32>
        %add3A_183 = arith.addi %add3A_182, %iota3A_180 : vector<16xi32>
        %select_n3A_184 = arith.select %lt3A_167, %sub3A_179, %add3A_183 : vector<16xi1>, vector<16xi32>
        tpu.vector_store_idx %arg10[%select_n3A_184], %get3A_164 : memref<20496xi32, #tpu.memory_space<vmem>>[vector<16xi32>], vector<16xi32>,
        %all_reduce_population_count3A_185 = tpu.all_reduce %lt3A_167 {dim = 0 : i64, kind = #tpu.reduction_kind<sum>} : vector<16xi1> -> vector<16xi32>
        %add3A_186 = arith.addi %add3A_158, %all_reduce_population_count3A_185 : vector<16xi32>
        %get3A_187 = arith.index_cast %scan3A_132 : i32 to index
        %get3A_188 = arith.constant 32 : index
        %get3A_189 = tpu.vector_load %arg8[%get3A_187, %get3A_188] {strides = array<i32>} : memref<16x128xi32, #tpu.memory_space<vmem>>, vector<16xi32>,
        %get3A_190 = arith.index_cast %scan3A_132 : i32 to index
        %get3A_191 = arith.constant 32 : index
        %get3A_192 = tpu.vector_load %arg9[%get3A_190, %get3A_191] {strides = array<i32>} : memref<16x128xi32, #tpu.memory_space<vmem>>, vector<16xi32>,
        %lt3A_193 = arith.constant 10000 : i32
        %lt3A_194 = vector.broadcast %lt3A_193 : i32 to vector<16xi32>
        %lt3A_195 = arith.cmpi slt, %get3A_189, %lt3A_194 : vector<16xi32>
        %jit3A_196 = arith.constant 1 : i32
        %jit3A_197 = arith.constant 0 : i32
        %broadcast_in_dim3A_198 = vector.broadcast %jit3A_196 : i32 to vector<16xi32>
        %broadcast_in_dim3A_199 = vector.broadcast %jit3A_197 : i32 to vector<16xi32>
        %select_n3A_200 = arith.select %lt3A_195, %broadcast_in_dim3A_198, %broadcast_in_dim3A_199 : vector<16xi1>, vector<16xi32>
        %broadcast_in_dim3A_201 = arith.constant true
        %broadcast_in_dim3A_202 = vector.broadcast %broadcast_in_dim3A_201 : i1 to vector<16xi1>
        %masked_cumsum3A_203 = tpu.scan <sum>, %select_n3A_200 masked %broadcast_in_dim3A_202 : vector<16xi32>, vector<16xi1> -> vector<16xi32>
        %add3A_204 = arith.addi %add3A_186, %masked_cumsum3A_203 : vector<16xi32>
        %sub3A_205 = arith.constant 1 : i32
        %sub3A_206 = vector.broadcast %sub3A_205 : i32 to vector<16xi32>
        %sub3A_207 = arith.subi %add3A_204, %sub3A_206 : vector<16xi32>
        %iota3A_208 = tpu.iota {dimensions = array<i32: 0>} : vector<16xi32>
        %add3A_209 = arith.constant 20480 : i32
        %add3A_210 = vector.broadcast %add3A_209 : i32 to vector<16xi32>
        %add3A_211 = arith.addi %add3A_210, %iota3A_208 : vector<16xi32>
        %select_n3A_212 = arith.select %lt3A_195, %sub3A_207, %add3A_211 : vector<16xi1>, vector<16xi32>
        tpu.vector_store_idx %arg10[%select_n3A_212], %get3A_192 : memref<20496xi32, #tpu.memory_space<vmem>>[vector<16xi32>], vector<16xi32>,
        %all_reduce_population_count3A_213 = tpu.all_reduce %lt3A_195 {dim = 0 : i64, kind = #tpu.reduction_kind<sum>} : vector<16xi1> -> vector<16xi32>
        %add3A_214 = arith.addi %add3A_186, %all_reduce_population_count3A_213 : vector<16xi32>
        %get3A_215 = arith.index_cast %scan3A_132 : i32 to index
        %get3A_216 = arith.constant 48 : index
        %get3A_217 = tpu.vector_load %arg8[%get3A_215, %get3A_216] {strides = array<i32>} : memref<16x128xi32, #tpu.memory_space<vmem>>, vector<16xi32>,
        %get3A_218 = arith.index_cast %scan3A_132 : i32 to index
        %get3A_219 = arith.constant 48 : index
        %get3A_220 = tpu.vector_load %arg9[%get3A_218, %get3A_219] {strides = array<i32>} : memref<16x128xi32, #tpu.memory_space<vmem>>, vector<16xi32>,
        %lt3A_221 = arith.constant 10000 : i32
        %lt3A_222 = vector.broadcast %lt3A_221 : i32 to vector<16xi32>
        %lt3A_223 = arith.cmpi slt, %get3A_217, %lt3A_222 : vector<16xi32>
        %jit3A_224 = arith.constant 1 : i32
        %jit3A_225 = arith.constant 0 : i32
        %broadcast_in_dim3A_226 = vector.broadcast %jit3A_224 : i32 to vector<16xi32>
        %broadcast_in_dim3A_227 = vector.broadcast %jit3A_225 : i32 to vector<16xi32>
        %select_n3A_228 = arith.select %lt3A_223, %broadcast_in_dim3A_226, %broadcast_in_dim3A_227 : vector<16xi1>, vector<16xi32>
        %broadcast_in_dim3A_229 = arith.constant true
        %broadcast_in_dim3A_230 = vector.broadcast %broadcast_in_dim3A_229 : i1 to vector<16xi1>
        %masked_cumsum3A_231 = tpu.scan <sum>, %select_n3A_228 masked %broadcast_in_dim3A_230 : vector<16xi32>, vector<16xi1> -> vector<16xi32>
        %add3A_232 = arith.addi %add3A_214, %masked_cumsum3A_231 : vector<16xi32>
        %sub3A_233 = arith.constant 1 : i32
        %sub3A_234 = vector.broadcast %sub3A_233 : i32 to vector<16xi32>
        %sub3A_235 = arith.subi %add3A_232, %sub3A_234 : vector<16xi32>
        %iota3A_236 = tpu.iota {dimensions = array<i32: 0>} : vector<16xi32>
        %add3A_237 = arith.constant 20480 : i32
        %add3A_238 = vector.broadcast %add3A_237 : i32 to vector<16xi32>
        %add3A_239 = arith.addi %add3A_238, %iota3A_236 : vector<16xi32>
        %select_n3A_240 = arith.select %lt3A_223, %sub3A_235, %add3A_239 : vector<16xi1>, vector<16xi32>
        tpu.vector_store_idx %arg10[%select_n3A_240], %get3A_220 : memref<20496xi32, #tpu.memory_space<vmem>>[vector<16xi32>], vector<16xi32>,
        %all_reduce_population_count3A_241 = tpu.all_reduce %lt3A_223 {dim = 0 : i64, kind = #tpu.reduction_kind<sum>} : vector<16xi1> -> vector<16xi32>
        %add3A_242 = arith.addi %add3A_214, %all_reduce_population_count3A_241 : vector<16xi32>
        %get3A_243 = arith.index_cast %scan3A_132 : i32 to index
        %get3A_244 = arith.constant 64 : index
        %get3A_245 = tpu.vector_load %arg8[%get3A_243, %get3A_244] {strides = array<i32>} : memref<16x128xi32, #tpu.memory_space<vmem>>, vector<16xi32>,
        %get3A_246 = arith.index_cast %scan3A_132 : i32 to index
        %get3A_247 = arith.constant 64 : index
        %get3A_248 = tpu.vector_load %arg9[%get3A_246, %get3A_247] {strides = array<i32>} : memref<16x128xi32, #tpu.memory_space<vmem>>, vector<16xi32>,
        %lt3A_249 = arith.constant 10000 : i32
        %lt3A_250 = vector.broadcast %lt3A_249 : i32 to vector<16xi32>
        %lt3A_251 = arith.cmpi slt, %get3A_245, %lt3A_250 : vector<16xi32>
        %jit3A_252 = arith.constant 1 : i32
        %jit3A_253 = arith.constant 0 : i32
        %broadcast_in_dim3A_254 = vector.broadcast %jit3A_252 : i32 to vector<16xi32>
        %broadcast_in_dim3A_255 = vector.broadcast %jit3A_253 : i32 to vector<16xi32>
        %select_n3A_256 = arith.select %lt3A_251, %broadcast_in_dim3A_254, %broadcast_in_dim3A_255 : vector<16xi1>, vector<16xi32>
        %broadcast_in_dim3A_257 = arith.constant true
        %broadcast_in_dim3A_258 = vector.broadcast %broadcast_in_dim3A_257 : i1 to vector<16xi1>
        %masked_cumsum3A_259 = tpu.scan <sum>, %select_n3A_256 masked %broadcast_in_dim3A_258 : vector<16xi32>, vector<16xi1> -> vector<16xi32>
        %add3A_260 = arith.addi %add3A_242, %masked_cumsum3A_259 : vector<16xi32>
        %sub3A_261 = arith.constant 1 : i32
        %sub3A_262 = vector.broadcast %sub3A_261 : i32 to vector<16xi32>
        %sub3A_263 = arith.subi %add3A_260, %sub3A_262 : vector<16xi32>
        %iota3A_264 = tpu.iota {dimensions = array<i32: 0>} : vector<16xi32>
        %add3A_265 = arith.constant 20480 : i32
        %add3A_266 = vector.broadcast %add3A_265 : i32 to vector<16xi32>
        %add3A_267 = arith.addi %add3A_266, %iota3A_264 : vector<16xi32>
        %select_n3A_268 = arith.select %lt3A_251, %sub3A_263, %add3A_267 : vector<16xi1>, vector<16xi32>
        tpu.vector_store_idx %arg10[%select_n3A_268], %get3A_248 : memref<20496xi32, #tpu.memory_space<vmem>>[vector<16xi32>], vector<16xi32>,
        %all_reduce_population_count3A_269 = tpu.all_reduce %lt3A_251 {dim = 0 : i64, kind = #tpu.reduction_kind<sum>} : vector<16xi1> -> vector<16xi32>
        %add3A_270 = arith.addi %add3A_242, %all_reduce_population_count3A_269 : vector<16xi32>
        %get3A_271 = arith.index_cast %scan3A_132 : i32 to index
        %get3A_272 = arith.constant 80 : index
        %get3A_273 = tpu.vector_load %arg8[%get3A_271, %get3A_272] {strides = array<i32>} : memref<16x128xi32, #tpu.memory_space<vmem>>, vector<16xi32>,
        %get3A_274 = arith.index_cast %scan3A_132 : i32 to index
        %get3A_275 = arith.constant 80 : index
        %get3A_276 = tpu.vector_load %arg9[%get3A_274, %get3A_275] {strides = array<i32>} : memref<16x128xi32, #tpu.memory_space<vmem>>, vector<16xi32>,
        %lt3A_277 = arith.constant 10000 : i32
        %lt3A_278 = vector.broadcast %lt3A_277 : i32 to vector<16xi32>
        %lt3A_279 = arith.cmpi slt, %get3A_273, %lt3A_278 : vector<16xi32>
        %jit3A_280 = arith.constant 1 : i32
        %jit3A_281 = arith.constant 0 : i32
        %broadcast_in_dim3A_282 = vector.broadcast %jit3A_280 : i32 to vector<16xi32>
        %broadcast_in_dim3A_283 = vector.broadcast %jit3A_281 : i32 to vector<16xi32>
        %select_n3A_284 = arith.select %lt3A_279, %broadcast_in_dim3A_282, %broadcast_in_dim3A_283 : vector<16xi1>, vector<16xi32>
        %broadcast_in_dim3A_285 = arith.constant true
        %broadcast_in_dim3A_286 = vector.broadcast %broadcast_in_dim3A_285 : i1 to vector<16xi1>
        %masked_cumsum3A_287 = tpu.scan <sum>, %select_n3A_284 masked %broadcast_in_dim3A_286 : vector<16xi32>, vector<16xi1> -> vector<16xi32>
        %add3A_288 = arith.addi %add3A_270, %masked_cumsum3A_287 : vector<16xi32>
        %sub3A_289 = arith.constant 1 : i32
        %sub3A_290 = vector.broadcast %sub3A_289 : i32 to vector<16xi32>
        %sub3A_291 = arith.subi %add3A_288, %sub3A_290 : vector<16xi32>
        %iota3A_292 = tpu.iota {dimensions = array<i32: 0>} : vector<16xi32>
        %add3A_293 = arith.constant 20480 : i32
        %add3A_294 = vector.broadcast %add3A_293 : i32 to vector<16xi32>
        %add3A_295 = arith.addi %add3A_294, %iota3A_292 : vector<16xi32>
        %select_n3A_296 = arith.select %lt3A_279, %sub3A_291, %add3A_295 : vector<16xi1>, vector<16xi32>
        tpu.vector_store_idx %arg10[%select_n3A_296], %get3A_276 : memref<20496xi32, #tpu.memory_space<vmem>>[vector<16xi32>], vector<16xi32>,
        %all_reduce_population_count3A_297 = tpu.all_reduce %lt3A_279 {dim = 0 : i64, kind = #tpu.reduction_kind<sum>} : vector<16xi1> -> vector<16xi32>
        %add3A_298 = arith.addi %add3A_270, %all_reduce_population_count3A_297 : vector<16xi32>
        %get3A_299 = arith.index_cast %scan3A_132 : i32 to index
        %get3A_300 = arith.constant 96 : index
        %get3A_301 = tpu.vector_load %arg8[%get3A_299, %get3A_300] {strides = array<i32>} : memref<16x128xi32, #tpu.memory_space<vmem>>, vector<16xi32>,
        %get3A_302 = arith.index_cast %scan3A_132 : i32 to index
        %get3A_303 = arith.constant 96 : index
        %get3A_304 = tpu.vector_load %arg9[%get3A_302, %get3A_303] {strides = array<i32>} : memref<16x128xi32, #tpu.memory_space<vmem>>, vector<16xi32>,
        %lt3A_305 = arith.constant 10000 : i32
        %lt3A_306 = vector.broadcast %lt3A_305 : i32 to vector<16xi32>
        %lt3A_307 = arith.cmpi slt, %get3A_301, %lt3A_306 : vector<16xi32>
        %jit3A_308 = arith.constant 1 : i32
        %jit3A_309 = arith.constant 0 : i32
        %broadcast_in_dim3A_310 = vector.broadcast %jit3A_308 : i32 to vector<16xi32>
        %broadcast_in_dim3A_311 = vector.broadcast %jit3A_309 : i32 to vector<16xi32>
        %select_n3A_312 = arith.select %lt3A_307, %broadcast_in_dim3A_310, %broadcast_in_dim3A_311 : vector<16xi1>, vector<16xi32>
        %broadcast_in_dim3A_313 = arith.constant true
        %broadcast_in_dim3A_314 = vector.broadcast %broadcast_in_dim3A_313 : i1 to vector<16xi1>
        %masked_cumsum3A_315 = tpu.scan <sum>, %select_n3A_312 masked %broadcast_in_dim3A_314 : vector<16xi32>, vector<16xi1> -> vector<16xi32>
        %add3A_316 = arith.addi %add3A_298, %masked_cumsum3A_315 : vector<16xi32>
        %sub3A_317 = arith.constant 1 : i32
        %sub3A_318 = vector.broadcast %sub3A_317 : i32 to vector<16xi32>
        %sub3A_319 = arith.subi %add3A_316, %sub3A_318 : vector<16xi32>
        %iota3A_320 = tpu.iota {dimensions = array<i32: 0>} : vector<16xi32>
        %add3A_321 = arith.constant 20480 : i32
        %add3A_322 = vector.broadcast %add3A_321 : i32 to vector<16xi32>
        %add3A_323 = arith.addi %add3A_322, %iota3A_320 : vector<16xi32>
        %select_n3A_324 = arith.select %lt3A_307, %sub3A_319, %add3A_323 : vector<16xi1>, vector<16xi32>
        tpu.vector_store_idx %arg10[%select_n3A_324], %get3A_304 : memref<20496xi32, #tpu.memory_space<vmem>>[vector<16xi32>], vector<16xi32>,
        %all_reduce_population_count3A_325 = tpu.all_reduce %lt3A_307 {dim = 0 : i64, kind = #tpu.reduction_kind<sum>} : vector<16xi1> -> vector<16xi32>
        %add3A_326 = arith.addi %add3A_298, %all_reduce_population_count3A_325 : vector<16xi32>
        %get3A_327 = arith.index_cast %scan3A_132 : i32 to index
        %get3A_328 = arith.constant 112 : index
        %get3A_329 = tpu.vector_load %arg8[%get3A_327, %get3A_328] {strides = array<i32>} : memref<16x128xi32, #tpu.memory_space<vmem>>, vector<16xi32>,
        %get3A_330 = arith.index_cast %scan3A_132 : i32 to index
        %get3A_331 = arith.constant 112 : index
        %get3A_332 = tpu.vector_load %arg9[%get3A_330, %get3A_331] {strides = array<i32>} : memref<16x128xi32, #tpu.memory_space<vmem>>, vector<16xi32>,
        %lt3A_333 = arith.constant 10000 : i32
        %lt3A_334 = vector.broadcast %lt3A_333 : i32 to vector<16xi32>
        %lt3A_335 = arith.cmpi slt, %get3A_329, %lt3A_334 : vector<16xi32>
        %jit3A_336 = arith.constant 1 : i32
        %jit3A_337 = arith.constant 0 : i32
        %broadcast_in_dim3A_338 = vector.broadcast %jit3A_336 : i32 to vector<16xi32>
        %broadcast_in_dim3A_339 = vector.broadcast %jit3A_337 : i32 to vector<16xi32>
        %select_n3A_340 = arith.select %lt3A_335, %broadcast_in_dim3A_338, %broadcast_in_dim3A_339 : vector<16xi1>, vector<16xi32>
        %broadcast_in_dim3A_341 = arith.constant true
        %broadcast_in_dim3A_342 = vector.broadcast %broadcast_in_dim3A_341 : i1 to vector<16xi1>
        %masked_cumsum3A_343 = tpu.scan <sum>, %select_n3A_340 masked %broadcast_in_dim3A_342 : vector<16xi32>, vector<16xi1> -> vector<16xi32>
        %add3A_344 = arith.addi %add3A_326, %masked_cumsum3A_343 : vector<16xi32>
        %sub3A_345 = arith.constant 1 : i32
        %sub3A_346 = vector.broadcast %sub3A_345 : i32 to vector<16xi32>
        %sub3A_347 = arith.subi %add3A_344, %sub3A_346 : vector<16xi32>
        %iota3A_348 = tpu.iota {dimensions = array<i32: 0>} : vector<16xi32>
        %add3A_349 = arith.constant 20480 : i32
        %add3A_350 = vector.broadcast %add3A_349 : i32 to vector<16xi32>
        %add3A_351 = arith.addi %add3A_350, %iota3A_348 : vector<16xi32>
        %select_n3A_352 = arith.select %lt3A_335, %sub3A_347, %add3A_351 : vector<16xi1>, vector<16xi32>
        tpu.vector_store_idx %arg10[%select_n3A_352], %get3A_332 : memref<20496xi32, #tpu.memory_space<vmem>>[vector<16xi32>], vector<16xi32>,
        %all_reduce_population_count3A_353 = tpu.all_reduce %lt3A_335 {dim = 0 : i64, kind = #tpu.reduction_kind<sum>} : vector<16xi1> -> vector<16xi32>
        %add3A_354 = arith.addi %add3A_326, %all_reduce_population_count3A_353 : vector<16xi32>
        scf.yield %add3A_354 : vector<16xi32>
      }
      %scan3A_131 = arith.constant 16 : i32
      scf.yield %scan3A_130 : vector<16xi32>
    }
    %scan3A_40 = arith.constant 10 : i32
    %barrier3A_41 = arith.constant 0 : index
    tpu.barrier barrier_id(%barrier3A_41)
    %swap3A = arith.constant 0 : index
    %swap3A_42 = tpu.vector_load %arg13[%swap3A] {strides = array<i32>} : memref<16xi32, #tpu.memory_space<vmem>>, vector<16xi32>,
    tpu.vector_store %arg13[%swap3A], %scan3A_39 {strides = array<i32>} : memref<16xi32, #tpu.memory_space<vmem>>, vector<16xi32>,
    "tpu.region"() ({
      %run_scoped3A = tpu.sem_alloc : memref<!tpu.dma_semaphore, #tpu.memory_space<semaphore_mem>>
      %dma_start3A = arith.constant 0 : i32
      %dma_start3A_118 = tpu.memref_slice %arg7[%arg0, %arg1, %dma_start3A] : memref<2x16x16xi32, #tpu.memory_space<hbm>> -> memref<1x1x16xi32, #tpu.memory_space<hbm>>
      %dma_start3A_119 = tpu.memref_squeeze %dma_start3A_118 : memref<1x1x16xi32, #tpu.memory_space<hbm>> -> memref<16xi32, #tpu.memory_space<hbm>>
      %dma_start3A_120 = arith.constant 0 : i32
      %dma_start3A_121 = tpu.memref_slice %arg7[%arg0, %arg1, %dma_start3A_120] : memref<2x16x16xi32, #tpu.memory_space<hbm>> -> memref<1x1x16xi32, #tpu.memory_space<hbm>>
      %dma_start3A_122 = tpu.memref_squeeze %dma_start3A_121 : memref<1x1x16xi32, #tpu.memory_space<hbm>> -> memref<16xi32, #tpu.memory_space<hbm>>
      tpu.enqueue_dma source(%arg13 : memref<16xi32, #tpu.memory_space<vmem>>) target(%dma_start3A_122 : memref<16xi32, #tpu.memory_space<hbm>>) target_semaphore(%run_scoped3A : memref<!tpu.dma_semaphore, #tpu.memory_space<semaphore_mem>>)
      %dma_wait3A = arith.constant 0 : i32
      %dma_wait3A_123 = tpu.memref_slice %arg7[%arg0, %arg1, %dma_wait3A] : memref<2x16x16xi32, #tpu.memory_space<hbm>> -> memref<1x1x16xi32, #tpu.memory_space<hbm>>
      %dma_wait3A_124 = tpu.memref_squeeze %dma_wait3A_123 : memref<1x1x16xi32, #tpu.memory_space<hbm>> -> memref<16xi32, #tpu.memory_space<hbm>>
      %dma_wait3A_125 = arith.constant 0 : i32
      %dma_wait3A_126 = tpu.memref_slice %arg7[%arg0, %arg1, %dma_wait3A_125] : memref<2x16x16xi32, #tpu.memory_space<hbm>> -> memref<1x1x16xi32, #tpu.memory_space<hbm>>
      %dma_wait3A_127 = tpu.memref_squeeze %dma_wait3A_126 : memref<1x1x16xi32, #tpu.memory_space<hbm>> -> memref<16xi32, #tpu.memory_space<hbm>>
      tpu.wait_dma2 semaphore(%run_scoped3A : memref<!tpu.dma_semaphore, #tpu.memory_space<semaphore_mem>>) src(%arg13 : memref<16xi32, #tpu.memory_space<vmem>>) dst(%dma_wait3A_127 : memref<16xi32, #tpu.memory_space<hbm>>)
      tpu.yield
    }) : () -> ()
    %add3A = arith.constant 1 : i32
    %add3A_43 = arith.addi %add3A, %arg0 : i32
    %mul3A_44 = arith.constant 10240 : i32
    %mul3A_45 = arith.muli %add3A_43, %mul3A_44 : i32
    %get3A = arith.constant 0 : index
    %get3A_46 = tpu.vector_load %arg13[%get3A] {strides = array<i32>} : memref<16xi32, #tpu.memory_space<vmem>>, vector<16xi32>,
    %reduce_max3A = arith.constant true
    %reduce_max3A_47 = vector.broadcast %reduce_max3A : i1 to vector<16xi1>
    %reduce_max3A_48 = arith.constant -2147483648 : i32
    %reduce_max3A_49 = vector.broadcast %reduce_max3A_48 : i32 to vector<16xi32>
    %reduce_max3A_50 = arith.xori %get3A_46, %reduce_max3A_49 : vector<16xi32>
    %reduce_max3A_51 = tpu.scan <max>, %reduce_max3A_50 masked %reduce_max3A_47 : vector<16xi32>, vector<16xi1> -> vector<16xi32>
    %reduce_max3A_52 = arith.xori %reduce_max3A_51, %reduce_max3A_49 : vector<16xi32>
    %reduce_max3A_53 = vector.extract %reduce_max3A_52[15] : i32 from vector<16xi32>
    %add3A_54 = arith.constant 127 : i32
    %add3A_55 = arith.addi %reduce_max3A_53, %add3A_54 : i32
    %jit3A_56 = arith.constant 128 : i32
    %div3A = arith.divsi %add3A_55, %jit3A_56 : i32
    %sign3A = arith.constant 0 : i32
    %sign3A_57 = arith.cmpi sgt, %add3A_55, %sign3A : i32
    %sign3A_58 = arith.extui %sign3A_57 : i1 to i32
    %sign3A_59 = arith.constant 0 : i32
    %sign3A_60 = arith.cmpi slt, %add3A_55, %sign3A_59 : i32
    %sign3A_61 = arith.extui %sign3A_60 : i1 to i32
    %sign3A_62 = arith.subi %sign3A_58, %sign3A_61 : i32
    %sign3A_63 = arith.constant 0 : i32
    %sign3A_64 = arith.cmpi sgt, %jit3A_56, %sign3A_63 : i32
    %sign3A_65 = arith.extui %sign3A_64 : i1 to i32
    %sign3A_66 = arith.constant 0 : i32
    %sign3A_67 = arith.cmpi slt, %jit3A_56, %sign3A_66 : i32
    %sign3A_68 = arith.extui %sign3A_67 : i1 to i32
    %sign3A_69 = arith.subi %sign3A_65, %sign3A_68 : i32
    %ne3A = arith.cmpi ne, %sign3A_62, %sign3A_69 : i32
    %rem3A = arith.remsi %add3A_55, %jit3A_56 : i32
    %ne3A_70 = arith.constant 0 : i32
    %ne3A_71 = arith.cmpi ne, %rem3A, %ne3A_70 : i32
    %and3A = arith.andi %ne3A, %ne3A_71 : i1
    %sub3A = arith.constant 1 : i32
    %sub3A_72 = arith.subi %div3A, %sub3A : i32
    %select_n3A_73 = arith.select %and3A, %sub3A_72, %div3A : i32
    %add3A_74 = arith.constant 16 : i32
    %add3A_75 = arith.addi %select_n3A_73, %add3A_74 : i32
    %sub3A_76 = arith.constant 1 : i32
    %sub3A_77 = arith.subi %add3A_75, %sub3A_76 : i32
    %jit3A_78 = arith.constant 16 : i32
    %div3A_79 = arith.divsi %sub3A_77, %jit3A_78 : i32
    %sign3A_80 = arith.constant 0 : i32
    %sign3A_81 = arith.cmpi sgt, %sub3A_77, %sign3A_80 : i32
    %sign3A_82 = arith.extui %sign3A_81 : i1 to i32
    %sign3A_83 = arith.constant 0 : i32
    %sign3A_84 = arith.cmpi slt, %sub3A_77, %sign3A_83 : i32
    %sign3A_85 = arith.extui %sign3A_84 : i1 to i32
    %sign3A_86 = arith.subi %sign3A_82, %sign3A_85 : i32
    %sign3A_87 = arith.constant 0 : i32
    %sign3A_88 = arith.cmpi sgt, %jit3A_78, %sign3A_87 : i32
    %sign3A_89 = arith.extui %sign3A_88 : i1 to i32
    %sign3A_90 = arith.constant 0 : i32
    %sign3A_91 = arith.cmpi slt, %jit3A_78, %sign3A_90 : i32
    %sign3A_92 = arith.extui %sign3A_91 : i1 to i32
    %sign3A_93 = arith.subi %sign3A_89, %sign3A_92 : i32
    %ne3A_94 = arith.cmpi ne, %sign3A_86, %sign3A_93 : i32
    %rem3A_95 = arith.remsi %sub3A_77, %jit3A_78 : i32
    %ne3A_96 = arith.constant 0 : i32
    %ne3A_97 = arith.cmpi ne, %rem3A_95, %ne3A_96 : i32
    %and3A_98 = arith.andi %ne3A_94, %ne3A_97 : i1
    %sub3A_99 = arith.constant 1 : i32
    %sub3A_100 = arith.subi %div3A_79, %sub3A_99 : i32
    %select_n3A_101 = arith.select %and3A_98, %sub3A_100, %div3A_79 : i32
    %while3A = arith.constant 0 : i32
    %while3A_102 = arith.constant 0 : i32
    %while3A_103 = arith.subi %select_n3A_101, %while3A_102 : i32
    %while3A_104 = arith.addi %while3A_102, %while3A_103 : i32
    %while3A_105 = arith.constant 1 : i32
    %while3A_106 = arith.divsi %while3A_103, %while3A_105 : i32
    %while3A_107 = arith.muli %while3A_106, %while3A_105 : i32
    %while3A_108 = arith.addi %while3A_102, %while3A_107 : i32
    %while3A_109 = arith.constant 1 : i32
    scf.for %while3A_118 = %while3A_102 to %while3A_108 step %while3A_109  : i32 {
      %scan3A_119 = arith.constant 0 : i32
      %scan3A_120 = arith.constant 0 : i32
      %scan3A_121 = arith.constant 16 : i32
      %scan3A_122 = arith.addi %scan3A_120, %scan3A_121 : i32
      %scan3A_123 = arith.constant 1 : i32
      scf.for %scan3A_135 = %scan3A_120 to %scan3A_122 step %scan3A_123  : i32 {
        %mul3A_136 = arith.constant 2048 : i32
        %mul3A_137 = arith.muli %while3A_118, %mul3A_136 : i32
        %mul3A_138 = arith.constant 128 : i32
        %mul3A_139 = arith.muli %scan3A_135, %mul3A_138 : i32
        %add3A_140 = arith.addi %mul3A_137, %mul3A_139 : i32
        %add3A_141 = arith.constant 0 : i32
        %add3A_142 = arith.addi %add3A_140, %add3A_141 : i32
        %get3A_143 = arith.index_cast %add3A_142 : i32 to index
        %get3A_144 = tpu.vector_load %arg10[%get3A_143] {strides = array<i32>} : memref<20496xi32, #tpu.memory_space<vmem>>, vector<16xi32>,
        %shift_right_logical3A = arith.constant 14 : i32
        %shift_right_logical3A_145 = vector.broadcast %shift_right_logical3A : i32 to vector<16xi32>
        %shift_right_logical3A_146 = arith.shrui %get3A_144, %shift_right_logical3A_145 : vector<16xi32>
        %mul3A_147 = arith.constant 16384 : i32
        %mul3A_148 = vector.broadcast %mul3A_147 : i32 to vector<16xi32>
        %mul3A_149 = arith.muli %shift_right_logical3A_146, %mul3A_148 : vector<16xi32>
        %sub3A_150 = arith.subi %get3A_144, %mul3A_149 : vector<16xi32>
        %add3A_151 = vector.broadcast %mul3A_45 : i32 to vector<16xi32>
        %add3A_152 = arith.addi %sub3A_150, %add3A_151 : vector<16xi32>
        %swap3A_153 = arith.index_cast %scan3A_135 : i32 to index
        %swap3A_154 = arith.constant 0 : index
        %swap3A_155 = tpu.vector_load %arg9[%swap3A_153, %swap3A_154] {strides = array<i32>} : memref<16x128xi32, #tpu.memory_space<vmem>>, vector<16xi32>,
        tpu.vector_store %arg9[%swap3A_153, %swap3A_154], %add3A_152 {strides = array<i32>} : memref<16x128xi32, #tpu.memory_space<vmem>>, vector<16xi32>,
        %swap3A_156 = arith.index_cast %scan3A_135 : i32 to index
        %swap3A_157 = arith.constant 0 : index
        %swap3A_158 = tpu.vector_load %arg8[%swap3A_156, %swap3A_157] {strides = array<i32>} : memref<16x128xi32, #tpu.memory_space<vmem>>, vector<16xi32>,
        tpu.vector_store %arg8[%swap3A_156, %swap3A_157], %shift_right_logical3A_146 {strides = array<i32>} : memref<16x128xi32, #tpu.memory_space<vmem>>, vector<16xi32>,
        %mul3A_159 = arith.constant 2048 : i32
        %mul3A_160 = arith.muli %while3A_118, %mul3A_159 : i32
        %mul3A_161 = arith.constant 128 : i32
        %mul3A_162 = arith.muli %scan3A_135, %mul3A_161 : i32
        %add3A_163 = arith.addi %mul3A_160, %mul3A_162 : i32
        %add3A_164 = arith.constant 16 : i32
        %add3A_165 = arith.addi %add3A_163, %add3A_164 : i32
        %get3A_166 = arith.index_cast %add3A_165 : i32 to index
        %get3A_167 = tpu.vector_load %arg10[%get3A_166] {strides = array<i32>} : memref<20496xi32, #tpu.memory_space<vmem>>, vector<16xi32>,
        %shift_right_logical3A_168 = arith.constant 14 : i32
        %shift_right_logical3A_169 = vector.broadcast %shift_right_logical3A_168 : i32 to vector<16xi32>
        %shift_right_logical3A_170 = arith.shrui %get3A_167, %shift_right_logical3A_169 : vector<16xi32>
        %mul3A_171 = arith.constant 16384 : i32
        %mul3A_172 = vector.broadcast %mul3A_171 : i32 to vector<16xi32>
        %mul3A_173 = arith.muli %shift_right_logical3A_170, %mul3A_172 : vector<16xi32>
        %sub3A_174 = arith.subi %get3A_167, %mul3A_173 : vector<16xi32>
        %add3A_175 = vector.broadcast %mul3A_45 : i32 to vector<16xi32>
        %add3A_176 = arith.addi %sub3A_174, %add3A_175 : vector<16xi32>
        %swap3A_177 = arith.index_cast %scan3A_135 : i32 to index
        %swap3A_178 = arith.constant 16 : index
        %swap3A_179 = tpu.vector_load %arg9[%swap3A_177, %swap3A_178] {strides = array<i32>} : memref<16x128xi32, #tpu.memory_space<vmem>>, vector<16xi32>,
        tpu.vector_store %arg9[%swap3A_177, %swap3A_178], %add3A_176 {strides = array<i32>} : memref<16x128xi32, #tpu.memory_space<vmem>>, vector<16xi32>,
        %swap3A_180 = arith.index_cast %scan3A_135 : i32 to index
        %swap3A_181 = arith.constant 16 : index
        %swap3A_182 = tpu.vector_load %arg8[%swap3A_180, %swap3A_181] {strides = array<i32>} : memref<16x128xi32, #tpu.memory_space<vmem>>, vector<16xi32>,
        tpu.vector_store %arg8[%swap3A_180, %swap3A_181], %shift_right_logical3A_170 {strides = array<i32>} : memref<16x128xi32, #tpu.memory_space<vmem>>, vector<16xi32>,
        %mul3A_183 = arith.constant 2048 : i32
        %mul3A_184 = arith.muli %while3A_118, %mul3A_183 : i32
        %mul3A_185 = arith.constant 128 : i32
        %mul3A_186 = arith.muli %scan3A_135, %mul3A_185 : i32
        %add3A_187 = arith.addi %mul3A_184, %mul3A_186 : i32
        %add3A_188 = arith.constant 32 : i32
        %add3A_189 = arith.addi %add3A_187, %add3A_188 : i32
        %get3A_190 = arith.index_cast %add3A_189 : i32 to index
        %get3A_191 = tpu.vector_load %arg10[%get3A_190] {strides = array<i32>} : memref<20496xi32, #tpu.memory_space<vmem>>, vector<16xi32>,
        %shift_right_logical3A_192 = arith.constant 14 : i32
        %shift_right_logical3A_193 = vector.broadcast %shift_right_logical3A_192 : i32 to vector<16xi32>
        %shift_right_logical3A_194 = arith.shrui %get3A_191, %shift_right_logical3A_193 : vector<16xi32>
        %mul3A_195 = arith.constant 16384 : i32
        %mul3A_196 = vector.broadcast %mul3A_195 : i32 to vector<16xi32>
        %mul3A_197 = arith.muli %shift_right_logical3A_194, %mul3A_196 : vector<16xi32>
        %sub3A_198 = arith.subi %get3A_191, %mul3A_197 : vector<16xi32>
        %add3A_199 = vector.broadcast %mul3A_45 : i32 to vector<16xi32>
        %add3A_200 = arith.addi %sub3A_198, %add3A_199 : vector<16xi32>
        %swap3A_201 = arith.index_cast %scan3A_135 : i32 to index
        %swap3A_202 = arith.constant 32 : index
        %swap3A_203 = tpu.vector_load %arg9[%swap3A_201, %swap3A_202] {strides = array<i32>} : memref<16x128xi32, #tpu.memory_space<vmem>>, vector<16xi32>,
        tpu.vector_store %arg9[%swap3A_201, %swap3A_202], %add3A_200 {strides = array<i32>} : memref<16x128xi32, #tpu.memory_space<vmem>>, vector<16xi32>,
        %swap3A_204 = arith.index_cast %scan3A_135 : i32 to index
        %swap3A_205 = arith.constant 32 : index
        %swap3A_206 = tpu.vector_load %arg8[%swap3A_204, %swap3A_205] {strides = array<i32>} : memref<16x128xi32, #tpu.memory_space<vmem>>, vector<16xi32>,
        tpu.vector_store %arg8[%swap3A_204, %swap3A_205], %shift_right_logical3A_194 {strides = array<i32>} : memref<16x128xi32, #tpu.memory_space<vmem>>, vector<16xi32>,
        %mul3A_207 = arith.constant 2048 : i32
        %mul3A_208 = arith.muli %while3A_118, %mul3A_207 : i32
        %mul3A_209 = arith.constant 128 : i32
        %mul3A_210 = arith.muli %scan3A_135, %mul3A_209 : i32
        %add3A_211 = arith.addi %mul3A_208, %mul3A_210 : i32
        %add3A_212 = arith.constant 48 : i32
        %add3A_213 = arith.addi %add3A_211, %add3A_212 : i32
        %get3A_214 = arith.index_cast %add3A_213 : i32 to index
        %get3A_215 = tpu.vector_load %arg10[%get3A_214] {strides = array<i32>} : memref<20496xi32, #tpu.memory_space<vmem>>, vector<16xi32>,
        %shift_right_logical3A_216 = arith.constant 14 : i32
        %shift_right_logical3A_217 = vector.broadcast %shift_right_logical3A_216 : i32 to vector<16xi32>
        %shift_right_logical3A_218 = arith.shrui %get3A_215, %shift_right_logical3A_217 : vector<16xi32>
        %mul3A_219 = arith.constant 16384 : i32
        %mul3A_220 = vector.broadcast %mul3A_219 : i32 to vector<16xi32>
        %mul3A_221 = arith.muli %shift_right_logical3A_218, %mul3A_220 : vector<16xi32>
        %sub3A_222 = arith.subi %get3A_215, %mul3A_221 : vector<16xi32>
        %add3A_223 = vector.broadcast %mul3A_45 : i32 to vector<16xi32>
        %add3A_224 = arith.addi %sub3A_222, %add3A_223 : vector<16xi32>
        %swap3A_225 = arith.index_cast %scan3A_135 : i32 to index
        %swap3A_226 = arith.constant 48 : index
        %swap3A_227 = tpu.vector_load %arg9[%swap3A_225, %swap3A_226] {strides = array<i32>} : memref<16x128xi32, #tpu.memory_space<vmem>>, vector<16xi32>,
        tpu.vector_store %arg9[%swap3A_225, %swap3A_226], %add3A_224 {strides = array<i32>} : memref<16x128xi32, #tpu.memory_space<vmem>>, vector<16xi32>,
        %swap3A_228 = arith.index_cast %scan3A_135 : i32 to index
        %swap3A_229 = arith.constant 48 : index
        %swap3A_230 = tpu.vector_load %arg8[%swap3A_228, %swap3A_229] {strides = array<i32>} : memref<16x128xi32, #tpu.memory_space<vmem>>, vector<16xi32>,
        tpu.vector_store %arg8[%swap3A_228, %swap3A_229], %shift_right_logical3A_218 {strides = array<i32>} : memref<16x128xi32, #tpu.memory_space<vmem>>, vector<16xi32>,
        %mul3A_231 = arith.constant 2048 : i32
        %mul3A_232 = arith.muli %while3A_118, %mul3A_231 : i32
        %mul3A_233 = arith.constant 128 : i32
        %mul3A_234 = arith.muli %scan3A_135, %mul3A_233 : i32
        %add3A_235 = arith.addi %mul3A_232, %mul3A_234 : i32
        %add3A_236 = arith.constant 64 : i32
        %add3A_237 = arith.addi %add3A_235, %add3A_236 : i32
        %get3A_238 = arith.index_cast %add3A_237 : i32 to index
        %get3A_239 = tpu.vector_load %arg10[%get3A_238] {strides = array<i32>} : memref<20496xi32, #tpu.memory_space<vmem>>, vector<16xi32>,
        %shift_right_logical3A_240 = arith.constant 14 : i32
        %shift_right_logical3A_241 = vector.broadcast %shift_right_logical3A_240 : i32 to vector<16xi32>
        %shift_right_logical3A_242 = arith.shrui %get3A_239, %shift_right_logical3A_241 : vector<16xi32>
        %mul3A_243 = arith.constant 16384 : i32
        %mul3A_244 = vector.broadcast %mul3A_243 : i32 to vector<16xi32>
        %mul3A_245 = arith.muli %shift_right_logical3A_242, %mul3A_244 : vector<16xi32>
        %sub3A_246 = arith.subi %get3A_239, %mul3A_245 : vector<16xi32>
        %add3A_247 = vector.broadcast %mul3A_45 : i32 to vector<16xi32>
        %add3A_248 = arith.addi %sub3A_246, %add3A_247 : vector<16xi32>
        %swap3A_249 = arith.index_cast %scan3A_135 : i32 to index
        %swap3A_250 = arith.constant 64 : index
        %swap3A_251 = tpu.vector_load %arg9[%swap3A_249, %swap3A_250] {strides = array<i32>} : memref<16x128xi32, #tpu.memory_space<vmem>>, vector<16xi32>,
        tpu.vector_store %arg9[%swap3A_249, %swap3A_250], %add3A_248 {strides = array<i32>} : memref<16x128xi32, #tpu.memory_space<vmem>>, vector<16xi32>,
        %swap3A_252 = arith.index_cast %scan3A_135 : i32 to index
        %swap3A_253 = arith.constant 64 : index
        %swap3A_254 = tpu.vector_load %arg8[%swap3A_252, %swap3A_253] {strides = array<i32>} : memref<16x128xi32, #tpu.memory_space<vmem>>, vector<16xi32>,
        tpu.vector_store %arg8[%swap3A_252, %swap3A_253], %shift_right_logical3A_242 {strides = array<i32>} : memref<16x128xi32, #tpu.memory_space<vmem>>, vector<16xi32>,
        %mul3A_255 = arith.constant 2048 : i32
        %mul3A_256 = arith.muli %while3A_118, %mul3A_255 : i32
        %mul3A_257 = arith.constant 128 : i32
        %mul3A_258 = arith.muli %scan3A_135, %mul3A_257 : i32
        %add3A_259 = arith.addi %mul3A_256, %mul3A_258 : i32
        %add3A_260 = arith.constant 80 : i32
        %add3A_261 = arith.addi %add3A_259, %add3A_260 : i32
        %get3A_262 = arith.index_cast %add3A_261 : i32 to index
        %get3A_263 = tpu.vector_load %arg10[%get3A_262] {strides = array<i32>} : memref<20496xi32, #tpu.memory_space<vmem>>, vector<16xi32>,
        %shift_right_logical3A_264 = arith.constant 14 : i32
        %shift_right_logical3A_265 = vector.broadcast %shift_right_logical3A_264 : i32 to vector<16xi32>
        %shift_right_logical3A_266 = arith.shrui %get3A_263, %shift_right_logical3A_265 : vector<16xi32>
        %mul3A_267 = arith.constant 16384 : i32
        %mul3A_268 = vector.broadcast %mul3A_267 : i32 to vector<16xi32>
        %mul3A_269 = arith.muli %shift_right_logical3A_266, %mul3A_268 : vector<16xi32>
        %sub3A_270 = arith.subi %get3A_263, %mul3A_269 : vector<16xi32>
        %add3A_271 = vector.broadcast %mul3A_45 : i32 to vector<16xi32>
        %add3A_272 = arith.addi %sub3A_270, %add3A_271 : vector<16xi32>
        %swap3A_273 = arith.index_cast %scan3A_135 : i32 to index
        %swap3A_274 = arith.constant 80 : index
        %swap3A_275 = tpu.vector_load %arg9[%swap3A_273, %swap3A_274] {strides = array<i32>} : memref<16x128xi32, #tpu.memory_space<vmem>>, vector<16xi32>,
        tpu.vector_store %arg9[%swap3A_273, %swap3A_274], %add3A_272 {strides = array<i32>} : memref<16x128xi32, #tpu.memory_space<vmem>>, vector<16xi32>,
        %swap3A_276 = arith.index_cast %scan3A_135 : i32 to index
        %swap3A_277 = arith.constant 80 : index
        %swap3A_278 = tpu.vector_load %arg8[%swap3A_276, %swap3A_277] {strides = array<i32>} : memref<16x128xi32, #tpu.memory_space<vmem>>, vector<16xi32>,
        tpu.vector_store %arg8[%swap3A_276, %swap3A_277], %shift_right_logical3A_266 {strides = array<i32>} : memref<16x128xi32, #tpu.memory_space<vmem>>, vector<16xi32>,
        %mul3A_279 = arith.constant 2048 : i32
        %mul3A_280 = arith.muli %while3A_118, %mul3A_279 : i32
        %mul3A_281 = arith.constant 128 : i32
        %mul3A_282 = arith.muli %scan3A_135, %mul3A_281 : i32
        %add3A_283 = arith.addi %mul3A_280, %mul3A_282 : i32
        %add3A_284 = arith.constant 96 : i32
        %add3A_285 = arith.addi %add3A_283, %add3A_284 : i32
        %get3A_286 = arith.index_cast %add3A_285 : i32 to index
        %get3A_287 = tpu.vector_load %arg10[%get3A_286] {strides = array<i32>} : memref<20496xi32, #tpu.memory_space<vmem>>, vector<16xi32>,
        %shift_right_logical3A_288 = arith.constant 14 : i32
        %shift_right_logical3A_289 = vector.broadcast %shift_right_logical3A_288 : i32 to vector<16xi32>
        %shift_right_logical3A_290 = arith.shrui %get3A_287, %shift_right_logical3A_289 : vector<16xi32>
        %mul3A_291 = arith.constant 16384 : i32
        %mul3A_292 = vector.broadcast %mul3A_291 : i32 to vector<16xi32>
        %mul3A_293 = arith.muli %shift_right_logical3A_290, %mul3A_292 : vector<16xi32>
        %sub3A_294 = arith.subi %get3A_287, %mul3A_293 : vector<16xi32>
        %add3A_295 = vector.broadcast %mul3A_45 : i32 to vector<16xi32>
        %add3A_296 = arith.addi %sub3A_294, %add3A_295 : vector<16xi32>
        %swap3A_297 = arith.index_cast %scan3A_135 : i32 to index
        %swap3A_298 = arith.constant 96 : index
        %swap3A_299 = tpu.vector_load %arg9[%swap3A_297, %swap3A_298] {strides = array<i32>} : memref<16x128xi32, #tpu.memory_space<vmem>>, vector<16xi32>,
        tpu.vector_store %arg9[%swap3A_297, %swap3A_298], %add3A_296 {strides = array<i32>} : memref<16x128xi32, #tpu.memory_space<vmem>>, vector<16xi32>,
        %swap3A_300 = arith.index_cast %scan3A_135 : i32 to index
        %swap3A_301 = arith.constant 96 : index
        %swap3A_302 = tpu.vector_load %arg8[%swap3A_300, %swap3A_301] {strides = array<i32>} : memref<16x128xi32, #tpu.memory_space<vmem>>, vector<16xi32>,
        tpu.vector_store %arg8[%swap3A_300, %swap3A_301], %shift_right_logical3A_290 {strides = array<i32>} : memref<16x128xi32, #tpu.memory_space<vmem>>, vector<16xi32>,
        %mul3A_303 = arith.constant 2048 : i32
        %mul3A_304 = arith.muli %while3A_118, %mul3A_303 : i32
        %mul3A_305 = arith.constant 128 : i32
        %mul3A_306 = arith.muli %scan3A_135, %mul3A_305 : i32
        %add3A_307 = arith.addi %mul3A_304, %mul3A_306 : i32
        %add3A_308 = arith.constant 112 : i32
        %add3A_309 = arith.addi %add3A_307, %add3A_308 : i32
        %get3A_310 = arith.index_cast %add3A_309 : i32 to index
        %get3A_311 = tpu.vector_load %arg10[%get3A_310] {strides = array<i32>} : memref<20496xi32, #tpu.memory_space<vmem>>, vector<16xi32>,
        %shift_right_logical3A_312 = arith.constant 14 : i32
        %shift_right_logical3A_313 = vector.broadcast %shift_right_logical3A_312 : i32 to vector<16xi32>
        %shift_right_logical3A_314 = arith.shrui %get3A_311, %shift_right_logical3A_313 : vector<16xi32>
        %mul3A_315 = arith.constant 16384 : i32
        %mul3A_316 = vector.broadcast %mul3A_315 : i32 to vector<16xi32>
        %mul3A_317 = arith.muli %shift_right_logical3A_314, %mul3A_316 : vector<16xi32>
        %sub3A_318 = arith.subi %get3A_311, %mul3A_317 : vector<16xi32>
        %add3A_319 = vector.broadcast %mul3A_45 : i32 to vector<16xi32>
        %add3A_320 = arith.addi %sub3A_318, %add3A_319 : vector<16xi32>
        %swap3A_321 = arith.index_cast %scan3A_135 : i32 to index
        %swap3A_322 = arith.constant 112 : index
        %swap3A_323 = tpu.vector_load %arg9[%swap3A_321, %swap3A_322] {strides = array<i32>} : memref<16x128xi32, #tpu.memory_space<vmem>>, vector<16xi32>,
        tpu.vector_store %arg9[%swap3A_321, %swap3A_322], %add3A_320 {strides = array<i32>} : memref<16x128xi32, #tpu.memory_space<vmem>>, vector<16xi32>,
        %swap3A_324 = arith.index_cast %scan3A_135 : i32 to index
        %swap3A_325 = arith.constant 112 : index
        %swap3A_326 = tpu.vector_load %arg8[%swap3A_324, %swap3A_325] {strides = array<i32>} : memref<16x128xi32, #tpu.memory_space<vmem>>, vector<16xi32>,
        tpu.vector_store %arg8[%swap3A_324, %swap3A_325], %shift_right_logical3A_314 {strides = array<i32>} : memref<16x128xi32, #tpu.memory_space<vmem>>, vector<16xi32>,
      }
      %scan3A_124 = arith.constant 16 : i32
      %mul3A_125 = arith.constant 16 : i32
      %mul3A_126 = arith.muli %while3A_118, %mul3A_125 : i32
      "tpu.region"() ({
        %run_scoped3A = tpu.sem_alloc : memref<!tpu.dma_semaphore, #tpu.memory_space<semaphore_mem>>
        %dma_start3A = arith.constant 0 : i32
        %dma_start3A_135 = tpu.memref_slice %arg5[%arg0, %arg1, %mul3A_126, %dma_start3A] : memref<2x16x160x128xi32, #tpu.memory_space<hbm>> -> memref<1x1x16x128xi32, #tpu.memory_space<hbm>>
        %dma_start3A_136 = tpu.memref_squeeze %dma_start3A_135 : memref<1x1x16x128xi32, #tpu.memory_space<hbm>> -> memref<16x128xi32, #tpu.memory_space<hbm>>
        %dma_start3A_137 = arith.constant 0 : i32
        %dma_start3A_138 = tpu.memref_slice %arg5[%arg0, %arg1, %mul3A_126, %dma_start3A_137] : memref<2x16x160x128xi32, #tpu.memory_space<hbm>> -> memref<1x1x16x128xi32, #tpu.memory_space<hbm>>
        %dma_start3A_139 = tpu.memref_squeeze %dma_start3A_138 : memref<1x1x16x128xi32, #tpu.memory_space<hbm>> -> memref<16x128xi32, #tpu.memory_space<hbm>>
        tpu.enqueue_dma source(%arg9 : memref<16x128xi32, #tpu.memory_space<vmem>>) target(%dma_start3A_139 : memref<16x128xi32, #tpu.memory_space<hbm>>) target_semaphore(%run_scoped3A : memref<!tpu.dma_semaphore, #tpu.memory_space<semaphore_mem>>)
        %dma_wait3A = arith.constant 0 : i32
        %dma_wait3A_140 = tpu.memref_slice %arg5[%arg0, %arg1, %mul3A_126, %dma_wait3A] : memref<2x16x160x128xi32, #tpu.memory_space<hbm>> -> memref<1x1x16x128xi32, #tpu.memory_space<hbm>>
        %dma_wait3A_141 = tpu.memref_squeeze %dma_wait3A_140 : memref<1x1x16x128xi32, #tpu.memory_space<hbm>> -> memref<16x128xi32, #tpu.memory_space<hbm>>
        %dma_wait3A_142 = arith.constant 0 : i32
        %dma_wait3A_143 = tpu.memref_slice %arg5[%arg0, %arg1, %mul3A_126, %dma_wait3A_142] : memref<2x16x160x128xi32, #tpu.memory_space<hbm>> -> memref<1x1x16x128xi32, #tpu.memory_space<hbm>>
        %dma_wait3A_144 = tpu.memref_squeeze %dma_wait3A_143 : memref<1x1x16x128xi32, #tpu.memory_space<hbm>> -> memref<16x128xi32, #tpu.memory_space<hbm>>
        tpu.wait_dma2 semaphore(%run_scoped3A : memref<!tpu.dma_semaphore, #tpu.memory_space<semaphore_mem>>) src(%arg9 : memref<16x128xi32, #tpu.memory_space<vmem>>) dst(%dma_wait3A_144 : memref<16x128xi32, #tpu.memory_space<hbm>>)
        tpu.yield
      }) : () -> ()
      %mul3A_127 = arith.constant 16 : i32
      %mul3A_128 = arith.muli %while3A_118, %mul3A_127 : i32
      "tpu.region"() ({
        %run_scoped3A = tpu.sem_alloc : memref<!tpu.dma_semaphore, #tpu.memory_space<semaphore_mem>>
        %dma_start3A = arith.constant 0 : i32
        %dma_start3A_135 = tpu.memref_slice %arg6[%arg0, %arg1, %mul3A_128, %dma_start3A] : memref<2x16x160x128xi32, #tpu.memory_space<hbm>> -> memref<1x1x16x128xi32, #tpu.memory_space<hbm>>
        %dma_start3A_136 = tpu.memref_squeeze %dma_start3A_135 : memref<1x1x16x128xi32, #tpu.memory_space<hbm>> -> memref<16x128xi32, #tpu.memory_space<hbm>>
        %dma_start3A_137 = arith.constant 0 : i32
        %dma_start3A_138 = tpu.memref_slice %arg6[%arg0, %arg1, %mul3A_128, %dma_start3A_137] : memref<2x16x160x128xi32, #tpu.memory_space<hbm>> -> memref<1x1x16x128xi32, #tpu.memory_space<hbm>>
        %dma_start3A_139 = tpu.memref_squeeze %dma_start3A_138 : memref<1x1x16x128xi32, #tpu.memory_space<hbm>> -> memref<16x128xi32, #tpu.memory_space<hbm>>
        tpu.enqueue_dma source(%arg8 : memref<16x128xi32, #tpu.memory_space<vmem>>) target(%dma_start3A_139 : memref<16x128xi32, #tpu.memory_space<hbm>>) target_semaphore(%run_scoped3A : memref<!tpu.dma_semaphore, #tpu.memory_space<semaphore_mem>>)
        %dma_wait3A = arith.constant 0 : i32
        %dma_wait3A_140 = tpu.memref_slice %arg6[%arg0, %arg1, %mul3A_128, %dma_wait3A] : memref<2x16x160x128xi32, #tpu.memory_space<hbm>> -> memref<1x1x16x128xi32, #tpu.memory_space<hbm>>
        %dma_wait3A_141 = tpu.memref_squeeze %dma_wait3A_140 : memref<1x1x16x128xi32, #tpu.memory_space<hbm>> -> memref<16x128xi32, #tpu.memory_space<hbm>>
        %dma_wait3A_142 = arith.constant 0 : i32
        %dma_wait3A_143 = tpu.memref_slice %arg6[%arg0, %arg1, %mul3A_128, %dma_wait3A_142] : memref<2x16x160x128xi32, #tpu.memory_space<hbm>> -> memref<1x1x16x128xi32, #tpu.memory_space<hbm>>
        %dma_wait3A_144 = tpu.memref_squeeze %dma_wait3A_143 : memref<1x1x16x128xi32, #tpu.memory_space<hbm>> -> memref<16x128xi32, #tpu.memory_space<hbm>>
        tpu.wait_dma2 semaphore(%run_scoped3A : memref<!tpu.dma_semaphore, #tpu.memory_space<semaphore_mem>>) src(%arg8 : memref<16x128xi32, #tpu.memory_space<vmem>>) dst(%dma_wait3A_144 : memref<16x128xi32, #tpu.memory_space<hbm>>)
        tpu.yield
      }) : () -> ()
      %scan3A_129 = arith.constant 0 : i32
      %scan3A_130 = arith.constant 0 : i32
      %scan3A_131 = arith.constant 16 : i32
      %scan3A_132 = arith.addi %scan3A_130, %scan3A_131 : i32
      %scan3A_133 = arith.constant 1 : i32
      scf.for %scan3A_135 = %scan3A_130 to %scan3A_132 step %scan3A_133  : i32 {
        %mul3A_136 = arith.constant 16 : i32
        %mul3A_137 = arith.muli %while3A_118, %mul3A_136 : i32
        %add3A_138 = arith.addi %mul3A_137, %scan3A_135 : i32
        %lt3A = arith.cmpi slt, %add3A_138, %select_n3A_73 : i32
        %convert_element_type3A = arith.extui %lt3A : i1 to i32
        %cond3A = arith.constant 0 : i32
        %cond3A_139 = arith.cmpi ne, %convert_element_type3A, %cond3A : i32
        scf.if %cond3A_139 {
          "tpu.region"() ({
            %run_scoped3A = tpu.sem_alloc : memref<!tpu.dma_semaphore, #tpu.memory_space<semaphore_mem>>
            %dma_start3A = arith.constant 0 : i32
            %dma_start3A_140 = tpu.memref_slice %arg8[%scan3A_135, %dma_start3A] : memref<16x128xi32, #tpu.memory_space<vmem>> -> memref<1x128xi32, #tpu.memory_space<vmem>>
            %dma_start3A_141 = tpu.memref_squeeze %dma_start3A_140 : memref<1x128xi32, #tpu.memory_space<vmem>> -> memref<128xi32, #tpu.memory_space<vmem>>
            %dma_start3A_142 = arith.constant 0 : i32
            %dma_start3A_143 = arith.constant 0 : i32
            %dma_start3A_144 = tpu.memref_slice %arg14[%dma_start3A_142, %dma_start3A_143] : memref<10240x128xf32, #tpu.memory_space<vmem_shared>> -> memref<10240x128xf32, #tpu.memory_space<vmem_shared>>
            tpu.enqueue_indirect_dma source(%arg11 : memref<128x128xf32, #tpu.memory_space<vmem>>) target(%dma_start3A_144 : memref<10240x128xf32, #tpu.memory_space<vmem_shared>>) offsets(%dma_start3A_141 : memref<128xi32, #tpu.memory_space<vmem>>) semaphore(%run_scoped3A : memref<!tpu.dma_semaphore, #tpu.memory_space<semaphore_mem>>) {add = true}
            %dma_wait3A = arith.constant 0 : i32
            %dma_wait3A_145 = tpu.memref_slice %arg8[%scan3A_135, %dma_wait3A] : memref<16x128xi32, #tpu.memory_space<vmem>> -> memref<1x128xi32, #tpu.memory_space<vmem>>
            %dma_wait3A_146 = tpu.memref_squeeze %dma_wait3A_145 : memref<1x128xi32, #tpu.memory_space<vmem>> -> memref<128xi32, #tpu.memory_space<vmem>>
            %dma_wait3A_147 = arith.constant 0 : i32
            %dma_wait3A_148 = arith.constant 0 : i32
            %dma_wait3A_149 = tpu.memref_slice %arg14[%dma_wait3A_147, %dma_wait3A_148] : memref<10240x128xf32, #tpu.memory_space<vmem_shared>> -> memref<10240x128xf32, #tpu.memory_space<vmem_shared>>
            tpu.wait_indirect_dma semaphore(%run_scoped3A : memref<!tpu.dma_semaphore, #tpu.memory_space<semaphore_mem>>) src(%arg11 : memref<128x128xf32, #tpu.memory_space<vmem>>) dst(%dma_wait3A_149 : memref<10240x128xf32, #tpu.memory_space<vmem_shared>>)
            tpu.yield
          }) : () -> ()
        } else {
        }
      }
      %scan3A_134 = arith.constant 16 : i32
    }
    %while3A_110 = arith.constant 1 : i32
    scf.for %while3A_118 = %while3A_108 to %while3A_104 step %while3A_110  : i32 {
      %scan3A_119 = arith.constant 0 : i32
      %scan3A_120 = arith.constant 0 : i32
      %scan3A_121 = arith.constant 16 : i32
      %scan3A_122 = arith.addi %scan3A_120, %scan3A_121 : i32
      %scan3A_123 = arith.constant 1 : i32
      scf.for %scan3A_135 = %scan3A_120 to %scan3A_122 step %scan3A_123  : i32 {
        %mul3A_136 = arith.constant 2048 : i32
        %mul3A_137 = arith.muli %while3A_118, %mul3A_136 : i32
        %mul3A_138 = arith.constant 128 : i32
        %mul3A_139 = arith.muli %scan3A_135, %mul3A_138 : i32
        %add3A_140 = arith.addi %mul3A_137, %mul3A_139 : i32
        %add3A_141 = arith.constant 0 : i32
        %add3A_142 = arith.addi %add3A_140, %add3A_141 : i32
        %get3A_143 = arith.index_cast %add3A_142 : i32 to index
        %get3A_144 = tpu.vector_load %arg10[%get3A_143] {strides = array<i32>} : memref<20496xi32, #tpu.memory_space<vmem>>, vector<16xi32>,
        %shift_right_logical3A = arith.constant 14 : i32
        %shift_right_logical3A_145 = vector.broadcast %shift_right_logical3A : i32 to vector<16xi32>
        %shift_right_logical3A_146 = arith.shrui %get3A_144, %shift_right_logical3A_145 : vector<16xi32>
        %mul3A_147 = arith.constant 16384 : i32
        %mul3A_148 = vector.broadcast %mul3A_147 : i32 to vector<16xi32>
        %mul3A_149 = arith.muli %shift_right_logical3A_146, %mul3A_148 : vector<16xi32>
        %sub3A_150 = arith.subi %get3A_144, %mul3A_149 : vector<16xi32>
        %add3A_151 = vector.broadcast %mul3A_45 : i32 to vector<16xi32>
        %add3A_152 = arith.addi %sub3A_150, %add3A_151 : vector<16xi32>
        %swap3A_153 = arith.index_cast %scan3A_135 : i32 to index
        %swap3A_154 = arith.constant 0 : index
        %swap3A_155 = tpu.vector_load %arg9[%swap3A_153, %swap3A_154] {strides = array<i32>} : memref<16x128xi32, #tpu.memory_space<vmem>>, vector<16xi32>,
        tpu.vector_store %arg9[%swap3A_153, %swap3A_154], %add3A_152 {strides = array<i32>} : memref<16x128xi32, #tpu.memory_space<vmem>>, vector<16xi32>,
        %swap3A_156 = arith.index_cast %scan3A_135 : i32 to index
        %swap3A_157 = arith.constant 0 : index
        %swap3A_158 = tpu.vector_load %arg8[%swap3A_156, %swap3A_157] {strides = array<i32>} : memref<16x128xi32, #tpu.memory_space<vmem>>, vector<16xi32>,
        tpu.vector_store %arg8[%swap3A_156, %swap3A_157], %shift_right_logical3A_146 {strides = array<i32>} : memref<16x128xi32, #tpu.memory_space<vmem>>, vector<16xi32>,
        %mul3A_159 = arith.constant 2048 : i32
        %mul3A_160 = arith.muli %while3A_118, %mul3A_159 : i32
        %mul3A_161 = arith.constant 128 : i32
        %mul3A_162 = arith.muli %scan3A_135, %mul3A_161 : i32
        %add3A_163 = arith.addi %mul3A_160, %mul3A_162 : i32
        %add3A_164 = arith.constant 16 : i32
        %add3A_165 = arith.addi %add3A_163, %add3A_164 : i32
        %get3A_166 = arith.index_cast %add3A_165 : i32 to index
        %get3A_167 = tpu.vector_load %arg10[%get3A_166] {strides = array<i32>} : memref<20496xi32, #tpu.memory_space<vmem>>, vector<16xi32>,
        %shift_right_logical3A_168 = arith.constant 14 : i32
        %shift_right_logical3A_169 = vector.broadcast %shift_right_logical3A_168 : i32 to vector<16xi32>
        %shift_right_logical3A_170 = arith.shrui %get3A_167, %shift_right_logical3A_169 : vector<16xi32>
        %mul3A_171 = arith.constant 16384 : i32
        %mul3A_172 = vector.broadcast %mul3A_171 : i32 to vector<16xi32>
        %mul3A_173 = arith.muli %shift_right_logical3A_170, %mul3A_172 : vector<16xi32>
        %sub3A_174 = arith.subi %get3A_167, %mul3A_173 : vector<16xi32>
        %add3A_175 = vector.broadcast %mul3A_45 : i32 to vector<16xi32>
        %add3A_176 = arith.addi %sub3A_174, %add3A_175 : vector<16xi32>
        %swap3A_177 = arith.index_cast %scan3A_135 : i32 to index
        %swap3A_178 = arith.constant 16 : index
        %swap3A_179 = tpu.vector_load %arg9[%swap3A_177, %swap3A_178] {strides = array<i32>} : memref<16x128xi32, #tpu.memory_space<vmem>>, vector<16xi32>,
        tpu.vector_store %arg9[%swap3A_177, %swap3A_178], %add3A_176 {strides = array<i32>} : memref<16x128xi32, #tpu.memory_space<vmem>>, vector<16xi32>,
        %swap3A_180 = arith.index_cast %scan3A_135 : i32 to index
        %swap3A_181 = arith.constant 16 : index
        %swap3A_182 = tpu.vector_load %arg8[%swap3A_180, %swap3A_181] {strides = array<i32>} : memref<16x128xi32, #tpu.memory_space<vmem>>, vector<16xi32>,
        tpu.vector_store %arg8[%swap3A_180, %swap3A_181], %shift_right_logical3A_170 {strides = array<i32>} : memref<16x128xi32, #tpu.memory_space<vmem>>, vector<16xi32>,
        %mul3A_183 = arith.constant 2048 : i32
        %mul3A_184 = arith.muli %while3A_118, %mul3A_183 : i32
        %mul3A_185 = arith.constant 128 : i32
        %mul3A_186 = arith.muli %scan3A_135, %mul3A_185 : i32
        %add3A_187 = arith.addi %mul3A_184, %mul3A_186 : i32
        %add3A_188 = arith.constant 32 : i32
        %add3A_189 = arith.addi %add3A_187, %add3A_188 : i32
        %get3A_190 = arith.index_cast %add3A_189 : i32 to index
        %get3A_191 = tpu.vector_load %arg10[%get3A_190] {strides = array<i32>} : memref<20496xi32, #tpu.memory_space<vmem>>, vector<16xi32>,
        %shift_right_logical3A_192 = arith.constant 14 : i32
        %shift_right_logical3A_193 = vector.broadcast %shift_right_logical3A_192 : i32 to vector<16xi32>
        %shift_right_logical3A_194 = arith.shrui %get3A_191, %shift_right_logical3A_193 : vector<16xi32>
        %mul3A_195 = arith.constant 16384 : i32
        %mul3A_196 = vector.broadcast %mul3A_195 : i32 to vector<16xi32>
        %mul3A_197 = arith.muli %shift_right_logical3A_194, %mul3A_196 : vector<16xi32>
        %sub3A_198 = arith.subi %get3A_191, %mul3A_197 : vector<16xi32>
        %add3A_199 = vector.broadcast %mul3A_45 : i32 to vector<16xi32>
        %add3A_200 = arith.addi %sub3A_198, %add3A_199 : vector<16xi32>
        %swap3A_201 = arith.index_cast %scan3A_135 : i32 to index
        %swap3A_202 = arith.constant 32 : index
        %swap3A_203 = tpu.vector_load %arg9[%swap3A_201, %swap3A_202] {strides = array<i32>} : memref<16x128xi32, #tpu.memory_space<vmem>>, vector<16xi32>,
        tpu.vector_store %arg9[%swap3A_201, %swap3A_202], %add3A_200 {strides = array<i32>} : memref<16x128xi32, #tpu.memory_space<vmem>>, vector<16xi32>,
        %swap3A_204 = arith.index_cast %scan3A_135 : i32 to index
        %swap3A_205 = arith.constant 32 : index
        %swap3A_206 = tpu.vector_load %arg8[%swap3A_204, %swap3A_205] {strides = array<i32>} : memref<16x128xi32, #tpu.memory_space<vmem>>, vector<16xi32>,
        tpu.vector_store %arg8[%swap3A_204, %swap3A_205], %shift_right_logical3A_194 {strides = array<i32>} : memref<16x128xi32, #tpu.memory_space<vmem>>, vector<16xi32>,
        %mul3A_207 = arith.constant 2048 : i32
        %mul3A_208 = arith.muli %while3A_118, %mul3A_207 : i32
        %mul3A_209 = arith.constant 128 : i32
        %mul3A_210 = arith.muli %scan3A_135, %mul3A_209 : i32
        %add3A_211 = arith.addi %mul3A_208, %mul3A_210 : i32
        %add3A_212 = arith.constant 48 : i32
        %add3A_213 = arith.addi %add3A_211, %add3A_212 : i32
        %get3A_214 = arith.index_cast %add3A_213 : i32 to index
        %get3A_215 = tpu.vector_load %arg10[%get3A_214] {strides = array<i32>} : memref<20496xi32, #tpu.memory_space<vmem>>, vector<16xi32>,
        %shift_right_logical3A_216 = arith.constant 14 : i32
        %shift_right_logical3A_217 = vector.broadcast %shift_right_logical3A_216 : i32 to vector<16xi32>
        %shift_right_logical3A_218 = arith.shrui %get3A_215, %shift_right_logical3A_217 : vector<16xi32>
        %mul3A_219 = arith.constant 16384 : i32
        %mul3A_220 = vector.broadcast %mul3A_219 : i32 to vector<16xi32>
        %mul3A_221 = arith.muli %shift_right_logical3A_218, %mul3A_220 : vector<16xi32>
        %sub3A_222 = arith.subi %get3A_215, %mul3A_221 : vector<16xi32>
        %add3A_223 = vector.broadcast %mul3A_45 : i32 to vector<16xi32>
        %add3A_224 = arith.addi %sub3A_222, %add3A_223 : vector<16xi32>
        %swap3A_225 = arith.index_cast %scan3A_135 : i32 to index
        %swap3A_226 = arith.constant 48 : index
        %swap3A_227 = tpu.vector_load %arg9[%swap3A_225, %swap3A_226] {strides = array<i32>} : memref<16x128xi32, #tpu.memory_space<vmem>>, vector<16xi32>,
        tpu.vector_store %arg9[%swap3A_225, %swap3A_226], %add3A_224 {strides = array<i32>} : memref<16x128xi32, #tpu.memory_space<vmem>>, vector<16xi32>,
        %swap3A_228 = arith.index_cast %scan3A_135 : i32 to index
        %swap3A_229 = arith.constant 48 : index
        %swap3A_230 = tpu.vector_load %arg8[%swap3A_228, %swap3A_229] {strides = array<i32>} : memref<16x128xi32, #tpu.memory_space<vmem>>, vector<16xi32>,
        tpu.vector_store %arg8[%swap3A_228, %swap3A_229], %shift_right_logical3A_218 {strides = array<i32>} : memref<16x128xi32, #tpu.memory_space<vmem>>, vector<16xi32>,
        %mul3A_231 = arith.constant 2048 : i32
        %mul3A_232 = arith.muli %while3A_118, %mul3A_231 : i32
        %mul3A_233 = arith.constant 128 : i32
        %mul3A_234 = arith.muli %scan3A_135, %mul3A_233 : i32
        %add3A_235 = arith.addi %mul3A_232, %mul3A_234 : i32
        %add3A_236 = arith.constant 64 : i32
        %add3A_237 = arith.addi %add3A_235, %add3A_236 : i32
        %get3A_238 = arith.index_cast %add3A_237 : i32 to index
        %get3A_239 = tpu.vector_load %arg10[%get3A_238] {strides = array<i32>} : memref<20496xi32, #tpu.memory_space<vmem>>, vector<16xi32>,
        %shift_right_logical3A_240 = arith.constant 14 : i32
        %shift_right_logical3A_241 = vector.broadcast %shift_right_logical3A_240 : i32 to vector<16xi32>
        %shift_right_logical3A_242 = arith.shrui %get3A_239, %shift_right_logical3A_241 : vector<16xi32>
        %mul3A_243 = arith.constant 16384 : i32
        %mul3A_244 = vector.broadcast %mul3A_243 : i32 to vector<16xi32>
        %mul3A_245 = arith.muli %shift_right_logical3A_242, %mul3A_244 : vector<16xi32>
        %sub3A_246 = arith.subi %get3A_239, %mul3A_245 : vector<16xi32>
        %add3A_247 = vector.broadcast %mul3A_45 : i32 to vector<16xi32>
        %add3A_248 = arith.addi %sub3A_246, %add3A_247 : vector<16xi32>
        %swap3A_249 = arith.index_cast %scan3A_135 : i32 to index
        %swap3A_250 = arith.constant 64 : index
        %swap3A_251 = tpu.vector_load %arg9[%swap3A_249, %swap3A_250] {strides = array<i32>} : memref<16x128xi32, #tpu.memory_space<vmem>>, vector<16xi32>,
        tpu.vector_store %arg9[%swap3A_249, %swap3A_250], %add3A_248 {strides = array<i32>} : memref<16x128xi32, #tpu.memory_space<vmem>>, vector<16xi32>,
        %swap3A_252 = arith.index_cast %scan3A_135 : i32 to index
        %swap3A_253 = arith.constant 64 : index
        %swap3A_254 = tpu.vector_load %arg8[%swap3A_252, %swap3A_253] {strides = array<i32>} : memref<16x128xi32, #tpu.memory_space<vmem>>, vector<16xi32>,
        tpu.vector_store %arg8[%swap3A_252, %swap3A_253], %shift_right_logical3A_242 {strides = array<i32>} : memref<16x128xi32, #tpu.memory_space<vmem>>, vector<16xi32>,
        %mul3A_255 = arith.constant 2048 : i32
        %mul3A_256 = arith.muli %while3A_118, %mul3A_255 : i32
        %mul3A_257 = arith.constant 128 : i32
        %mul3A_258 = arith.muli %scan3A_135, %mul3A_257 : i32
        %add3A_259 = arith.addi %mul3A_256, %mul3A_258 : i32
        %add3A_260 = arith.constant 80 : i32
        %add3A_261 = arith.addi %add3A_259, %add3A_260 : i32
        %get3A_262 = arith.index_cast %add3A_261 : i32 to index
        %get3A_263 = tpu.vector_load %arg10[%get3A_262] {strides = array<i32>} : memref<20496xi32, #tpu.memory_space<vmem>>, vector<16xi32>,
        %shift_right_logical3A_264 = arith.constant 14 : i32
        %shift_right_logical3A_265 = vector.broadcast %shift_right_logical3A_264 : i32 to vector<16xi32>
        %shift_right_logical3A_266 = arith.shrui %get3A_263, %shift_right_logical3A_265 : vector<16xi32>
        %mul3A_267 = arith.constant 16384 : i32
        %mul3A_268 = vector.broadcast %mul3A_267 : i32 to vector<16xi32>
        %mul3A_269 = arith.muli %shift_right_logical3A_266, %mul3A_268 : vector<16xi32>
        %sub3A_270 = arith.subi %get3A_263, %mul3A_269 : vector<16xi32>
        %add3A_271 = vector.broadcast %mul3A_45 : i32 to vector<16xi32>
        %add3A_272 = arith.addi %sub3A_270, %add3A_271 : vector<16xi32>
        %swap3A_273 = arith.index_cast %scan3A_135 : i32 to index
        %swap3A_274 = arith.constant 80 : index
        %swap3A_275 = tpu.vector_load %arg9[%swap3A_273, %swap3A_274] {strides = array<i32>} : memref<16x128xi32, #tpu.memory_space<vmem>>, vector<16xi32>,
        tpu.vector_store %arg9[%swap3A_273, %swap3A_274], %add3A_272 {strides = array<i32>} : memref<16x128xi32, #tpu.memory_space<vmem>>, vector<16xi32>,
        %swap3A_276 = arith.index_cast %scan3A_135 : i32 to index
        %swap3A_277 = arith.constant 80 : index
        %swap3A_278 = tpu.vector_load %arg8[%swap3A_276, %swap3A_277] {strides = array<i32>} : memref<16x128xi32, #tpu.memory_space<vmem>>, vector<16xi32>,
        tpu.vector_store %arg8[%swap3A_276, %swap3A_277], %shift_right_logical3A_266 {strides = array<i32>} : memref<16x128xi32, #tpu.memory_space<vmem>>, vector<16xi32>,
        %mul3A_279 = arith.constant 2048 : i32
        %mul3A_280 = arith.muli %while3A_118, %mul3A_279 : i32
        %mul3A_281 = arith.constant 128 : i32
        %mul3A_282 = arith.muli %scan3A_135, %mul3A_281 : i32
        %add3A_283 = arith.addi %mul3A_280, %mul3A_282 : i32
        %add3A_284 = arith.constant 96 : i32
        %add3A_285 = arith.addi %add3A_283, %add3A_284 : i32
        %get3A_286 = arith.index_cast %add3A_285 : i32 to index
        %get3A_287 = tpu.vector_load %arg10[%get3A_286] {strides = array<i32>} : memref<20496xi32, #tpu.memory_space<vmem>>, vector<16xi32>,
        %shift_right_logical3A_288 = arith.constant 14 : i32
        %shift_right_logical3A_289 = vector.broadcast %shift_right_logical3A_288 : i32 to vector<16xi32>
        %shift_right_logical3A_290 = arith.shrui %get3A_287, %shift_right_logical3A_289 : vector<16xi32>
        %mul3A_291 = arith.constant 16384 : i32
        %mul3A_292 = vector.broadcast %mul3A_291 : i32 to vector<16xi32>
        %mul3A_293 = arith.muli %shift_right_logical3A_290, %mul3A_292 : vector<16xi32>
        %sub3A_294 = arith.subi %get3A_287, %mul3A_293 : vector<16xi32>
        %add3A_295 = vector.broadcast %mul3A_45 : i32 to vector<16xi32>
        %add3A_296 = arith.addi %sub3A_294, %add3A_295 : vector<16xi32>
        %swap3A_297 = arith.index_cast %scan3A_135 : i32 to index
        %swap3A_298 = arith.constant 96 : index
        %swap3A_299 = tpu.vector_load %arg9[%swap3A_297, %swap3A_298] {strides = array<i32>} : memref<16x128xi32, #tpu.memory_space<vmem>>, vector<16xi32>,
        tpu.vector_store %arg9[%swap3A_297, %swap3A_298], %add3A_296 {strides = array<i32>} : memref<16x128xi32, #tpu.memory_space<vmem>>, vector<16xi32>,
        %swap3A_300 = arith.index_cast %scan3A_135 : i32 to index
        %swap3A_301 = arith.constant 96 : index
        %swap3A_302 = tpu.vector_load %arg8[%swap3A_300, %swap3A_301] {strides = array<i32>} : memref<16x128xi32, #tpu.memory_space<vmem>>, vector<16xi32>,
        tpu.vector_store %arg8[%swap3A_300, %swap3A_301], %shift_right_logical3A_290 {strides = array<i32>} : memref<16x128xi32, #tpu.memory_space<vmem>>, vector<16xi32>,
        %mul3A_303 = arith.constant 2048 : i32
        %mul3A_304 = arith.muli %while3A_118, %mul3A_303 : i32
        %mul3A_305 = arith.constant 128 : i32
        %mul3A_306 = arith.muli %scan3A_135, %mul3A_305 : i32
        %add3A_307 = arith.addi %mul3A_304, %mul3A_306 : i32
        %add3A_308 = arith.constant 112 : i32
        %add3A_309 = arith.addi %add3A_307, %add3A_308 : i32
        %get3A_310 = arith.index_cast %add3A_309 : i32 to index
        %get3A_311 = tpu.vector_load %arg10[%get3A_310] {strides = array<i32>} : memref<20496xi32, #tpu.memory_space<vmem>>, vector<16xi32>,
        %shift_right_logical3A_312 = arith.constant 14 : i32
        %shift_right_logical3A_313 = vector.broadcast %shift_right_logical3A_312 : i32 to vector<16xi32>
        %shift_right_logical3A_314 = arith.shrui %get3A_311, %shift_right_logical3A_313 : vector<16xi32>
        %mul3A_315 = arith.constant 16384 : i32
        %mul3A_316 = vector.broadcast %mul3A_315 : i32 to vector<16xi32>
        %mul3A_317 = arith.muli %shift_right_logical3A_314, %mul3A_316 : vector<16xi32>
        %sub3A_318 = arith.subi %get3A_311, %mul3A_317 : vector<16xi32>
        %add3A_319 = vector.broadcast %mul3A_45 : i32 to vector<16xi32>
        %add3A_320 = arith.addi %sub3A_318, %add3A_319 : vector<16xi32>
        %swap3A_321 = arith.index_cast %scan3A_135 : i32 to index
        %swap3A_322 = arith.constant 112 : index
        %swap3A_323 = tpu.vector_load %arg9[%swap3A_321, %swap3A_322] {strides = array<i32>} : memref<16x128xi32, #tpu.memory_space<vmem>>, vector<16xi32>,
        tpu.vector_store %arg9[%swap3A_321, %swap3A_322], %add3A_320 {strides = array<i32>} : memref<16x128xi32, #tpu.memory_space<vmem>>, vector<16xi32>,
        %swap3A_324 = arith.index_cast %scan3A_135 : i32 to index
        %swap3A_325 = arith.constant 112 : index
        %swap3A_326 = tpu.vector_load %arg8[%swap3A_324, %swap3A_325] {strides = array<i32>} : memref<16x128xi32, #tpu.memory_space<vmem>>, vector<16xi32>,
        tpu.vector_store %arg8[%swap3A_324, %swap3A_325], %shift_right_logical3A_314 {strides = array<i32>} : memref<16x128xi32, #tpu.memory_space<vmem>>, vector<16xi32>,
      }
      %scan3A_124 = arith.constant 16 : i32
      %mul3A_125 = arith.constant 16 : i32
      %mul3A_126 = arith.muli %while3A_118, %mul3A_125 : i32
      "tpu.region"() ({
        %run_scoped3A = tpu.sem_alloc : memref<!tpu.dma_semaphore, #tpu.memory_space<semaphore_mem>>
        %dma_start3A = arith.constant 0 : i32
        %dma_start3A_135 = tpu.memref_slice %arg5[%arg0, %arg1, %mul3A_126, %dma_start3A] : memref<2x16x160x128xi32, #tpu.memory_space<hbm>> -> memref<1x1x16x128xi32, #tpu.memory_space<hbm>>
        %dma_start3A_136 = tpu.memref_squeeze %dma_start3A_135 : memref<1x1x16x128xi32, #tpu.memory_space<hbm>> -> memref<16x128xi32, #tpu.memory_space<hbm>>
        %dma_start3A_137 = arith.constant 0 : i32
        %dma_start3A_138 = tpu.memref_slice %arg5[%arg0, %arg1, %mul3A_126, %dma_start3A_137] : memref<2x16x160x128xi32, #tpu.memory_space<hbm>> -> memref<1x1x16x128xi32, #tpu.memory_space<hbm>>
        %dma_start3A_139 = tpu.memref_squeeze %dma_start3A_138 : memref<1x1x16x128xi32, #tpu.memory_space<hbm>> -> memref<16x128xi32, #tpu.memory_space<hbm>>
        tpu.enqueue_dma source(%arg9 : memref<16x128xi32, #tpu.memory_space<vmem>>) target(%dma_start3A_139 : memref<16x128xi32, #tpu.memory_space<hbm>>) target_semaphore(%run_scoped3A : memref<!tpu.dma_semaphore, #tpu.memory_space<semaphore_mem>>)
        %dma_wait3A = arith.constant 0 : i32
        %dma_wait3A_140 = tpu.memref_slice %arg5[%arg0, %arg1, %mul3A_126, %dma_wait3A] : memref<2x16x160x128xi32, #tpu.memory_space<hbm>> -> memref<1x1x16x128xi32, #tpu.memory_space<hbm>>
        %dma_wait3A_141 = tpu.memref_squeeze %dma_wait3A_140 : memref<1x1x16x128xi32, #tpu.memory_space<hbm>> -> memref<16x128xi32, #tpu.memory_space<hbm>>
        %dma_wait3A_142 = arith.constant 0 : i32
        %dma_wait3A_143 = tpu.memref_slice %arg5[%arg0, %arg1, %mul3A_126, %dma_wait3A_142] : memref<2x16x160x128xi32, #tpu.memory_space<hbm>> -> memref<1x1x16x128xi32, #tpu.memory_space<hbm>>
        %dma_wait3A_144 = tpu.memref_squeeze %dma_wait3A_143 : memref<1x1x16x128xi32, #tpu.memory_space<hbm>> -> memref<16x128xi32, #tpu.memory_space<hbm>>
        tpu.wait_dma2 semaphore(%run_scoped3A : memref<!tpu.dma_semaphore, #tpu.memory_space<semaphore_mem>>) src(%arg9 : memref<16x128xi32, #tpu.memory_space<vmem>>) dst(%dma_wait3A_144 : memref<16x128xi32, #tpu.memory_space<hbm>>)
        tpu.yield
      }) : () -> ()
      %mul3A_127 = arith.constant 16 : i32
      %mul3A_128 = arith.muli %while3A_118, %mul3A_127 : i32
      "tpu.region"() ({
        %run_scoped3A = tpu.sem_alloc : memref<!tpu.dma_semaphore, #tpu.memory_space<semaphore_mem>>
        %dma_start3A = arith.constant 0 : i32
        %dma_start3A_135 = tpu.memref_slice %arg6[%arg0, %arg1, %mul3A_128, %dma_start3A] : memref<2x16x160x128xi32, #tpu.memory_space<hbm>> -> memref<1x1x16x128xi32, #tpu.memory_space<hbm>>
        %dma_start3A_136 = tpu.memref_squeeze %dma_start3A_135 : memref<1x1x16x128xi32, #tpu.memory_space<hbm>> -> memref<16x128xi32, #tpu.memory_space<hbm>>
        %dma_start3A_137 = arith.constant 0 : i32
        %dma_start3A_138 = tpu.memref_slice %arg6[%arg0, %arg1, %mul3A_128, %dma_start3A_137] : memref<2x16x160x128xi32, #tpu.memory_space<hbm>> -> memref<1x1x16x128xi32, #tpu.memory_space<hbm>>
        %dma_start3A_139 = tpu.memref_squeeze %dma_start3A_138 : memref<1x1x16x128xi32, #tpu.memory_space<hbm>> -> memref<16x128xi32, #tpu.memory_space<hbm>>
        tpu.enqueue_dma source(%arg8 : memref<16x128xi32, #tpu.memory_space<vmem>>) target(%dma_start3A_139 : memref<16x128xi32, #tpu.memory_space<hbm>>) target_semaphore(%run_scoped3A : memref<!tpu.dma_semaphore, #tpu.memory_space<semaphore_mem>>)
        %dma_wait3A = arith.constant 0 : i32
        %dma_wait3A_140 = tpu.memref_slice %arg6[%arg0, %arg1, %mul3A_128, %dma_wait3A] : memref<2x16x160x128xi32, #tpu.memory_space<hbm>> -> memref<1x1x16x128xi32, #tpu.memory_space<hbm>>
        %dma_wait3A_141 = tpu.memref_squeeze %dma_wait3A_140 : memref<1x1x16x128xi32, #tpu.memory_space<hbm>> -> memref<16x128xi32, #tpu.memory_space<hbm>>
        %dma_wait3A_142 = arith.constant 0 : i32
        %dma_wait3A_143 = tpu.memref_slice %arg6[%arg0, %arg1, %mul3A_128, %dma_wait3A_142] : memref<2x16x160x128xi32, #tpu.memory_space<hbm>> -> memref<1x1x16x128xi32, #tpu.memory_space<hbm>>
        %dma_wait3A_144 = tpu.memref_squeeze %dma_wait3A_143 : memref<1x1x16x128xi32, #tpu.memory_space<hbm>> -> memref<16x128xi32, #tpu.memory_space<hbm>>
        tpu.wait_dma2 semaphore(%run_scoped3A : memref<!tpu.dma_semaphore, #tpu.memory_space<semaphore_mem>>) src(%arg8 : memref<16x128xi32, #tpu.memory_space<vmem>>) dst(%dma_wait3A_144 : memref<16x128xi32, #tpu.memory_space<hbm>>)
        tpu.yield
      }) : () -> ()
      %scan3A_129 = arith.constant 0 : i32
      %scan3A_130 = arith.constant 0 : i32
      %scan3A_131 = arith.constant 16 : i32
      %scan3A_132 = arith.addi %scan3A_130, %scan3A_131 : i32
      %scan3A_133 = arith.constant 1 : i32
      scf.for %scan3A_135 = %scan3A_130 to %scan3A_132 step %scan3A_133  : i32 {
        %mul3A_136 = arith.constant 16 : i32
        %mul3A_137 = arith.muli %while3A_118, %mul3A_136 : i32
        %add3A_138 = arith.addi %mul3A_137, %scan3A_135 : i32
        %lt3A = arith.cmpi slt, %add3A_138, %select_n3A_73 : i32
        %convert_element_type3A = arith.extui %lt3A : i1 to i32
        %cond3A = arith.constant 0 : i32
        %cond3A_139 = arith.cmpi ne, %convert_element_type3A, %cond3A : i32
        scf.if %cond3A_139 {
          "tpu.region"() ({
            %run_scoped3A = tpu.sem_alloc : memref<!tpu.dma_semaphore, #tpu.memory_space<semaphore_mem>>
            %dma_start3A = arith.constant 0 : i32
            %dma_start3A_140 = tpu.memref_slice %arg8[%scan3A_135, %dma_start3A] : memref<16x128xi32, #tpu.memory_space<vmem>> -> memref<1x128xi32, #tpu.memory_space<vmem>>
            %dma_start3A_141 = tpu.memref_squeeze %dma_start3A_140 : memref<1x128xi32, #tpu.memory_space<vmem>> -> memref<128xi32, #tpu.memory_space<vmem>>
            %dma_start3A_142 = arith.constant 0 : i32
            %dma_start3A_143 = arith.constant 0 : i32
            %dma_start3A_144 = tpu.memref_slice %arg14[%dma_start3A_142, %dma_start3A_143] : memref<10240x128xf32, #tpu.memory_space<vmem_shared>> -> memref<10240x128xf32, #tpu.memory_space<vmem_shared>>
            tpu.enqueue_indirect_dma source(%arg11 : memref<128x128xf32, #tpu.memory_space<vmem>>) target(%dma_start3A_144 : memref<10240x128xf32, #tpu.memory_space<vmem_shared>>) offsets(%dma_start3A_141 : memref<128xi32, #tpu.memory_space<vmem>>) semaphore(%run_scoped3A : memref<!tpu.dma_semaphore, #tpu.memory_space<semaphore_mem>>) {add = true}
            %dma_wait3A = arith.constant 0 : i32
            %dma_wait3A_145 = tpu.memref_slice %arg8[%scan3A_135, %dma_wait3A] : memref<16x128xi32, #tpu.memory_space<vmem>> -> memref<1x128xi32, #tpu.memory_space<vmem>>
            %dma_wait3A_146 = tpu.memref_squeeze %dma_wait3A_145 : memref<1x128xi32, #tpu.memory_space<vmem>> -> memref<128xi32, #tpu.memory_space<vmem>>
            %dma_wait3A_147 = arith.constant 0 : i32
            %dma_wait3A_148 = arith.constant 0 : i32
            %dma_wait3A_149 = tpu.memref_slice %arg14[%dma_wait3A_147, %dma_wait3A_148] : memref<10240x128xf32, #tpu.memory_space<vmem_shared>> -> memref<10240x128xf32, #tpu.memory_space<vmem_shared>>
            tpu.wait_indirect_dma semaphore(%run_scoped3A : memref<!tpu.dma_semaphore, #tpu.memory_space<semaphore_mem>>) src(%arg11 : memref<128x128xf32, #tpu.memory_space<vmem>>) dst(%dma_wait3A_149 : memref<10240x128xf32, #tpu.memory_space<vmem_shared>>)
            tpu.yield
          }) : () -> ()
        } else {
        }
      }
      %scan3A_134 = arith.constant 16 : i32
    }
    %barrier3A_111 = arith.constant 0 : index
    tpu.barrier barrier_id(%barrier3A_111)
    %scan3A_112 = arith.constant 0 : i32
    %scan3A_113 = arith.constant 0 : i32
    %scan3A_114 = arith.constant 40 : i32
    %scan3A_115 = arith.addi %scan3A_113, %scan3A_114 : i32
    %scan3A_116 = arith.constant 1 : i32
    scf.for %scan3A_118 = %scan3A_113 to %scan3A_115 step %scan3A_116  : i32 {
      %mul3A_119 = arith.constant 16 : i32
      %mul3A_120 = arith.muli %scan3A_118, %mul3A_119 : i32
      %add3A_121 = arith.addi %mul3A_0, %mul3A_120 : i32
      "tpu.region"() ({
        %run_scoped3A = tpu.sem_alloc : memref<!tpu.dma_semaphore, #tpu.memory_space<semaphore_mem>>
        %dma_start3A = arith.constant 0 : i32
        %dma_start3A_125 = tpu.memref_slice %arg14[%add3A_121, %dma_start3A] : memref<10240x128xf32, #tpu.memory_space<vmem_shared>> -> memref<16x128xf32, #tpu.memory_space<vmem_shared>>
        %dma_start3A_126 = arith.constant 0 : i32
        %dma_start3A_127 = tpu.memref_slice %arg14[%add3A_121, %dma_start3A_126] : memref<10240x128xf32, #tpu.memory_space<vmem_shared>> -> memref<16x128xf32, #tpu.memory_space<vmem_shared>>
        tpu.enqueue_dma source(%dma_start3A_127 : memref<16x128xf32, #tpu.memory_space<vmem_shared>>) target(%arg12 : memref<16x128xf32, #tpu.memory_space<vmem>>) target_semaphore(%run_scoped3A : memref<!tpu.dma_semaphore, #tpu.memory_space<semaphore_mem>>)
        %dma_wait3A = arith.constant 0 : i32
        %dma_wait3A_128 = tpu.memref_slice %arg14[%add3A_121, %dma_wait3A] : memref<10240x128xf32, #tpu.memory_space<vmem_shared>> -> memref<16x128xf32, #tpu.memory_space<vmem_shared>>
        %dma_wait3A_129 = arith.constant 0 : i32
        %dma_wait3A_130 = tpu.memref_slice %arg14[%add3A_121, %dma_wait3A_129] : memref<10240x128xf32, #tpu.memory_space<vmem_shared>> -> memref<16x128xf32, #tpu.memory_space<vmem_shared>>
        tpu.wait_dma2 semaphore(%run_scoped3A : memref<!tpu.dma_semaphore, #tpu.memory_space<semaphore_mem>>) src(%dma_wait3A_130 : memref<16x128xf32, #tpu.memory_space<vmem_shared>>) dst(%arg12 : memref<16x128xf32, #tpu.memory_space<vmem>>)
        tpu.yield
      }) : () -> ()
      %mul3A_122 = arith.constant 16 : i32
      %mul3A_123 = arith.muli %scan3A_118, %mul3A_122 : i32
      %add3A_124 = arith.addi %mul3A_0, %mul3A_123 : i32
      "tpu.region"() ({
        %run_scoped3A = tpu.sem_alloc : memref<!tpu.dma_semaphore, #tpu.memory_space<semaphore_mem>>
        %dma_start3A = arith.constant 0 : i32
        %dma_start3A_125 = tpu.memref_slice %arg4[%arg0, %add3A_124, %dma_start3A] : memref<2x10240x128xf32, #tpu.memory_space<hbm>> -> memref<1x16x128xf32, #tpu.memory_space<hbm>>
        %dma_start3A_126 = tpu.memref_squeeze %dma_start3A_125 : memref<1x16x128xf32, #tpu.memory_space<hbm>> -> memref<16x128xf32, #tpu.memory_space<hbm>>
        %dma_start3A_127 = arith.constant 0 : i32
        %dma_start3A_128 = tpu.memref_slice %arg4[%arg0, %add3A_124, %dma_start3A_127] : memref<2x10240x128xf32, #tpu.memory_space<hbm>> -> memref<1x16x128xf32, #tpu.memory_space<hbm>>
        %dma_start3A_129 = tpu.memref_squeeze %dma_start3A_128 : memref<1x16x128xf32, #tpu.memory_space<hbm>> -> memref<16x128xf32, #tpu.memory_space<hbm>>
        tpu.enqueue_dma source(%arg12 : memref<16x128xf32, #tpu.memory_space<vmem>>) target(%dma_start3A_129 : memref<16x128xf32, #tpu.memory_space<hbm>>) target_semaphore(%run_scoped3A : memref<!tpu.dma_semaphore, #tpu.memory_space<semaphore_mem>>)
        %dma_wait3A = arith.constant 0 : i32
        %dma_wait3A_130 = tpu.memref_slice %arg4[%arg0, %add3A_124, %dma_wait3A] : memref<2x10240x128xf32, #tpu.memory_space<hbm>> -> memref<1x16x128xf32, #tpu.memory_space<hbm>>
        %dma_wait3A_131 = tpu.memref_squeeze %dma_wait3A_130 : memref<1x16x128xf32, #tpu.memory_space<hbm>> -> memref<16x128xf32, #tpu.memory_space<hbm>>
        %dma_wait3A_132 = arith.constant 0 : i32
        %dma_wait3A_133 = tpu.memref_slice %arg4[%arg0, %add3A_124, %dma_wait3A_132] : memref<2x10240x128xf32, #tpu.memory_space<hbm>> -> memref<1x16x128xf32, #tpu.memory_space<hbm>>
        %dma_wait3A_134 = tpu.memref_squeeze %dma_wait3A_133 : memref<1x16x128xf32, #tpu.memory_space<hbm>> -> memref<16x128xf32, #tpu.memory_space<hbm>>
        tpu.wait_dma2 semaphore(%run_scoped3A : memref<!tpu.dma_semaphore, #tpu.memory_space<semaphore_mem>>) src(%arg12 : memref<16x128xf32, #tpu.memory_space<vmem>>) dst(%dma_wait3A_134 : memref<16x128xf32, #tpu.memory_space<hbm>>)
        tpu.yield
      }) : () -> ()
    }
    %scan3A_117 = arith.constant 40 : i32
    return
  }
}

#map = affine_map<(d0, d1) -> (0, 0)>
#map1 = affine_map<(d0, d1) -> (0, 0, 0, 0)>
#map2 = affine_map<(d0, d1) -> (0, 0, 0)>
module attributes {stable_mosaic.version = 14 : i64} {
  func.func @_sc_agg_body(%arg0: i32, %arg1: i32, %arg2: memref<30720x128xf32, #tpu.memory_space<hbm>>, %arg3: memref<2x16x160x128xi32, #tpu.memory_space<hbm>>, %arg4: memref<2x16x160x128xi32, #tpu.memory_space<hbm>>, %arg5: memref<2x16x16xi32, #tpu.memory_space<hbm>>, %arg6: memref<2x10240x128xf32, #tpu.memory_space<hbm>>, %arg7: memref<16x128xi32, #tpu.memory_space<vmem>>, %arg8: memref<16x128xi32, #tpu.memory_space<vmem>>, %arg9: memref<128x128xf32, #tpu.memory_space<vmem>>, %arg10: memref<128x128xf32, #tpu.memory_space<vmem>>, %arg11: memref<16xi32, #tpu.memory_space<vmem>>, %arg12: memref<10240x128xf32, #tpu.memory_space<vmem_shared>>, %arg13: memref<!tpu.dma_semaphore, #tpu.memory_space<semaphore_mem>>) attributes {dimension_semantics = [#tpu.dimension_semantics<core_parallel>, #tpu.dimension_semantics<subcore_parallel>], iteration_bounds = array<i64: 2, 16>, scalar_prefetch = 0 : i64, scratch_operands = 7 : i64, tpu.core_type = #tpu.core_type<sc_vector_subcore>, window_params = [{transform_indices = #map}, {transform_indices = #map1}, {transform_indices = #map1}, {transform_indices = #map2}, {transform_indices = #map2}]} {
    %mul3A = arith.constant 640 : i32
    %mul3A_0 = arith.muli %arg1, %mul3A : i32
    %scan3A = arith.constant 0 : i32
    %scan3A_1 = arith.constant 0 : i32
    %scan3A_2 = arith.constant 128 : i32
    %scan3A_3 = arith.addi %scan3A_1, %scan3A_2 : i32
    %scan3A_4 = arith.constant 1 : i32
    scf.for %scan3A_82 = %scan3A_1 to %scan3A_3 step %scan3A_4  : i32 {
      %broadcast_in_dim3A = arith.constant 0.000000e+00 : f32
      %broadcast_in_dim3A_83 = vector.broadcast %broadcast_in_dim3A : f32 to vector<16xf32>
      %swap3A = arith.index_cast %scan3A_82 : i32 to index
      %swap3A_84 = arith.constant 0 : index
      %swap3A_85 = tpu.vector_load %arg9[%swap3A, %swap3A_84] {strides = array<i32>} : memref<128x128xf32, #tpu.memory_space<vmem>>, vector<16xf32>,
      tpu.vector_store %arg9[%swap3A, %swap3A_84], %broadcast_in_dim3A_83 {strides = array<i32>} : memref<128x128xf32, #tpu.memory_space<vmem>>, vector<16xf32>,
      %broadcast_in_dim3A_86 = arith.constant 0.000000e+00 : f32
      %broadcast_in_dim3A_87 = vector.broadcast %broadcast_in_dim3A_86 : f32 to vector<16xf32>
      %swap3A_88 = arith.index_cast %scan3A_82 : i32 to index
      %swap3A_89 = arith.constant 16 : index
      %swap3A_90 = tpu.vector_load %arg9[%swap3A_88, %swap3A_89] {strides = array<i32>} : memref<128x128xf32, #tpu.memory_space<vmem>>, vector<16xf32>,
      tpu.vector_store %arg9[%swap3A_88, %swap3A_89], %broadcast_in_dim3A_87 {strides = array<i32>} : memref<128x128xf32, #tpu.memory_space<vmem>>, vector<16xf32>,
      %broadcast_in_dim3A_91 = arith.constant 0.000000e+00 : f32
      %broadcast_in_dim3A_92 = vector.broadcast %broadcast_in_dim3A_91 : f32 to vector<16xf32>
      %swap3A_93 = arith.index_cast %scan3A_82 : i32 to index
      %swap3A_94 = arith.constant 32 : index
      %swap3A_95 = tpu.vector_load %arg9[%swap3A_93, %swap3A_94] {strides = array<i32>} : memref<128x128xf32, #tpu.memory_space<vmem>>, vector<16xf32>,
      tpu.vector_store %arg9[%swap3A_93, %swap3A_94], %broadcast_in_dim3A_92 {strides = array<i32>} : memref<128x128xf32, #tpu.memory_space<vmem>>, vector<16xf32>,
      %broadcast_in_dim3A_96 = arith.constant 0.000000e+00 : f32
      %broadcast_in_dim3A_97 = vector.broadcast %broadcast_in_dim3A_96 : f32 to vector<16xf32>
      %swap3A_98 = arith.index_cast %scan3A_82 : i32 to index
      %swap3A_99 = arith.constant 48 : index
      %swap3A_100 = tpu.vector_load %arg9[%swap3A_98, %swap3A_99] {strides = array<i32>} : memref<128x128xf32, #tpu.memory_space<vmem>>, vector<16xf32>,
      tpu.vector_store %arg9[%swap3A_98, %swap3A_99], %broadcast_in_dim3A_97 {strides = array<i32>} : memref<128x128xf32, #tpu.memory_space<vmem>>, vector<16xf32>,
      %broadcast_in_dim3A_101 = arith.constant 0.000000e+00 : f32
      %broadcast_in_dim3A_102 = vector.broadcast %broadcast_in_dim3A_101 : f32 to vector<16xf32>
      %swap3A_103 = arith.index_cast %scan3A_82 : i32 to index
      %swap3A_104 = arith.constant 64 : index
      %swap3A_105 = tpu.vector_load %arg9[%swap3A_103, %swap3A_104] {strides = array<i32>} : memref<128x128xf32, #tpu.memory_space<vmem>>, vector<16xf32>,
      tpu.vector_store %arg9[%swap3A_103, %swap3A_104], %broadcast_in_dim3A_102 {strides = array<i32>} : memref<128x128xf32, #tpu.memory_space<vmem>>, vector<16xf32>,
      %broadcast_in_dim3A_106 = arith.constant 0.000000e+00 : f32
      %broadcast_in_dim3A_107 = vector.broadcast %broadcast_in_dim3A_106 : f32 to vector<16xf32>
      %swap3A_108 = arith.index_cast %scan3A_82 : i32 to index
      %swap3A_109 = arith.constant 80 : index
      %swap3A_110 = tpu.vector_load %arg9[%swap3A_108, %swap3A_109] {strides = array<i32>} : memref<128x128xf32, #tpu.memory_space<vmem>>, vector<16xf32>,
      tpu.vector_store %arg9[%swap3A_108, %swap3A_109], %broadcast_in_dim3A_107 {strides = array<i32>} : memref<128x128xf32, #tpu.memory_space<vmem>>, vector<16xf32>,
      %broadcast_in_dim3A_111 = arith.constant 0.000000e+00 : f32
      %broadcast_in_dim3A_112 = vector.broadcast %broadcast_in_dim3A_111 : f32 to vector<16xf32>
      %swap3A_113 = arith.index_cast %scan3A_82 : i32 to index
      %swap3A_114 = arith.constant 96 : index
      %swap3A_115 = tpu.vector_load %arg9[%swap3A_113, %swap3A_114] {strides = array<i32>} : memref<128x128xf32, #tpu.memory_space<vmem>>, vector<16xf32>,
      tpu.vector_store %arg9[%swap3A_113, %swap3A_114], %broadcast_in_dim3A_112 {strides = array<i32>} : memref<128x128xf32, #tpu.memory_space<vmem>>, vector<16xf32>,
      %broadcast_in_dim3A_116 = arith.constant 0.000000e+00 : f32
      %broadcast_in_dim3A_117 = vector.broadcast %broadcast_in_dim3A_116 : f32 to vector<16xf32>
      %swap3A_118 = arith.index_cast %scan3A_82 : i32 to index
      %swap3A_119 = arith.constant 112 : index
      %swap3A_120 = tpu.vector_load %arg9[%swap3A_118, %swap3A_119] {strides = array<i32>} : memref<128x128xf32, #tpu.memory_space<vmem>>, vector<16xf32>,
      tpu.vector_store %arg9[%swap3A_118, %swap3A_119], %broadcast_in_dim3A_117 {strides = array<i32>} : memref<128x128xf32, #tpu.memory_space<vmem>>, vector<16xf32>,
    }
    %scan3A_5 = arith.constant 128 : i32
    %scan3A_6 = arith.constant 0 : i32
    %scan3A_7 = arith.constant 0 : i32
    %scan3A_8 = arith.constant 5 : i32
    %scan3A_9 = arith.addi %scan3A_7, %scan3A_8 : i32
    %scan3A_10 = arith.constant 1 : i32
    scf.for %scan3A_82 = %scan3A_7 to %scan3A_9 step %scan3A_10  : i32 {
      %mul3A_83 = arith.constant 128 : i32
      %mul3A_84 = arith.muli %scan3A_82, %mul3A_83 : i32
      %add3A_85 = arith.addi %mul3A_0, %mul3A_84 : i32
      "tpu.region"() ({
        %run_scoped3A = tpu.sem_alloc : memref<!tpu.dma_semaphore, #tpu.memory_space<semaphore_mem>>
        %dma_start3A = arith.constant 0 : i32
        %dma_start3A_86 = tpu.memref_slice %arg12[%add3A_85, %dma_start3A] : memref<10240x128xf32, #tpu.memory_space<vmem_shared>> -> memref<128x128xf32, #tpu.memory_space<vmem_shared>>
        %dma_start3A_87 = arith.constant 0 : i32
        %dma_start3A_88 = tpu.memref_slice %arg12[%add3A_85, %dma_start3A_87] : memref<10240x128xf32, #tpu.memory_space<vmem_shared>> -> memref<128x128xf32, #tpu.memory_space<vmem_shared>>
        tpu.enqueue_dma source(%arg9 : memref<128x128xf32, #tpu.memory_space<vmem>>) target(%dma_start3A_88 : memref<128x128xf32, #tpu.memory_space<vmem_shared>>) target_semaphore(%run_scoped3A : memref<!tpu.dma_semaphore, #tpu.memory_space<semaphore_mem>>)
        %dma_wait3A = arith.constant 0 : i32
        %dma_wait3A_89 = tpu.memref_slice %arg12[%add3A_85, %dma_wait3A] : memref<10240x128xf32, #tpu.memory_space<vmem_shared>> -> memref<128x128xf32, #tpu.memory_space<vmem_shared>>
        %dma_wait3A_90 = arith.constant 0 : i32
        %dma_wait3A_91 = tpu.memref_slice %arg12[%add3A_85, %dma_wait3A_90] : memref<10240x128xf32, #tpu.memory_space<vmem_shared>> -> memref<128x128xf32, #tpu.memory_space<vmem_shared>>
        tpu.wait_dma2 semaphore(%run_scoped3A : memref<!tpu.dma_semaphore, #tpu.memory_space<semaphore_mem>>) src(%arg9 : memref<128x128xf32, #tpu.memory_space<vmem>>) dst(%dma_wait3A_91 : memref<128x128xf32, #tpu.memory_space<vmem_shared>>)
        tpu.yield
      }) : () -> ()
    }
    %scan3A_11 = arith.constant 5 : i32
    "tpu.region"() ({
      %run_scoped3A = tpu.sem_alloc : memref<!tpu.dma_semaphore, #tpu.memory_space<semaphore_mem>>
      %dma_start3A = arith.constant 0 : i32
      %dma_start3A_82 = tpu.memref_slice %arg5[%arg0, %arg1, %dma_start3A] : memref<2x16x16xi32, #tpu.memory_space<hbm>> -> memref<1x1x16xi32, #tpu.memory_space<hbm>>
      %dma_start3A_83 = tpu.memref_squeeze %dma_start3A_82 : memref<1x1x16xi32, #tpu.memory_space<hbm>> -> memref<16xi32, #tpu.memory_space<hbm>>
      %dma_start3A_84 = arith.constant 0 : i32
      %dma_start3A_85 = tpu.memref_slice %arg5[%arg0, %arg1, %dma_start3A_84] : memref<2x16x16xi32, #tpu.memory_space<hbm>> -> memref<1x1x16xi32, #tpu.memory_space<hbm>>
      %dma_start3A_86 = tpu.memref_squeeze %dma_start3A_85 : memref<1x1x16xi32, #tpu.memory_space<hbm>> -> memref<16xi32, #tpu.memory_space<hbm>>
      tpu.enqueue_dma source(%dma_start3A_86 : memref<16xi32, #tpu.memory_space<hbm>>) target(%arg11 : memref<16xi32, #tpu.memory_space<vmem>>) target_semaphore(%run_scoped3A : memref<!tpu.dma_semaphore, #tpu.memory_space<semaphore_mem>>)
      %dma_wait3A = arith.constant 0 : i32
      %dma_wait3A_87 = tpu.memref_slice %arg5[%arg0, %arg1, %dma_wait3A] : memref<2x16x16xi32, #tpu.memory_space<hbm>> -> memref<1x1x16xi32, #tpu.memory_space<hbm>>
      %dma_wait3A_88 = tpu.memref_squeeze %dma_wait3A_87 : memref<1x1x16xi32, #tpu.memory_space<hbm>> -> memref<16xi32, #tpu.memory_space<hbm>>
      %dma_wait3A_89 = arith.constant 0 : i32
      %dma_wait3A_90 = tpu.memref_slice %arg5[%arg0, %arg1, %dma_wait3A_89] : memref<2x16x16xi32, #tpu.memory_space<hbm>> -> memref<1x1x16xi32, #tpu.memory_space<hbm>>
      %dma_wait3A_91 = tpu.memref_squeeze %dma_wait3A_90 : memref<1x1x16xi32, #tpu.memory_space<hbm>> -> memref<16xi32, #tpu.memory_space<hbm>>
      tpu.wait_dma2 semaphore(%run_scoped3A : memref<!tpu.dma_semaphore, #tpu.memory_space<semaphore_mem>>) src(%dma_wait3A_91 : memref<16xi32, #tpu.memory_space<hbm>>) dst(%arg11 : memref<16xi32, #tpu.memory_space<vmem>>)
      tpu.yield
    }) : () -> ()
    %get3A = arith.constant 0 : index
    %get3A_12 = tpu.vector_load %arg11[%get3A] {strides = array<i32>} : memref<16xi32, #tpu.memory_space<vmem>>, vector<16xi32>,
    %reduce_max3A = arith.constant true
    %reduce_max3A_13 = vector.broadcast %reduce_max3A : i1 to vector<16xi1>
    %reduce_max3A_14 = arith.constant -2147483648 : i32
    %reduce_max3A_15 = vector.broadcast %reduce_max3A_14 : i32 to vector<16xi32>
    %reduce_max3A_16 = arith.xori %get3A_12, %reduce_max3A_15 : vector<16xi32>
    %reduce_max3A_17 = tpu.scan <max>, %reduce_max3A_16 masked %reduce_max3A_13 : vector<16xi32>, vector<16xi1> -> vector<16xi32>
    %reduce_max3A_18 = arith.xori %reduce_max3A_17, %reduce_max3A_15 : vector<16xi32>
    %reduce_max3A_19 = vector.extract %reduce_max3A_18[15] : i32 from vector<16xi32>
    %jit3A = arith.constant 2048 : i32
    %div3A = arith.divsi %reduce_max3A_19, %jit3A : i32
    %sign3A = arith.constant 0 : i32
    %sign3A_20 = arith.cmpi sgt, %reduce_max3A_19, %sign3A : i32
    %sign3A_21 = arith.extui %sign3A_20 : i1 to i32
    %sign3A_22 = arith.constant 0 : i32
    %sign3A_23 = arith.cmpi slt, %reduce_max3A_19, %sign3A_22 : i32
    %sign3A_24 = arith.extui %sign3A_23 : i1 to i32
    %sign3A_25 = arith.subi %sign3A_21, %sign3A_24 : i32
    %sign3A_26 = arith.constant 0 : i32
    %sign3A_27 = arith.cmpi sgt, %jit3A, %sign3A_26 : i32
    %sign3A_28 = arith.extui %sign3A_27 : i1 to i32
    %sign3A_29 = arith.constant 0 : i32
    %sign3A_30 = arith.cmpi slt, %jit3A, %sign3A_29 : i32
    %sign3A_31 = arith.extui %sign3A_30 : i1 to i32
    %sign3A_32 = arith.subi %sign3A_28, %sign3A_31 : i32
    %ne3A = arith.cmpi ne, %sign3A_25, %sign3A_32 : i32
    %rem3A = arith.remsi %reduce_max3A_19, %jit3A : i32
    %ne3A_33 = arith.constant 0 : i32
    %ne3A_34 = arith.cmpi ne, %rem3A, %ne3A_33 : i32
    %and3A = arith.andi %ne3A, %ne3A_34 : i1
    %sub3A = arith.constant 1 : i32
    %sub3A_35 = arith.subi %div3A, %sub3A : i32
    %select_n3A = arith.select %and3A, %sub3A_35, %div3A : i32
    %mul3A_36 = arith.constant 2048 : i32
    %mul3A_37 = arith.muli %select_n3A, %mul3A_36 : i32
    %sub3A_38 = arith.subi %reduce_max3A_19, %mul3A_37 : i32
    %add3A = arith.constant 127 : i32
    %add3A_39 = arith.addi %sub3A_38, %add3A : i32
    %jit3A_40 = arith.constant 128 : i32
    %div3A_41 = arith.divsi %add3A_39, %jit3A_40 : i32
    %sign3A_42 = arith.constant 0 : i32
    %sign3A_43 = arith.cmpi sgt, %add3A_39, %sign3A_42 : i32
    %sign3A_44 = arith.extui %sign3A_43 : i1 to i32
    %sign3A_45 = arith.constant 0 : i32
    %sign3A_46 = arith.cmpi slt, %add3A_39, %sign3A_45 : i32
    %sign3A_47 = arith.extui %sign3A_46 : i1 to i32
    %sign3A_48 = arith.subi %sign3A_44, %sign3A_47 : i32
    %sign3A_49 = arith.constant 0 : i32
    %sign3A_50 = arith.cmpi sgt, %jit3A_40, %sign3A_49 : i32
    %sign3A_51 = arith.extui %sign3A_50 : i1 to i32
    %sign3A_52 = arith.constant 0 : i32
    %sign3A_53 = arith.cmpi slt, %jit3A_40, %sign3A_52 : i32
    %sign3A_54 = arith.extui %sign3A_53 : i1 to i32
    %sign3A_55 = arith.subi %sign3A_51, %sign3A_54 : i32
    %ne3A_56 = arith.cmpi ne, %sign3A_48, %sign3A_55 : i32
    %rem3A_57 = arith.remsi %add3A_39, %jit3A_40 : i32
    %ne3A_58 = arith.constant 0 : i32
    %ne3A_59 = arith.cmpi ne, %rem3A_57, %ne3A_58 : i32
    %and3A_60 = arith.andi %ne3A_56, %ne3A_59 : i1
    %sub3A_61 = arith.constant 1 : i32
    %sub3A_62 = arith.subi %div3A_41, %sub3A_61 : i32
    %select_n3A_63 = arith.select %and3A_60, %sub3A_62, %div3A_41 : i32
    %barrier3A = arith.constant 0 : index
    tpu.barrier barrier_id(%barrier3A)
    %while3A = arith.constant 0 : i32
    %while3A_64 = arith.constant 0 : i32
    %while3A_65 = arith.subi %select_n3A, %while3A_64 : i32
    %while3A_66 = arith.addi %while3A_64, %while3A_65 : i32
    %while3A_67 = arith.constant 1 : i32
    %while3A_68 = arith.divsi %while3A_65, %while3A_67 : i32
    %while3A_69 = arith.muli %while3A_68, %while3A_67 : i32
    %while3A_70 = arith.addi %while3A_64, %while3A_69 : i32
    %while3A_71 = arith.constant 1 : i32
    scf.for %while3A_82 = %while3A_64 to %while3A_70 step %while3A_71  : i32 {
      %mul3A_83 = arith.constant 16 : i32
      %mul3A_84 = arith.muli %while3A_82, %mul3A_83 : i32
      "tpu.region"() ({
        %run_scoped3A = tpu.sem_alloc : memref<!tpu.dma_semaphore, #tpu.memory_space<semaphore_mem>>
        %dma_start3A_105 = arith.constant 0 : i32
        %dma_start3A_106 = tpu.memref_slice %arg3[%arg0, %arg1, %mul3A_84, %dma_start3A_105] : memref<2x16x160x128xi32, #tpu.memory_space<hbm>> -> memref<1x1x16x128xi32, #tpu.memory_space<hbm>>
        %dma_start3A_107 = tpu.memref_squeeze %dma_start3A_106 : memref<1x1x16x128xi32, #tpu.memory_space<hbm>> -> memref<16x128xi32, #tpu.memory_space<hbm>>
        %dma_start3A_108 = arith.constant 0 : i32
        %dma_start3A_109 = tpu.memref_slice %arg3[%arg0, %arg1, %mul3A_84, %dma_start3A_108] : memref<2x16x160x128xi32, #tpu.memory_space<hbm>> -> memref<1x1x16x128xi32, #tpu.memory_space<hbm>>
        %dma_start3A_110 = tpu.memref_squeeze %dma_start3A_109 : memref<1x1x16x128xi32, #tpu.memory_space<hbm>> -> memref<16x128xi32, #tpu.memory_space<hbm>>
        tpu.enqueue_dma source(%dma_start3A_110 : memref<16x128xi32, #tpu.memory_space<hbm>>) target(%arg7 : memref<16x128xi32, #tpu.memory_space<vmem>>) target_semaphore(%run_scoped3A : memref<!tpu.dma_semaphore, #tpu.memory_space<semaphore_mem>>)
        %dma_wait3A_111 = arith.constant 0 : i32
        %dma_wait3A_112 = tpu.memref_slice %arg3[%arg0, %arg1, %mul3A_84, %dma_wait3A_111] : memref<2x16x160x128xi32, #tpu.memory_space<hbm>> -> memref<1x1x16x128xi32, #tpu.memory_space<hbm>>
        %dma_wait3A_113 = tpu.memref_squeeze %dma_wait3A_112 : memref<1x1x16x128xi32, #tpu.memory_space<hbm>> -> memref<16x128xi32, #tpu.memory_space<hbm>>
        %dma_wait3A_114 = arith.constant 0 : i32
        %dma_wait3A_115 = tpu.memref_slice %arg3[%arg0, %arg1, %mul3A_84, %dma_wait3A_114] : memref<2x16x160x128xi32, #tpu.memory_space<hbm>> -> memref<1x1x16x128xi32, #tpu.memory_space<hbm>>
        %dma_wait3A_116 = tpu.memref_squeeze %dma_wait3A_115 : memref<1x1x16x128xi32, #tpu.memory_space<hbm>> -> memref<16x128xi32, #tpu.memory_space<hbm>>
        tpu.wait_dma2 semaphore(%run_scoped3A : memref<!tpu.dma_semaphore, #tpu.memory_space<semaphore_mem>>) src(%dma_wait3A_116 : memref<16x128xi32, #tpu.memory_space<hbm>>) dst(%arg7 : memref<16x128xi32, #tpu.memory_space<vmem>>)
        tpu.yield
      }) : () -> ()
      %mul3A_85 = arith.constant 16 : i32
      %mul3A_86 = arith.muli %while3A_82, %mul3A_85 : i32
      "tpu.region"() ({
        %run_scoped3A = tpu.sem_alloc : memref<!tpu.dma_semaphore, #tpu.memory_space<semaphore_mem>>
        %dma_start3A_105 = arith.constant 0 : i32
        %dma_start3A_106 = tpu.memref_slice %arg4[%arg0, %arg1, %mul3A_86, %dma_start3A_105] : memref<2x16x160x128xi32, #tpu.memory_space<hbm>> -> memref<1x1x16x128xi32, #tpu.memory_space<hbm>>
        %dma_start3A_107 = tpu.memref_squeeze %dma_start3A_106 : memref<1x1x16x128xi32, #tpu.memory_space<hbm>> -> memref<16x128xi32, #tpu.memory_space<hbm>>
        %dma_start3A_108 = arith.constant 0 : i32
        %dma_start3A_109 = tpu.memref_slice %arg4[%arg0, %arg1, %mul3A_86, %dma_start3A_108] : memref<2x16x160x128xi32, #tpu.memory_space<hbm>> -> memref<1x1x16x128xi32, #tpu.memory_space<hbm>>
        %dma_start3A_110 = tpu.memref_squeeze %dma_start3A_109 : memref<1x1x16x128xi32, #tpu.memory_space<hbm>> -> memref<16x128xi32, #tpu.memory_space<hbm>>
        tpu.enqueue_dma source(%dma_start3A_110 : memref<16x128xi32, #tpu.memory_space<hbm>>) target(%arg8 : memref<16x128xi32, #tpu.memory_space<vmem>>) target_semaphore(%run_scoped3A : memref<!tpu.dma_semaphore, #tpu.memory_space<semaphore_mem>>)
        %dma_wait3A_111 = arith.constant 0 : i32
        %dma_wait3A_112 = tpu.memref_slice %arg4[%arg0, %arg1, %mul3A_86, %dma_wait3A_111] : memref<2x16x160x128xi32, #tpu.memory_space<hbm>> -> memref<1x1x16x128xi32, #tpu.memory_space<hbm>>
        %dma_wait3A_113 = tpu.memref_squeeze %dma_wait3A_112 : memref<1x1x16x128xi32, #tpu.memory_space<hbm>> -> memref<16x128xi32, #tpu.memory_space<hbm>>
        %dma_wait3A_114 = arith.constant 0 : i32
        %dma_wait3A_115 = tpu.memref_slice %arg4[%arg0, %arg1, %mul3A_86, %dma_wait3A_114] : memref<2x16x160x128xi32, #tpu.memory_space<hbm>> -> memref<1x1x16x128xi32, #tpu.memory_space<hbm>>
        %dma_wait3A_116 = tpu.memref_squeeze %dma_wait3A_115 : memref<1x1x16x128xi32, #tpu.memory_space<hbm>> -> memref<16x128xi32, #tpu.memory_space<hbm>>
        tpu.wait_dma2 semaphore(%run_scoped3A : memref<!tpu.dma_semaphore, #tpu.memory_space<semaphore_mem>>) src(%dma_wait3A_116 : memref<16x128xi32, #tpu.memory_space<hbm>>) dst(%arg8 : memref<16x128xi32, #tpu.memory_space<vmem>>)
        tpu.yield
      }) : () -> ()
      %dma_start3A = arith.constant 0 : i32
      %dma_start3A_87 = arith.constant 0 : i32
      %dma_start3A_88 = tpu.memref_slice %arg7[%dma_start3A, %dma_start3A_87] : memref<16x128xi32, #tpu.memory_space<vmem>> -> memref<1x128xi32, #tpu.memory_space<vmem>>
      %dma_start3A_89 = tpu.memref_squeeze %dma_start3A_88 : memref<1x128xi32, #tpu.memory_space<vmem>> -> memref<128xi32, #tpu.memory_space<vmem>>
      %dma_start3A_90 = arith.constant 0 : i32
      %dma_start3A_91 = arith.constant 0 : i32
      %dma_start3A_92 = tpu.memref_slice %arg2[%dma_start3A_90, %dma_start3A_91] : memref<30720x128xf32, #tpu.memory_space<hbm>> -> memref<30720x128xf32, #tpu.memory_space<hbm>>
      tpu.enqueue_indirect_dma source(%dma_start3A_92 : memref<30720x128xf32, #tpu.memory_space<hbm>>) target(%arg9 : memref<128x128xf32, #tpu.memory_space<vmem>>) offsets(%dma_start3A_89 : memref<128xi32, #tpu.memory_space<vmem>>) semaphore(%arg13 : memref<!tpu.dma_semaphore, #tpu.memory_space<semaphore_mem>>)
      %scan3A_93 = arith.constant 0 : i32
      %scan3A_94 = arith.constant 0 : i32
      %scan3A_95 = arith.constant 8 : i32
      %scan3A_96 = arith.addi %scan3A_94, %scan3A_95 : i32
      %scan3A_97 = arith.constant 1 : i32
      scf.for %scan3A_105 = %scan3A_94 to %scan3A_96 step %scan3A_97  : i32 {
        %mul3A_106 = arith.constant 2 : i32
        %mul3A_107 = arith.muli %scan3A_105, %mul3A_106 : i32
        %add3A_108 = arith.constant 0 : i32
        %add3A_109 = arith.addi %mul3A_107, %add3A_108 : i32
        %dma_wait3A_110 = arith.constant 0 : i32
        %dma_wait3A_111 = tpu.memref_slice %arg7[%add3A_109, %dma_wait3A_110] : memref<16x128xi32, #tpu.memory_space<vmem>> -> memref<1x128xi32, #tpu.memory_space<vmem>>
        %dma_wait3A_112 = tpu.memref_squeeze %dma_wait3A_111 : memref<1x128xi32, #tpu.memory_space<vmem>> -> memref<128xi32, #tpu.memory_space<vmem>>
        %dma_wait3A_113 = arith.constant 0 : i32
        %dma_wait3A_114 = arith.constant 0 : i32
        %dma_wait3A_115 = tpu.memref_slice %arg2[%dma_wait3A_113, %dma_wait3A_114] : memref<30720x128xf32, #tpu.memory_space<hbm>> -> memref<30720x128xf32, #tpu.memory_space<hbm>>
        tpu.wait_indirect_dma semaphore(%arg13 : memref<!tpu.dma_semaphore, #tpu.memory_space<semaphore_mem>>) src(%dma_wait3A_115 : memref<30720x128xf32, #tpu.memory_space<hbm>>) dst(%arg9 : memref<128x128xf32, #tpu.memory_space<vmem>>)
        %add3A_116 = arith.constant 1 : i32
        %add3A_117 = arith.addi %add3A_109, %add3A_116 : i32
        %min3A = arith.constant 15 : i32
        %min3A_118 = arith.minsi %add3A_117, %min3A : i32
        %dma_start3A_119 = arith.constant 0 : i32
        %dma_start3A_120 = tpu.memref_slice %arg7[%min3A_118, %dma_start3A_119] : memref<16x128xi32, #tpu.memory_space<vmem>> -> memref<1x128xi32, #tpu.memory_space<vmem>>
        %dma_start3A_121 = tpu.memref_squeeze %dma_start3A_120 : memref<1x128xi32, #tpu.memory_space<vmem>> -> memref<128xi32, #tpu.memory_space<vmem>>
        %dma_start3A_122 = arith.constant 0 : i32
        %dma_start3A_123 = arith.constant 0 : i32
        %dma_start3A_124 = tpu.memref_slice %arg2[%dma_start3A_122, %dma_start3A_123] : memref<30720x128xf32, #tpu.memory_space<hbm>> -> memref<30720x128xf32, #tpu.memory_space<hbm>>
        tpu.enqueue_indirect_dma source(%dma_start3A_124 : memref<30720x128xf32, #tpu.memory_space<hbm>>) target(%arg10 : memref<128x128xf32, #tpu.memory_space<vmem>>) offsets(%dma_start3A_121 : memref<128xi32, #tpu.memory_space<vmem>>) semaphore(%arg13 : memref<!tpu.dma_semaphore, #tpu.memory_space<semaphore_mem>>)
        "tpu.region"() ({
          %run_scoped3A = tpu.sem_alloc : memref<!tpu.dma_semaphore, #tpu.memory_space<semaphore_mem>>
          %dma_start3A_145 = arith.constant 0 : i32
          %dma_start3A_146 = tpu.memref_slice %arg8[%add3A_109, %dma_start3A_145] : memref<16x128xi32, #tpu.memory_space<vmem>> -> memref<1x128xi32, #tpu.memory_space<vmem>>
          %dma_start3A_147 = tpu.memref_squeeze %dma_start3A_146 : memref<1x128xi32, #tpu.memory_space<vmem>> -> memref<128xi32, #tpu.memory_space<vmem>>
          %dma_start3A_148 = arith.constant 0 : i32
          %dma_start3A_149 = arith.constant 0 : i32
          %dma_start3A_150 = tpu.memref_slice %arg12[%dma_start3A_148, %dma_start3A_149] : memref<10240x128xf32, #tpu.memory_space<vmem_shared>> -> memref<10240x128xf32, #tpu.memory_space<vmem_shared>>
          tpu.enqueue_indirect_dma source(%arg9 : memref<128x128xf32, #tpu.memory_space<vmem>>) target(%dma_start3A_150 : memref<10240x128xf32, #tpu.memory_space<vmem_shared>>) offsets(%dma_start3A_147 : memref<128xi32, #tpu.memory_space<vmem>>) semaphore(%run_scoped3A : memref<!tpu.dma_semaphore, #tpu.memory_space<semaphore_mem>>) {add = true}
          %dma_wait3A_151 = arith.constant 0 : i32
          %dma_wait3A_152 = tpu.memref_slice %arg8[%add3A_109, %dma_wait3A_151] : memref<16x128xi32, #tpu.memory_space<vmem>> -> memref<1x128xi32, #tpu.memory_space<vmem>>
          %dma_wait3A_153 = tpu.memref_squeeze %dma_wait3A_152 : memref<1x128xi32, #tpu.memory_space<vmem>> -> memref<128xi32, #tpu.memory_space<vmem>>
          %dma_wait3A_154 = arith.constant 0 : i32
          %dma_wait3A_155 = arith.constant 0 : i32
          %dma_wait3A_156 = tpu.memref_slice %arg12[%dma_wait3A_154, %dma_wait3A_155] : memref<10240x128xf32, #tpu.memory_space<vmem_shared>> -> memref<10240x128xf32, #tpu.memory_space<vmem_shared>>
          tpu.wait_indirect_dma semaphore(%run_scoped3A : memref<!tpu.dma_semaphore, #tpu.memory_space<semaphore_mem>>) src(%arg9 : memref<128x128xf32, #tpu.memory_space<vmem>>) dst(%dma_wait3A_156 : memref<10240x128xf32, #tpu.memory_space<vmem_shared>>)
          tpu.yield
        }) : () -> ()
        %mul3A_125 = arith.constant 2 : i32
        %mul3A_126 = arith.muli %scan3A_105, %mul3A_125 : i32
        %add3A_127 = arith.constant 1 : i32
        %add3A_128 = arith.addi %mul3A_126, %add3A_127 : i32
        %dma_wait3A_129 = arith.constant 0 : i32
        %dma_wait3A_130 = tpu.memref_slice %arg7[%add3A_128, %dma_wait3A_129] : memref<16x128xi32, #tpu.memory_space<vmem>> -> memref<1x128xi32, #tpu.memory_space<vmem>>
        %dma_wait3A_131 = tpu.memref_squeeze %dma_wait3A_130 : memref<1x128xi32, #tpu.memory_space<vmem>> -> memref<128xi32, #tpu.memory_space<vmem>>
        %dma_wait3A_132 = arith.constant 0 : i32
        %dma_wait3A_133 = arith.constant 0 : i32
        %dma_wait3A_134 = tpu.memref_slice %arg2[%dma_wait3A_132, %dma_wait3A_133] : memref<30720x128xf32, #tpu.memory_space<hbm>> -> memref<30720x128xf32, #tpu.memory_space<hbm>>
        tpu.wait_indirect_dma semaphore(%arg13 : memref<!tpu.dma_semaphore, #tpu.memory_space<semaphore_mem>>) src(%dma_wait3A_134 : memref<30720x128xf32, #tpu.memory_space<hbm>>) dst(%arg10 : memref<128x128xf32, #tpu.memory_space<vmem>>)
        %add3A_135 = arith.constant 1 : i32
        %add3A_136 = arith.addi %add3A_128, %add3A_135 : i32
        %min3A_137 = arith.constant 15 : i32
        %min3A_138 = arith.minsi %add3A_136, %min3A_137 : i32
        %dma_start3A_139 = arith.constant 0 : i32
        %dma_start3A_140 = tpu.memref_slice %arg7[%min3A_138, %dma_start3A_139] : memref<16x128xi32, #tpu.memory_space<vmem>> -> memref<1x128xi32, #tpu.memory_space<vmem>>
        %dma_start3A_141 = tpu.memref_squeeze %dma_start3A_140 : memref<1x128xi32, #tpu.memory_space<vmem>> -> memref<128xi32, #tpu.memory_space<vmem>>
        %dma_start3A_142 = arith.constant 0 : i32
        %dma_start3A_143 = arith.constant 0 : i32
        %dma_start3A_144 = tpu.memref_slice %arg2[%dma_start3A_142, %dma_start3A_143] : memref<30720x128xf32, #tpu.memory_space<hbm>> -> memref<30720x128xf32, #tpu.memory_space<hbm>>
        tpu.enqueue_indirect_dma source(%dma_start3A_144 : memref<30720x128xf32, #tpu.memory_space<hbm>>) target(%arg9 : memref<128x128xf32, #tpu.memory_space<vmem>>) offsets(%dma_start3A_141 : memref<128xi32, #tpu.memory_space<vmem>>) semaphore(%arg13 : memref<!tpu.dma_semaphore, #tpu.memory_space<semaphore_mem>>)
        "tpu.region"() ({
          %run_scoped3A = tpu.sem_alloc : memref<!tpu.dma_semaphore, #tpu.memory_space<semaphore_mem>>
          %dma_start3A_145 = arith.constant 0 : i32
          %dma_start3A_146 = tpu.memref_slice %arg8[%add3A_128, %dma_start3A_145] : memref<16x128xi32, #tpu.memory_space<vmem>> -> memref<1x128xi32, #tpu.memory_space<vmem>>
          %dma_start3A_147 = tpu.memref_squeeze %dma_start3A_146 : memref<1x128xi32, #tpu.memory_space<vmem>> -> memref<128xi32, #tpu.memory_space<vmem>>
          %dma_start3A_148 = arith.constant 0 : i32
          %dma_start3A_149 = arith.constant 0 : i32
          %dma_start3A_150 = tpu.memref_slice %arg12[%dma_start3A_148, %dma_start3A_149] : memref<10240x128xf32, #tpu.memory_space<vmem_shared>> -> memref<10240x128xf32, #tpu.memory_space<vmem_shared>>
          tpu.enqueue_indirect_dma source(%arg10 : memref<128x128xf32, #tpu.memory_space<vmem>>) target(%dma_start3A_150 : memref<10240x128xf32, #tpu.memory_space<vmem_shared>>) offsets(%dma_start3A_147 : memref<128xi32, #tpu.memory_space<vmem>>) semaphore(%run_scoped3A : memref<!tpu.dma_semaphore, #tpu.memory_space<semaphore_mem>>) {add = true}
          %dma_wait3A_151 = arith.constant 0 : i32
          %dma_wait3A_152 = tpu.memref_slice %arg8[%add3A_128, %dma_wait3A_151] : memref<16x128xi32, #tpu.memory_space<vmem>> -> memref<1x128xi32, #tpu.memory_space<vmem>>
          %dma_wait3A_153 = tpu.memref_squeeze %dma_wait3A_152 : memref<1x128xi32, #tpu.memory_space<vmem>> -> memref<128xi32, #tpu.memory_space<vmem>>
          %dma_wait3A_154 = arith.constant 0 : i32
          %dma_wait3A_155 = arith.constant 0 : i32
          %dma_wait3A_156 = tpu.memref_slice %arg12[%dma_wait3A_154, %dma_wait3A_155] : memref<10240x128xf32, #tpu.memory_space<vmem_shared>> -> memref<10240x128xf32, #tpu.memory_space<vmem_shared>>
          tpu.wait_indirect_dma semaphore(%run_scoped3A : memref<!tpu.dma_semaphore, #tpu.memory_space<semaphore_mem>>) src(%arg10 : memref<128x128xf32, #tpu.memory_space<vmem>>) dst(%dma_wait3A_156 : memref<10240x128xf32, #tpu.memory_space<vmem_shared>>)
          tpu.yield
        }) : () -> ()
      }
      %scan3A_98 = arith.constant 8 : i32
      %dma_wait3A = arith.constant 0 : i32
      %dma_wait3A_99 = arith.constant 0 : i32
      %dma_wait3A_100 = tpu.memref_slice %arg7[%dma_wait3A, %dma_wait3A_99] : memref<16x128xi32, #tpu.memory_space<vmem>> -> memref<1x128xi32, #tpu.memory_space<vmem>>
      %dma_wait3A_101 = tpu.memref_squeeze %dma_wait3A_100 : memref<1x128xi32, #tpu.memory_space<vmem>> -> memref<128xi32, #tpu.memory_space<vmem>>
      %dma_wait3A_102 = arith.constant 0 : i32
      %dma_wait3A_103 = arith.constant 0 : i32
      %dma_wait3A_104 = tpu.memref_slice %arg2[%dma_wait3A_102, %dma_wait3A_103] : memref<30720x128xf32, #tpu.memory_space<hbm>> -> memref<30720x128xf32, #tpu.memory_space<hbm>>
      tpu.wait_indirect_dma semaphore(%arg13 : memref<!tpu.dma_semaphore, #tpu.memory_space<semaphore_mem>>) src(%dma_wait3A_104 : memref<30720x128xf32, #tpu.memory_space<hbm>>) dst(%arg9 : memref<128x128xf32, #tpu.memory_space<vmem>>)
    }
    %while3A_72 = arith.constant 1 : i32
    scf.for %while3A_82 = %while3A_70 to %while3A_66 step %while3A_72  : i32 {
      %mul3A_83 = arith.constant 16 : i32
      %mul3A_84 = arith.muli %while3A_82, %mul3A_83 : i32
      "tpu.region"() ({
        %run_scoped3A = tpu.sem_alloc : memref<!tpu.dma_semaphore, #tpu.memory_space<semaphore_mem>>
        %dma_start3A_105 = arith.constant 0 : i32
        %dma_start3A_106 = tpu.memref_slice %arg3[%arg0, %arg1, %mul3A_84, %dma_start3A_105] : memref<2x16x160x128xi32, #tpu.memory_space<hbm>> -> memref<1x1x16x128xi32, #tpu.memory_space<hbm>>
        %dma_start3A_107 = tpu.memref_squeeze %dma_start3A_106 : memref<1x1x16x128xi32, #tpu.memory_space<hbm>> -> memref<16x128xi32, #tpu.memory_space<hbm>>
        %dma_start3A_108 = arith.constant 0 : i32
        %dma_start3A_109 = tpu.memref_slice %arg3[%arg0, %arg1, %mul3A_84, %dma_start3A_108] : memref<2x16x160x128xi32, #tpu.memory_space<hbm>> -> memref<1x1x16x128xi32, #tpu.memory_space<hbm>>
        %dma_start3A_110 = tpu.memref_squeeze %dma_start3A_109 : memref<1x1x16x128xi32, #tpu.memory_space<hbm>> -> memref<16x128xi32, #tpu.memory_space<hbm>>
        tpu.enqueue_dma source(%dma_start3A_110 : memref<16x128xi32, #tpu.memory_space<hbm>>) target(%arg7 : memref<16x128xi32, #tpu.memory_space<vmem>>) target_semaphore(%run_scoped3A : memref<!tpu.dma_semaphore, #tpu.memory_space<semaphore_mem>>)
        %dma_wait3A_111 = arith.constant 0 : i32
        %dma_wait3A_112 = tpu.memref_slice %arg3[%arg0, %arg1, %mul3A_84, %dma_wait3A_111] : memref<2x16x160x128xi32, #tpu.memory_space<hbm>> -> memref<1x1x16x128xi32, #tpu.memory_space<hbm>>
        %dma_wait3A_113 = tpu.memref_squeeze %dma_wait3A_112 : memref<1x1x16x128xi32, #tpu.memory_space<hbm>> -> memref<16x128xi32, #tpu.memory_space<hbm>>
        %dma_wait3A_114 = arith.constant 0 : i32
        %dma_wait3A_115 = tpu.memref_slice %arg3[%arg0, %arg1, %mul3A_84, %dma_wait3A_114] : memref<2x16x160x128xi32, #tpu.memory_space<hbm>> -> memref<1x1x16x128xi32, #tpu.memory_space<hbm>>
        %dma_wait3A_116 = tpu.memref_squeeze %dma_wait3A_115 : memref<1x1x16x128xi32, #tpu.memory_space<hbm>> -> memref<16x128xi32, #tpu.memory_space<hbm>>
        tpu.wait_dma2 semaphore(%run_scoped3A : memref<!tpu.dma_semaphore, #tpu.memory_space<semaphore_mem>>) src(%dma_wait3A_116 : memref<16x128xi32, #tpu.memory_space<hbm>>) dst(%arg7 : memref<16x128xi32, #tpu.memory_space<vmem>>)
        tpu.yield
      }) : () -> ()
      %mul3A_85 = arith.constant 16 : i32
      %mul3A_86 = arith.muli %while3A_82, %mul3A_85 : i32
      "tpu.region"() ({
        %run_scoped3A = tpu.sem_alloc : memref<!tpu.dma_semaphore, #tpu.memory_space<semaphore_mem>>
        %dma_start3A_105 = arith.constant 0 : i32
        %dma_start3A_106 = tpu.memref_slice %arg4[%arg0, %arg1, %mul3A_86, %dma_start3A_105] : memref<2x16x160x128xi32, #tpu.memory_space<hbm>> -> memref<1x1x16x128xi32, #tpu.memory_space<hbm>>
        %dma_start3A_107 = tpu.memref_squeeze %dma_start3A_106 : memref<1x1x16x128xi32, #tpu.memory_space<hbm>> -> memref<16x128xi32, #tpu.memory_space<hbm>>
        %dma_start3A_108 = arith.constant 0 : i32
        %dma_start3A_109 = tpu.memref_slice %arg4[%arg0, %arg1, %mul3A_86, %dma_start3A_108] : memref<2x16x160x128xi32, #tpu.memory_space<hbm>> -> memref<1x1x16x128xi32, #tpu.memory_space<hbm>>
        %dma_start3A_110 = tpu.memref_squeeze %dma_start3A_109 : memref<1x1x16x128xi32, #tpu.memory_space<hbm>> -> memref<16x128xi32, #tpu.memory_space<hbm>>
        tpu.enqueue_dma source(%dma_start3A_110 : memref<16x128xi32, #tpu.memory_space<hbm>>) target(%arg8 : memref<16x128xi32, #tpu.memory_space<vmem>>) target_semaphore(%run_scoped3A : memref<!tpu.dma_semaphore, #tpu.memory_space<semaphore_mem>>)
        %dma_wait3A_111 = arith.constant 0 : i32
        %dma_wait3A_112 = tpu.memref_slice %arg4[%arg0, %arg1, %mul3A_86, %dma_wait3A_111] : memref<2x16x160x128xi32, #tpu.memory_space<hbm>> -> memref<1x1x16x128xi32, #tpu.memory_space<hbm>>
        %dma_wait3A_113 = tpu.memref_squeeze %dma_wait3A_112 : memref<1x1x16x128xi32, #tpu.memory_space<hbm>> -> memref<16x128xi32, #tpu.memory_space<hbm>>
        %dma_wait3A_114 = arith.constant 0 : i32
        %dma_wait3A_115 = tpu.memref_slice %arg4[%arg0, %arg1, %mul3A_86, %dma_wait3A_114] : memref<2x16x160x128xi32, #tpu.memory_space<hbm>> -> memref<1x1x16x128xi32, #tpu.memory_space<hbm>>
        %dma_wait3A_116 = tpu.memref_squeeze %dma_wait3A_115 : memref<1x1x16x128xi32, #tpu.memory_space<hbm>> -> memref<16x128xi32, #tpu.memory_space<hbm>>
        tpu.wait_dma2 semaphore(%run_scoped3A : memref<!tpu.dma_semaphore, #tpu.memory_space<semaphore_mem>>) src(%dma_wait3A_116 : memref<16x128xi32, #tpu.memory_space<hbm>>) dst(%arg8 : memref<16x128xi32, #tpu.memory_space<vmem>>)
        tpu.yield
      }) : () -> ()
      %dma_start3A = arith.constant 0 : i32
      %dma_start3A_87 = arith.constant 0 : i32
      %dma_start3A_88 = tpu.memref_slice %arg7[%dma_start3A, %dma_start3A_87] : memref<16x128xi32, #tpu.memory_space<vmem>> -> memref<1x128xi32, #tpu.memory_space<vmem>>
      %dma_start3A_89 = tpu.memref_squeeze %dma_start3A_88 : memref<1x128xi32, #tpu.memory_space<vmem>> -> memref<128xi32, #tpu.memory_space<vmem>>
      %dma_start3A_90 = arith.constant 0 : i32
      %dma_start3A_91 = arith.constant 0 : i32
      %dma_start3A_92 = tpu.memref_slice %arg2[%dma_start3A_90, %dma_start3A_91] : memref<30720x128xf32, #tpu.memory_space<hbm>> -> memref<30720x128xf32, #tpu.memory_space<hbm>>
      tpu.enqueue_indirect_dma source(%dma_start3A_92 : memref<30720x128xf32, #tpu.memory_space<hbm>>) target(%arg9 : memref<128x128xf32, #tpu.memory_space<vmem>>) offsets(%dma_start3A_89 : memref<128xi32, #tpu.memory_space<vmem>>) semaphore(%arg13 : memref<!tpu.dma_semaphore, #tpu.memory_space<semaphore_mem>>)
      %scan3A_93 = arith.constant 0 : i32
      %scan3A_94 = arith.constant 0 : i32
      %scan3A_95 = arith.constant 8 : i32
      %scan3A_96 = arith.addi %scan3A_94, %scan3A_95 : i32
      %scan3A_97 = arith.constant 1 : i32
      scf.for %scan3A_105 = %scan3A_94 to %scan3A_96 step %scan3A_97  : i32 {
        %mul3A_106 = arith.constant 2 : i32
        %mul3A_107 = arith.muli %scan3A_105, %mul3A_106 : i32
        %add3A_108 = arith.constant 0 : i32
        %add3A_109 = arith.addi %mul3A_107, %add3A_108 : i32
        %dma_wait3A_110 = arith.constant 0 : i32
        %dma_wait3A_111 = tpu.memref_slice %arg7[%add3A_109, %dma_wait3A_110] : memref<16x128xi32, #tpu.memory_space<vmem>> -> memref<1x128xi32, #tpu.memory_space<vmem>>
        %dma_wait3A_112 = tpu.memref_squeeze %dma_wait3A_111 : memref<1x128xi32, #tpu.memory_space<vmem>> -> memref<128xi32, #tpu.memory_space<vmem>>
        %dma_wait3A_113 = arith.constant 0 : i32
        %dma_wait3A_114 = arith.constant 0 : i32
        %dma_wait3A_115 = tpu.memref_slice %arg2[%dma_wait3A_113, %dma_wait3A_114] : memref<30720x128xf32, #tpu.memory_space<hbm>> -> memref<30720x128xf32, #tpu.memory_space<hbm>>
        tpu.wait_indirect_dma semaphore(%arg13 : memref<!tpu.dma_semaphore, #tpu.memory_space<semaphore_mem>>) src(%dma_wait3A_115 : memref<30720x128xf32, #tpu.memory_space<hbm>>) dst(%arg9 : memref<128x128xf32, #tpu.memory_space<vmem>>)
        %add3A_116 = arith.constant 1 : i32
        %add3A_117 = arith.addi %add3A_109, %add3A_116 : i32
        %min3A = arith.constant 15 : i32
        %min3A_118 = arith.minsi %add3A_117, %min3A : i32
        %dma_start3A_119 = arith.constant 0 : i32
        %dma_start3A_120 = tpu.memref_slice %arg7[%min3A_118, %dma_start3A_119] : memref<16x128xi32, #tpu.memory_space<vmem>> -> memref<1x128xi32, #tpu.memory_space<vmem>>
        %dma_start3A_121 = tpu.memref_squeeze %dma_start3A_120 : memref<1x128xi32, #tpu.memory_space<vmem>> -> memref<128xi32, #tpu.memory_space<vmem>>
        %dma_start3A_122 = arith.constant 0 : i32
        %dma_start3A_123 = arith.constant 0 : i32
        %dma_start3A_124 = tpu.memref_slice %arg2[%dma_start3A_122, %dma_start3A_123] : memref<30720x128xf32, #tpu.memory_space<hbm>> -> memref<30720x128xf32, #tpu.memory_space<hbm>>
        tpu.enqueue_indirect_dma source(%dma_start3A_124 : memref<30720x128xf32, #tpu.memory_space<hbm>>) target(%arg10 : memref<128x128xf32, #tpu.memory_space<vmem>>) offsets(%dma_start3A_121 : memref<128xi32, #tpu.memory_space<vmem>>) semaphore(%arg13 : memref<!tpu.dma_semaphore, #tpu.memory_space<semaphore_mem>>)
        "tpu.region"() ({
          %run_scoped3A = tpu.sem_alloc : memref<!tpu.dma_semaphore, #tpu.memory_space<semaphore_mem>>
          %dma_start3A_145 = arith.constant 0 : i32
          %dma_start3A_146 = tpu.memref_slice %arg8[%add3A_109, %dma_start3A_145] : memref<16x128xi32, #tpu.memory_space<vmem>> -> memref<1x128xi32, #tpu.memory_space<vmem>>
          %dma_start3A_147 = tpu.memref_squeeze %dma_start3A_146 : memref<1x128xi32, #tpu.memory_space<vmem>> -> memref<128xi32, #tpu.memory_space<vmem>>
          %dma_start3A_148 = arith.constant 0 : i32
          %dma_start3A_149 = arith.constant 0 : i32
          %dma_start3A_150 = tpu.memref_slice %arg12[%dma_start3A_148, %dma_start3A_149] : memref<10240x128xf32, #tpu.memory_space<vmem_shared>> -> memref<10240x128xf32, #tpu.memory_space<vmem_shared>>
          tpu.enqueue_indirect_dma source(%arg9 : memref<128x128xf32, #tpu.memory_space<vmem>>) target(%dma_start3A_150 : memref<10240x128xf32, #tpu.memory_space<vmem_shared>>) offsets(%dma_start3A_147 : memref<128xi32, #tpu.memory_space<vmem>>) semaphore(%run_scoped3A : memref<!tpu.dma_semaphore, #tpu.memory_space<semaphore_mem>>) {add = true}
          %dma_wait3A_151 = arith.constant 0 : i32
          %dma_wait3A_152 = tpu.memref_slice %arg8[%add3A_109, %dma_wait3A_151] : memref<16x128xi32, #tpu.memory_space<vmem>> -> memref<1x128xi32, #tpu.memory_space<vmem>>
          %dma_wait3A_153 = tpu.memref_squeeze %dma_wait3A_152 : memref<1x128xi32, #tpu.memory_space<vmem>> -> memref<128xi32, #tpu.memory_space<vmem>>
          %dma_wait3A_154 = arith.constant 0 : i32
          %dma_wait3A_155 = arith.constant 0 : i32
          %dma_wait3A_156 = tpu.memref_slice %arg12[%dma_wait3A_154, %dma_wait3A_155] : memref<10240x128xf32, #tpu.memory_space<vmem_shared>> -> memref<10240x128xf32, #tpu.memory_space<vmem_shared>>
          tpu.wait_indirect_dma semaphore(%run_scoped3A : memref<!tpu.dma_semaphore, #tpu.memory_space<semaphore_mem>>) src(%arg9 : memref<128x128xf32, #tpu.memory_space<vmem>>) dst(%dma_wait3A_156 : memref<10240x128xf32, #tpu.memory_space<vmem_shared>>)
          tpu.yield
        }) : () -> ()
        %mul3A_125 = arith.constant 2 : i32
        %mul3A_126 = arith.muli %scan3A_105, %mul3A_125 : i32
        %add3A_127 = arith.constant 1 : i32
        %add3A_128 = arith.addi %mul3A_126, %add3A_127 : i32
        %dma_wait3A_129 = arith.constant 0 : i32
        %dma_wait3A_130 = tpu.memref_slice %arg7[%add3A_128, %dma_wait3A_129] : memref<16x128xi32, #tpu.memory_space<vmem>> -> memref<1x128xi32, #tpu.memory_space<vmem>>
        %dma_wait3A_131 = tpu.memref_squeeze %dma_wait3A_130 : memref<1x128xi32, #tpu.memory_space<vmem>> -> memref<128xi32, #tpu.memory_space<vmem>>
        %dma_wait3A_132 = arith.constant 0 : i32
        %dma_wait3A_133 = arith.constant 0 : i32
        %dma_wait3A_134 = tpu.memref_slice %arg2[%dma_wait3A_132, %dma_wait3A_133] : memref<30720x128xf32, #tpu.memory_space<hbm>> -> memref<30720x128xf32, #tpu.memory_space<hbm>>
        tpu.wait_indirect_dma semaphore(%arg13 : memref<!tpu.dma_semaphore, #tpu.memory_space<semaphore_mem>>) src(%dma_wait3A_134 : memref<30720x128xf32, #tpu.memory_space<hbm>>) dst(%arg10 : memref<128x128xf32, #tpu.memory_space<vmem>>)
        %add3A_135 = arith.constant 1 : i32
        %add3A_136 = arith.addi %add3A_128, %add3A_135 : i32
        %min3A_137 = arith.constant 15 : i32
        %min3A_138 = arith.minsi %add3A_136, %min3A_137 : i32
        %dma_start3A_139 = arith.constant 0 : i32
        %dma_start3A_140 = tpu.memref_slice %arg7[%min3A_138, %dma_start3A_139] : memref<16x128xi32, #tpu.memory_space<vmem>> -> memref<1x128xi32, #tpu.memory_space<vmem>>
        %dma_start3A_141 = tpu.memref_squeeze %dma_start3A_140 : memref<1x128xi32, #tpu.memory_space<vmem>> -> memref<128xi32, #tpu.memory_space<vmem>>
        %dma_start3A_142 = arith.constant 0 : i32
        %dma_start3A_143 = arith.constant 0 : i32
        %dma_start3A_144 = tpu.memref_slice %arg2[%dma_start3A_142, %dma_start3A_143] : memref<30720x128xf32, #tpu.memory_space<hbm>> -> memref<30720x128xf32, #tpu.memory_space<hbm>>
        tpu.enqueue_indirect_dma source(%dma_start3A_144 : memref<30720x128xf32, #tpu.memory_space<hbm>>) target(%arg9 : memref<128x128xf32, #tpu.memory_space<vmem>>) offsets(%dma_start3A_141 : memref<128xi32, #tpu.memory_space<vmem>>) semaphore(%arg13 : memref<!tpu.dma_semaphore, #tpu.memory_space<semaphore_mem>>)
        "tpu.region"() ({
          %run_scoped3A = tpu.sem_alloc : memref<!tpu.dma_semaphore, #tpu.memory_space<semaphore_mem>>
          %dma_start3A_145 = arith.constant 0 : i32
          %dma_start3A_146 = tpu.memref_slice %arg8[%add3A_128, %dma_start3A_145] : memref<16x128xi32, #tpu.memory_space<vmem>> -> memref<1x128xi32, #tpu.memory_space<vmem>>
          %dma_start3A_147 = tpu.memref_squeeze %dma_start3A_146 : memref<1x128xi32, #tpu.memory_space<vmem>> -> memref<128xi32, #tpu.memory_space<vmem>>
          %dma_start3A_148 = arith.constant 0 : i32
          %dma_start3A_149 = arith.constant 0 : i32
          %dma_start3A_150 = tpu.memref_slice %arg12[%dma_start3A_148, %dma_start3A_149] : memref<10240x128xf32, #tpu.memory_space<vmem_shared>> -> memref<10240x128xf32, #tpu.memory_space<vmem_shared>>
          tpu.enqueue_indirect_dma source(%arg10 : memref<128x128xf32, #tpu.memory_space<vmem>>) target(%dma_start3A_150 : memref<10240x128xf32, #tpu.memory_space<vmem_shared>>) offsets(%dma_start3A_147 : memref<128xi32, #tpu.memory_space<vmem>>) semaphore(%run_scoped3A : memref<!tpu.dma_semaphore, #tpu.memory_space<semaphore_mem>>) {add = true}
          %dma_wait3A_151 = arith.constant 0 : i32
          %dma_wait3A_152 = tpu.memref_slice %arg8[%add3A_128, %dma_wait3A_151] : memref<16x128xi32, #tpu.memory_space<vmem>> -> memref<1x128xi32, #tpu.memory_space<vmem>>
          %dma_wait3A_153 = tpu.memref_squeeze %dma_wait3A_152 : memref<1x128xi32, #tpu.memory_space<vmem>> -> memref<128xi32, #tpu.memory_space<vmem>>
          %dma_wait3A_154 = arith.constant 0 : i32
          %dma_wait3A_155 = arith.constant 0 : i32
          %dma_wait3A_156 = tpu.memref_slice %arg12[%dma_wait3A_154, %dma_wait3A_155] : memref<10240x128xf32, #tpu.memory_space<vmem_shared>> -> memref<10240x128xf32, #tpu.memory_space<vmem_shared>>
          tpu.wait_indirect_dma semaphore(%run_scoped3A : memref<!tpu.dma_semaphore, #tpu.memory_space<semaphore_mem>>) src(%arg10 : memref<128x128xf32, #tpu.memory_space<vmem>>) dst(%dma_wait3A_156 : memref<10240x128xf32, #tpu.memory_space<vmem_shared>>)
          tpu.yield
        }) : () -> ()
      }
      %scan3A_98 = arith.constant 8 : i32
      %dma_wait3A = arith.constant 0 : i32
      %dma_wait3A_99 = arith.constant 0 : i32
      %dma_wait3A_100 = tpu.memref_slice %arg7[%dma_wait3A, %dma_wait3A_99] : memref<16x128xi32, #tpu.memory_space<vmem>> -> memref<1x128xi32, #tpu.memory_space<vmem>>
      %dma_wait3A_101 = tpu.memref_squeeze %dma_wait3A_100 : memref<1x128xi32, #tpu.memory_space<vmem>> -> memref<128xi32, #tpu.memory_space<vmem>>
      %dma_wait3A_102 = arith.constant 0 : i32
      %dma_wait3A_103 = arith.constant 0 : i32
      %dma_wait3A_104 = tpu.memref_slice %arg2[%dma_wait3A_102, %dma_wait3A_103] : memref<30720x128xf32, #tpu.memory_space<hbm>> -> memref<30720x128xf32, #tpu.memory_space<hbm>>
      tpu.wait_indirect_dma semaphore(%arg13 : memref<!tpu.dma_semaphore, #tpu.memory_space<semaphore_mem>>) src(%dma_wait3A_104 : memref<30720x128xf32, #tpu.memory_space<hbm>>) dst(%arg9 : memref<128x128xf32, #tpu.memory_space<vmem>>)
    }
    %gt3A = arith.constant 0 : i32
    %gt3A_73 = arith.cmpi sgt, %select_n3A_63, %gt3A : i32
    %convert_element_type3A = arith.extui %gt3A_73 : i1 to i32
    %cond3A = arith.constant 0 : i32
    %cond3A_74 = arith.cmpi ne, %convert_element_type3A, %cond3A : i32
    scf.if %cond3A_74 {
      %mul3A_82 = arith.constant 16 : i32
      %mul3A_83 = arith.muli %select_n3A, %mul3A_82 : i32
      "tpu.region"() ({
        %run_scoped3A = tpu.sem_alloc : memref<!tpu.dma_semaphore, #tpu.memory_space<semaphore_mem>>
        %dma_start3A = arith.constant 0 : i32
        %dma_start3A_96 = tpu.memref_slice %arg3[%arg0, %arg1, %mul3A_83, %dma_start3A] : memref<2x16x160x128xi32, #tpu.memory_space<hbm>> -> memref<1x1x16x128xi32, #tpu.memory_space<hbm>>
        %dma_start3A_97 = tpu.memref_squeeze %dma_start3A_96 : memref<1x1x16x128xi32, #tpu.memory_space<hbm>> -> memref<16x128xi32, #tpu.memory_space<hbm>>
        %dma_start3A_98 = arith.constant 0 : i32
        %dma_start3A_99 = tpu.memref_slice %arg3[%arg0, %arg1, %mul3A_83, %dma_start3A_98] : memref<2x16x160x128xi32, #tpu.memory_space<hbm>> -> memref<1x1x16x128xi32, #tpu.memory_space<hbm>>
        %dma_start3A_100 = tpu.memref_squeeze %dma_start3A_99 : memref<1x1x16x128xi32, #tpu.memory_space<hbm>> -> memref<16x128xi32, #tpu.memory_space<hbm>>
        tpu.enqueue_dma source(%dma_start3A_100 : memref<16x128xi32, #tpu.memory_space<hbm>>) target(%arg7 : memref<16x128xi32, #tpu.memory_space<vmem>>) target_semaphore(%run_scoped3A : memref<!tpu.dma_semaphore, #tpu.memory_space<semaphore_mem>>)
        %dma_wait3A = arith.constant 0 : i32
        %dma_wait3A_101 = tpu.memref_slice %arg3[%arg0, %arg1, %mul3A_83, %dma_wait3A] : memref<2x16x160x128xi32, #tpu.memory_space<hbm>> -> memref<1x1x16x128xi32, #tpu.memory_space<hbm>>
        %dma_wait3A_102 = tpu.memref_squeeze %dma_wait3A_101 : memref<1x1x16x128xi32, #tpu.memory_space<hbm>> -> memref<16x128xi32, #tpu.memory_space<hbm>>
        %dma_wait3A_103 = arith.constant 0 : i32
        %dma_wait3A_104 = tpu.memref_slice %arg3[%arg0, %arg1, %mul3A_83, %dma_wait3A_103] : memref<2x16x160x128xi32, #tpu.memory_space<hbm>> -> memref<1x1x16x128xi32, #tpu.memory_space<hbm>>
        %dma_wait3A_105 = tpu.memref_squeeze %dma_wait3A_104 : memref<1x1x16x128xi32, #tpu.memory_space<hbm>> -> memref<16x128xi32, #tpu.memory_space<hbm>>
        tpu.wait_dma2 semaphore(%run_scoped3A : memref<!tpu.dma_semaphore, #tpu.memory_space<semaphore_mem>>) src(%dma_wait3A_105 : memref<16x128xi32, #tpu.memory_space<hbm>>) dst(%arg7 : memref<16x128xi32, #tpu.memory_space<vmem>>)
        tpu.yield
      }) : () -> ()
      %mul3A_84 = arith.constant 16 : i32
      %mul3A_85 = arith.muli %select_n3A, %mul3A_84 : i32
      "tpu.region"() ({
        %run_scoped3A = tpu.sem_alloc : memref<!tpu.dma_semaphore, #tpu.memory_space<semaphore_mem>>
        %dma_start3A = arith.constant 0 : i32
        %dma_start3A_96 = tpu.memref_slice %arg4[%arg0, %arg1, %mul3A_85, %dma_start3A] : memref<2x16x160x128xi32, #tpu.memory_space<hbm>> -> memref<1x1x16x128xi32, #tpu.memory_space<hbm>>
        %dma_start3A_97 = tpu.memref_squeeze %dma_start3A_96 : memref<1x1x16x128xi32, #tpu.memory_space<hbm>> -> memref<16x128xi32, #tpu.memory_space<hbm>>
        %dma_start3A_98 = arith.constant 0 : i32
        %dma_start3A_99 = tpu.memref_slice %arg4[%arg0, %arg1, %mul3A_85, %dma_start3A_98] : memref<2x16x160x128xi32, #tpu.memory_space<hbm>> -> memref<1x1x16x128xi32, #tpu.memory_space<hbm>>
        %dma_start3A_100 = tpu.memref_squeeze %dma_start3A_99 : memref<1x1x16x128xi32, #tpu.memory_space<hbm>> -> memref<16x128xi32, #tpu.memory_space<hbm>>
        tpu.enqueue_dma source(%dma_start3A_100 : memref<16x128xi32, #tpu.memory_space<hbm>>) target(%arg8 : memref<16x128xi32, #tpu.memory_space<vmem>>) target_semaphore(%run_scoped3A : memref<!tpu.dma_semaphore, #tpu.memory_space<semaphore_mem>>)
        %dma_wait3A = arith.constant 0 : i32
        %dma_wait3A_101 = tpu.memref_slice %arg4[%arg0, %arg1, %mul3A_85, %dma_wait3A] : memref<2x16x160x128xi32, #tpu.memory_space<hbm>> -> memref<1x1x16x128xi32, #tpu.memory_space<hbm>>
        %dma_wait3A_102 = tpu.memref_squeeze %dma_wait3A_101 : memref<1x1x16x128xi32, #tpu.memory_space<hbm>> -> memref<16x128xi32, #tpu.memory_space<hbm>>
        %dma_wait3A_103 = arith.constant 0 : i32
        %dma_wait3A_104 = tpu.memref_slice %arg4[%arg0, %arg1, %mul3A_85, %dma_wait3A_103] : memref<2x16x160x128xi32, #tpu.memory_space<hbm>> -> memref<1x1x16x128xi32, #tpu.memory_space<hbm>>
        %dma_wait3A_105 = tpu.memref_squeeze %dma_wait3A_104 : memref<1x1x16x128xi32, #tpu.memory_space<hbm>> -> memref<16x128xi32, #tpu.memory_space<hbm>>
        tpu.wait_dma2 semaphore(%run_scoped3A : memref<!tpu.dma_semaphore, #tpu.memory_space<semaphore_mem>>) src(%dma_wait3A_105 : memref<16x128xi32, #tpu.memory_space<hbm>>) dst(%arg8 : memref<16x128xi32, #tpu.memory_space<vmem>>)
        tpu.yield
      }) : () -> ()
      %while3A_86 = arith.constant 0 : i32
      %while3A_87 = arith.constant 0 : i32
      %while3A_88 = arith.subi %select_n3A_63, %while3A_87 : i32
      %while3A_89 = arith.addi %while3A_87, %while3A_88 : i32
      %while3A_90 = arith.constant 1 : i32
      %while3A_91 = arith.divsi %while3A_88, %while3A_90 : i32
      %while3A_92 = arith.muli %while3A_91, %while3A_90 : i32
      %while3A_93 = arith.addi %while3A_87, %while3A_92 : i32
      %while3A_94 = arith.constant 1 : i32
      scf.for %while3A_96 = %while3A_87 to %while3A_93 step %while3A_94  : i32 {
        %dma_start3A = arith.constant 0 : i32
        %dma_start3A_97 = tpu.memref_slice %arg7[%while3A_96, %dma_start3A] : memref<16x128xi32, #tpu.memory_space<vmem>> -> memref<1x128xi32, #tpu.memory_space<vmem>>
        %dma_start3A_98 = tpu.memref_squeeze %dma_start3A_97 : memref<1x128xi32, #tpu.memory_space<vmem>> -> memref<128xi32, #tpu.memory_space<vmem>>
        %dma_start3A_99 = arith.constant 0 : i32
        %dma_start3A_100 = arith.constant 0 : i32
        %dma_start3A_101 = tpu.memref_slice %arg2[%dma_start3A_99, %dma_start3A_100] : memref<30720x128xf32, #tpu.memory_space<hbm>> -> memref<30720x128xf32, #tpu.memory_space<hbm>>
        tpu.enqueue_indirect_dma source(%dma_start3A_101 : memref<30720x128xf32, #tpu.memory_space<hbm>>) target(%arg9 : memref<128x128xf32, #tpu.memory_space<vmem>>) offsets(%dma_start3A_98 : memref<128xi32, #tpu.memory_space<vmem>>) semaphore(%arg13 : memref<!tpu.dma_semaphore, #tpu.memory_space<semaphore_mem>>)
        %dma_wait3A = arith.constant 0 : i32
        %dma_wait3A_102 = tpu.memref_slice %arg7[%while3A_96, %dma_wait3A] : memref<16x128xi32, #tpu.memory_space<vmem>> -> memref<1x128xi32, #tpu.memory_space<vmem>>
        %dma_wait3A_103 = tpu.memref_squeeze %dma_wait3A_102 : memref<1x128xi32, #tpu.memory_space<vmem>> -> memref<128xi32, #tpu.memory_space<vmem>>
        %dma_wait3A_104 = arith.constant 0 : i32
        %dma_wait3A_105 = arith.constant 0 : i32
        %dma_wait3A_106 = tpu.memref_slice %arg2[%dma_wait3A_104, %dma_wait3A_105] : memref<30720x128xf32, #tpu.memory_space<hbm>> -> memref<30720x128xf32, #tpu.memory_space<hbm>>
        tpu.wait_indirect_dma semaphore(%arg13 : memref<!tpu.dma_semaphore, #tpu.memory_space<semaphore_mem>>) src(%dma_wait3A_106 : memref<30720x128xf32, #tpu.memory_space<hbm>>) dst(%arg9 : memref<128x128xf32, #tpu.memory_space<vmem>>)
        "tpu.region"() ({
          %run_scoped3A = tpu.sem_alloc : memref<!tpu.dma_semaphore, #tpu.memory_space<semaphore_mem>>
          %dma_start3A_107 = arith.constant 0 : i32
          %dma_start3A_108 = tpu.memref_slice %arg8[%while3A_96, %dma_start3A_107] : memref<16x128xi32, #tpu.memory_space<vmem>> -> memref<1x128xi32, #tpu.memory_space<vmem>>
          %dma_start3A_109 = tpu.memref_squeeze %dma_start3A_108 : memref<1x128xi32, #tpu.memory_space<vmem>> -> memref<128xi32, #tpu.memory_space<vmem>>
          %dma_start3A_110 = arith.constant 0 : i32
          %dma_start3A_111 = arith.constant 0 : i32
          %dma_start3A_112 = tpu.memref_slice %arg12[%dma_start3A_110, %dma_start3A_111] : memref<10240x128xf32, #tpu.memory_space<vmem_shared>> -> memref<10240x128xf32, #tpu.memory_space<vmem_shared>>
          tpu.enqueue_indirect_dma source(%arg9 : memref<128x128xf32, #tpu.memory_space<vmem>>) target(%dma_start3A_112 : memref<10240x128xf32, #tpu.memory_space<vmem_shared>>) offsets(%dma_start3A_109 : memref<128xi32, #tpu.memory_space<vmem>>) semaphore(%run_scoped3A : memref<!tpu.dma_semaphore, #tpu.memory_space<semaphore_mem>>) {add = true}
          %dma_wait3A_113 = arith.constant 0 : i32
          %dma_wait3A_114 = tpu.memref_slice %arg8[%while3A_96, %dma_wait3A_113] : memref<16x128xi32, #tpu.memory_space<vmem>> -> memref<1x128xi32, #tpu.memory_space<vmem>>
          %dma_wait3A_115 = tpu.memref_squeeze %dma_wait3A_114 : memref<1x128xi32, #tpu.memory_space<vmem>> -> memref<128xi32, #tpu.memory_space<vmem>>
          %dma_wait3A_116 = arith.constant 0 : i32
          %dma_wait3A_117 = arith.constant 0 : i32
          %dma_wait3A_118 = tpu.memref_slice %arg12[%dma_wait3A_116, %dma_wait3A_117] : memref<10240x128xf32, #tpu.memory_space<vmem_shared>> -> memref<10240x128xf32, #tpu.memory_space<vmem_shared>>
          tpu.wait_indirect_dma semaphore(%run_scoped3A : memref<!tpu.dma_semaphore, #tpu.memory_space<semaphore_mem>>) src(%arg9 : memref<128x128xf32, #tpu.memory_space<vmem>>) dst(%dma_wait3A_118 : memref<10240x128xf32, #tpu.memory_space<vmem_shared>>)
          tpu.yield
        }) : () -> ()
      }
      %while3A_95 = arith.constant 1 : i32
      scf.for %while3A_96 = %while3A_93 to %while3A_89 step %while3A_95  : i32 {
        %dma_start3A = arith.constant 0 : i32
        %dma_start3A_97 = tpu.memref_slice %arg7[%while3A_96, %dma_start3A] : memref<16x128xi32, #tpu.memory_space<vmem>> -> memref<1x128xi32, #tpu.memory_space<vmem>>
        %dma_start3A_98 = tpu.memref_squeeze %dma_start3A_97 : memref<1x128xi32, #tpu.memory_space<vmem>> -> memref<128xi32, #tpu.memory_space<vmem>>
        %dma_start3A_99 = arith.constant 0 : i32
        %dma_start3A_100 = arith.constant 0 : i32
        %dma_start3A_101 = tpu.memref_slice %arg2[%dma_start3A_99, %dma_start3A_100] : memref<30720x128xf32, #tpu.memory_space<hbm>> -> memref<30720x128xf32, #tpu.memory_space<hbm>>
        tpu.enqueue_indirect_dma source(%dma_start3A_101 : memref<30720x128xf32, #tpu.memory_space<hbm>>) target(%arg9 : memref<128x128xf32, #tpu.memory_space<vmem>>) offsets(%dma_start3A_98 : memref<128xi32, #tpu.memory_space<vmem>>) semaphore(%arg13 : memref<!tpu.dma_semaphore, #tpu.memory_space<semaphore_mem>>)
        %dma_wait3A = arith.constant 0 : i32
        %dma_wait3A_102 = tpu.memref_slice %arg7[%while3A_96, %dma_wait3A] : memref<16x128xi32, #tpu.memory_space<vmem>> -> memref<1x128xi32, #tpu.memory_space<vmem>>
        %dma_wait3A_103 = tpu.memref_squeeze %dma_wait3A_102 : memref<1x128xi32, #tpu.memory_space<vmem>> -> memref<128xi32, #tpu.memory_space<vmem>>
        %dma_wait3A_104 = arith.constant 0 : i32
        %dma_wait3A_105 = arith.constant 0 : i32
        %dma_wait3A_106 = tpu.memref_slice %arg2[%dma_wait3A_104, %dma_wait3A_105] : memref<30720x128xf32, #tpu.memory_space<hbm>> -> memref<30720x128xf32, #tpu.memory_space<hbm>>
        tpu.wait_indirect_dma semaphore(%arg13 : memref<!tpu.dma_semaphore, #tpu.memory_space<semaphore_mem>>) src(%dma_wait3A_106 : memref<30720x128xf32, #tpu.memory_space<hbm>>) dst(%arg9 : memref<128x128xf32, #tpu.memory_space<vmem>>)
        "tpu.region"() ({
          %run_scoped3A = tpu.sem_alloc : memref<!tpu.dma_semaphore, #tpu.memory_space<semaphore_mem>>
          %dma_start3A_107 = arith.constant 0 : i32
          %dma_start3A_108 = tpu.memref_slice %arg8[%while3A_96, %dma_start3A_107] : memref<16x128xi32, #tpu.memory_space<vmem>> -> memref<1x128xi32, #tpu.memory_space<vmem>>
          %dma_start3A_109 = tpu.memref_squeeze %dma_start3A_108 : memref<1x128xi32, #tpu.memory_space<vmem>> -> memref<128xi32, #tpu.memory_space<vmem>>
          %dma_start3A_110 = arith.constant 0 : i32
          %dma_start3A_111 = arith.constant 0 : i32
          %dma_start3A_112 = tpu.memref_slice %arg12[%dma_start3A_110, %dma_start3A_111] : memref<10240x128xf32, #tpu.memory_space<vmem_shared>> -> memref<10240x128xf32, #tpu.memory_space<vmem_shared>>
          tpu.enqueue_indirect_dma source(%arg9 : memref<128x128xf32, #tpu.memory_space<vmem>>) target(%dma_start3A_112 : memref<10240x128xf32, #tpu.memory_space<vmem_shared>>) offsets(%dma_start3A_109 : memref<128xi32, #tpu.memory_space<vmem>>) semaphore(%run_scoped3A : memref<!tpu.dma_semaphore, #tpu.memory_space<semaphore_mem>>) {add = true}
          %dma_wait3A_113 = arith.constant 0 : i32
          %dma_wait3A_114 = tpu.memref_slice %arg8[%while3A_96, %dma_wait3A_113] : memref<16x128xi32, #tpu.memory_space<vmem>> -> memref<1x128xi32, #tpu.memory_space<vmem>>
          %dma_wait3A_115 = tpu.memref_squeeze %dma_wait3A_114 : memref<1x128xi32, #tpu.memory_space<vmem>> -> memref<128xi32, #tpu.memory_space<vmem>>
          %dma_wait3A_116 = arith.constant 0 : i32
          %dma_wait3A_117 = arith.constant 0 : i32
          %dma_wait3A_118 = tpu.memref_slice %arg12[%dma_wait3A_116, %dma_wait3A_117] : memref<10240x128xf32, #tpu.memory_space<vmem_shared>> -> memref<10240x128xf32, #tpu.memory_space<vmem_shared>>
          tpu.wait_indirect_dma semaphore(%run_scoped3A : memref<!tpu.dma_semaphore, #tpu.memory_space<semaphore_mem>>) src(%arg9 : memref<128x128xf32, #tpu.memory_space<vmem>>) dst(%dma_wait3A_118 : memref<10240x128xf32, #tpu.memory_space<vmem_shared>>)
          tpu.yield
        }) : () -> ()
      }
    } else {
    }
    %barrier3A_75 = arith.constant 0 : index
    tpu.barrier barrier_id(%barrier3A_75)
    %scan3A_76 = arith.constant 0 : i32
    %scan3A_77 = arith.constant 0 : i32
    %scan3A_78 = arith.constant 5 : i32
    %scan3A_79 = arith.addi %scan3A_77, %scan3A_78 : i32
    %scan3A_80 = arith.constant 1 : i32
    scf.for %scan3A_82 = %scan3A_77 to %scan3A_79 step %scan3A_80  : i32 {
      %mul3A_83 = arith.constant 128 : i32
      %mul3A_84 = arith.muli %scan3A_82, %mul3A_83 : i32
      %add3A_85 = arith.addi %mul3A_0, %mul3A_84 : i32
      "tpu.region"() ({
        %run_scoped3A = tpu.sem_alloc : memref<!tpu.dma_semaphore, #tpu.memory_space<semaphore_mem>>
        %dma_start3A = arith.constant 0 : i32
        %dma_start3A_89 = tpu.memref_slice %arg12[%add3A_85, %dma_start3A] : memref<10240x128xf32, #tpu.memory_space<vmem_shared>> -> memref<128x128xf32, #tpu.memory_space<vmem_shared>>
        %dma_start3A_90 = arith.constant 0 : i32
        %dma_start3A_91 = tpu.memref_slice %arg12[%add3A_85, %dma_start3A_90] : memref<10240x128xf32, #tpu.memory_space<vmem_shared>> -> memref<128x128xf32, #tpu.memory_space<vmem_shared>>
        tpu.enqueue_dma source(%dma_start3A_91 : memref<128x128xf32, #tpu.memory_space<vmem_shared>>) target(%arg10 : memref<128x128xf32, #tpu.memory_space<vmem>>) target_semaphore(%run_scoped3A : memref<!tpu.dma_semaphore, #tpu.memory_space<semaphore_mem>>)
        %dma_wait3A = arith.constant 0 : i32
        %dma_wait3A_92 = tpu.memref_slice %arg12[%add3A_85, %dma_wait3A] : memref<10240x128xf32, #tpu.memory_space<vmem_shared>> -> memref<128x128xf32, #tpu.memory_space<vmem_shared>>
        %dma_wait3A_93 = arith.constant 0 : i32
        %dma_wait3A_94 = tpu.memref_slice %arg12[%add3A_85, %dma_wait3A_93] : memref<10240x128xf32, #tpu.memory_space<vmem_shared>> -> memref<128x128xf32, #tpu.memory_space<vmem_shared>>
        tpu.wait_dma2 semaphore(%run_scoped3A : memref<!tpu.dma_semaphore, #tpu.memory_space<semaphore_mem>>) src(%dma_wait3A_94 : memref<128x128xf32, #tpu.memory_space<vmem_shared>>) dst(%arg10 : memref<128x128xf32, #tpu.memory_space<vmem>>)
        tpu.yield
      }) : () -> ()
      %mul3A_86 = arith.constant 128 : i32
      %mul3A_87 = arith.muli %scan3A_82, %mul3A_86 : i32
      %add3A_88 = arith.addi %mul3A_0, %mul3A_87 : i32
      "tpu.region"() ({
        %run_scoped3A = tpu.sem_alloc : memref<!tpu.dma_semaphore, #tpu.memory_space<semaphore_mem>>
        %dma_start3A = arith.constant 0 : i32
        %dma_start3A_89 = tpu.memref_slice %arg6[%arg0, %add3A_88, %dma_start3A] : memref<2x10240x128xf32, #tpu.memory_space<hbm>> -> memref<1x128x128xf32, #tpu.memory_space<hbm>>
        %dma_start3A_90 = tpu.memref_squeeze %dma_start3A_89 : memref<1x128x128xf32, #tpu.memory_space<hbm>> -> memref<128x128xf32, #tpu.memory_space<hbm>>
        %dma_start3A_91 = arith.constant 0 : i32
        %dma_start3A_92 = tpu.memref_slice %arg6[%arg0, %add3A_88, %dma_start3A_91] : memref<2x10240x128xf32, #tpu.memory_space<hbm>> -> memref<1x128x128xf32, #tpu.memory_space<hbm>>
        %dma_start3A_93 = tpu.memref_squeeze %dma_start3A_92 : memref<1x128x128xf32, #tpu.memory_space<hbm>> -> memref<128x128xf32, #tpu.memory_space<hbm>>
        tpu.enqueue_dma source(%arg10 : memref<128x128xf32, #tpu.memory_space<vmem>>) target(%dma_start3A_93 : memref<128x128xf32, #tpu.memory_space<hbm>>) target_semaphore(%run_scoped3A : memref<!tpu.dma_semaphore, #tpu.memory_space<semaphore_mem>>)
        %dma_wait3A = arith.constant 0 : i32
        %dma_wait3A_94 = tpu.memref_slice %arg6[%arg0, %add3A_88, %dma_wait3A] : memref<2x10240x128xf32, #tpu.memory_space<hbm>> -> memref<1x128x128xf32, #tpu.memory_space<hbm>>
        %dma_wait3A_95 = tpu.memref_squeeze %dma_wait3A_94 : memref<1x128x128xf32, #tpu.memory_space<hbm>> -> memref<128x128xf32, #tpu.memory_space<hbm>>
        %dma_wait3A_96 = arith.constant 0 : i32
        %dma_wait3A_97 = tpu.memref_slice %arg6[%arg0, %add3A_88, %dma_wait3A_96] : memref<2x10240x128xf32, #tpu.memory_space<hbm>> -> memref<1x128x128xf32, #tpu.memory_space<hbm>>
        %dma_wait3A_98 = tpu.memref_squeeze %dma_wait3A_97 : memref<1x128x128xf32, #tpu.memory_space<hbm>> -> memref<128x128xf32, #tpu.memory_space<hbm>>
        tpu.wait_dma2 semaphore(%run_scoped3A : memref<!tpu.dma_semaphore, #tpu.memory_space<semaphore_mem>>) src(%arg10 : memref<128x128xf32, #tpu.memory_space<vmem>>) dst(%dma_wait3A_98 : memref<128x128xf32, #tpu.memory_space<hbm>>)
        tpu.yield
      }) : () -> ()
    }
    %scan3A_81 = arith.constant 5 : i32
    return
  }
}

module attributes {stable_mosaic.version = 14 : i64} {
  func.func @_prep_body(%arg0: i32, %arg1: memref<16x128xi32, #tpu.memory_space<vmem>>, %arg2: memref<16x128xi32, #tpu.memory_space<vmem>>, %arg3: memref<16x128xi32, #tpu.memory_space<vmem>>, %arg4: memref<16x128xi32, #tpu.memory_space<vmem>>, %arg5: memref<2x16x128xi32, #tpu.memory_space<vmem>>) attributes {dimension_semantics = [#tpu.dimension_semantics<arbitrary>], iteration_bounds = array<i64: 160>, scalar_prefetch = 0 : i64, scratch_operands = 0 : i64, tpu.core_type = #tpu.core_type<tc>, window_params = [{transform_indices = @transform_0, window_bounds = array<i64: 16, 128>}, {transform_indices = @transform_1, window_bounds = array<i64: 16, 128>}, {transform_indices = @transform_2, window_bounds = array<i64: 16, 128>}, {transform_indices = @transform_3, window_bounds = array<i64: 16, 128>}, {transform_indices = @transform_4, window_bounds = array<i64: 2, 16, 128>}]} {
    %get3A = arith.constant 0 : index
    %get3A_0 = arith.constant 0 : index
    %get3A_1 = vector.load %arg1[%get3A, %get3A_0] : memref<16x128xi32, #tpu.memory_space<vmem>>, vector<16x128xi32>
    %get3A_2 = arith.constant 0 : index
    %get3A_3 = arith.constant 0 : index
    %get3A_4 = vector.load %arg2[%get3A_2, %get3A_3] : memref<16x128xi32, #tpu.memory_space<vmem>>, vector<16x128xi32>
    %get3A_5 = arith.constant 0 : index
    %get3A_6 = arith.constant 0 : index
    %get3A_7 = vector.load %arg3[%get3A_5, %get3A_6] : memref<16x128xi32, #tpu.memory_space<vmem>>, vector<16x128xi32>
    %iota3A = tpu.iota {dimensions = array<i32: 1>} : vector<16x128xi32>
    %add3A = arith.constant 10000 : i32
    %add3A_8 = vector.broadcast %add3A : i32 to vector<16x128xi32>
    %add3A_9 = arith.addi %add3A_8, %iota3A : vector<16x128xi32>
    %mul3A = arith.constant 16384 : i32
    %mul3A_10 = vector.broadcast %mul3A : i32 to vector<16x128xi32>
    %mul3A_11 = arith.muli %get3A_4, %mul3A_10 : vector<16x128xi32>
    %add3A_12 = arith.addi %get3A_1, %mul3A_11 : vector<16x128xi32>
    %swap3A = arith.constant 0 : index
    %swap3A_13 = arith.constant 0 : index
    %swap3A_14 = vector.load %arg4[%swap3A, %swap3A_13] : memref<16x128xi32, #tpu.memory_space<vmem>>, vector<16x128xi32>
    tpu.vector_store %arg4[%swap3A, %swap3A_13], %add3A_12 {strides = array<i32>} : memref<16x128xi32, #tpu.memory_space<vmem>>, vector<16x128xi32>,
    %eq3A = arith.constant 0 : i32
    %eq3A_15 = vector.broadcast %eq3A : i32 to vector<16x128xi32>
    %eq3A_16 = arith.cmpi eq, %get3A_7, %eq3A_15 : vector<16x128xi32>
    %select_n3A = arith.select %eq3A_16, %get3A_4, %add3A_9 : vector<16x128xi1>, vector<16x128xi32>
    %swap3A_17 = arith.constant 0 : index
    %swap3A_18 = arith.constant 0 : index
    %swap3A_19 = arith.constant 0 : index
    %swap3A_20 = vector.load %arg5[%swap3A_17, %swap3A_18, %swap3A_19] : memref<2x16x128xi32, #tpu.memory_space<vmem>>, vector<1x16x128xi32>
    %swap3A_21 = vector.shape_cast %swap3A_20 : vector<1x16x128xi32> to vector<16x128xi32>
    %swap3A_22 = vector.shape_cast %select_n3A : vector<16x128xi32> to vector<1x16x128xi32>
    tpu.vector_store %arg5[%swap3A_17, %swap3A_18, %swap3A_19], %swap3A_22 {strides = array<i32>} : memref<2x16x128xi32, #tpu.memory_space<vmem>>, vector<1x16x128xi32>,
    %eq3A_23 = arith.constant 1 : i32
    %eq3A_24 = vector.broadcast %eq3A_23 : i32 to vector<16x128xi32>
    %eq3A_25 = arith.cmpi eq, %get3A_7, %eq3A_24 : vector<16x128xi32>
    %select_n3A_26 = arith.select %eq3A_25, %get3A_4, %add3A_9 : vector<16x128xi1>, vector<16x128xi32>
    %swap3A_27 = arith.constant 1 : index
    %swap3A_28 = arith.constant 0 : index
    %swap3A_29 = arith.constant 0 : index
    %swap3A_30 = vector.load %arg5[%swap3A_27, %swap3A_28, %swap3A_29] : memref<2x16x128xi32, #tpu.memory_space<vmem>>, vector<1x16x128xi32>
    %swap3A_31 = vector.shape_cast %swap3A_30 : vector<1x16x128xi32> to vector<16x128xi32>
    %swap3A_32 = vector.shape_cast %select_n3A_26 : vector<16x128xi32> to vector<1x16x128xi32>
    tpu.vector_store %arg5[%swap3A_27, %swap3A_28, %swap3A_29], %swap3A_32 {strides = array<i32>} : memref<2x16x128xi32, #tpu.memory_space<vmem>>, vector<1x16x128xi32>,
    return
  }
  func.func @transform_0(%arg0: i32) -> (i32, i32) {
    %c0_i32 = arith.constant 0 : i32
    %c0_i32_0 = arith.constant 0 : i32
    return %arg0, %c0_i32 : i32, i32
  }
  func.func @transform_1(%arg0: i32) -> (i32, i32) {
    %c0_i32 = arith.constant 0 : i32
    %c0_i32_0 = arith.constant 0 : i32
    return %arg0, %c0_i32 : i32, i32
  }
  func.func @transform_2(%arg0: i32) -> (i32, i32) {
    %c0_i32 = arith.constant 0 : i32
    %c0_i32_0 = arith.constant 0 : i32
    return %arg0, %c0_i32 : i32, i32
  }
  func.func @transform_3(%arg0: i32) -> (i32, i32) {
    %c0_i32 = arith.constant 0 : i32
    %c0_i32_0 = arith.constant 0 : i32
    return %arg0, %c0_i32 : i32, i32
  }
  func.func @transform_4(%arg0: i32) -> (i32, i32, i32) {
    %c0_i32 = arith.constant 0 : i32
    %c0_i32_0 = arith.constant 0 : i32
    %c0_i32_1 = arith.constant 0 : i32
    return %c0_i32, %arg0, %c0_i32_0 : i32, i32, i32
  }
}

module attributes {stable_mosaic.version = 14 : i64} {
  func.func @_front_body(%arg0: i32, %arg1: memref<128x1544xf32, #tpu.memory_space<vmem>>, %arg2: memref<1544x128xf32, #tpu.memory_space<vmem>>, %arg3: memref<1x128xf32, #tpu.memory_space<vmem>>, %arg4: memref<128x128xf32, #tpu.memory_space<vmem>>, %arg5: memref<1x128xf32, #tpu.memory_space<vmem>>, %arg6: memref<1x128xf32, #tpu.memory_space<vmem>>, %arg7: memref<3x128x128xf32, #tpu.memory_space<vmem>>, %arg8: memref<3x1x128xf32, #tpu.memory_space<vmem>>, %arg9: memref<3x128x128xf32, #tpu.memory_space<vmem>>) attributes {dimension_semantics = [#tpu.dimension_semantics<arbitrary>], iteration_bounds = array<i64: 79>, scalar_prefetch = 0 : i64, scratch_operands = 0 : i64, tpu.core_type = #tpu.core_type<tc>, window_params = [{transform_indices = @transform_0, window_bounds = array<i64: 128, 1544>}, {pipeline_mode = #tpu.pipeline_mode<synchronous>, transform_indices = @transform_1, window_bounds = array<i64: 1544, 128>}, {pipeline_mode = #tpu.pipeline_mode<synchronous>, transform_indices = @transform_2, window_bounds = array<i64: 1, 128>}, {pipeline_mode = #tpu.pipeline_mode<synchronous>, transform_indices = @transform_3, window_bounds = array<i64: 128, 128>}, {pipeline_mode = #tpu.pipeline_mode<synchronous>, transform_indices = @transform_4, window_bounds = array<i64: 1, 128>}, {pipeline_mode = #tpu.pipeline_mode<synchronous>, transform_indices = @transform_5, window_bounds = array<i64: 1, 128>}, {pipeline_mode = #tpu.pipeline_mode<synchronous>, transform_indices = @transform_6, window_bounds = array<i64: 3, 128, 128>}, {pipeline_mode = #tpu.pipeline_mode<synchronous>, transform_indices = @transform_7, window_bounds = array<i64: 3, 1, 128>}, {transform_indices = @transform_8, window_bounds = array<i64: 3, 128, 128>}]} {
    %get3A = arith.constant 0 : index
    %get3A_0 = arith.constant 0 : index
    %get3A_1 = vector.load %arg1[%get3A, %get3A_0] : memref<128x1544xf32, #tpu.memory_space<vmem>>, vector<128x1544xf32>
    %get3A_2 = arith.constant 0 : index
    %get3A_3 = arith.constant 0 : index
    %get3A_4 = vector.load %arg2[%get3A_2, %get3A_3] : memref<1544x128xf32, #tpu.memory_space<vmem>>, vector<1544x128xf32>
    %dot_general3A = arith.constant dense<0.000000e+00> : vector<128x128xf32>
    %dot_general3A_5 = tpu.matmul %get3A_1, %get3A_4, %dot_general3A {dimension_numbers = #tpu.dot_dimension_numbers<[1], [0], [0], [1], [0, 0, 1, 1], [], []>, transpose_lhs_hint = false} : vector<128x1544xf32>, vector<1544x128xf32>, vector<128x128xf32> -> vector<128x128xf32>
    %get3A_6 = arith.constant 0 : index
    %get3A_7 = arith.constant 0 : index
    %get3A_8 = vector.load %arg3[%get3A_6, %get3A_7] : memref<1x128xf32, #tpu.memory_space<vmem>>, vector<1x128xf32>
    %add3A = vector.broadcast %get3A_8 : vector<1x128xf32> to vector<128x128xf32>
    %add3A_9 = arith.addf %dot_general3A_5, %add3A : vector<128x128xf32>
    %gt3A = arith.constant 0.000000e+00 : f32
    %gt3A_10 = vector.broadcast %gt3A : f32 to vector<128x128xf32>
    %gt3A_11 = arith.cmpf ogt, %add3A_9, %gt3A_10 : vector<128x128xf32>
    %mul3A = arith.constant 0.00999999977 : f32
    %mul3A_12 = vector.broadcast %mul3A : f32 to vector<128x128xf32>
    %mul3A_13 = arith.mulf %mul3A_12, %add3A_9 : vector<128x128xf32>
    %select_n3A = arith.select %gt3A_11, %add3A_9, %mul3A_13 : vector<128x128xi1>, vector<128x128xf32>
    %get3A_14 = arith.constant 0 : index
    %get3A_15 = arith.constant 0 : index
    %get3A_16 = vector.load %arg4[%get3A_14, %get3A_15] : memref<128x128xf32, #tpu.memory_space<vmem>>, vector<128x128xf32>
    %dot_general3A_17 = arith.constant dense<0.000000e+00> : vector<128x128xf32>
    %dot_general3A_18 = tpu.matmul %select_n3A, %get3A_16, %dot_general3A_17 {dimension_numbers = #tpu.dot_dimension_numbers<[1], [0], [0], [1], [0, 0, 1, 1], [], []>, transpose_lhs_hint = false} : vector<128x128xf32>, vector<128x128xf32>, vector<128x128xf32> -> vector<128x128xf32>
    %get3A_19 = arith.constant 0 : index
    %get3A_20 = arith.constant 0 : index
    %get3A_21 = vector.load %arg5[%get3A_19, %get3A_20] : memref<1x128xf32, #tpu.memory_space<vmem>>, vector<1x128xf32>
    %add3A_22 = vector.broadcast %get3A_21 : vector<1x128xf32> to vector<128x128xf32>
    %add3A_23 = arith.addf %dot_general3A_18, %add3A_22 : vector<128x128xf32>
    %gt3A_24 = arith.constant 0.000000e+00 : f32
    %gt3A_25 = vector.broadcast %gt3A_24 : f32 to vector<128x128xf32>
    %gt3A_26 = arith.cmpf ogt, %add3A_23, %gt3A_25 : vector<128x128xf32>
    %get3A_27 = arith.constant 0 : index
    %get3A_28 = arith.constant 0 : index
    %get3A_29 = vector.load %arg6[%get3A_27, %get3A_28] : memref<1x128xf32, #tpu.memory_space<vmem>>, vector<1x128xf32>
    %mul3A_30 = vector.broadcast %get3A_29 : vector<1x128xf32> to vector<128x128xf32>
    %mul3A_31 = arith.mulf %mul3A_30, %add3A_23 : vector<128x128xf32>
    %select_n3A_32 = arith.select %gt3A_26, %add3A_23, %mul3A_31 : vector<128x128xi1>, vector<128x128xf32>
    %get3A_33 = arith.constant 0 : index
    %get3A_34 = arith.constant 0 : index
    %get3A_35 = arith.constant 0 : index
    %get3A_36 = vector.load %arg7[%get3A_33, %get3A_34, %get3A_35] : memref<3x128x128xf32, #tpu.memory_space<vmem>>, vector<1x128x128xf32>
    %get3A_37 = vector.shape_cast %get3A_36 : vector<1x128x128xf32> to vector<128x128xf32>
    %dot_general3A_38 = arith.constant dense<0.000000e+00> : vector<128x128xf32>
    %dot_general3A_39 = tpu.matmul %select_n3A_32, %get3A_37, %dot_general3A_38 {dimension_numbers = #tpu.dot_dimension_numbers<[1], [0], [0], [1], [0, 0, 1, 1], [], []>, transpose_lhs_hint = false} : vector<128x128xf32>, vector<128x128xf32>, vector<128x128xf32> -> vector<128x128xf32>
    %get3A_40 = arith.constant 0 : index
    %get3A_41 = arith.constant 0 : index
    %get3A_42 = arith.constant 0 : index
    %get3A_43 = vector.load %arg8[%get3A_40, %get3A_41, %get3A_42] : memref<3x1x128xf32, #tpu.memory_space<vmem>>, vector<1x1x128xf32>
    %get3A_44 = vector.shape_cast %get3A_43 : vector<1x1x128xf32> to vector<1x128xf32>
    %add3A_45 = vector.broadcast %get3A_44 : vector<1x128xf32> to vector<128x128xf32>
    %add3A_46 = arith.addf %dot_general3A_39, %add3A_45 : vector<128x128xf32>
    %swap3A = arith.constant 0 : index
    %swap3A_47 = arith.constant 0 : index
    %swap3A_48 = arith.constant 0 : index
    %swap3A_49 = vector.load %arg9[%swap3A, %swap3A_47, %swap3A_48] : memref<3x128x128xf32, #tpu.memory_space<vmem>>, vector<1x128x128xf32>
    %swap3A_50 = vector.shape_cast %swap3A_49 : vector<1x128x128xf32> to vector<128x128xf32>
    %swap3A_51 = vector.shape_cast %add3A_46 : vector<128x128xf32> to vector<1x128x128xf32>
    tpu.vector_store %arg9[%swap3A, %swap3A_47, %swap3A_48], %swap3A_51 {strides = array<i32>} : memref<3x128x128xf32, #tpu.memory_space<vmem>>, vector<1x128x128xf32>,
    %get3A_52 = arith.constant 1 : index
    %get3A_53 = arith.constant 0 : index
    %get3A_54 = arith.constant 0 : index
    %get3A_55 = vector.load %arg7[%get3A_52, %get3A_53, %get3A_54] : memref<3x128x128xf32, #tpu.memory_space<vmem>>, vector<1x128x128xf32>
    %get3A_56 = vector.shape_cast %get3A_55 : vector<1x128x128xf32> to vector<128x128xf32>
    %dot_general3A_57 = arith.constant dense<0.000000e+00> : vector<128x128xf32>
    %dot_general3A_58 = tpu.matmul %select_n3A_32, %get3A_56, %dot_general3A_57 {dimension_numbers = #tpu.dot_dimension_numbers<[1], [0], [0], [1], [0, 0, 1, 1], [], []>, transpose_lhs_hint = false} : vector<128x128xf32>, vector<128x128xf32>, vector<128x128xf32> -> vector<128x128xf32>
    %get3A_59 = arith.constant 1 : index
    %get3A_60 = arith.constant 0 : index
    %get3A_61 = arith.constant 0 : index
    %get3A_62 = vector.load %arg8[%get3A_59, %get3A_60, %get3A_61] : memref<3x1x128xf32, #tpu.memory_space<vmem>>, vector<1x1x128xf32>
    %get3A_63 = vector.shape_cast %get3A_62 : vector<1x1x128xf32> to vector<1x128xf32>
    %add3A_64 = vector.broadcast %get3A_63 : vector<1x128xf32> to vector<128x128xf32>
    %add3A_65 = arith.addf %dot_general3A_58, %add3A_64 : vector<128x128xf32>
    %swap3A_66 = arith.constant 1 : index
    %swap3A_67 = arith.constant 0 : index
    %swap3A_68 = arith.constant 0 : index
    %swap3A_69 = vector.load %arg9[%swap3A_66, %swap3A_67, %swap3A_68] : memref<3x128x128xf32, #tpu.memory_space<vmem>>, vector<1x128x128xf32>
    %swap3A_70 = vector.shape_cast %swap3A_69 : vector<1x128x128xf32> to vector<128x128xf32>
    %swap3A_71 = vector.shape_cast %add3A_65 : vector<128x128xf32> to vector<1x128x128xf32>
    tpu.vector_store %arg9[%swap3A_66, %swap3A_67, %swap3A_68], %swap3A_71 {strides = array<i32>} : memref<3x128x128xf32, #tpu.memory_space<vmem>>, vector<1x128x128xf32>,
    %get3A_72 = arith.constant 2 : index
    %get3A_73 = arith.constant 0 : index
    %get3A_74 = arith.constant 0 : index
    %get3A_75 = vector.load %arg7[%get3A_72, %get3A_73, %get3A_74] : memref<3x128x128xf32, #tpu.memory_space<vmem>>, vector<1x128x128xf32>
    %get3A_76 = vector.shape_cast %get3A_75 : vector<1x128x128xf32> to vector<128x128xf32>
    %dot_general3A_77 = arith.constant dense<0.000000e+00> : vector<128x128xf32>
    %dot_general3A_78 = tpu.matmul %select_n3A_32, %get3A_76, %dot_general3A_77 {dimension_numbers = #tpu.dot_dimension_numbers<[1], [0], [0], [1], [0, 0, 1, 1], [], []>, transpose_lhs_hint = false} : vector<128x128xf32>, vector<128x128xf32>, vector<128x128xf32> -> vector<128x128xf32>
    %get3A_79 = arith.constant 2 : index
    %get3A_80 = arith.constant 0 : index
    %get3A_81 = arith.constant 0 : index
    %get3A_82 = vector.load %arg8[%get3A_79, %get3A_80, %get3A_81] : memref<3x1x128xf32, #tpu.memory_space<vmem>>, vector<1x1x128xf32>
    %get3A_83 = vector.shape_cast %get3A_82 : vector<1x1x128xf32> to vector<1x128xf32>
    %add3A_84 = vector.broadcast %get3A_83 : vector<1x128xf32> to vector<128x128xf32>
    %add3A_85 = arith.addf %dot_general3A_78, %add3A_84 : vector<128x128xf32>
    %swap3A_86 = arith.constant 2 : index
    %swap3A_87 = arith.constant 0 : index
    %swap3A_88 = arith.constant 0 : index
    %swap3A_89 = vector.load %arg9[%swap3A_86, %swap3A_87, %swap3A_88] : memref<3x128x128xf32, #tpu.memory_space<vmem>>, vector<1x128x128xf32>
    %swap3A_90 = vector.shape_cast %swap3A_89 : vector<1x128x128xf32> to vector<128x128xf32>
    %swap3A_91 = vector.shape_cast %add3A_85 : vector<128x128xf32> to vector<1x128x128xf32>
    tpu.vector_store %arg9[%swap3A_86, %swap3A_87, %swap3A_88], %swap3A_91 {strides = array<i32>} : memref<3x128x128xf32, #tpu.memory_space<vmem>>, vector<1x128x128xf32>,
    return
  }
  func.func @transform_0(%arg0: i32) -> (i32, i32) {
    %c0_i32 = arith.constant 0 : i32
    %c0_i32_0 = arith.constant 0 : i32
    return %arg0, %c0_i32 : i32, i32
  }
  func.func @transform_1(%arg0: i32) -> (i32, i32) {
    %c0_i32 = arith.constant 0 : i32
    %c0_i32_0 = arith.constant 0 : i32
    %c0_i32_1 = arith.constant 0 : i32
    return %c0_i32, %c0_i32_0 : i32, i32
  }
  func.func @transform_2(%arg0: i32) -> (i32, i32) {
    %c0_i32 = arith.constant 0 : i32
    %c0_i32_0 = arith.constant 0 : i32
    %c0_i32_1 = arith.constant 0 : i32
    return %c0_i32, %c0_i32_0 : i32, i32
  }
  func.func @transform_3(%arg0: i32) -> (i32, i32) {
    %c0_i32 = arith.constant 0 : i32
    %c0_i32_0 = arith.constant 0 : i32
    %c0_i32_1 = arith.constant 0 : i32
    return %c0_i32, %c0_i32_0 : i32, i32
  }
  func.func @transform_4(%arg0: i32) -> (i32, i32) {
    %c0_i32 = arith.constant 0 : i32
    %c0_i32_0 = arith.constant 0 : i32
    %c0_i32_1 = arith.constant 0 : i32
    return %c0_i32, %c0_i32_0 : i32, i32
  }
  func.func @transform_5(%arg0: i32) -> (i32, i32) {
    %c0_i32 = arith.constant 0 : i32
    %c0_i32_0 = arith.constant 0 : i32
    %c0_i32_1 = arith.constant 0 : i32
    return %c0_i32, %c0_i32_0 : i32, i32
  }
  func.func @transform_6(%arg0: i32) -> (i32, i32, i32) {
    %c0_i32 = arith.constant 0 : i32
    %c0_i32_0 = arith.constant 0 : i32
    %c0_i32_1 = arith.constant 0 : i32
    %c0_i32_2 = arith.constant 0 : i32
    return %c0_i32, %c0_i32_0, %c0_i32_1 : i32, i32, i32
  }
  func.func @transform_7(%arg0: i32) -> (i32, i32, i32) {
    %c0_i32 = arith.constant 0 : i32
    %c0_i32_0 = arith.constant 0 : i32
    %c0_i32_1 = arith.constant 0 : i32
    %c0_i32_2 = arith.constant 0 : i32
    return %c0_i32, %c0_i32_0, %c0_i32_1 : i32, i32, i32
  }
  func.func @transform_8(%arg0: i32) -> (i32, i32, i32) {
    %c0_i32 = arith.constant 0 : i32
    %c0_i32_0 = arith.constant 0 : i32
    %c0_i32_1 = arith.constant 0 : i32
    return %c0_i32, %arg0, %c0_i32_0 : i32, i32, i32
  }
}

module attributes {stable_mosaic.version = 14 : i64} {
  func.func @_mid_body(%arg0: i32, %arg1: memref<3x128x128xf32, #tpu.memory_space<vmem>>, %arg2: memref<2x128x128xf32, #tpu.memory_space<vmem>>, %arg3: memref<2x128x128xf32, #tpu.memory_space<vmem>>, %arg4: memref<3x128x128xf32, #tpu.memory_space<vmem>>, %arg5: memref<3x1x128xf32, #tpu.memory_space<vmem>>, %arg6: memref<3x128x128xf32, #tpu.memory_space<vmem>>) attributes {dimension_semantics = [#tpu.dimension_semantics<arbitrary>], iteration_bounds = array<i64: 79>, scalar_prefetch = 0 : i64, scratch_operands = 0 : i64, tpu.core_type = #tpu.core_type<tc>, window_params = [{transform_indices = @transform_0, window_bounds = array<i64: 3, 128, 128>}, {transform_indices = @transform_1, window_bounds = array<i64: 2, 128, 128>}, {transform_indices = @transform_2, window_bounds = array<i64: 2, 128, 128>}, {pipeline_mode = #tpu.pipeline_mode<synchronous>, transform_indices = @transform_3, window_bounds = array<i64: 3, 128, 128>}, {pipeline_mode = #tpu.pipeline_mode<synchronous>, transform_indices = @transform_4, window_bounds = array<i64: 3, 1, 128>}, {transform_indices = @transform_5, window_bounds = array<i64: 3, 128, 128>}]} {
    %get3A = arith.constant 0 : index
    %get3A_0 = arith.constant 0 : index
    %get3A_1 = arith.constant 0 : index
    %get3A_2 = vector.load %arg1[%get3A, %get3A_0, %get3A_1] : memref<3x128x128xf32, #tpu.memory_space<vmem>>, vector<1x128x128xf32>
    %get3A_3 = vector.shape_cast %get3A_2 : vector<1x128x128xf32> to vector<128x128xf32>
    %get3A_4 = arith.constant 0 : index
    %get3A_5 = arith.constant 0 : index
    %get3A_6 = arith.constant 0 : index
    %get3A_7 = vector.load %arg2[%get3A_4, %get3A_5, %get3A_6] : memref<2x128x128xf32, #tpu.memory_space<vmem>>, vector<2x128x128xf32>
    %get3A_8 = arith.constant 0 : index
    %get3A_9 = arith.constant 0 : index
    %get3A_10 = arith.constant 0 : index
    %get3A_11 = vector.load %arg3[%get3A_8, %get3A_9, %get3A_10] : memref<2x128x128xf32, #tpu.memory_space<vmem>>, vector<2x128x128xf32>
    %slice3A = vector.extract_strided_slice %get3A_11 {offsets = [0, 0, 0], sizes = [1, 128, 1], strides = [1, 1, 1]} : vector<2x128x128xf32> to vector<1x128x1xf32>
    %squeeze3A = vector.shape_cast %slice3A : vector<1x128x1xf32> to vector<128x1xf32>
    %max3A = arith.constant 1.000000e+00 : f32
    %max3A_12 = vector.broadcast %max3A : f32 to vector<128x1xf32>
    %max3A_13 = arith.maximumf %squeeze3A, %max3A_12 : vector<128x1xf32>
    %slice3A_14 = vector.extract_strided_slice %get3A_11 {offsets = [1, 0, 0], sizes = [1, 128, 1], strides = [1, 1, 1]} : vector<2x128x128xf32> to vector<1x128x1xf32>
    %squeeze3A_15 = vector.shape_cast %slice3A_14 : vector<1x128x1xf32> to vector<128x1xf32>
    %max3A_16 = arith.constant 1.000000e+00 : f32
    %max3A_17 = vector.broadcast %max3A_16 : f32 to vector<128x1xf32>
    %max3A_18 = arith.maximumf %squeeze3A_15, %max3A_17 : vector<128x1xf32>
    %slice3A_19 = vector.extract_strided_slice %get3A_7 {offsets = [0, 0, 0], sizes = [1, 128, 128], strides = [1, 1, 1]} : vector<2x128x128xf32> to vector<1x128x128xf32>
    %squeeze3A_20 = vector.shape_cast %slice3A_19 : vector<1x128x128xf32> to vector<128x128xf32>
    %div3A = vector.broadcast %max3A_13 : vector<128x1xf32> to vector<128x128xf32>
    %div3A_21 = arith.divf %squeeze3A_20, %div3A : vector<128x128xf32>
    %add3A = arith.addf %get3A_3, %div3A_21 : vector<128x128xf32>
    %slice3A_22 = vector.extract_strided_slice %get3A_7 {offsets = [1, 0, 0], sizes = [1, 128, 128], strides = [1, 1, 1]} : vector<2x128x128xf32> to vector<1x128x128xf32>
    %squeeze3A_23 = vector.shape_cast %slice3A_22 : vector<1x128x128xf32> to vector<128x128xf32>
    %div3A_24 = vector.broadcast %max3A_18 : vector<128x1xf32> to vector<128x128xf32>
    %div3A_25 = arith.divf %squeeze3A_23, %div3A_24 : vector<128x128xf32>
    %add3A_26 = arith.addf %add3A, %div3A_25 : vector<128x128xf32>
    %get3A_27 = arith.constant 0 : index
    %get3A_28 = arith.constant 0 : index
    %get3A_29 = arith.constant 0 : index
    %get3A_30 = vector.load %arg4[%get3A_27, %get3A_28, %get3A_29] : memref<3x128x128xf32, #tpu.memory_space<vmem>>, vector<1x128x128xf32>
    %get3A_31 = vector.shape_cast %get3A_30 : vector<1x128x128xf32> to vector<128x128xf32>
    %dot_general3A = arith.constant dense<0.000000e+00> : vector<128x128xf32>
    %dot_general3A_32 = tpu.matmul %add3A_26, %get3A_31, %dot_general3A {dimension_numbers = #tpu.dot_dimension_numbers<[1], [0], [0], [1], [0, 0, 1, 1], [], []>, transpose_lhs_hint = false} : vector<128x128xf32>, vector<128x128xf32>, vector<128x128xf32> -> vector<128x128xf32>
    %get3A_33 = arith.constant 0 : index
    %get3A_34 = arith.constant 0 : index
    %get3A_35 = arith.constant 0 : index
    %get3A_36 = vector.load %arg5[%get3A_33, %get3A_34, %get3A_35] : memref<3x1x128xf32, #tpu.memory_space<vmem>>, vector<1x1x128xf32>
    %get3A_37 = vector.shape_cast %get3A_36 : vector<1x1x128xf32> to vector<1x128xf32>
    %add3A_38 = vector.broadcast %get3A_37 : vector<1x128xf32> to vector<128x128xf32>
    %add3A_39 = arith.addf %dot_general3A_32, %add3A_38 : vector<128x128xf32>
    %swap3A = arith.constant 0 : index
    %swap3A_40 = arith.constant 0 : index
    %swap3A_41 = arith.constant 0 : index
    %swap3A_42 = vector.load %arg6[%swap3A, %swap3A_40, %swap3A_41] : memref<3x128x128xf32, #tpu.memory_space<vmem>>, vector<1x128x128xf32>
    %swap3A_43 = vector.shape_cast %swap3A_42 : vector<1x128x128xf32> to vector<128x128xf32>
    %swap3A_44 = vector.shape_cast %add3A_39 : vector<128x128xf32> to vector<1x128x128xf32>
    tpu.vector_store %arg6[%swap3A, %swap3A_40, %swap3A_41], %swap3A_44 {strides = array<i32>} : memref<3x128x128xf32, #tpu.memory_space<vmem>>, vector<1x128x128xf32>,
    %get3A_45 = arith.constant 1 : index
    %get3A_46 = arith.constant 0 : index
    %get3A_47 = arith.constant 0 : index
    %get3A_48 = vector.load %arg4[%get3A_45, %get3A_46, %get3A_47] : memref<3x128x128xf32, #tpu.memory_space<vmem>>, vector<1x128x128xf32>
    %get3A_49 = vector.shape_cast %get3A_48 : vector<1x128x128xf32> to vector<128x128xf32>
    %dot_general3A_50 = arith.constant dense<0.000000e+00> : vector<128x128xf32>
    %dot_general3A_51 = tpu.matmul %add3A_26, %get3A_49, %dot_general3A_50 {dimension_numbers = #tpu.dot_dimension_numbers<[1], [0], [0], [1], [0, 0, 1, 1], [], []>, transpose_lhs_hint = false} : vector<128x128xf32>, vector<128x128xf32>, vector<128x128xf32> -> vector<128x128xf32>
    %get3A_52 = arith.constant 1 : index
    %get3A_53 = arith.constant 0 : index
    %get3A_54 = arith.constant 0 : index
    %get3A_55 = vector.load %arg5[%get3A_52, %get3A_53, %get3A_54] : memref<3x1x128xf32, #tpu.memory_space<vmem>>, vector<1x1x128xf32>
    %get3A_56 = vector.shape_cast %get3A_55 : vector<1x1x128xf32> to vector<1x128xf32>
    %add3A_57 = vector.broadcast %get3A_56 : vector<1x128xf32> to vector<128x128xf32>
    %add3A_58 = arith.addf %dot_general3A_51, %add3A_57 : vector<128x128xf32>
    %swap3A_59 = arith.constant 1 : index
    %swap3A_60 = arith.constant 0 : index
    %swap3A_61 = arith.constant 0 : index
    %swap3A_62 = vector.load %arg6[%swap3A_59, %swap3A_60, %swap3A_61] : memref<3x128x128xf32, #tpu.memory_space<vmem>>, vector<1x128x128xf32>
    %swap3A_63 = vector.shape_cast %swap3A_62 : vector<1x128x128xf32> to vector<128x128xf32>
    %swap3A_64 = vector.shape_cast %add3A_58 : vector<128x128xf32> to vector<1x128x128xf32>
    tpu.vector_store %arg6[%swap3A_59, %swap3A_60, %swap3A_61], %swap3A_64 {strides = array<i32>} : memref<3x128x128xf32, #tpu.memory_space<vmem>>, vector<1x128x128xf32>,
    %get3A_65 = arith.constant 2 : index
    %get3A_66 = arith.constant 0 : index
    %get3A_67 = arith.constant 0 : index
    %get3A_68 = vector.load %arg4[%get3A_65, %get3A_66, %get3A_67] : memref<3x128x128xf32, #tpu.memory_space<vmem>>, vector<1x128x128xf32>
    %get3A_69 = vector.shape_cast %get3A_68 : vector<1x128x128xf32> to vector<128x128xf32>
    %dot_general3A_70 = arith.constant dense<0.000000e+00> : vector<128x128xf32>
    %dot_general3A_71 = tpu.matmul %add3A_26, %get3A_69, %dot_general3A_70 {dimension_numbers = #tpu.dot_dimension_numbers<[1], [0], [0], [1], [0, 0, 1, 1], [], []>, transpose_lhs_hint = false} : vector<128x128xf32>, vector<128x128xf32>, vector<128x128xf32> -> vector<128x128xf32>
    %get3A_72 = arith.constant 2 : index
    %get3A_73 = arith.constant 0 : index
    %get3A_74 = arith.constant 0 : index
    %get3A_75 = vector.load %arg5[%get3A_72, %get3A_73, %get3A_74] : memref<3x1x128xf32, #tpu.memory_space<vmem>>, vector<1x1x128xf32>
    %get3A_76 = vector.shape_cast %get3A_75 : vector<1x1x128xf32> to vector<1x128xf32>
    %add3A_77 = vector.broadcast %get3A_76 : vector<1x128xf32> to vector<128x128xf32>
    %add3A_78 = arith.addf %dot_general3A_71, %add3A_77 : vector<128x128xf32>
    %swap3A_79 = arith.constant 2 : index
    %swap3A_80 = arith.constant 0 : index
    %swap3A_81 = arith.constant 0 : index
    %swap3A_82 = vector.load %arg6[%swap3A_79, %swap3A_80, %swap3A_81] : memref<3x128x128xf32, #tpu.memory_space<vmem>>, vector<1x128x128xf32>
    %swap3A_83 = vector.shape_cast %swap3A_82 : vector<1x128x128xf32> to vector<128x128xf32>
    %swap3A_84 = vector.shape_cast %add3A_78 : vector<128x128xf32> to vector<1x128x128xf32>
    tpu.vector_store %arg6[%swap3A_79, %swap3A_80, %swap3A_81], %swap3A_84 {strides = array<i32>} : memref<3x128x128xf32, #tpu.memory_space<vmem>>, vector<1x128x128xf32>,
    return
  }
  func.func @transform_0(%arg0: i32) -> (i32, i32, i32) {
    %c0_i32 = arith.constant 0 : i32
    %c0_i32_0 = arith.constant 0 : i32
    %c0_i32_1 = arith.constant 0 : i32
    return %c0_i32, %arg0, %c0_i32_0 : i32, i32, i32
  }
  func.func @transform_1(%arg0: i32) -> (i32, i32, i32) {
    %c0_i32 = arith.constant 0 : i32
    %c0_i32_0 = arith.constant 0 : i32
    %c0_i32_1 = arith.constant 0 : i32
    return %c0_i32, %arg0, %c0_i32_0 : i32, i32, i32
  }
  func.func @transform_2(%arg0: i32) -> (i32, i32, i32) {
    %c0_i32 = arith.constant 0 : i32
    %c0_i32_0 = arith.constant 0 : i32
    %c0_i32_1 = arith.constant 0 : i32
    return %c0_i32, %arg0, %c0_i32_0 : i32, i32, i32
  }
  func.func @transform_3(%arg0: i32) -> (i32, i32, i32) {
    %c0_i32 = arith.constant 0 : i32
    %c0_i32_0 = arith.constant 0 : i32
    %c0_i32_1 = arith.constant 0 : i32
    %c0_i32_2 = arith.constant 0 : i32
    return %c0_i32, %c0_i32_0, %c0_i32_1 : i32, i32, i32
  }
  func.func @transform_4(%arg0: i32) -> (i32, i32, i32) {
    %c0_i32 = arith.constant 0 : i32
    %c0_i32_0 = arith.constant 0 : i32
    %c0_i32_1 = arith.constant 0 : i32
    %c0_i32_2 = arith.constant 0 : i32
    return %c0_i32, %c0_i32_0, %c0_i32_1 : i32, i32, i32
  }
  func.func @transform_5(%arg0: i32) -> (i32, i32, i32) {
    %c0_i32 = arith.constant 0 : i32
    %c0_i32_0 = arith.constant 0 : i32
    %c0_i32_1 = arith.constant 0 : i32
    return %c0_i32, %arg0, %c0_i32_0 : i32, i32, i32
  }
}

module attributes {stable_mosaic.version = 14 : i64} {
  func.func @_final_body(%arg0: i32, %arg1: memref<3x128x128xf32, #tpu.memory_space<vmem>>, %arg2: memref<2x128x128xf32, #tpu.memory_space<vmem>>, %arg3: memref<2x128x128xf32, #tpu.memory_space<vmem>>, %arg4: memref<128x128xf32, #tpu.memory_space<vmem>>, %arg5: memref<1x128xf32, #tpu.memory_space<vmem>>, %arg6: memref<128x128xf32, #tpu.memory_space<vmem>>) attributes {dimension_semantics = [#tpu.dimension_semantics<arbitrary>], iteration_bounds = array<i64: 79>, scalar_prefetch = 0 : i64, scratch_operands = 0 : i64, tpu.core_type = #tpu.core_type<tc>, window_params = [{transform_indices = @transform_0, window_bounds = array<i64: 3, 128, 128>}, {transform_indices = @transform_1, window_bounds = array<i64: 2, 128, 128>}, {transform_indices = @transform_2, window_bounds = array<i64: 2, 128, 128>}, {pipeline_mode = #tpu.pipeline_mode<synchronous>, transform_indices = @transform_3, window_bounds = array<i64: 128, 128>}, {pipeline_mode = #tpu.pipeline_mode<synchronous>, transform_indices = @transform_4, window_bounds = array<i64: 1, 128>}, {transform_indices = @transform_5, window_bounds = array<i64: 128, 128>}]} {
    %get3A = arith.constant 0 : index
    %get3A_0 = arith.constant 0 : index
    %get3A_1 = arith.constant 0 : index
    %get3A_2 = vector.load %arg1[%get3A, %get3A_0, %get3A_1] : memref<3x128x128xf32, #tpu.memory_space<vmem>>, vector<1x128x128xf32>
    %get3A_3 = vector.shape_cast %get3A_2 : vector<1x128x128xf32> to vector<128x128xf32>
    %get3A_4 = arith.constant 0 : index
    %get3A_5 = arith.constant 0 : index
    %get3A_6 = arith.constant 0 : index
    %get3A_7 = vector.load %arg2[%get3A_4, %get3A_5, %get3A_6] : memref<2x128x128xf32, #tpu.memory_space<vmem>>, vector<2x128x128xf32>
    %get3A_8 = arith.constant 0 : index
    %get3A_9 = arith.constant 0 : index
    %get3A_10 = arith.constant 0 : index
    %get3A_11 = vector.load %arg3[%get3A_8, %get3A_9, %get3A_10] : memref<2x128x128xf32, #tpu.memory_space<vmem>>, vector<2x128x128xf32>
    %slice3A = vector.extract_strided_slice %get3A_11 {offsets = [0, 0, 0], sizes = [1, 128, 1], strides = [1, 1, 1]} : vector<2x128x128xf32> to vector<1x128x1xf32>
    %squeeze3A = vector.shape_cast %slice3A : vector<1x128x1xf32> to vector<128x1xf32>
    %max3A = arith.constant 1.000000e+00 : f32
    %max3A_12 = vector.broadcast %max3A : f32 to vector<128x1xf32>
    %max3A_13 = arith.maximumf %squeeze3A, %max3A_12 : vector<128x1xf32>
    %slice3A_14 = vector.extract_strided_slice %get3A_11 {offsets = [1, 0, 0], sizes = [1, 128, 1], strides = [1, 1, 1]} : vector<2x128x128xf32> to vector<1x128x1xf32>
    %squeeze3A_15 = vector.shape_cast %slice3A_14 : vector<1x128x1xf32> to vector<128x1xf32>
    %max3A_16 = arith.constant 1.000000e+00 : f32
    %max3A_17 = vector.broadcast %max3A_16 : f32 to vector<128x1xf32>
    %max3A_18 = arith.maximumf %squeeze3A_15, %max3A_17 : vector<128x1xf32>
    %slice3A_19 = vector.extract_strided_slice %get3A_7 {offsets = [0, 0, 0], sizes = [1, 128, 128], strides = [1, 1, 1]} : vector<2x128x128xf32> to vector<1x128x128xf32>
    %squeeze3A_20 = vector.shape_cast %slice3A_19 : vector<1x128x128xf32> to vector<128x128xf32>
    %div3A = vector.broadcast %max3A_13 : vector<128x1xf32> to vector<128x128xf32>
    %div3A_21 = arith.divf %squeeze3A_20, %div3A : vector<128x128xf32>
    %add3A = arith.addf %get3A_3, %div3A_21 : vector<128x128xf32>
    %slice3A_22 = vector.extract_strided_slice %get3A_7 {offsets = [1, 0, 0], sizes = [1, 128, 128], strides = [1, 1, 1]} : vector<2x128x128xf32> to vector<1x128x128xf32>
    %squeeze3A_23 = vector.shape_cast %slice3A_22 : vector<1x128x128xf32> to vector<128x128xf32>
    %div3A_24 = vector.broadcast %max3A_18 : vector<128x1xf32> to vector<128x128xf32>
    %div3A_25 = arith.divf %squeeze3A_23, %div3A_24 : vector<128x128xf32>
    %add3A_26 = arith.addf %add3A, %div3A_25 : vector<128x128xf32>
    %get3A_27 = arith.constant 0 : index
    %get3A_28 = arith.constant 0 : index
    %get3A_29 = vector.load %arg4[%get3A_27, %get3A_28] : memref<128x128xf32, #tpu.memory_space<vmem>>, vector<128x128xf32>
    %dot_general3A = arith.constant dense<0.000000e+00> : vector<128x128xf32>
    %dot_general3A_30 = tpu.matmul %add3A_26, %get3A_29, %dot_general3A {dimension_numbers = #tpu.dot_dimension_numbers<[1], [0], [0], [1], [0, 0, 1, 1], [], []>, transpose_lhs_hint = false} : vector<128x128xf32>, vector<128x128xf32>, vector<128x128xf32> -> vector<128x128xf32>
    %get3A_31 = arith.constant 0 : index
    %get3A_32 = arith.constant 0 : index
    %get3A_33 = vector.load %arg5[%get3A_31, %get3A_32] : memref<1x128xf32, #tpu.memory_space<vmem>>, vector<1x128xf32>
    %add3A_34 = vector.broadcast %get3A_33 : vector<1x128xf32> to vector<128x128xf32>
    %add3A_35 = arith.addf %dot_general3A_30, %add3A_34 : vector<128x128xf32>
    %swap3A = arith.constant 0 : index
    %swap3A_36 = arith.constant 0 : index
    %swap3A_37 = vector.load %arg6[%swap3A, %swap3A_36] : memref<128x128xf32, #tpu.memory_space<vmem>>, vector<128x128xf32>
    tpu.vector_store %arg6[%swap3A, %swap3A_36], %add3A_35 {strides = array<i32>} : memref<128x128xf32, #tpu.memory_space<vmem>>, vector<128x128xf32>,
    return
  }
  func.func @transform_0(%arg0: i32) -> (i32, i32, i32) {
    %c0_i32 = arith.constant 0 : i32
    %c0_i32_0 = arith.constant 0 : i32
    %c0_i32_1 = arith.constant 0 : i32
    return %c0_i32, %arg0, %c0_i32_0 : i32, i32, i32
  }
  func.func @transform_1(%arg0: i32) -> (i32, i32, i32) {
    %c0_i32 = arith.constant 0 : i32
    %c0_i32_0 = arith.constant 0 : i32
    %c0_i32_1 = arith.constant 0 : i32
    return %c0_i32, %arg0, %c0_i32_0 : i32, i32, i32
  }
  func.func @transform_2(%arg0: i32) -> (i32, i32, i32) {
    %c0_i32 = arith.constant 0 : i32
    %c0_i32_0 = arith.constant 0 : i32
    %c0_i32_1 = arith.constant 0 : i32
    return %c0_i32, %arg0, %c0_i32_0 : i32, i32, i32
  }
  func.func @transform_3(%arg0: i32) -> (i32, i32) {
    %c0_i32 = arith.constant 0 : i32
    %c0_i32_0 = arith.constant 0 : i32
    %c0_i32_1 = arith.constant 0 : i32
    return %c0_i32, %c0_i32_0 : i32, i32
  }
  func.func @transform_4(%arg0: i32) -> (i32, i32) {
    %c0_i32 = arith.constant 0 : i32
    %c0_i32_0 = arith.constant 0 : i32
    %c0_i32_1 = arith.constant 0 : i32
    return %c0_i32, %c0_i32_0 : i32, i32
  }
  func.func @transform_5(%arg0: i32) -> (i32, i32) {
    %c0_i32 = arith.constant 0 : i32
    %c0_i32_0 = arith.constant 0 : i32
    return %arg0, %c0_i32 : i32, i32
  }
}

</mosaic_0001>

<sc_bundles>
// kernel: kernel.12.cloned.1.call-start
scs
__scs_entry_jumppad:
0x0: {  	(pc) =	sbr.rel $0x88, $3  }
0x1: {  	(tag) =	ssettag $0x0;
	lr =	simm.s32 $0x1  }
0x2: {  	[smem:$0x3F8B] =	sst lr;
	_ =	strace $0xD0000000  }
0x3: {  	_ = 	snop  }
0x4: {  	_ = 	snop  }
0x5: {  	_ = 	snop  }
0x6: {  	_ = 	snop  }
0x7: {  	_ = 	snop  }
__scs_overlays_trampoline_lowered:
0x8: {  	[smem:$0x3F9A] =	sst s0  }
0x9: {  	[smem:$0x3F9B] =	sst s1  }
0xa: {  	[smem:$0x3F9C] =	sst s2  }
0xb: {  	[smem:$0x3F9D] =	sst s3  }
0xc: {  	[smem:$0x3F9E] =	sst s4  }
0xd: {  	[smem:$0x3F9F] =	sst s5  }
0xe: {  	[smem:$0x3FA0] =	sst s6  }
0xf: {  	[smem:$0x3FA1] =	sst s7  }
0x10: {  	[smem:$0x3FA2] =	sst s8  }
0x11: {  	[smem:$0x3FA3] =	sst s9;
	s0 =	simm.s32 @!p0 $0x0  }
0x12: {  	s1 =	sld [smem:$0x3F89];
	s0 =	simm.s32 @p0 $0x1  }
0x13: {  	[smem:$0x3FA4] =	sst s0;
	s0 =	simm.s32 @!p1 $0x0  }
0x14: {  	s2 =	sld [smem:$0x3F88];
	s0 =	simm.s32 @p1 $0x1  }
0x15: {  	[smem:$0x3FA5] =	sst s0;
	s0 =	simm.s32 @!p2 $0x0  }
0x16: {  	s3 =	sld [smem:$0x3FDB];
	s0 =	simm.s32 @p2 $0x1  }
0x17: {  	s4 =	simm.s32 $0x1BF5;
	[smem:$0x3FA7] =	sst s0  }
0x18: {  	s0 =	sld [smem:$0x3F8A];
	_ =	swait.ge [sflag:s4], $0x0  }
0x19: {  	s7 =	sld [smem:$0x3F8B]  }
0x1a: {  	s8 =	sadd.s32 $0xFFFFE003, lr  }
0x1b: {  	s9 =	sadd.s32 $0xFFFFFEF7, lr;
	s5 =	simm.s32 $0xFFFFFFFF;
	p2 =	slt.u32 s8, $0xFFFFF086  }
0x1c: {  	p1 =	slt.u32 s9, $0xF7A;
	s5 =	simm.s32 @!p2 $0x0  }
0x1d: {  	s5 =	simm.s32 @p1 $0x1;
	p0 =	seq.s32 s7, s2  }
0x1e: {  	s7 =	smul.u32 @!p0 $0xF7A, s2;
	p2 =	seq.s32 @!p0 s5, $0x0  }
0x1f: {  	s9 =	smul.u32 $0xF7A, s1;
	s8 =	simm.s32 @!p0 $0x1BF5;
	p2 =	por !p2, p0  }
0x20: {  	[sflag:s8] =	ssyncset.s32 @!p0 $0xFFFFF086;
	s6 =	sadd.s32 @!p0 s3, s7;
	s7 =	simm.s32 @!p0 $0x108  }
0x21: {  	s3 =	sadd.s32 s3, s9;
	s6 =	sadd.s32 @!p0 $0x88, s6;
	s7 =	simm.s32 @p2 $0x1082  }
0x22: {  	[simem:s7], [sflag:s8] =	dma.local @!p0 [hbm:s6], $0xF7A  }
0x23: {  	s9 =	sor.u32 $0xD0000000, s2;
	s6 =	simm.s32 $0x108;
	_ =	swait.ge @!p0 [sflag:s8], $0x0  }
0x24: {  	s3 =	sadd.s32 $0x88, s3;
	s6 =	simm.s32 @!p1 $0x1082;
	[sflag:s4] =	ssyncset.s32 $0xFFFFF086  }
0x25: {  	[simem:s6], [sflag:s4] =	dma.local [hbm:s3], $0xF7A  }
0x26: {  	[smem:$0x3F8B] =	sst s1;
	(tag) =	ssettag s2;
	_ =	strace s9  }
0x27: {  	s1 =	sld [smem:$0x3F9B]  }
0x28: {  	s2 =	sld [smem:$0x3F9C]  }
0x29: {  	s4 =	sld [smem:$0x3F9E]  }
0x2a: {  	p0 =	seq.s32 s5, $0x0;
	s5 =	sld [smem:$0x3F9F]  }
0x2b: {  	s6 =	sld [smem:$0x3FA0]  }
0x2c: {  	s7 =	sld [smem:$0x3FA1]  }
0x2d: {  	s3 =	simm.s32 $0x108;
	s8 =	sld [smem:$0x3FA2]  }
0x2e: {  	s3 =	simm.s32 @!p0 $0x1082;
	s9 =	sld [smem:$0x3FA3]  }
0x2f: {  	lr =	sadd.s32 s0, s3;
	s0 =	sld [smem:$0x3F9A]  }
0x30: {  	s3 =	sld [smem:$0x3F9D]  }
0x31: {  	[smem:$0x3FA6] =	sst s10  }
0x32: {  	s10 =	sld [smem:$0x3FA4];
	_ =	sdelay $0x3  }
0x33: {  	p0 =	seq.s32 s10, $0x1;
	s10 =	sld [smem:$0x3FA6];
	_ =	sdelay $0x3  }
0x34: {  	[smem:$0x3FA6] =	sst s10  }
0x35: {  	s10 =	sld [smem:$0x3FA5];
	_ =	sdelay $0x3  }
0x36: {  	p1 =	seq.s32 s10, $0x1;
	s10 =	sld [smem:$0x3FA6];
	_ =	sdelay $0x3  }
0x37: {  	[smem:$0x3FA6] =	sst s10  }
0x38: {  	s10 =	sld [smem:$0x3FA7]  }
0x39: {  	_ = 	snop;
	(pc) =	sbr.ind lr, $3  }
0x3a: {  	_ = 	snop  }
0x3b: {  	_ = 	snop  }
0x3c: {  	p2 =	seq.s32 s10, $0x1;
	s10 =	sld [smem:$0x3FA6]  }
0x3d: {  	_ =	shalt  }
0x3e: {  	_ =	shalt  }
0x3f: {  	_ =	shalt  }
0x40: {  	_ =	shalt  }
0x41: {  	_ =	shalt  }
0x42: {  	_ =	shalt  }
0x43: {  	_ =	shalt  }
0x44: {  	_ =	shalt  }
0x45: {  	_ =	shalt  }
0x46: {  	_ =	shalt  }
0x47: {  	_ =	shalt  }
0x48: {  	_ =	shalt  }
0x49: {  	_ =	shalt  }
0x4a: {  	_ =	shalt  }
0x4b: {  	_ =	shalt  }
0x4c: {  	_ =	shalt  }
0x4d: {  	_ =	shalt  }
0x4e: {  	_ =	shalt  }
0x4f: {  	_ =	shalt  }
0x50: {  	_ =	shalt  }
0x51: {  	_ =	shalt  }
0x52: {  	_ =	shalt  }
0x53: {  	_ =	shalt  }
0x54: {  	_ =	shalt  }
0x55: {  	_ =	shalt  }
0x56: {  	_ =	shalt  }
0x57: {  	_ =	shalt  }
0x58: {  	_ =	shalt  }
0x59: {  	_ =	shalt  }
0x5a: {  	_ =	shalt  }
0x5b: {  	_ =	shalt  }
0x5c: {  	_ =	shalt  }
0x5d: {  	_ =	shalt  }
0x5e: {  	_ =	shalt  }
0x5f: {  	_ =	shalt  }
0x60: {  	_ =	shalt  }
0x61: {  	_ =	shalt  }
0x62: {  	_ =	shalt  }
0x63: {  	_ =	shalt  }
0x64: {  	_ =	shalt  }
0x65: {  	_ =	shalt  }
0x66: {  	_ =	shalt  }
0x67: {  	_ =	shalt  }
0x68: {  	_ =	shalt  }
0x69: {  	_ =	shalt  }
0x6a: {  	_ =	shalt  }
0x6b: {  	_ =	shalt  }
0x6c: {  	_ =	shalt  }
0x6d: {  	_ =	shalt  }
0x6e: {  	_ =	shalt  }
0x6f: {  	_ =	shalt  }
0x70: {  	_ =	shalt  }
0x71: {  	_ =	shalt  }
0x72: {  	_ =	shalt  }
0x73: {  	_ =	shalt  }
0x74: {  	_ =	shalt  }
0x75: {  	_ =	shalt  }
0x76: {  	_ =	shalt  }
0x77: {  	_ =	shalt  }
0x78: {  	_ =	shalt  }
0x79: {  	_ =	shalt  }
0x7a: {  	_ =	shalt  }
0x7b: {  	_ =	shalt  }
0x7c: {  	_ =	shalt  }
0x7d: {  	_ =	shalt  }
0x7e: {  	_ =	shalt  }
0x7f: {  	_ =	shalt  }
0x80: {  	_ =	shalt  }
0x81: {  	_ =	shalt  }
0x82: {  	_ =	shalt  }
0x83: {  	_ =	shalt  }
0x84: {  	_ =	shalt  }
0x85: {  	_ =	shalt  }
0x86: {  	_ =	shalt  }
0x87: {  	_ =	shalt  }
.Lfunc_end0:
.L_simem_size_0:
called_computation.1_lowered:
.L_overlay_start_0:
0x88: {  	s2 =	sld [smem:$0x3FD9]  }
0x89: {  	s3 =	sld [smem:$0x3FFE];
	_ =	sdelay $0x1  }
0x8a: {  	s1 =	srdreg.scid  }
0x8b: {  	s0 =	sand.u32 $0x1, s1  }
0x8c: {  	s16 =	sshll.u32 s0, $0xA;
	s2 =	sadd.s32 s3, s2  }
0x8d: {  	s2 =	sadd.s32 s2, s16  }
0x8e: {  	[smem:$0x3FB2] =	sst s2  }
0x8f: {  	_ = 	snop  }
0x90: {  	(tm) =	ssettm $0x1  }
0x91: {  	s17 =	sld [smem:$0x3FFB];
	_ =	sdelay $0x3  }
0x92: {  	_ =	strace s17  }
0x93: {  	s2 =	sld [smem:$0x3FFC];
	_ =	sdelay $0x3  }
0x94: {  	_ =	strace s2  }
0x95: {  	s2 =	sld [smem:$0x3FFD];
	_ =	sdelay $0x3  }
0x96: {  	_ =	strace s2  }
0x97: {  	_ =	strace $0x8FFFFFFF  }
0x98: {  	s18 =	sld [smem:$0x3FDB];
	_ =	sdelay $0x1  }
0x99: {  	s19 =	simm.s32 $_scs_section_size  }
0x9a: {  	s4 =	simm.s32 $_size__tile_overlayer_lowered;
	s5 =	simm.s32 $_tile_overlayer_lowered  }
0x9b: {  	s22 =	simm.s32 $0x1BFF;
	s21 =	sshll.u32 s5, $0x1;
	s2 =	sadd.s32 s19, s18  }
0x9c: {  	s6 =	simm.s32 $0x0;
	s20 =	sshll.u32 s4, $0x1;
	s4 =	sadd.s32 s21, s2  }
0x9d: {  	[timem:s6], [sflag:s22] =	dma.local [hbm:s4], s20  }
0x9e: {  	_ =	swait.ge [sflag:s22], s20  }
0x9f: {  	s3 =	ssub.s32 $0x0, s20;
	[sflag:s22] =	ssyncset.done $0x0  }
0xa0: {  	[sflag:s22] =	ssyncadd.s32 s3;
	_ =	sdelay $0x1  }
0xa1: {  	s23 =	simm.s32 $0x1B8B  }
0xa2: {  	_ =	swait.ge [sflag:s23], $0x1  }
0xa3: {  	[sflag:s23] =	ssyncset.done $0x0  }
0xa4: {  	s25 =	simm.s32 $0x1B8E;
	s24 =	sld [smem:$0x3FFE];
	[sflag:s23] =	ssyncadd.s32 $0xFFFFFFFF  }
0xa5: {  	s26 =	simm.s32 $execute0_lowered;
	[smem:$0x3FD2] =	sst s25  }
0xa6: {  	s4 =	sshll.u32 s26, $0x1;
	_ =	strace $0x80000049;
	[dreg:$0x1] =	wrdreg $0xFFFFFFFF  }
0xa7: {  	s28 =	simm.s32 $_size_execute0_lowered;
	s2 =	sadd.s32 s2, s4;
	[dreg:$0x0] =	wrdreg $0x0  }
0xa8: {  	s4 =	sshll.u32 s28, $0x1;
	[dreg:$0x2] =	wrdreg s2  }
0xa9: {  	[dreg:$0x3] =	wrdreg s4  }
0xaa: {  	[dreg:$0x4] =	wrdreg $0xC0  }
0xab: {  	_ =	task [dreg:s6], $0x5FFFF  }
0xac: {  	[dreg:$0x1] =	wrdreg $0xFFFFFFFF  }
0xad: {  	[dreg:$0x0] =	wrdreg $0x60  }
0xae: {  	[dreg:$0x2] =	wrdreg s24  }
0xaf: {  	[dreg:$0x3] =	wrdreg $0x90800  }
0xb0: {  	[dreg:$0x4] =	wrdreg $0x9  }
0xb1: {  	_ =	task.clear_ibuf [dreg:s6], $0x5FFFF;
	_ =	strace $0x90000049  }
0xb2: {  	s29 =	simm.s32 $0x9;
	_ =	strace $0x8000004B  }
0xb3: {  	_ =	swait.ge [sflag:s29], $0x1  }
0xb4: {  	[sflag:s29] =	ssyncadd.s32 $0xFFFFFFFF  }
0xb5: {  	_ =	strace $0x9000004B  }
0xb6: {  	_ =	sfence  }
0xb7: {  	s30 =	sld [smem:$0x0];
	_ =	sdelay $0x2  }
0xb8: {  	s31 =	sshll.u32 s1, $0xD;
	s1 =	sshrl.u32 s1, $0x2  }
0xb9: {  	s3 =	sand.u32 $0x4000, s31;
	s1 =	sadd.s32 s1, s30  }
0xba: {  	s0 =	sor.u32 s3, s0;
	s1 =	sshll.u32 s1, $0x11  }
0xbb: {  	s0 =	sor.u32 s1, s0  }
0xbc: {  	s0 =	sadd.s32 $0x8F2B, s0  }
0xbd: {  	[sflag:s0] =	ssyncadd.remote.s32 $0x1  }
0xbe: {  	_ =	sfence.sel $0xFFFF  }
0xbf: {  	[dreg:$0x0] =	wrdreg $0xFFFFFFFF;
	(pc) =	sbr.abs _section_cstart, $3  }
0xc0: {  	[dreg:$0x1] =	wrdreg $0xFFFFFFFF  }
0xc1: {  	_ =	task.clear_ibuf [dreg:s6], $0x2FFFF;
	_ =	strace $0x9FFFFFFF  }
0xc2: {  	(tm) =	ssettm $0x7FFFFFFF  }
0xc3: {  	_ =	shalt  }
tec
execute0_lowered:
.L_overlay_start_1:
0x0: {  	(tag) =	ssettag $0x1  }
0x1: {  	s0 =	rddreg [dreg:$0x0]  }
0x2: {  	s1 =	rddreg [dreg:$0x1];
	s2 =	simm.s32 $0x0;
	s3 =	srdreg.scid  }
0x3: {  	s11 =	stileid.u32;
	s22 =	simm.s32 $0x100;
	s23 =	simm.s32 $0x880  }
0x4: {  	s28 =	simm.s32 $0x2;
	s30 =	simm.s32 $0x1;
	s31 =	simm.s32 $0x800  }
0x5: {  	s29 =	simm.s32 $0xB80;
	[smem:$0x7FF] =	sst s2;
	s12 =	sadd.s32 $0x5E800, s0  }
0x6: {  	s3 =	sand.u32 $0x1, s3;
	s13 =	sadd.s32 $0x72800, s0;
	s5 =	sshll.u32 s11, $0x4  }
0x7: {  	s8 =	smul.u32 $0x50000, s11;
	_ =	strace $0x8000004A;
	[dreg:$0x3] =	wrdreg s22  }
0x8: {  	s10 =	smul.u32 $0x5000, s11;
	s5 =	sadd.s32 s5, s0;
	[dreg:$0x4] =	wrdreg s23  }
0x9: {  	s26 =	smul.u32 $0x50000, s3;
	s9 =	sshll.u32 s3, $0x8;
	[dreg:$0x11] =	wrdreg s13  }
0xa: {  	s23 =	simm.s32 $0x400;
	[dreg:$0x10] =	wrdreg s12;
	s5 =	sadd.s32 s9, s5  }
0xb: {  	s6 =	ssub.s32 $0x2, s3;
	[dreg:$0xf] =	wrdreg s23;
	s5 =	sadd.s32 $0x86800, s5  }
0xc: {  	s9 =	sadd.s32 s10, s26;
	s26 =	simm.s32 $0x180;
	[dreg:$0x13] =	wrdreg s5  }
0xd: {  	s7 =	sshrl.u32 s6, $0x1;
	s8 =	sshrl.u32 s8, $0x2;
	[dreg:$0x5] =	wrdreg s26  }
0xe: {  	s6 =	ssub.s32 s6, s7;
	s25 =	sadd.s32 s8, s1;
	[dreg:$0x14] =	wrdreg s9  }
0xf: {  	s4 =	sadd.s32 $0x86A00, s0;
	s6 =	smax.u32 s6, $0x1;
	[dreg:$0x12] =	wrdreg s25  }
0x10: {  	s0 =	sadd.s32 $0xFEA00, s0;
	s10 =	sadd.s32 $0x4000, s25;
	[dreg:$0x15] =	wrdreg s6  }
0x11: {  	s5 =	smul.u32 $0x14000, s11;
	s11 =	sadd.s32 $0x8000, s25;
	[dreg:$0x16] =	wrdreg s10  }
0x12: {  	s3 =	smul.u32 $0x140000, s3;
	s14 =	sadd.s32 $0xC000, s25;
	[dreg:$0x17] =	wrdreg s11  }
0x13: {  	s8 =	sadd.s32 $0x10000, s25;
	s22 =	sshrl.u32 s9, $0x3;
	[dreg:$0x18] =	wrdreg s14  }
0x14: {  	s9 =	simm.s32 $0x500;
	[dreg:$0x19] =	wrdreg s8;
	s11 =	simm.s32 $0x900  }
0x15: {  	s14 =	simm.s32 $0x200;
	s26 =	sadd.s32 s22, s12;
	s8 =	simm.s32 $0xC80  }
0x16: {  	s12 =	simm.s32 $0x600;
	s15 =	sadd.s32 s3, s5;
	[dreg:$0x6] =	wrdreg s11  }
0x17: {  	s16 =	sadd.s32 $0x4000, s5;
	s19 =	sadd.s32 $0x8000, s5;
	[dreg:$0x7] =	wrdreg s14  }
0x18: {  	s24 =	sadd.s32 $0xC000, s5;
	s5 =	sadd.s32 $0x10000, s5;
	[smem:$0x7FD] =	sst s26  }
0x19: {  	s26 =	simm.s32 $0x1000;
	s11 =	simm.s32 $0xD00;
	s14 =	simm.s32 $0x680  }
0x1a: {  	s6 =	sshrl.u32 s15, $0x3;
	s17 =	sadd.s32 s3, s16;
	s7 =	sadd.s32 s16, s1  }
0x1b: {  	s20 =	sadd.s32 s3, s19;
	s21 =	sadd.s32 s19, s1;
	[dreg:$0x1b] =	wrdreg s7  }
0x1c: {  	s10 =	sadd.s32 s24, s1;
	s15 =	simm.s32 $0x980;
	[dreg:$0x1d] =	wrdreg s21  }
0x1d: {  	s16 =	simm.s32 $0x280;
	s19 =	simm.s32 $0xA80;
	[dreg:$0x1f] =	wrdreg s10  }
0x1e: {  	s6 =	sadd.s32 s0, s6;
	s18 =	sshrl.u32 s17, $0x3;
	[dreg:$0x8] =	wrdreg s15  }
0x1f: {  	s7 =	sadd.s32 s3, s24;
	[dreg:$0x9] =	wrdreg s16;
	s17 =	simm.s32 $0xA00  }
0x20: {  	s3 =	sadd.s32 s3, s5;
	s5 =	sadd.s32 s5, s1;
	[dreg:$0xc] =	wrdreg s19  }
0x21: {  	s21 =	simm.s32 $0xB00;
	s24 =	sadd.s32 s22, s13;
	s10 =	simm.s32 $0x580  }
0x22: {  	s13 =	simm.s32 $0xD80;
	s15 =	simm.s32 $0xE00;
	[dreg:$0x1a] =	wrdreg s6  }
0x23: {  	s16 =	simm.s32 $0x700;
	s19 =	simm.s32 $0xF00;
	[dreg:$0xa] =	wrdreg s17  }
0x24: {  	s6 =	sadd.s32 s0, s18;
	s7 =	sshrl.u32 s7, $0x3;
	[smem:$0x7FA] =	sst s5  }
0x25: {  	s18 =	simm.s32 $0x300;
	s3 =	sshrl.u32 s3, $0x3;
	[dreg:$0xe] =	wrdreg s21  }
0x26: {  	[smem:$0x7FC] =	sst s24;
	s5 =	simm.s32 $0x480;
	s17 =	simm.s32 $0xE80  }
0x27: {  	s21 =	simm.s32 $0x0;
	[dreg:$0x1c] =	wrdreg s6;
	s6 =	sshrl.u32 s20, $0x3  }
.Ltmp0:
0x28: {  	s7 =	sadd.s32 s0, s7;
	[dreg:$0xb] =	wrdreg s18;
	(pc) =	sbr.rel .LBB2_1-.Ltmp0, $4  }
0x29: {  	s20 =	simm.s32 $0x380;
	s18 =	simm.s32 $0x780;
	[smem:$0x7F9] =	sst s7  }
0x2a: {  	s6 =	sadd.s32 s0, s6;
	s0 =	sadd.s32 s0, s3;
	[dreg:$0xd] =	wrdreg s20  }
0x2b: {  	s3 =	simm.s32 $0x5000;
	s20 =	simm.s32 $0xF80;
	[dreg:$0x1e] =	wrdreg s6  }
0x2c: {  	v0 =	vimm.f32 $0.0e+00;
	[smem:$0x7FB] =	sst s0;
	s0 =	simm.s32 $0x80;
	s6 =	simm.s32 $0xC00  }
.LBB2_10:
0x2d: {  	[sflag:s28] =	ssyncadd.s32 $0xFFFFC000  }
.LBB2_11:
0x2e: {  	[bflag:$0x0] =	sbarrier.arrive $0xFFFF  }
0x2f: {  	[tilespmem:s3], [sflag:$0x2] =	stream.linear.gather [spmem:s25], $0x4000, $0x38;
	[tilespmem:$0x1D080] =	vst v63  }
0x30: {  	_ =	swait.ge [sflag:s28], $0x4000  }
0x31: {  	[sflag:s28] =	ssyncset.done $0x0  }
0x32: {  	s7 =	rddreg [dreg:$0x1a];
	[sflag:s28] =	ssyncadd.s32 $0xFFFFC000  }
0x33: {  	[hbm4b:s7+s2] =	stream.linear.scatter [tilespmem:s3], [sflag:$0x2], $0x4000, $0x38;
	[tilespmem:$0x1D080] =	vst v63  }
0x34: {  	_ =	swait.ge [sflag:s28], $0x4000  }
0x35: {  	[sflag:s28] =	ssyncset.done $0x0  }
0x36: {  	s22 =	rddreg [dreg:$0x1b];
	[sflag:s28] =	ssyncadd.s32 $0xFFFFC000  }
0x37: {  	[tilespmem:s3], [sflag:$0x2] =	stream.linear.gather [spmem:s22], $0x4000, $0x38;
	[tilespmem:$0x1D080] =	vst v63  }
0x38: {  	_ =	swait.ge [sflag:s28], $0x4000  }
0x39: {  	[sflag:s28] =	ssyncset.done $0x0  }
0x3a: {  	s23 =	rddreg [dreg:$0x1c];
	[sflag:s28] =	ssyncadd.s32 $0xFFFFC000  }
0x3b: {  	[hbm4b:s23+s2] =	stream.linear.scatter [tilespmem:s3], [sflag:$0x2], $0x4000, $0x38;
	[tilespmem:$0x1D080] =	vst v63  }
0x3c: {  	_ =	swait.ge [sflag:s28], $0x4000  }
0x3d: {  	[sflag:s28] =	ssyncset.done $0x0  }
0x3e: {  	s24 =	rddreg [dreg:$0x1d];
	[sflag:s28] =	ssyncadd.s32 $0xFFFFC000  }
0x3f: {  	[tilespmem:s3], [sflag:$0x2] =	stream.linear.gather [spmem:s24], $0x4000, $0x38;
	[tilespmem:$0x1D080] =	vst v63  }
0x40: {  	_ =	swait.ge [sflag:s28], $0x4000  }
0x41: {  	[sflag:s28] =	ssyncset.done $0x0  }
0x42: {  	s22 =	rddreg [dreg:$0x1e];
	[sflag:s28] =	ssyncadd.s32 $0xFFFFC000  }
0x43: {  	[hbm4b:s22+s2] =	stream.linear.scatter [tilespmem:s3], [sflag:$0x2], $0x4000, $0x38;
	[tilespmem:$0x1D080] =	vst v63  }
0x44: {  	_ =	swait.ge [sflag:s28], $0x4000  }
0x45: {  	[sflag:s28] =	ssyncset.done $0x0  }
0x46: {  	s23 =	rddreg [dreg:$0x1f];
	[sflag:s28] =	ssyncadd.s32 $0xFFFFC000  }
0x47: {  	[tilespmem:s3], [sflag:$0x2] =	stream.linear.gather [spmem:s23], $0x4000, $0x38;
	[tilespmem:$0x1D080] =	vst v63  }
0x48: {  	_ =	swait.ge [sflag:s28], $0x4000  }
0x49: {  	s24 =	sld [smem:$0x7F9]  }
0x4a: {  	[sflag:s28] =	ssyncset.done $0x0  }
0x4b: {  	[sflag:s28] =	ssyncadd.s32 $0xFFFFC000  }
0x4c: {  	[hbm4b:s24+s2] =	stream.linear.scatter [tilespmem:s3], [sflag:$0x2], $0x4000, $0x38;
	[tilespmem:$0x1D080] =	vst v63  }
0x4d: {  	_ =	swait.ge [sflag:s28], $0x4000  }
0x4e: {  	s22 =	sld [smem:$0x7FA]  }
0x4f: {  	[sflag:s28] =	ssyncset.done $0x0  }
0x50: {  	[sflag:s28] =	ssyncadd.s32 $0xFFFFC000  }
0x51: {  	[tilespmem:s3], [sflag:$0x2] =	stream.linear.gather [spmem:s22], $0x4000, $0x38;
	[tilespmem:$0x1D080] =	vst v63  }
0x52: {  	_ =	swait.ge [sflag:s28], $0x4000  }
0x53: {  	s23 =	sld [smem:$0x7FB]  }
0x54: {  	[sflag:s28] =	ssyncset.done $0x0  }
0x55: {  	[sflag:s28] =	ssyncadd.s32 $0xFFFFC000  }
0x56: {  	[hbm4b:s23+s2] =	stream.linear.scatter [tilespmem:s3], [sflag:$0x2], $0x4000, $0x38;
	[tilespmem:$0x1D080] =	vst v63  }
0x57: {  	_ =	swait.ge [sflag:s28], $0x4000  }
0x58: {  	s21 =	sadd.s32 $0x1, s21;
	s24 =	rddreg [dreg:$0x15]  }
0x59: {  	p0 =	sne.s32 s21, s24  }
.Ltmp1:
0x5a: {  	_ = 	snop;
	(pc) =	sbr.rel @!p0 .LBB2_12-.Ltmp1, $3  }
0x5b: {  	_ =	sdelay $0x1  }
0x5c: {  	[sflag:s28] =	ssyncset.done $0x0  }
0x5d: {  	[sflag:s28] =	ssyncadd.s32 $0xFFFFC000  }
.LBB2_1:
0x5e: {  	s7 =	simm.s32 $0x0;
	s22 =	simm.s32 $0x200  }
.LBB2_2:
0x5f: {  	p0 =	sne.s32 s22, $0xFE00;
	[tilespmem:s7+$0x1070] =	vst v0  }
0x60: {  	[tilespmem:s7+$0x1000] =	vst v0  }
0x61: {  	[tilespmem:s7+$0x1010] =	vst v0  }
.Ltmp2:
0x62: {  	[tilespmem:s7+$0x1020] =	vst v0;
	(pc) =	sbr.rel @p0 .LBB2_2-.Ltmp2, $4  }
0x63: {  	[tilespmem:s7+$0x1030] =	vst v0  }
0x64: {  	[tilespmem:s7+$0x1040] =	vst v0  }
0x65: {  	[tilespmem:s7+$0x1050] =	vst v0  }
0x66: {  	[tilespmem:s7+$0x1060] =	vst v0;
	s7 =	sshra.s32 s22, $0x2;
	s22 =	sadd.s32 $0x200, s22  }
0x67: {  	[tilespmem:s7+$0x1070] =	vst v0  }
0x68: {  	[tilespmem:s7+$0x1000] =	vst v0  }
0x69: {  	[tilespmem:s7+$0x1010] =	vst v0  }
0x6a: {  	[tilespmem:s7+$0x1020] =	vst v0  }
0x6b: {  	[tilespmem:s7+$0x1030] =	vst v0  }
0x6c: {  	[tilespmem:s7+$0x1040] =	vst v0  }
0x6d: {  	[tilespmem:s7+$0x1050] =	vst v0  }
0x6e: {  	[tilespmem:s7+$0x1060] =	vst v0  }
0x6f: {  	[spmem:s25] =	stream.linear.scatter [tilespmem:s26], [sflag:$0x2], $0x4000, $0x38;
	[tilespmem:$0x1D080] =	vst v63  }
0x70: {  	_ =	swait.ge [sflag:s28], $0x4000  }
0x71: {  	[sflag:s28] =	ssyncset.done $0x0  }
0x72: {  	s23 =	rddreg [dreg:$0x16];
	[sflag:s28] =	ssyncadd.s32 $0xFFFFC000  }
0x73: {  	[spmem:s23] =	stream.linear.scatter [tilespmem:s26], [sflag:$0x2], $0x4000, $0x38;
	[tilespmem:$0x1D080] =	vst v63  }
0x74: {  	_ =	swait.ge [sflag:s28], $0x4000  }
0x75: {  	[sflag:s28] =	ssyncset.done $0x0  }
0x76: {  	s24 =	rddreg [dreg:$0x17];
	[sflag:s28] =	ssyncadd.s32 $0xFFFFC000  }
0x77: {  	[spmem:s24] =	stream.linear.scatter [tilespmem:s26], [sflag:$0x2], $0x4000, $0x38;
	[tilespmem:$0x1D080] =	vst v63  }
0x78: {  	_ =	swait.ge [sflag:s28], $0x4000  }
0x79: {  	[sflag:s28] =	ssyncset.done $0x0  }
0x7a: {  	s22 =	rddreg [dreg:$0x18];
	[sflag:s28] =	ssyncadd.s32 $0xFFFFC000  }
0x7b: {  	[spmem:s22] =	stream.linear.scatter [tilespmem:s26], [sflag:$0x2], $0x4000, $0x38;
	[tilespmem:$0x1D080] =	vst v63  }
0x7c: {  	_ =	swait.ge [sflag:s28], $0x4000  }
0x7d: {  	[sflag:s28] =	ssyncset.done $0x0  }
0x7e: {  	s23 =	rddreg [dreg:$0x19];
	[sflag:s28] =	ssyncadd.s32 $0xFFFFC000  }
0x7f: {  	[spmem:s23] =	stream.linear.scatter [tilespmem:s26], [sflag:$0x2], $0x4000, $0x38;
	[tilespmem:$0x1D080] =	vst v63  }
0x80: {  	_ =	swait.ge [sflag:s28], $0x4000  }
0x81: {  	[sflag:s28] =	ssyncset.done $0x0  }
0x82: {  	s22 =	simm.s32 $0x9000;
	s24 =	rddreg [dreg:$0x13];
	[sflag:s28] =	ssyncadd.s32 $0xFFFFC000  }
0x83: {  	[tilespmem:s22], [sflag:$0x2] =	stream.linear.gather [hbm4b:s24+s2], $0x80, $0x38;
	[tilespmem:$0x1D080] =	vst v63  }
0x84: {  	_ =	swait.ge [sflag:s28], $0x80  }
0x85: {  	[sflag:s28] =	ssyncset.done $0x0  }
0x86: {  	[sflag:s28] =	ssyncadd.s32 $0xFFFFFF80  }
0x87: {  	v1 =	vld [tilespmem:$0x9000];
	_ =	sdelay $0x4  }
0x88: {  	v1 =	vxor.u32 $0x80000000, v1  }
0x89: {  	(xrf0) =	vmax.scan.msk.u32 $0xffff, v1;
	_ =	sdelay $0x5  }
0x8a: {  	v1, _, _ =	vpop (xrf0)  }
0x8b: {  	(v2sf) =	vpush v1, $0xF;
	_ =	sdelay $0xe  }
0x8c: {  	s23 =	spop (v2sf)  }
0x8d: {  	s22 =	sxor.u32 $0x80000000, s23  }
0x8e: {  	p1 =	sgt.s32 s23, $0xFFFFFFFF;
	s7 =	sand.u32 $0x7FF, s23;
	p0 =	slt.s32 s22, $0x1  }
0x8f: {  	s23 =	sshra.s32 s22, $0x1F;
	p6 =	sne.s32 s7, $0x0;
	p0 =	por p1, p0  }
0x90: {  	s24 =	sshrl.u32 s23, $0x15;
	p0 =	por !p6, !p0  }
0x91: {  	s23 =	simm.s32 $0x1;
	s7 =	sadd.s32 s24, s22;
	p0 =	por !p0, !p0  }
0x92: {  	s7 =	sshra.s32 s7, $0xB;
	s23 =	simm.s32 @!p0 $0x0  }
0x93: {  	s23 =	ssub.s32 s7, s23  }
0x94: {  	p0 =	slt.s32 s23, $0x1  }
.Ltmp3:
0x95: {  	_ = 	snop;
	(pc) =	sbr.rel @p0 .LBB2_7-.Ltmp3, $2  }
0x96: {  	_ =	sdelay $0x1  }
0x97: {  	[bflag:$0x0] =	sbarrier.arrive $0xFFFF;
	_ =	sdelay $0x1  }
0x98: {  	[smem:$0x7F7] =	sst s22  }
0x99: {  	s22 =	sld [smem:$0x7FD];
	_ =	sdelay $0x2  }
0x9a: {  	[tilespmem:s2], [sflag:$0x2] =	stream.linear.gather [hbm4b:s22+s2], $0x800, $0x38;
	[tilespmem:$0x1D080] =	vst v63  }
0x9b: {  	_ =	swait.ge [sflag:s28], $0x800  }
0x9c: {  	s25 =	sld [smem:$0x7FC]  }
0x9d: {  	[sflag:s28] =	ssyncset.done $0x0  }
0x9e: {  	[sflag:s28] =	ssyncadd.s32 $0xFFFFF800  }
0x9f: {  	[tilespmem:s31], [sflag:$0x2] =	stream.linear.gather [hbm4b:s25+s2], $0x800, $0x38;
	[tilespmem:$0x1D080] =	vst v63  }
0xa0: {  	_ =	swait.ge [sflag:s28], $0x800  }
0xa1: {  	[sflag:s28] =	ssyncset.done $0x0  }
0xa2: {  	[sflag:s28] =	ssyncadd.s32 $0xFFFFF800  }
0xa3: {  	[tilespmem:s26], [sflag:$0x1] =	stream.indirect.gather [hbm4b:s4+s0], $0x80, s2, s0, $0xb8;
	[tilespmem:$0x1D080] =	vst v63  }
0xa4: {  	_ =	swait.ge [sflag:s30], $0x4000  }
0xa5: {  	[sflag:s30] =	ssyncset.done $0x0  }
0xa6: {  	[sflag:s30] =	ssyncadd.s32 $0xFFFFC000  }
0xa7: {  	[tilespmem:s3], [sflag:$0x1] =	stream.indirect.gather [hbm4b:s4+s0], $0x80, s0, s0, $0xb8;
	[tilespmem:$0x1D080] =	vst v63  }
0xa8: {  	_ = 	snop  }
0xa9: {  	[spmem:s1] =	stream.indirect.scatter.add.f32 [tilespmem:s26], [sflag:$0x2], $0x80, s31, s0, $0xb8;
	[tilespmem:$0x1D080] =	vst v63  }
0xaa: {  	_ =	swait.ge [sflag:s28], $0x4000  }
0xab: {  	[sflag:s28] =	ssyncset.done $0x0  }
0xac: {  	[sflag:s28] =	ssyncadd.s32 $0xFFFFC000  }
0xad: {  	_ =	swait.ge [sflag:s30], $0x4000  }
0xae: {  	[sflag:s30] =	ssyncset.done $0x0  }
0xaf: {  	s7 =	rddreg [dreg:$0x3];
	[sflag:s30] =	ssyncadd.s32 $0xFFFFC000  }
0xb0: {  	[tilespmem:s26], [sflag:$0x1] =	stream.indirect.gather [hbm4b:s4+s0], $0x80, s7, s0, $0xb8;
	[tilespmem:$0x1D080] =	vst v63  }
0xb1: {  	s24 =	rddreg [dreg:$0x4]  }
0xb2: {  	[spmem:s1] =	stream.indirect.scatter.add.f32 [tilespmem:s3], [sflag:$0x2], $0x80, s24, s0, $0xb8;
	[tilespmem:$0x1D080] =	vst v63  }
0xb3: {  	_ =	swait.ge [sflag:s28], $0x4000  }
0xb4: {  	[sflag:s28] =	ssyncset.done $0x0  }
0xb5: {  	[sflag:s28] =	ssyncadd.s32 $0xFFFFC000  }
0xb6: {  	_ =	swait.ge [sflag:s30], $0x4000  }
0xb7: {  	[sflag:s30] =	ssyncset.done $0x0  }
0xb8: {  	s7 =	rddreg [dreg:$0x5];
	[sflag:s30] =	ssyncadd.s32 $0xFFFFC000  }
0xb9: {  	[tilespmem:s3], [sflag:$0x1] =	stream.indirect.gather [hbm4b:s4+s0], $0x80, s7, s0, $0xb8;
	[tilespmem:$0x1D080] =	vst v63  }
0xba: {  	s24 =	rddreg [dreg:$0x6]  }
0xbb: {  	[spmem:s1] =	stream.indirect.scatter.add.f32 [tilespmem:s26], [sflag:$0x2], $0x80, s24, s0, $0xb8;
	[tilespmem:$0x1D080] =	vst v63  }
0xbc: {  	_ =	swait.ge [sflag:s28], $0x4000  }
0xbd: {  	[sflag:s28] =	ssyncset.done $0x0  }
0xbe: {  	[sflag:s28] =	ssyncadd.s32 $0xFFFFC000  }
0xbf: {  	_ =	swait.ge [sflag:s30], $0x4000  }
0xc0: {  	[sflag:s30] =	ssyncset.done $0x0  }
0xc1: {  	s7 =	rddreg [dreg:$0x7];
	[sflag:s30] =	ssyncadd.s32 $0xFFFFC000  }
0xc2: {  	[tilespmem:s26], [sflag:$0x1] =	stream.indirect.gather [hbm4b:s4+s0], $0x80, s7, s0, $0xb8;
	[tilespmem:$0x1D080] =	vst v63  }
0xc3: {  	s24 =	rddreg [dreg:$0x8]  }
0xc4: {  	[spmem:s1] =	stream.indirect.scatter.add.f32 [tilespmem:s3], [sflag:$0x2], $0x80, s24, s0, $0xb8;
	[tilespmem:$0x1D080] =	vst v63  }
0xc5: {  	_ =	swait.ge [sflag:s28], $0x4000  }
0xc6: {  	[sflag:s28] =	ssyncset.done $0x0  }
0xc7: {  	[sflag:s28] =	ssyncadd.s32 $0xFFFFC000  }
0xc8: {  	_ =	swait.ge [sflag:s30], $0x4000  }
0xc9: {  	[sflag:s30] =	ssyncset.done $0x0  }
0xca: {  	s7 =	rddreg [dreg:$0x9];
	[sflag:s30] =	ssyncadd.s32 $0xFFFFC000  }
0xcb: {  	[tilespmem:s3], [sflag:$0x1] =	stream.indirect.gather [hbm4b:s4+s0], $0x80, s7, s0, $0xb8;
	[tilespmem:$0x1D080] =	vst v63  }
0xcc: {  	s24 =	rddreg [dreg:$0xa]  }
0xcd: {  	[spmem:s1] =	stream.indirect.scatter.add.f32 [tilespmem:s26], [sflag:$0x2], $0x80, s24, s0, $0xb8;
	[tilespmem:$0x1D080] =	vst v63  }
0xce: {  	_ =	swait.ge [sflag:s28], $0x4000  }
0xcf: {  	[sflag:s28] =	ssyncset.done $0x0  }
0xd0: {  	[sflag:s28] =	ssyncadd.s32 $0xFFFFC000  }
0xd1: {  	_ =	swait.ge [sflag:s30], $0x4000  }
0xd2: {  	[sflag:s30] =	ssyncset.done $0x0  }
0xd3: {  	s7 =	rddreg [dreg:$0xb];
	[sflag:s30] =	ssyncadd.s32 $0xFFFFC000  }
0xd4: {  	[tilespmem:s26], [sflag:$0x1] =	stream.indirect.gather [hbm4b:s4+s0], $0x80, s7, s0, $0xb8;
	[tilespmem:$0x1D080] =	vst v63  }
0xd5: {  	s24 =	rddreg [dreg:$0xc]  }
0xd6: {  	[spmem:s1] =	stream.indirect.scatter.add.f32 [tilespmem:s3], [sflag:$0x2], $0x80, s24, s0, $0xb8;
	[tilespmem:$0x1D080] =	vst v63  }
0xd7: {  	_ =	swait.ge [sflag:s28], $0x4000  }
0xd8: {  	[sflag:s28] =	ssyncset.done $0x0  }
0xd9: {  	[sflag:s28] =	ssyncadd.s32 $0xFFFFC000  }
0xda: {  	_ =	swait.ge [sflag:s30], $0x4000  }
0xdb: {  	[sflag:s30] =	ssyncset.done $0x0  }
0xdc: {  	s7 =	rddreg [dreg:$0xd];
	[sflag:s30] =	ssyncadd.s32 $0xFFFFC000  }
0xdd: {  	[tilespmem:s3], [sflag:$0x1] =	stream.indirect.gather [hbm4b:s4+s0], $0x80, s7, s0, $0xb8;
	[tilespmem:$0x1D080] =	vst v63  }
0xde: {  	s24 =	rddreg [dreg:$0xe]  }
0xdf: {  	[spmem:s1] =	stream.indirect.scatter.add.f32 [tilespmem:s26], [sflag:$0x2], $0x80, s24, s0, $0xb8;
	[tilespmem:$0x1D080] =	vst v63  }
0xe0: {  	_ =	swait.ge [sflag:s28], $0x4000  }
0xe1: {  	[sflag:s28] =	ssyncset.done $0x0  }
0xe2: {  	[sflag:s28] =	ssyncadd.s32 $0xFFFFC000  }
0xe3: {  	_ =	swait.ge [sflag:s30], $0x4000  }
0xe4: {  	[sflag:s30] =	ssyncset.done $0x0  }
0xe5: {  	s24 =	rddreg [dreg:$0xf];
	[sflag:s30] =	ssyncadd.s32 $0xFFFFC000  }
0xe6: {  	[tilespmem:s26], [sflag:$0x1] =	stream.indirect.gather [hbm4b:s4+s0], $0x80, s24, s0, $0xb8;
	[tilespmem:$0x1D080] =	vst v63  }
0xe7: {  	_ = 	snop  }
0xe8: {  	[spmem:s1] =	stream.indirect.scatter.add.f32 [tilespmem:s3], [sflag:$0x2], $0x80, s29, s0, $0xb8;
	[tilespmem:$0x1D080] =	vst v63  }
0xe9: {  	_ =	swait.ge [sflag:s28], $0x4000  }
0xea: {  	[sflag:s28] =	ssyncset.done $0x0  }
0xeb: {  	[sflag:s28] =	ssyncadd.s32 $0xFFFFC000  }
0xec: {  	_ =	swait.ge [sflag:s30], $0x4000  }
0xed: {  	[sflag:s30] =	ssyncset.done $0x0  }
0xee: {  	[sflag:s30] =	ssyncadd.s32 $0xFFFFC000  }
0xef: {  	[tilespmem:s3], [sflag:$0x1] =	stream.indirect.gather [hbm4b:s4+s0], $0x80, s5, s0, $0xb8;
	[tilespmem:$0x1D080] =	vst v63  }
0xf0: {  	_ = 	snop  }
0xf1: {  	[spmem:s1] =	stream.indirect.scatter.add.f32 [tilespmem:s26], [sflag:$0x2], $0x80, s6, s0, $0xb8;
	[tilespmem:$0x1D080] =	vst v63  }
0xf2: {  	_ =	swait.ge [sflag:s28], $0x4000  }
0xf3: {  	[sflag:s28] =	ssyncset.done $0x0  }
0xf4: {  	[sflag:s28] =	ssyncadd.s32 $0xFFFFC000  }
0xf5: {  	_ =	swait.ge [sflag:s30], $0x4000  }
0xf6: {  	[sflag:s30] =	ssyncset.done $0x0  }
0xf7: {  	[sflag:s30] =	ssyncadd.s32 $0xFFFFC000  }
0xf8: {  	[tilespmem:s26], [sflag:$0x1] =	stream.indirect.gather [hbm4b:s4+s0], $0x80, s9, s0, $0xb8;
	[tilespmem:$0x1D080] =	vst v63  }
0xf9: {  	_ = 	snop  }
0xfa: {  	[spmem:s1] =	stream.indirect.scatter.add.f32 [tilespmem:s3], [sflag:$0x2], $0x80, s8, s0, $0xb8;
	[tilespmem:$0x1D080] =	vst v63  }
0xfb: {  	_ =	swait.ge [sflag:s28], $0x4000  }
0xfc: {  	[sflag:s28] =	ssyncset.done $0x0  }
0xfd: {  	[sflag:s28] =	ssyncadd.s32 $0xFFFFC000  }
0xfe: {  	_ =	swait.ge [sflag:s30], $0x4000  }
0xff: {  	[sflag:s30] =	ssyncset.done $0x0  }
0x100: {  	[sflag:s30] =	ssyncadd.s32 $0xFFFFC000  }
0x101: {  	[tilespmem:s3], [sflag:$0x1] =	stream.indirect.gather [hbm4b:s4+s0], $0x80, s10, s0, $0xb8;
	[tilespmem:$0x1D080] =	vst v63  }
0x102: {  	_ = 	snop  }
0x103: {  	[spmem:s1] =	stream.indirect.scatter.add.f32 [tilespmem:s26], [sflag:$0x2], $0x80, s11, s0, $0xb8;
	[tilespmem:$0x1D080] =	vst v63  }
0x104: {  	_ =	swait.ge [sflag:s28], $0x4000  }
0x105: {  	[sflag:s28] =	ssyncset.done $0x0  }
0x106: {  	[sflag:s28] =	ssyncadd.s32 $0xFFFFC000  }
0x107: {  	_ =	swait.ge [sflag:s30], $0x4000  }
0x108: {  	[sflag:s30] =	ssyncset.done $0x0  }
0x109: {  	[sflag:s30] =	ssyncadd.s32 $0xFFFFC000  }
0x10a: {  	[tilespmem:s26], [sflag:$0x1] =	stream.indirect.gather [hbm4b:s4+s0], $0x80, s12, s0, $0xb8;
	[tilespmem:$0x1D080] =	vst v63  }
0x10b: {  	_ = 	snop  }
0x10c: {  	[spmem:s1] =	stream.indirect.scatter.add.f32 [tilespmem:s3], [sflag:$0x2], $0x80, s13, s0, $0xb8;
	[tilespmem:$0x1D080] =	vst v63  }
0x10d: {  	_ =	swait.ge [sflag:s28], $0x4000  }
0x10e: {  	[sflag:s28] =	ssyncset.done $0x0  }
0x10f: {  	[sflag:s28] =	ssyncadd.s32 $0xFFFFC000  }
0x110: {  	_ =	swait.ge [sflag:s30], $0x4000  }
0x111: {  	[sflag:s30] =	ssyncset.done $0x0  }
0x112: {  	[sflag:s30] =	ssyncadd.s32 $0xFFFFC000  }
0x113: {  	[tilespmem:s3], [sflag:$0x1] =	stream.indirect.gather [hbm4b:s4+s0], $0x80, s14, s0, $0xb8;
	[tilespmem:$0x1D080] =	vst v63  }
0x114: {  	_ = 	snop  }
0x115: {  	[spmem:s1] =	stream.indirect.scatter.add.f32 [tilespmem:s26], [sflag:$0x2], $0x80, s15, s0, $0xb8;
	[tilespmem:$0x1D080] =	vst v63  }
0x116: {  	_ =	swait.ge [sflag:s28], $0x4000  }
0x117: {  	[sflag:s28] =	ssyncset.done $0x0  }
0x118: {  	[sflag:s28] =	ssyncadd.s32 $0xFFFFC000  }
0x119: {  	_ =	swait.ge [sflag:s30], $0x4000  }
0x11a: {  	[sflag:s30] =	ssyncset.done $0x0  }
0x11b: {  	[sflag:s30] =	ssyncadd.s32 $0xFFFFC000  }
0x11c: {  	[tilespmem:s26], [sflag:$0x1] =	stream.indirect.gather [hbm4b:s4+s0], $0x80, s16, s0, $0xb8;
	[tilespmem:$0x1D080] =	vst v63  }
0x11d: {  	_ = 	snop  }
0x11e: {  	[spmem:s1] =	stream.indirect.scatter.add.f32 [tilespmem:s3], [sflag:$0x2], $0x80, s17, s0, $0xb8;
	[tilespmem:$0x1D080] =	vst v63  }
0x11f: {  	_ =	swait.ge [sflag:s28], $0x4000  }
0x120: {  	[sflag:s28] =	ssyncset.done $0x0  }
0x121: {  	[sflag:s28] =	ssyncadd.s32 $0xFFFFC000  }
0x122: {  	_ =	swait.ge [sflag:s30], $0x4000  }
0x123: {  	[sflag:s30] =	ssyncset.done $0x0  }
0x124: {  	[sflag:s30] =	ssyncadd.s32 $0xFFFFC000  }
0x125: {  	[tilespmem:s3], [sflag:$0x1] =	stream.indirect.gather [hbm4b:s4+s0], $0x80, s18, s0, $0xb8;
	[tilespmem:$0x1D080] =	vst v63  }
0x126: {  	_ = 	snop  }
0x127: {  	[spmem:s1] =	stream.indirect.scatter.add.f32 [tilespmem:s26], [sflag:$0x2], $0x80, s19, s0, $0xb8;
	[tilespmem:$0x1D080] =	vst v63  }
0x128: {  	_ =	swait.ge [sflag:s28], $0x4000  }
0x129: {  	[sflag:s28] =	ssyncset.done $0x0  }
0x12a: {  	[sflag:s28] =	ssyncadd.s32 $0xFFFFC000  }
0x12b: {  	_ =	swait.ge [sflag:s30], $0x4000  }
0x12c: {  	[sflag:s30] =	ssyncset.done $0x0  }
0x12d: {  	[sflag:s30] =	ssyncadd.s32 $0xFFFFC000  }
0x12e: {  	[tilespmem:s26], [sflag:$0x1] =	stream.indirect.gather [hbm4b:s4+s0], $0x80, s18, s0, $0xb8;
	[tilespmem:$0x1D080] =	vst v63  }
0x12f: {  	p0 =	sne.s32 s23, $0x1  }
0x130: {  	[spmem:s1] =	stream.indirect.scatter.add.f32 [tilespmem:s3], [sflag:$0x2], $0x80, s20, s0, $0xb8;
	[tilespmem:$0x1D080] =	vst v63  }
.Ltmp4:
0x131: {  	_ =	swait.ge [sflag:s28], $0x4000;
	(pc) =	sbr.rel @!p0 .LBB2_6-.Ltmp4, $4  }
0x132: {  	[sflag:s28] =	ssyncset.done $0x0  }
0x133: {  	[sflag:s28] =	ssyncadd.s32 $0xFFFFC000  }
0x134: {  	s7 =	smov.u32 s22;
	_ =	swait.ge [sflag:s30], $0x4000  }
0x135: {  	s24 =	sadd.s32 $0xFFFFFFFF, s23;
	[smem:$0x7F8] =	sst s23;
	[sflag:s30] =	ssyncset.done $0x0  }
.LBB2_5:
0x136: {  	[sflag:s30] =	ssyncadd.s32 $0xFFFFC000;
	s7 =	sadd.s32 $0x100, s7  }
0x137: {  	[tilespmem:s2], [sflag:$0x2] =	stream.linear.gather [hbm4b:s7+s2], $0x800, $0x38;
	[tilespmem:$0x1D080] =	vst v63  }
0x138: {  	_ =	swait.ge [sflag:s28], $0x800  }
0x139: {  	[sflag:s28] =	ssyncset.done $0x0  }
0x13a: {  	s25 =	sadd.s32 $0x100, s25;
	[sflag:s28] =	ssyncadd.s32 $0xFFFFF800  }
0x13b: {  	[tilespmem:s31], [sflag:$0x2] =	stream.linear.gather [hbm4b:s25+s2], $0x800, $0x38;
	[tilespmem:$0x1D080] =	vst v63  }
0x13c: {  	_ =	swait.ge [sflag:s28], $0x800  }
0x13d: {  	[sflag:s28] =	ssyncset.done $0x0  }
0x13e: {  	[sflag:s28] =	ssyncadd.s32 $0xFFFFF800  }
0x13f: {  	[tilespmem:s26], [sflag:$0x1] =	stream.indirect.gather [hbm4b:s4+s0], $0x80, s2, s0, $0xb8;
	[tilespmem:$0x1D080] =	vst v63  }
0x140: {  	_ =	swait.ge [sflag:s30], $0x4000  }
0x141: {  	[sflag:s30] =	ssyncset.done $0x0  }
0x142: {  	[sflag:s30] =	ssyncadd.s32 $0xFFFFC000  }
0x143: {  	[tilespmem:s3], [sflag:$0x1] =	stream.indirect.gather [hbm4b:s4+s0], $0x80, s0, s0, $0xb8;
	[tilespmem:$0x1D080] =	vst v63  }
0x144: {  	_ = 	snop  }
0x145: {  	[spmem:s1] =	stream.indirect.scatter.add.f32 [tilespmem:s26], [sflag:$0x2], $0x80, s31, s0, $0xb8;
	[tilespmem:$0x1D080] =	vst v63  }
0x146: {  	_ =	swait.ge [sflag:s28], $0x4000  }
0x147: {  	[sflag:s28] =	ssyncset.done $0x0  }
0x148: {  	[sflag:s28] =	ssyncadd.s32 $0xFFFFC000  }
0x149: {  	_ =	swait.ge [sflag:s30], $0x4000  }
0x14a: {  	[sflag:s30] =	ssyncset.done $0x0  }
0x14b: {  	s23 =	rddreg [dreg:$0x3];
	[sflag:s30] =	ssyncadd.s32 $0xFFFFC000  }
0x14c: {  	[tilespmem:s26], [sflag:$0x1] =	stream.indirect.gather [hbm4b:s4+s0], $0x80, s23, s0, $0xb8;
	[tilespmem:$0x1D080] =	vst v63  }
0x14d: {  	s22 =	rddreg [dreg:$0x4]  }
0x14e: {  	[spmem:s1] =	stream.indirect.scatter.add.f32 [tilespmem:s3], [sflag:$0x2], $0x80, s22, s0, $0xb8;
	[tilespmem:$0x1D080] =	vst v63  }
0x14f: {  	_ =	swait.ge [sflag:s28], $0x4000  }
0x150: {  	[sflag:s28] =	ssyncset.done $0x0  }
0x151: {  	[sflag:s28] =	ssyncadd.s32 $0xFFFFC000  }
0x152: {  	_ =	swait.ge [sflag:s30], $0x4000  }
0x153: {  	[sflag:s30] =	ssyncset.done $0x0  }
0x154: {  	s22 =	rddreg [dreg:$0x5];
	[sflag:s30] =	ssyncadd.s32 $0xFFFFC000  }
0x155: {  	[tilespmem:s3], [sflag:$0x1] =	stream.indirect.gather [hbm4b:s4+s0], $0x80, s22, s0, $0xb8;
	[tilespmem:$0x1D080] =	vst v63  }
0x156: {  	s23 =	rddreg [dreg:$0x6]  }
0x157: {  	[spmem:s1] =	stream.indirect.scatter.add.f32 [tilespmem:s26], [sflag:$0x2], $0x80, s23, s0, $0xb8;
	[tilespmem:$0x1D080] =	vst v63  }
0x158: {  	_ =	swait.ge [sflag:s28], $0x4000  }
0x159: {  	[sflag:s28] =	ssyncset.done $0x0  }
0x15a: {  	[sflag:s28] =	ssyncadd.s32 $0xFFFFC000  }
0x15b: {  	_ =	swait.ge [sflag:s30], $0x4000  }
0x15c: {  	[sflag:s30] =	ssyncset.done $0x0  }
0x15d: {  	s22 =	rddreg [dreg:$0x7];
	[sflag:s30] =	ssyncadd.s32 $0xFFFFC000  }
0x15e: {  	[tilespmem:s26], [sflag:$0x1] =	stream.indirect.gather [hbm4b:s4+s0], $0x80, s22, s0, $0xb8;
	[tilespmem:$0x1D080] =	vst v63  }
0x15f: {  	s23 =	rddreg [dreg:$0x8]  }
0x160: {  	[spmem:s1] =	stream.indirect.scatter.add.f32 [tilespmem:s3], [sflag:$0x2], $0x80, s23, s0, $0xb8;
	[tilespmem:$0x1D080] =	vst v63  }
0x161: {  	_ =	swait.ge [sflag:s28], $0x4000  }
0x162: {  	[sflag:s28] =	ssyncset.done $0x0  }
0x163: {  	[sflag:s28] =	ssyncadd.s32 $0xFFFFC000  }
0x164: {  	_ =	swait.ge [sflag:s30], $0x4000  }
0x165: {  	[sflag:s30] =	ssyncset.done $0x0  }
0x166: {  	s22 =	rddreg [dreg:$0x9];
	[sflag:s30] =	ssyncadd.s32 $0xFFFFC000  }
0x167: {  	[tilespmem:s3], [sflag:$0x1] =	stream.indirect.gather [hbm4b:s4+s0], $0x80, s22, s0, $0xb8;
	[tilespmem:$0x1D080] =	vst v63  }
0x168: {  	s23 =	rddreg [dreg:$0xa]  }
0x169: {  	[spmem:s1] =	stream.indirect.scatter.add.f32 [tilespmem:s26], [sflag:$0x2], $0x80, s23, s0, $0xb8;
	[tilespmem:$0x1D080] =	vst v63  }
0x16a: {  	_ =	swait.ge [sflag:s28], $0x4000  }
0x16b: {  	[sflag:s28] =	ssyncset.done $0x0  }
0x16c: {  	[sflag:s28] =	ssyncadd.s32 $0xFFFFC000  }
0x16d: {  	_ =	swait.ge [sflag:s30], $0x4000  }
0x16e: {  	[sflag:s30] =	ssyncset.done $0x0  }
0x16f: {  	s22 =	rddreg [dreg:$0xb];
	[sflag:s30] =	ssyncadd.s32 $0xFFFFC000  }
0x170: {  	[tilespmem:s26], [sflag:$0x1] =	stream.indirect.gather [hbm4b:s4+s0], $0x80, s22, s0, $0xb8;
	[tilespmem:$0x1D080] =	vst v63  }
0x171: {  	s23 =	rddreg [dreg:$0xc]  }
0x172: {  	[spmem:s1] =	stream.indirect.scatter.add.f32 [tilespmem:s3], [sflag:$0x2], $0x80, s23, s0, $0xb8;
	[tilespmem:$0x1D080] =	vst v63  }
0x173: {  	_ =	swait.ge [sflag:s28], $0x4000  }
0x174: {  	[sflag:s28] =	ssyncset.done $0x0  }
0x175: {  	[sflag:s28] =	ssyncadd.s32 $0xFFFFC000  }
0x176: {  	_ =	swait.ge [sflag:s30], $0x4000  }
0x177: {  	[sflag:s30] =	ssyncset.done $0x0  }
0x178: {  	s22 =	rddreg [dreg:$0xd];
	[sflag:s30] =	ssyncadd.s32 $0xFFFFC000  }
0x179: {  	[tilespmem:s3], [sflag:$0x1] =	stream.indirect.gather [hbm4b:s4+s0], $0x80, s22, s0, $0xb8;
	[tilespmem:$0x1D080] =	vst v63  }
0x17a: {  	s23 =	rddreg [dreg:$0xe]  }
0x17b: {  	[spmem:s1] =	stream.indirect.scatter.add.f32 [tilespmem:s26], [sflag:$0x2], $0x80, s23, s0, $0xb8;
	[tilespmem:$0x1D080] =	vst v63  }
0x17c: {  	_ =	swait.ge [sflag:s28], $0x4000  }
0x17d: {  	[sflag:s28] =	ssyncset.done $0x0  }
0x17e: {  	[sflag:s28] =	ssyncadd.s32 $0xFFFFC000  }
0x17f: {  	_ =	swait.ge [sflag:s30], $0x4000  }
0x180: {  	[sflag:s30] =	ssyncset.done $0x0  }
0x181: {  	s23 =	rddreg [dreg:$0xf];
	[sflag:s30] =	ssyncadd.s32 $0xFFFFC000  }
0x182: {  	[tilespmem:s26], [sflag:$0x1] =	stream.indirect.gather [hbm4b:s4+s0], $0x80, s23, s0, $0xb8;
	[tilespmem:$0x1D080] =	vst v63  }
0x183: {  	_ = 	snop  }
0x184: {  	[spmem:s1] =	stream.indirect.scatter.add.f32 [tilespmem:s3], [sflag:$0x2], $0x80, s29, s0, $0xb8;
	[tilespmem:$0x1D080] =	vst v63  }
0x185: {  	_ =	swait.ge [sflag:s28], $0x4000  }
0x186: {  	[sflag:s28] =	ssyncset.done $0x0  }
0x187: {  	[sflag:s28] =	ssyncadd.s32 $0xFFFFC000  }
0x188: {  	_ =	swait.ge [sflag:s30], $0x4000  }
0x189: {  	[sflag:s30] =	ssyncset.done $0x0  }
0x18a: {  	[sflag:s30] =	ssyncadd.s32 $0xFFFFC000  }
0x18b: {  	[tilespmem:s3], [sflag:$0x1] =	stream.indirect.gather [hbm4b:s4+s0], $0x80, s5, s0, $0xb8;
	[tilespmem:$0x1D080] =	vst v63  }
0x18c: {  	_ = 	snop  }
0x18d: {  	[spmem:s1] =	stream.indirect.scatter.add.f32 [tilespmem:s26], [sflag:$0x2], $0x80, s6, s0, $0xb8;
	[tilespmem:$0x1D080] =	vst v63  }
0x18e: {  	_ =	swait.ge [sflag:s28], $0x4000  }
0x18f: {  	[sflag:s28] =	ssyncset.done $0x0  }
0x190: {  	[sflag:s28] =	ssyncadd.s32 $0xFFFFC000  }
0x191: {  	_ =	swait.ge [sflag:s30], $0x4000  }
0x192: {  	[sflag:s30] =	ssyncset.done $0x0  }
0x193: {  	[sflag:s30] =	ssyncadd.s32 $0xFFFFC000  }
0x194: {  	[tilespmem:s26], [sflag:$0x1] =	stream.indirect.gather [hbm4b:s4+s0], $0x80, s9, s0, $0xb8;
	[tilespmem:$0x1D080] =	vst v63  }
0x195: {  	_ = 	snop  }
0x196: {  	[spmem:s1] =	stream.indirect.scatter.add.f32 [tilespmem:s3], [sflag:$0x2], $0x80, s8, s0, $0xb8;
	[tilespmem:$0x1D080] =	vst v63  }
0x197: {  	_ =	swait.ge [sflag:s28], $0x4000  }
0x198: {  	[sflag:s28] =	ssyncset.done $0x0  }
0x199: {  	[sflag:s28] =	ssyncadd.s32 $0xFFFFC000  }
0x19a: {  	_ =	swait.ge [sflag:s30], $0x4000  }
0x19b: {  	[sflag:s30] =	ssyncset.done $0x0  }
0x19c: {  	[sflag:s30] =	ssyncadd.s32 $0xFFFFC000  }
0x19d: {  	[tilespmem:s3], [sflag:$0x1] =	stream.indirect.gather [hbm4b:s4+s0], $0x80, s10, s0, $0xb8;
	[tilespmem:$0x1D080] =	vst v63  }
0x19e: {  	_ = 	snop  }
0x19f: {  	[spmem:s1] =	stream.indirect.scatter.add.f32 [tilespmem:s26], [sflag:$0x2], $0x80, s11, s0, $0xb8;
	[tilespmem:$0x1D080] =	vst v63  }
0x1a0: {  	_ =	swait.ge [sflag:s28], $0x4000  }
0x1a1: {  	[sflag:s28] =	ssyncset.done $0x0  }
0x1a2: {  	[sflag:s28] =	ssyncadd.s32 $0xFFFFC000  }
0x1a3: {  	_ =	swait.ge [sflag:s30], $0x4000  }
0x1a4: {  	[sflag:s30] =	ssyncset.done $0x0  }
0x1a5: {  	[sflag:s30] =	ssyncadd.s32 $0xFFFFC000  }
0x1a6: {  	[tilespmem:s26], [sflag:$0x1] =	stream.indirect.gather [hbm4b:s4+s0], $0x80, s12, s0, $0xb8;
	[tilespmem:$0x1D080] =	vst v63  }
0x1a7: {  	_ = 	snop  }
0x1a8: {  	[spmem:s1] =	stream.indirect.scatter.add.f32 [tilespmem:s3], [sflag:$0x2], $0x80, s13, s0, $0xb8;
	[tilespmem:$0x1D080] =	vst v63  }
0x1a9: {  	_ =	swait.ge [sflag:s28], $0x4000  }
0x1aa: {  	[sflag:s28] =	ssyncset.done $0x0  }
0x1ab: {  	[sflag:s28] =	ssyncadd.s32 $0xFFFFC000  }
0x1ac: {  	_ =	swait.ge [sflag:s30], $0x4000  }
0x1ad: {  	[sflag:s30] =	ssyncset.done $0x0  }
0x1ae: {  	[sflag:s30] =	ssyncadd.s32 $0xFFFFC000  }
0x1af: {  	[tilespmem:s3], [sflag:$0x1] =	stream.indirect.gather [hbm4b:s4+s0], $0x80, s14, s0, $0xb8;
	[tilespmem:$0x1D080] =	vst v63  }
0x1b0: {  	_ = 	snop  }
0x1b1: {  	[spmem:s1] =	stream.indirect.scatter.add.f32 [tilespmem:s26], [sflag:$0x2], $0x80, s15, s0, $0xb8;
	[tilespmem:$0x1D080] =	vst v63  }
0x1b2: {  	_ =	swait.ge [sflag:s28], $0x4000  }
0x1b3: {  	[sflag:s28] =	ssyncset.done $0x0  }
0x1b4: {  	[sflag:s28] =	ssyncadd.s32 $0xFFFFC000  }
0x1b5: {  	_ =	swait.ge [sflag:s30], $0x4000  }
0x1b6: {  	[sflag:s30] =	ssyncset.done $0x0  }
0x1b7: {  	[sflag:s30] =	ssyncadd.s32 $0xFFFFC000  }
0x1b8: {  	[tilespmem:s26], [sflag:$0x1] =	stream.indirect.gather [hbm4b:s4+s0], $0x80, s16, s0, $0xb8;
	[tilespmem:$0x1D080] =	vst v63  }
0x1b9: {  	_ = 	snop  }
0x1ba: {  	[spmem:s1] =	stream.indirect.scatter.add.f32 [tilespmem:s3], [sflag:$0x2], $0x80, s17, s0, $0xb8;
	[tilespmem:$0x1D080] =	vst v63  }
0x1bb: {  	_ =	swait.ge [sflag:s28], $0x4000  }
0x1bc: {  	[sflag:s28] =	ssyncset.done $0x0  }
0x1bd: {  	[sflag:s28] =	ssyncadd.s32 $0xFFFFC000  }
0x1be: {  	_ =	swait.ge [sflag:s30], $0x4000  }
0x1bf: {  	[sflag:s30] =	ssyncset.done $0x0  }
0x1c0: {  	[sflag:s30] =	ssyncadd.s32 $0xFFFFC000  }
0x1c1: {  	[tilespmem:s3], [sflag:$0x1] =	stream.indirect.gather [hbm4b:s4+s0], $0x80, s18, s0, $0xb8;
	[tilespmem:$0x1D080] =	vst v63  }
0x1c2: {  	_ = 	snop  }
0x1c3: {  	[spmem:s1] =	stream.indirect.scatter.add.f32 [tilespmem:s26], [sflag:$0x2], $0x80, s19, s0, $0xb8;
	[tilespmem:$0x1D080] =	vst v63  }
0x1c4: {  	_ =	swait.ge [sflag:s28], $0x4000  }
0x1c5: {  	[sflag:s28] =	ssyncset.done $0x0  }
0x1c6: {  	[sflag:s28] =	ssyncadd.s32 $0xFFFFC000  }
0x1c7: {  	_ =	swait.ge [sflag:s30], $0x4000  }
0x1c8: {  	[sflag:s30] =	ssyncset.done $0x0  }
0x1c9: {  	[sflag:s30] =	ssyncadd.s32 $0xFFFFC000  }
0x1ca: {  	[tilespmem:s26], [sflag:$0x1] =	stream.indirect.gather [hbm4b:s4+s0], $0x80, s18, s0, $0xb8;
	[tilespmem:$0x1D080] =	vst v63  }
0x1cb: {  	p0 =	sne.s32 s24, $0x1  }
0x1cc: {  	[spmem:s1] =	stream.indirect.scatter.add.f32 [tilespmem:s3], [sflag:$0x2], $0x80, s20, s0, $0xb8;
	[tilespmem:$0x1D080] =	vst v63  }
.Ltmp5:
0x1cd: {  	_ =	swait.ge [sflag:s28], $0x4000;
	(pc) =	sbr.rel @p0 .LBB2_5-.Ltmp5, $4  }
0x1ce: {  	[sflag:s28] =	ssyncset.done $0x0  }
0x1cf: {  	[sflag:s28] =	ssyncadd.s32 $0xFFFFC000  }
0x1d0: {  	_ =	swait.ge [sflag:s30], $0x4000  }
0x1d1: {  	s24 =	sadd.s32 $0xFFFFFFFF, s24;
	[sflag:s30] =	ssyncset.done $0x0  }
.LBB2_6:
0x1d2: {  	s25 =	rddreg [dreg:$0x12]  }
0x1d3: {  	s22 =	sld [smem:$0x7F7]  }
0x1d4: {  	[sflag:s30] =	ssyncadd.s32 $0xFFFFC000;
	s23 =	sld [smem:$0x7F8]  }
.LBB2_7:
0x1d5: {  	_ =	sdelay $0x1  }
0x1d6: {  	s7 =	sshll.u32 s23, $0xB  }
0x1d7: {  	s22 =	ssub.s32 s22, s7  }
0x1d8: {  	s22 =	sadd.s32 $0x7F, s22  }
0x1d9: {  	s24 =	sand.u32 $0x7F, s22  }
0x1da: {  	p1 =	slt.s32 s22, $0x1;
	p0 =	sne.s32 s24, $0x0;
	s24 =	sshra.s32 s22, $0x1F  }
0x1db: {  	s23 =	sshrl.u32 s24, $0x19;
	p0 =	por !p1, !p0  }
0x1dc: {  	s22 =	sadd.s32 s23, s22;
	p0 =	por !p0, !p0;
	s23 =	simm.s32 $0x1  }
0x1dd: {  	s22 =	sshra.s32 s22, $0x7;
	s23 =	simm.s32 @!p0 $0x0  }
0x1de: {  	s23 =	ssub.s32 s22, s23  }
0x1df: {  	p0 =	slt.s32 s23, $0x1  }
.Ltmp6:
0x1e0: {  	_ = 	snop;
	(pc) =	sbr.rel @p0 .LBB2_11-.Ltmp6, $1  }
0x1e1: {  	_ =	sdelay $0x3  }
0x1e2: {  	s22 =	rddreg [dreg:$0x14]  }
0x1e3: {  	s7 =	sadd.s32 s7, s22  }
0x1e4: {  	s24 =	rddreg [dreg:$0x10];
	s22 =	sshrl.u32 s7, $0x3  }
0x1e5: {  	s7 =	simm.s32 $0x0;
	s24 =	sadd.s32 s24, s22  }
0x1e6: {  	[tilespmem:s7], [sflag:$0x2] =	stream.linear.gather [hbm4b:s24+s7], $0x800, $0x38;
	[tilespmem:$0x1D080] =	vst v63  }
0x1e7: {  	_ =	swait.ge [sflag:s28], $0x800  }
0x1e8: {  	[sflag:s28] =	ssyncset.done $0x0;
	s24 =	rddreg [dreg:$0x11]  }
0x1e9: {  	[sflag:s28] =	ssyncadd.s32 $0xFFFFF800;
	s24 =	sadd.s32 s24, s22;
	s22 =	simm.s32 $0x800  }
0x1ea: {  	[tilespmem:s22], [sflag:$0x2] =	stream.linear.gather [hbm4b:s24+s7], $0x800, $0x38;
	[tilespmem:$0x1D080] =	vst v63  }
0x1eb: {  	_ =	swait.ge [sflag:s28], $0x800  }
0x1ec: {  	[sflag:s28] =	ssyncset.done $0x0  }
0x1ed: {  	[sflag:s28] =	ssyncadd.s32 $0xFFFFF800  }
0x1ee: {  	[tilespmem:s26], [sflag:$0x1] =	stream.indirect.gather [hbm4b:s4+s0], $0x80, s7, s0, $0xb8;
	[tilespmem:$0x1D080] =	vst v63  }
0x1ef: {  	p0 =	sne.s32 s23, $0x1;
	_ =	swait.ge [sflag:s30], $0x4000  }
.Ltmp7:
0x1f0: {  	[sflag:s30] =	ssyncset.done $0x0;
	(pc) =	sbr.rel @!p0 .LBB2_10-.Ltmp7, $4  }
0x1f1: {  	[sflag:s30] =	ssyncadd.s32 $0xFFFFC000  }
0x1f2: {  	[spmem:s1] =	stream.indirect.scatter.add.f32 [tilespmem:s26], [sflag:$0x2], $0x80, s22, s0, $0xb8;
	[tilespmem:$0x1D080] =	vst v63  }
0x1f3: {  	_ =	swait.ge [sflag:s28], $0x4000  }
0x1f4: {  	s23 =	sadd.s32 $0xFFFFFFFF, s23;
	[sflag:s28] =	ssyncset.done $0x0  }
.LBB2_9:
0x1f5: {  	[sflag:s28] =	ssyncadd.s32 $0xFFFFC000;
	s7 =	sadd.s32 $0x80, s7;
	s22 =	sadd.s32 $0x80, s22  }
0x1f6: {  	[tilespmem:s26], [sflag:$0x1] =	stream.indirect.gather [hbm4b:s4+s0], $0x80, s7, s0, $0xb8;
	[tilespmem:$0x1D080] =	vst v63  }
0x1f7: {  	p0 =	sne.s32 s23, $0x1;
	s23 =	sadd.s32 $0xFFFFFFFF, s23;
	_ =	swait.ge [sflag:s30], $0x4000  }
.Ltmp8:
0x1f8: {  	[sflag:s30] =	ssyncset.done $0x0;
	(pc) =	sbr.rel @p0 .LBB2_9-.Ltmp8, $4  }
0x1f9: {  	[sflag:s30] =	ssyncadd.s32 $0xFFFFC000  }
0x1fa: {  	[spmem:s1] =	stream.indirect.scatter.add.f32 [tilespmem:s26], [sflag:$0x2], $0x80, s22, s0, $0xb8;
	[tilespmem:$0x1D080] =	vst v63  }
0x1fb: {  	_ =	swait.ge [sflag:s28], $0x4000  }
0x1fc: {  	[sflag:s28] =	ssyncset.done $0x0  }
.Ltmp9:
0x1fd: {  	_ = 	snop;
	(pc) =	sbr.rel .LBB2_10-.Ltmp9, $1  }
0x1fe: {  	_ =	sdelay $0x3  }
.LBB2_12:
0x1ff: {  	_ =	sfence.sel $0x180000  }
0x200: {  	[bflag:$0x0] =	sbarrier.arrive $0xFFFF  }
0x201: {  	_ =	strace $0x9000004A  }
0x202: {  	s0 =	stileid.u32;
	[bflag:$0x2] =	sbarrier.arrive $0xFFFF  }
0x203: {  	p0 =	sne.s32 s0, $0x0;
	s0 =	rddreg [dreg:$0x2]  }
0x204: {  	s0 =	sadd.s32 @!p0 $0x100000, s0  }
0x205: {  	[sflag:s0] =	ssyncadd.tile.s32 @!p0 $0x1;
	_ =	shalt  }
.Lfunc_end2:
_tile_overlayer_lowered:
.L_overlay_start_2:
0x206: {  	(tag) =	ssettag $0x2  }
0x207: {  	s0 =	rddreg [dreg:$0x0];
	s2 =	stileid.u32  }
0x208: {  	s1 =	rddreg [dreg:$0x1];
	p0 =	sne.s32 s2, $0x0  }
0x209: {  	s3 =	rddreg [dreg:$0x2];
	[bflag:$0x3] =	sbarrier.arrive $0xFFFF;
	s2 =	simm.s32 @!p0 $0x1C02  }
0x20a: {  	[timem:s3], [sflag:s2] =	dma.local @!p0 [hbm:s0], s1  }
0x20b: {  	s0 =	simm.s32 @!p0 $0x2  }
0x20c: {  	_ =	swait.ge @!p0 [sflag:s0], s1  }
0x20d: {  	s1 =	ssub.s32 @!p0 $0x0, s1;
	[sflag:s0] =	ssyncset.done @!p0 $0x0  }
0x20e: {  	[sflag:s0] =	ssyncadd.s32 @!p0 s1  }
0x20f: {  	[bflag:$0x3] =	sbarrier.arrive $0xFFFF  }
0x210: {  	_ =	shalt  }

// kernel: kernel.15.cloned.1.call-start
scs
__scs_entry_jumppad:
0x0: {  	(pc) =	sbr.rel $0x88, $3  }
0x1: {  	(tag) =	ssettag $0x0;
	lr =	simm.s32 $0x1  }
0x2: {  	[smem:$0x3F8B] =	sst lr;
	_ =	strace $0xD0000000  }
0x3: {  	_ = 	snop  }
0x4: {  	_ = 	snop  }
0x5: {  	_ = 	snop  }
0x6: {  	_ = 	snop  }
0x7: {  	_ = 	snop  }
__scs_overlays_trampoline_lowered:
0x8: {  	[smem:$0x3F9A] =	sst s0  }
0x9: {  	[smem:$0x3F9B] =	sst s1  }
0xa: {  	[smem:$0x3F9C] =	sst s2  }
0xb: {  	[smem:$0x3F9D] =	sst s3  }
0xc: {  	[smem:$0x3F9E] =	sst s4  }
0xd: {  	[smem:$0x3F9F] =	sst s5  }
0xe: {  	[smem:$0x3FA0] =	sst s6  }
0xf: {  	[smem:$0x3FA1] =	sst s7  }
0x10: {  	[smem:$0x3FA2] =	sst s8  }
0x11: {  	[smem:$0x3FA3] =	sst s9;
	s0 =	simm.s32 @!p0 $0x0  }
0x12: {  	s1 =	sld [smem:$0x3F89];
	s0 =	simm.s32 @p0 $0x1  }
0x13: {  	[smem:$0x3FA4] =	sst s0;
	s0 =	simm.s32 @!p1 $0x0  }
0x14: {  	s2 =	sld [smem:$0x3F88];
	s0 =	simm.s32 @p1 $0x1  }
0x15: {  	[smem:$0x3FA5] =	sst s0;
	s0 =	simm.s32 @!p2 $0x0  }
0x16: {  	s3 =	sld [smem:$0x3FDB];
	s0 =	simm.s32 @p2 $0x1  }
0x17: {  	s4 =	simm.s32 $0x1BF5;
	[smem:$0x3FA7] =	sst s0  }
0x18: {  	s0 =	sld [smem:$0x3F8A];
	_ =	swait.ge [sflag:s4], $0x0  }
0x19: {  	s7 =	sld [smem:$0x3F8B]  }
0x1a: {  	s8 =	sadd.s32 $0xFFFFE003, lr  }
0x1b: {  	s9 =	sadd.s32 $0xFFFFFEF7, lr;
	s5 =	simm.s32 $0xFFFFFFFF;
	p2 =	slt.u32 s8, $0xFFFFF086  }
0x1c: {  	p1 =	slt.u32 s9, $0xF7A;
	s5 =	simm.s32 @!p2 $0x0  }
0x1d: {  	s5 =	simm.s32 @p1 $0x1;
	p0 =	seq.s32 s7, s2  }
0x1e: {  	s7 =	smul.u32 @!p0 $0xF7A, s2;
	p2 =	seq.s32 @!p0 s5, $0x0  }
0x1f: {  	s9 =	smul.u32 $0xF7A, s1;
	s8 =	simm.s32 @!p0 $0x1BF5;
	p2 =	por !p2, p0  }
0x20: {  	[sflag:s8] =	ssyncset.s32 @!p0 $0xFFFFF086;
	s6 =	sadd.s32 @!p0 s3, s7;
	s7 =	simm.s32 @!p0 $0x108  }
0x21: {  	s3 =	sadd.s32 s3, s9;
	s6 =	sadd.s32 @!p0 $0x88, s6;
	s7 =	simm.s32 @p2 $0x1082  }
0x22: {  	[simem:s7], [sflag:s8] =	dma.local @!p0 [hbm:s6], $0xF7A  }
0x23: {  	s9 =	sor.u32 $0xD0000000, s2;
	s6 =	simm.s32 $0x108;
	_ =	swait.ge @!p0 [sflag:s8], $0x0  }
0x24: {  	s3 =	sadd.s32 $0x88, s3;
	s6 =	simm.s32 @!p1 $0x1082;
	[sflag:s4] =	ssyncset.s32 $0xFFFFF086  }
0x25: {  	[simem:s6], [sflag:s4] =	dma.local [hbm:s3], $0xF7A  }
0x26: {  	[smem:$0x3F8B] =	sst s1;
	(tag) =	ssettag s2;
	_ =	strace s9  }
0x27: {  	s1 =	sld [smem:$0x3F9B]  }
0x28: {  	s2 =	sld [smem:$0x3F9C]  }
0x29: {  	s4 =	sld [smem:$0x3F9E]  }
0x2a: {  	p0 =	seq.s32 s5, $0x0;
	s5 =	sld [smem:$0x3F9F]  }
0x2b: {  	s6 =	sld [smem:$0x3FA0]  }
0x2c: {  	s7 =	sld [smem:$0x3FA1]  }
0x2d: {  	s3 =	simm.s32 $0x108;
	s8 =	sld [smem:$0x3FA2]  }
0x2e: {  	s3 =	simm.s32 @!p0 $0x1082;
	s9 =	sld [smem:$0x3FA3]  }
0x2f: {  	lr =	sadd.s32 s0, s3;
	s0 =	sld [smem:$0x3F9A]  }
0x30: {  	s3 =	sld [smem:$0x3F9D]  }
0x31: {  	[smem:$0x3FA6] =	sst s10  }
0x32: {  	s10 =	sld [smem:$0x3FA4];
	_ =	sdelay $0x3  }
0x33: {  	p0 =	seq.s32 s10, $0x1;
	s10 =	sld [smem:$0x3FA6];
	_ =	sdelay $0x3  }
0x34: {  	[smem:$0x3FA6] =	sst s10  }
0x35: {  	s10 =	sld [smem:$0x3FA5];
	_ =	sdelay $0x3  }
0x36: {  	p1 =	seq.s32 s10, $0x1;
	s10 =	sld [smem:$0x3FA6];
	_ =	sdelay $0x3  }
0x37: {  	[smem:$0x3FA6] =	sst s10  }
0x38: {  	s10 =	sld [smem:$0x3FA7]  }
0x39: {  	_ = 	snop;
	(pc) =	sbr.ind lr, $3  }
0x3a: {  	_ = 	snop  }
0x3b: {  	_ = 	snop  }
0x3c: {  	p2 =	seq.s32 s10, $0x1;
	s10 =	sld [smem:$0x3FA6]  }
0x3d: {  	_ =	shalt  }
0x3e: {  	_ =	shalt  }
0x3f: {  	_ =	shalt  }
0x40: {  	_ =	shalt  }
0x41: {  	_ =	shalt  }
0x42: {  	_ =	shalt  }
0x43: {  	_ =	shalt  }
0x44: {  	_ =	shalt  }
0x45: {  	_ =	shalt  }
0x46: {  	_ =	shalt  }
0x47: {  	_ =	shalt  }
0x48: {  	_ =	shalt  }
0x49: {  	_ =	shalt  }
0x4a: {  	_ =	shalt  }
0x4b: {  	_ =	shalt  }
0x4c: {  	_ =	shalt  }
0x4d: {  	_ =	shalt  }
0x4e: {  	_ =	shalt  }
0x4f: {  	_ =	shalt  }
0x50: {  	_ =	shalt  }
0x51: {  	_ =	shalt  }
0x52: {  	_ =	shalt  }
0x53: {  	_ =	shalt  }
0x54: {  	_ =	shalt  }
0x55: {  	_ =	shalt  }
0x56: {  	_ =	shalt  }
0x57: {  	_ =	shalt  }
0x58: {  	_ =	shalt  }
0x59: {  	_ =	shalt  }
0x5a: {  	_ =	shalt  }
0x5b: {  	_ =	shalt  }
0x5c: {  	_ =	shalt  }
0x5d: {  	_ =	shalt  }
0x5e: {  	_ =	shalt  }
0x5f: {  	_ =	shalt  }
0x60: {  	_ =	shalt  }
0x61: {  	_ =	shalt  }
0x62: {  	_ =	shalt  }
0x63: {  	_ =	shalt  }
0x64: {  	_ =	shalt  }
0x65: {  	_ =	shalt  }
0x66: {  	_ =	shalt  }
0x67: {  	_ =	shalt  }
0x68: {  	_ =	shalt  }
0x69: {  	_ =	shalt  }
0x6a: {  	_ =	shalt  }
0x6b: {  	_ =	shalt  }
0x6c: {  	_ =	shalt  }
0x6d: {  	_ =	shalt  }
0x6e: {  	_ =	shalt  }
0x6f: {  	_ =	shalt  }
0x70: {  	_ =	shalt  }
0x71: {  	_ =	shalt  }
0x72: {  	_ =	shalt  }
0x73: {  	_ =	shalt  }
0x74: {  	_ =	shalt  }
0x75: {  	_ =	shalt  }
0x76: {  	_ =	shalt  }
0x77: {  	_ =	shalt  }
0x78: {  	_ =	shalt  }
0x79: {  	_ =	shalt  }
0x7a: {  	_ =	shalt  }
0x7b: {  	_ =	shalt  }
0x7c: {  	_ =	shalt  }
0x7d: {  	_ =	shalt  }
0x7e: {  	_ =	shalt  }
0x7f: {  	_ =	shalt  }
0x80: {  	_ =	shalt  }
0x81: {  	_ =	shalt  }
0x82: {  	_ =	shalt  }
0x83: {  	_ =	shalt  }
0x84: {  	_ =	shalt  }
0x85: {  	_ =	shalt  }
0x86: {  	_ =	shalt  }
0x87: {  	_ =	shalt  }
.Lfunc_end0:
.L_simem_size_0:
called_computation.2_lowered:
.L_overlay_start_0:
0x88: {  	s2 =	sld [smem:$0x3FD9]  }
0x89: {  	s3 =	sld [smem:$0x3FFE];
	_ =	sdelay $0x1  }
0x8a: {  	s1 =	srdreg.scid  }
0x8b: {  	s0 =	sand.u32 $0x1, s1  }
0x8c: {  	s16 =	sshll.u32 s0, $0xA;
	s2 =	sadd.s32 s3, s2  }
0x8d: {  	s2 =	sadd.s32 s2, s16  }
0x8e: {  	[smem:$0x3FB2] =	sst s2  }
0x8f: {  	_ = 	snop  }
0x90: {  	(tm) =	ssettm $0x1  }
0x91: {  	s17 =	sld [smem:$0x3FFB];
	_ =	sdelay $0x3  }
0x92: {  	_ =	strace s17  }
0x93: {  	s2 =	sld [smem:$0x3FFC];
	_ =	sdelay $0x3  }
0x94: {  	_ =	strace s2  }
0x95: {  	s2 =	sld [smem:$0x3FFD];
	_ =	sdelay $0x3  }
0x96: {  	_ =	strace s2  }
0x97: {  	_ =	strace $0x8FFFFFFF  }
0x98: {  	s18 =	sld [smem:$0x3FDB];
	_ =	sdelay $0x1  }
0x99: {  	s19 =	simm.s32 $_scs_section_size  }
0x9a: {  	s4 =	simm.s32 $_size__tile_overlayer_lowered;
	s5 =	simm.s32 $_tile_overlayer_lowered  }
0x9b: {  	s22 =	simm.s32 $0x1BFF;
	s21 =	sshll.u32 s5, $0x1;
	s2 =	sadd.s32 s19, s18  }
0x9c: {  	s6 =	simm.s32 $0x0;
	s20 =	sshll.u32 s4, $0x1;
	s4 =	sadd.s32 s21, s2  }
0x9d: {  	[timem:s6], [sflag:s22] =	dma.local [hbm:s4], s20  }
0x9e: {  	_ =	swait.ge [sflag:s22], s20  }
0x9f: {  	s3 =	ssub.s32 $0x0, s20;
	[sflag:s22] =	ssyncset.done $0x0  }
0xa0: {  	[sflag:s22] =	ssyncadd.s32 s3;
	_ =	sdelay $0x1  }
0xa1: {  	s23 =	simm.s32 $0x1B8B  }
0xa2: {  	_ =	swait.ge [sflag:s23], $0x1  }
0xa3: {  	[sflag:s23] =	ssyncset.done $0x0  }
0xa4: {  	s25 =	simm.s32 $0x1B8E;
	s24 =	sld [smem:$0x3FFE];
	[sflag:s23] =	ssyncadd.s32 $0xFFFFFFFF  }
0xa5: {  	s26 =	simm.s32 $execute0_lowered;
	[smem:$0x3FD2] =	sst s25  }
0xa6: {  	s4 =	sshll.u32 s26, $0x1;
	_ =	strace $0x8000004C;
	[dreg:$0x1] =	wrdreg $0xFFFFFFFF  }
0xa7: {  	s28 =	simm.s32 $_size_execute0_lowered;
	s2 =	sadd.s32 s2, s4;
	[dreg:$0x0] =	wrdreg $0x0  }
0xa8: {  	s4 =	sshll.u32 s28, $0x1;
	[dreg:$0x2] =	wrdreg s2  }
0xa9: {  	[dreg:$0x3] =	wrdreg s4  }
0xaa: {  	[dreg:$0x4] =	wrdreg $0xC0  }
0xab: {  	_ =	task [dreg:s6], $0x5FFFF  }
0xac: {  	[dreg:$0x1] =	wrdreg $0xFFFFFFFF  }
0xad: {  	[dreg:$0x0] =	wrdreg $0x60  }
0xae: {  	[dreg:$0x2] =	wrdreg s24  }
0xaf: {  	[dreg:$0x3] =	wrdreg $0x90800  }
0xb0: {  	[dreg:$0x4] =	wrdreg $0x9  }
0xb1: {  	_ =	task.clear_ibuf [dreg:s6], $0x5FFFF;
	_ =	strace $0x9000004C  }
0xb2: {  	s29 =	simm.s32 $0x9;
	_ =	strace $0x8000004E  }
0xb3: {  	_ =	swait.ge [sflag:s29], $0x1  }
0xb4: {  	[sflag:s29] =	ssyncadd.s32 $0xFFFFFFFF  }
0xb5: {  	_ =	strace $0x9000004E  }
0xb6: {  	_ =	sfence  }
0xb7: {  	s30 =	sld [smem:$0x0];
	_ =	sdelay $0x2  }
0xb8: {  	s31 =	sshll.u32 s1, $0xD;
	s1 =	sshrl.u32 s1, $0x2  }
0xb9: {  	s3 =	sand.u32 $0x4000, s31;
	s1 =	sadd.s32 s1, s30  }
0xba: {  	s0 =	sor.u32 s3, s0;
	s1 =	sshll.u32 s1, $0x11  }
0xbb: {  	s0 =	sor.u32 s1, s0  }
0xbc: {  	s0 =	sadd.s32 $0x8F2B, s0  }
0xbd: {  	[sflag:s0] =	ssyncadd.remote.s32 $0x1  }
0xbe: {  	_ =	sfence.sel $0xFFFF  }
0xbf: {  	[dreg:$0x0] =	wrdreg $0xFFFFFFFF;
	(pc) =	sbr.abs _section_cstart, $3  }
0xc0: {  	[dreg:$0x1] =	wrdreg $0xFFFFFFFF  }
0xc1: {  	_ =	task.clear_ibuf [dreg:s6], $0x2FFFF;
	_ =	strace $0x9FFFFFFF  }
0xc2: {  	(tm) =	ssettm $0x7FFFFFFF  }
0xc3: {  	_ =	shalt  }
tec
execute0_lowered:
.L_overlay_start_1:
0x0: {  	(tag) =	ssettag $0x1  }
0x1: {  	s0 =	rddreg [dreg:$0x0]  }
0x2: {  	s1 =	rddreg [dreg:$0x1];
	s2 =	simm.s32 $0x0;
	s3 =	srdreg.scid  }
0x3: {  	s11 =	stileid.u32;
	s22 =	simm.s32 $0x100;
	s23 =	simm.s32 $0x880  }
0x4: {  	s28 =	simm.s32 $0x2;
	s30 =	simm.s32 $0x1;
	s31 =	simm.s32 $0x800  }
0x5: {  	s29 =	simm.s32 $0xB80;
	[smem:$0x7FF] =	sst s2;
	s12 =	sadd.s32 $0x5E800, s0  }
0x6: {  	s3 =	sand.u32 $0x1, s3;
	s13 =	sadd.s32 $0x72800, s0;
	s5 =	sshll.u32 s11, $0x4  }
0x7: {  	s8 =	smul.u32 $0x50000, s11;
	_ =	strace $0x8000004D;
	[dreg:$0x3] =	wrdreg s22  }
0x8: {  	s10 =	smul.u32 $0x5000, s11;
	s5 =	sadd.s32 s5, s0;
	[dreg:$0x4] =	wrdreg s23  }
0x9: {  	s26 =	smul.u32 $0x50000, s3;
	s9 =	sshll.u32 s3, $0x8;
	[dreg:$0x11] =	wrdreg s13  }
0xa: {  	s23 =	simm.s32 $0x400;
	[dreg:$0x10] =	wrdreg s12;
	s5 =	sadd.s32 s9, s5  }
0xb: {  	s6 =	ssub.s32 $0x2, s3;
	[dreg:$0xf] =	wrdreg s23;
	s5 =	sadd.s32 $0x86800, s5  }
0xc: {  	s9 =	sadd.s32 s10, s26;
	s26 =	simm.s32 $0x180;
	[dreg:$0x13] =	wrdreg s5  }
0xd: {  	s7 =	sshrl.u32 s6, $0x1;
	s8 =	sshrl.u32 s8, $0x2;
	[dreg:$0x5] =	wrdreg s26  }
0xe: {  	s6 =	ssub.s32 s6, s7;
	s25 =	sadd.s32 s8, s1;
	[dreg:$0x14] =	wrdreg s9  }
0xf: {  	s4 =	sadd.s32 $0xFEA00, s0;
	s6 =	smax.u32 s6, $0x1;
	[dreg:$0x12] =	wrdreg s25  }
0x10: {  	s0 =	sadd.s32 $0x4800, s0;
	s10 =	sadd.s32 $0x4000, s25;
	[dreg:$0x15] =	wrdreg s6  }
0x11: {  	s5 =	smul.u32 $0x14000, s11;
	s11 =	sadd.s32 $0x8000, s25;
	[dreg:$0x16] =	wrdreg s10  }
0x12: {  	s3 =	smul.u32 $0x140000, s3;
	s14 =	sadd.s32 $0xC000, s25;
	[dreg:$0x17] =	wrdreg s11  }
0x13: {  	s8 =	sadd.s32 $0x10000, s25;
	s22 =	sshrl.u32 s9, $0x3;
	[dreg:$0x18] =	wrdreg s14  }
0x14: {  	s9 =	simm.s32 $0x500;
	[dreg:$0x19] =	wrdreg s8;
	s11 =	simm.s32 $0x900  }
0x15: {  	s14 =	simm.s32 $0x200;
	s26 =	sadd.s32 s22, s12;
	s8 =	simm.s32 $0xC80  }
0x16: {  	s12 =	simm.s32 $0x600;
	s15 =	sadd.s32 s3, s5;
	[dreg:$0x6] =	wrdreg s11  }
0x17: {  	s16 =	sadd.s32 $0x4000, s5;
	s19 =	sadd.s32 $0x8000, s5;
	[dreg:$0x7] =	wrdreg s14  }
0x18: {  	s24 =	sadd.s32 $0xC000, s5;
	s5 =	sadd.s32 $0x10000, s5;
	[smem:$0x7FD] =	sst s26  }
0x19: {  	s26 =	simm.s32 $0x1000;
	s11 =	simm.s32 $0xD00;
	s14 =	simm.s32 $0x680  }
0x1a: {  	s6 =	sshrl.u32 s15, $0x3;
	s17 =	sadd.s32 s3, s16;
	s7 =	sadd.s32 s16, s1  }
0x1b: {  	s20 =	sadd.s32 s3, s19;
	s21 =	sadd.s32 s19, s1;
	[dreg:$0x1b] =	wrdreg s7  }
0x1c: {  	s10 =	sadd.s32 s24, s1;
	s15 =	simm.s32 $0x980;
	[dreg:$0x1d] =	wrdreg s21  }
0x1d: {  	s16 =	simm.s32 $0x280;
	s19 =	simm.s32 $0xA80;
	[dreg:$0x1f] =	wrdreg s10  }
0x1e: {  	s6 =	sadd.s32 s0, s6;
	s18 =	sshrl.u32 s17, $0x3;
	[dreg:$0x8] =	wrdreg s15  }
0x1f: {  	s7 =	sadd.s32 s3, s24;
	[dreg:$0x9] =	wrdreg s16;
	s17 =	simm.s32 $0xA00  }
0x20: {  	s3 =	sadd.s32 s3, s5;
	s5 =	sadd.s32 s5, s1;
	[dreg:$0xc] =	wrdreg s19  }
0x21: {  	s21 =	simm.s32 $0xB00;
	s24 =	sadd.s32 s22, s13;
	s10 =	simm.s32 $0x580  }
0x22: {  	s13 =	simm.s32 $0xD80;
	s15 =	simm.s32 $0xE00;
	[dreg:$0x1a] =	wrdreg s6  }
0x23: {  	s16 =	simm.s32 $0x700;
	s19 =	simm.s32 $0xF00;
	[dreg:$0xa] =	wrdreg s17  }
0x24: {  	s6 =	sadd.s32 s0, s18;
	s7 =	sshrl.u32 s7, $0x3;
	[smem:$0x7FA] =	sst s5  }
0x25: {  	s18 =	simm.s32 $0x300;
	s3 =	sshrl.u32 s3, $0x3;
	[dreg:$0xe] =	wrdreg s21  }
0x26: {  	[smem:$0x7FC] =	sst s24;
	s5 =	simm.s32 $0x480;
	s17 =	simm.s32 $0xE80  }
0x27: {  	s21 =	simm.s32 $0x0;
	[dreg:$0x1c] =	wrdreg s6;
	s6 =	sshrl.u32 s20, $0x3  }
.Ltmp0:
0x28: {  	s7 =	sadd.s32 s0, s7;
	[dreg:$0xb] =	wrdreg s18;
	(pc) =	sbr.rel .LBB2_1-.Ltmp0, $4  }
0x29: {  	s20 =	simm.s32 $0x380;
	s18 =	simm.s32 $0x780;
	[smem:$0x7F9] =	sst s7  }
0x2a: {  	s6 =	sadd.s32 s0, s6;
	s0 =	sadd.s32 s0, s3;
	[dreg:$0xd] =	wrdreg s20  }
0x2b: {  	s3 =	simm.s32 $0x5000;
	s20 =	simm.s32 $0xF80;
	[dreg:$0x1e] =	wrdreg s6  }
0x2c: {  	v0 =	vimm.f32 $0.0e+00;
	[smem:$0x7FB] =	sst s0;
	s0 =	simm.s32 $0x80;
	s6 =	simm.s32 $0xC00  }
.LBB2_10:
0x2d: {  	[sflag:s28] =	ssyncadd.s32 $0xFFFFC000  }
.LBB2_11:
0x2e: {  	[bflag:$0x0] =	sbarrier.arrive $0xFFFF  }
0x2f: {  	[tilespmem:s3], [sflag:$0x2] =	stream.linear.gather [spmem:s25], $0x4000, $0x38;
	[tilespmem:$0x1D080] =	vst v63  }
0x30: {  	_ =	swait.ge [sflag:s28], $0x4000  }
0x31: {  	[sflag:s28] =	ssyncset.done $0x0  }
0x32: {  	s7 =	rddreg [dreg:$0x1a];
	[sflag:s28] =	ssyncadd.s32 $0xFFFFC000  }
0x33: {  	[hbm4b:s7+s2] =	stream.linear.scatter [tilespmem:s3], [sflag:$0x2], $0x4000, $0x38;
	[tilespmem:$0x1D080] =	vst v63  }
0x34: {  	_ =	swait.ge [sflag:s28], $0x4000  }
0x35: {  	[sflag:s28] =	ssyncset.done $0x0  }
0x36: {  	s22 =	rddreg [dreg:$0x1b];
	[sflag:s28] =	ssyncadd.s32 $0xFFFFC000  }
0x37: {  	[tilespmem:s3], [sflag:$0x2] =	stream.linear.gather [spmem:s22], $0x4000, $0x38;
	[tilespmem:$0x1D080] =	vst v63  }
0x38: {  	_ =	swait.ge [sflag:s28], $0x4000  }
0x39: {  	[sflag:s28] =	ssyncset.done $0x0  }
0x3a: {  	s23 =	rddreg [dreg:$0x1c];
	[sflag:s28] =	ssyncadd.s32 $0xFFFFC000  }
0x3b: {  	[hbm4b:s23+s2] =	stream.linear.scatter [tilespmem:s3], [sflag:$0x2], $0x4000, $0x38;
	[tilespmem:$0x1D080] =	vst v63  }
0x3c: {  	_ =	swait.ge [sflag:s28], $0x4000  }
0x3d: {  	[sflag:s28] =	ssyncset.done $0x0  }
0x3e: {  	s24 =	rddreg [dreg:$0x1d];
	[sflag:s28] =	ssyncadd.s32 $0xFFFFC000  }
0x3f: {  	[tilespmem:s3], [sflag:$0x2] =	stream.linear.gather [spmem:s24], $0x4000, $0x38;
	[tilespmem:$0x1D080] =	vst v63  }
0x40: {  	_ =	swait.ge [sflag:s28], $0x4000  }
0x41: {  	[sflag:s28] =	ssyncset.done $0x0  }
0x42: {  	s22 =	rddreg [dreg:$0x1e];
	[sflag:s28] =	ssyncadd.s32 $0xFFFFC000  }
0x43: {  	[hbm4b:s22+s2] =	stream.linear.scatter [tilespmem:s3], [sflag:$0x2], $0x4000, $0x38;
	[tilespmem:$0x1D080] =	vst v63  }
0x44: {  	_ =	swait.ge [sflag:s28], $0x4000  }
0x45: {  	[sflag:s28] =	ssyncset.done $0x0  }
0x46: {  	s23 =	rddreg [dreg:$0x1f];
	[sflag:s28] =	ssyncadd.s32 $0xFFFFC000  }
0x47: {  	[tilespmem:s3], [sflag:$0x2] =	stream.linear.gather [spmem:s23], $0x4000, $0x38;
	[tilespmem:$0x1D080] =	vst v63  }
0x48: {  	_ =	swait.ge [sflag:s28], $0x4000  }
0x49: {  	s24 =	sld [smem:$0x7F9]  }
0x4a: {  	[sflag:s28] =	ssyncset.done $0x0  }
0x4b: {  	[sflag:s28] =	ssyncadd.s32 $0xFFFFC000  }
0x4c: {  	[hbm4b:s24+s2] =	stream.linear.scatter [tilespmem:s3], [sflag:$0x2], $0x4000, $0x38;
	[tilespmem:$0x1D080] =	vst v63  }
0x4d: {  	_ =	swait.ge [sflag:s28], $0x4000  }
0x4e: {  	s22 =	sld [smem:$0x7FA]  }
0x4f: {  	[sflag:s28] =	ssyncset.done $0x0  }
0x50: {  	[sflag:s28] =	ssyncadd.s32 $0xFFFFC000  }
0x51: {  	[tilespmem:s3], [sflag:$0x2] =	stream.linear.gather [spmem:s22], $0x4000, $0x38;
	[tilespmem:$0x1D080] =	vst v63  }
0x52: {  	_ =	swait.ge [sflag:s28], $0x4000  }
0x53: {  	s23 =	sld [smem:$0x7FB]  }
0x54: {  	[sflag:s28] =	ssyncset.done $0x0  }
0x55: {  	[sflag:s28] =	ssyncadd.s32 $0xFFFFC000  }
0x56: {  	[hbm4b:s23+s2] =	stream.linear.scatter [tilespmem:s3], [sflag:$0x2], $0x4000, $0x38;
	[tilespmem:$0x1D080] =	vst v63  }
0x57: {  	_ =	swait.ge [sflag:s28], $0x4000  }
0x58: {  	s21 =	sadd.s32 $0x1, s21;
	s24 =	rddreg [dreg:$0x15]  }
0x59: {  	p0 =	sne.s32 s21, s24  }
.Ltmp1:
0x5a: {  	_ = 	snop;
	(pc) =	sbr.rel @!p0 .LBB2_12-.Ltmp1, $3  }
0x5b: {  	_ =	sdelay $0x1  }
0x5c: {  	[sflag:s28] =	ssyncset.done $0x0  }
0x5d: {  	[sflag:s28] =	ssyncadd.s32 $0xFFFFC000  }
.LBB2_1:
0x5e: {  	s7 =	simm.s32 $0x0;
	s22 =	simm.s32 $0x200  }
.LBB2_2:
0x5f: {  	p0 =	sne.s32 s22, $0xFE00;
	[tilespmem:s7+$0x1070] =	vst v0  }
0x60: {  	[tilespmem:s7+$0x1000] =	vst v0  }
0x61: {  	[tilespmem:s7+$0x1010] =	vst v0  }
.Ltmp2:
0x62: {  	[tilespmem:s7+$0x1020] =	vst v0;
	(pc) =	sbr.rel @p0 .LBB2_2-.Ltmp2, $4  }
0x63: {  	[tilespmem:s7+$0x1030] =	vst v0  }
0x64: {  	[tilespmem:s7+$0x1040] =	vst v0  }
0x65: {  	[tilespmem:s7+$0x1050] =	vst v0  }
0x66: {  	[tilespmem:s7+$0x1060] =	vst v0;
	s7 =	sshra.s32 s22, $0x2;
	s22 =	sadd.s32 $0x200, s22  }
0x67: {  	[tilespmem:s7+$0x1070] =	vst v0  }
0x68: {  	[tilespmem:s7+$0x1000] =	vst v0  }
0x69: {  	[tilespmem:s7+$0x1010] =	vst v0  }
0x6a: {  	[tilespmem:s7+$0x1020] =	vst v0  }
0x6b: {  	[tilespmem:s7+$0x1030] =	vst v0  }
0x6c: {  	[tilespmem:s7+$0x1040] =	vst v0  }
0x6d: {  	[tilespmem:s7+$0x1050] =	vst v0  }
0x6e: {  	[tilespmem:s7+$0x1060] =	vst v0  }
0x6f: {  	[spmem:s25] =	stream.linear.scatter [tilespmem:s26], [sflag:$0x2], $0x4000, $0x38;
	[tilespmem:$0x1D080] =	vst v63  }
0x70: {  	_ =	swait.ge [sflag:s28], $0x4000  }
0x71: {  	[sflag:s28] =	ssyncset.done $0x0  }
0x72: {  	s23 =	rddreg [dreg:$0x16];
	[sflag:s28] =	ssyncadd.s32 $0xFFFFC000  }
0x73: {  	[spmem:s23] =	stream.linear.scatter [tilespmem:s26], [sflag:$0x2], $0x4000, $0x38;
	[tilespmem:$0x1D080] =	vst v63  }
0x74: {  	_ =	swait.ge [sflag:s28], $0x4000  }
0x75: {  	[sflag:s28] =	ssyncset.done $0x0  }
0x76: {  	s24 =	rddreg [dreg:$0x17];
	[sflag:s28] =	ssyncadd.s32 $0xFFFFC000  }
0x77: {  	[spmem:s24] =	stream.linear.scatter [tilespmem:s26], [sflag:$0x2], $0x4000, $0x38;
	[tilespmem:$0x1D080] =	vst v63  }
0x78: {  	_ =	swait.ge [sflag:s28], $0x4000  }
0x79: {  	[sflag:s28] =	ssyncset.done $0x0  }
0x7a: {  	s22 =	rddreg [dreg:$0x18];
	[sflag:s28] =	ssyncadd.s32 $0xFFFFC000  }
0x7b: {  	[spmem:s22] =	stream.linear.scatter [tilespmem:s26], [sflag:$0x2], $0x4000, $0x38;
	[tilespmem:$0x1D080] =	vst v63  }
0x7c: {  	_ =	swait.ge [sflag:s28], $0x4000  }
0x7d: {  	[sflag:s28] =	ssyncset.done $0x0  }
0x7e: {  	s23 =	rddreg [dreg:$0x19];
	[sflag:s28] =	ssyncadd.s32 $0xFFFFC000  }
0x7f: {  	[spmem:s23] =	stream.linear.scatter [tilespmem:s26], [sflag:$0x2], $0x4000, $0x38;
	[tilespmem:$0x1D080] =	vst v63  }
0x80: {  	_ =	swait.ge [sflag:s28], $0x4000  }
0x81: {  	[sflag:s28] =	ssyncset.done $0x0  }
0x82: {  	s22 =	simm.s32 $0x9000;
	s24 =	rddreg [dreg:$0x13];
	[sflag:s28] =	ssyncadd.s32 $0xFFFFC000  }
0x83: {  	[tilespmem:s22], [sflag:$0x2] =	stream.linear.gather [hbm4b:s24+s2], $0x80, $0x38;
	[tilespmem:$0x1D080] =	vst v63  }
0x84: {  	_ =	swait.ge [sflag:s28], $0x80  }
0x85: {  	[sflag:s28] =	ssyncset.done $0x0  }
0x86: {  	[sflag:s28] =	ssyncadd.s32 $0xFFFFFF80  }
0x87: {  	v1 =	vld [tilespmem:$0x9000];
	_ =	sdelay $0x4  }
0x88: {  	v1 =	vxor.u32 $0x80000000, v1  }
0x89: {  	(xrf0) =	vmax.scan.msk.u32 $0xffff, v1;
	_ =	sdelay $0x5  }
0x8a: {  	v1, _, _ =	vpop (xrf0)  }
0x8b: {  	(v2sf) =	vpush v1, $0xF;
	_ =	sdelay $0xe  }
0x8c: {  	s23 =	spop (v2sf)  }
0x8d: {  	s22 =	sxor.u32 $0x80000000, s23  }
0x8e: {  	p1 =	sgt.s32 s23, $0xFFFFFFFF;
	s7 =	sand.u32 $0x7FF, s23;
	p0 =	slt.s32 s22, $0x1  }
0x8f: {  	s23 =	sshra.s32 s22, $0x1F;
	p6 =	sne.s32 s7, $0x0;
	p0 =	por p1, p0  }
0x90: {  	s24 =	sshrl.u32 s23, $0x15;
	p0 =	por !p6, !p0  }
0x91: {  	s23 =	simm.s32 $0x1;
	s7 =	sadd.s32 s24, s22;
	p0 =	por !p0, !p0  }
0x92: {  	s7 =	sshra.s32 s7, $0xB;
	s23 =	simm.s32 @!p0 $0x0  }
0x93: {  	s23 =	ssub.s32 s7, s23  }
0x94: {  	p0 =	slt.s32 s23, $0x1  }
.Ltmp3:
0x95: {  	_ = 	snop;
	(pc) =	sbr.rel @p0 .LBB2_7-.Ltmp3, $2  }
0x96: {  	_ =	sdelay $0x1  }
0x97: {  	[bflag:$0x0] =	sbarrier.arrive $0xFFFF;
	_ =	sdelay $0x1  }
0x98: {  	[smem:$0x7F7] =	sst s22  }
0x99: {  	s22 =	sld [smem:$0x7FD];
	_ =	sdelay $0x2  }
0x9a: {  	[tilespmem:s2], [sflag:$0x2] =	stream.linear.gather [hbm4b:s22+s2], $0x800, $0x38;
	[tilespmem:$0x1D080] =	vst v63  }
0x9b: {  	_ =	swait.ge [sflag:s28], $0x800  }
0x9c: {  	s25 =	sld [smem:$0x7FC]  }
0x9d: {  	[sflag:s28] =	ssyncset.done $0x0  }
0x9e: {  	[sflag:s28] =	ssyncadd.s32 $0xFFFFF800  }
0x9f: {  	[tilespmem:s31], [sflag:$0x2] =	stream.linear.gather [hbm4b:s25+s2], $0x800, $0x38;
	[tilespmem:$0x1D080] =	vst v63  }
0xa0: {  	_ =	swait.ge [sflag:s28], $0x800  }
0xa1: {  	[sflag:s28] =	ssyncset.done $0x0  }
0xa2: {  	[sflag:s28] =	ssyncadd.s32 $0xFFFFF800  }
0xa3: {  	[tilespmem:s26], [sflag:$0x1] =	stream.indirect.gather [hbm4b:s4+s0], $0x80, s2, s0, $0xb8;
	[tilespmem:$0x1D080] =	vst v63  }
0xa4: {  	_ =	swait.ge [sflag:s30], $0x4000  }
0xa5: {  	[sflag:s30] =	ssyncset.done $0x0  }
0xa6: {  	[sflag:s30] =	ssyncadd.s32 $0xFFFFC000  }
0xa7: {  	[tilespmem:s3], [sflag:$0x1] =	stream.indirect.gather [hbm4b:s4+s0], $0x80, s0, s0, $0xb8;
	[tilespmem:$0x1D080] =	vst v63  }
0xa8: {  	_ = 	snop  }
0xa9: {  	[spmem:s1] =	stream.indirect.scatter.add.f32 [tilespmem:s26], [sflag:$0x2], $0x80, s31, s0, $0xb8;
	[tilespmem:$0x1D080] =	vst v63  }
0xaa: {  	_ =	swait.ge [sflag:s28], $0x4000  }
0xab: {  	[sflag:s28] =	ssyncset.done $0x0  }
0xac: {  	[sflag:s28] =	ssyncadd.s32 $0xFFFFC000  }
0xad: {  	_ =	swait.ge [sflag:s30], $0x4000  }
0xae: {  	[sflag:s30] =	ssyncset.done $0x0  }
0xaf: {  	s7 =	rddreg [dreg:$0x3];
	[sflag:s30] =	ssyncadd.s32 $0xFFFFC000  }
0xb0: {  	[tilespmem:s26], [sflag:$0x1] =	stream.indirect.gather [hbm4b:s4+s0], $0x80, s7, s0, $0xb8;
	[tilespmem:$0x1D080] =	vst v63  }
0xb1: {  	s24 =	rddreg [dreg:$0x4]  }
0xb2: {  	[spmem:s1] =	stream.indirect.scatter.add.f32 [tilespmem:s3], [sflag:$0x2], $0x80, s24, s0, $0xb8;
	[tilespmem:$0x1D080] =	vst v63  }
0xb3: {  	_ =	swait.ge [sflag:s28], $0x4000  }
0xb4: {  	[sflag:s28] =	ssyncset.done $0x0  }
0xb5: {  	[sflag:s28] =	ssyncadd.s32 $0xFFFFC000  }
0xb6: {  	_ =	swait.ge [sflag:s30], $0x4000  }
0xb7: {  	[sflag:s30] =	ssyncset.done $0x0  }
0xb8: {  	s7 =	rddreg [dreg:$0x5];
	[sflag:s30] =	ssyncadd.s32 $0xFFFFC000  }
0xb9: {  	[tilespmem:s3], [sflag:$0x1] =	stream.indirect.gather [hbm4b:s4+s0], $0x80, s7, s0, $0xb8;
	[tilespmem:$0x1D080] =	vst v63  }
0xba: {  	s24 =	rddreg [dreg:$0x6]  }
0xbb: {  	[spmem:s1] =	stream.indirect.scatter.add.f32 [tilespmem:s26], [sflag:$0x2], $0x80, s24, s0, $0xb8;
	[tilespmem:$0x1D080] =	vst v63  }
0xbc: {  	_ =	swait.ge [sflag:s28], $0x4000  }
0xbd: {  	[sflag:s28] =	ssyncset.done $0x0  }
0xbe: {  	[sflag:s28] =	ssyncadd.s32 $0xFFFFC000  }
0xbf: {  	_ =	swait.ge [sflag:s30], $0x4000  }
0xc0: {  	[sflag:s30] =	ssyncset.done $0x0  }
0xc1: {  	s7 =	rddreg [dreg:$0x7];
	[sflag:s30] =	ssyncadd.s32 $0xFFFFC000  }
0xc2: {  	[tilespmem:s26], [sflag:$0x1] =	stream.indirect.gather [hbm4b:s4+s0], $0x80, s7, s0, $0xb8;
	[tilespmem:$0x1D080] =	vst v63  }
0xc3: {  	s24 =	rddreg [dreg:$0x8]  }
0xc4: {  	[spmem:s1] =	stream.indirect.scatter.add.f32 [tilespmem:s3], [sflag:$0x2], $0x80, s24, s0, $0xb8;
	[tilespmem:$0x1D080] =	vst v63  }
0xc5: {  	_ =	swait.ge [sflag:s28], $0x4000  }
0xc6: {  	[sflag:s28] =	ssyncset.done $0x0  }
0xc7: {  	[sflag:s28] =	ssyncadd.s32 $0xFFFFC000  }
0xc8: {  	_ =	swait.ge [sflag:s30], $0x4000  }
0xc9: {  	[sflag:s30] =	ssyncset.done $0x0  }
0xca: {  	s7 =	rddreg [dreg:$0x9];
	[sflag:s30] =	ssyncadd.s32 $0xFFFFC000  }
0xcb: {  	[tilespmem:s3], [sflag:$0x1] =	stream.indirect.gather [hbm4b:s4+s0], $0x80, s7, s0, $0xb8;
	[tilespmem:$0x1D080] =	vst v63  }
0xcc: {  	s24 =	rddreg [dreg:$0xa]  }
0xcd: {  	[spmem:s1] =	stream.indirect.scatter.add.f32 [tilespmem:s26], [sflag:$0x2], $0x80, s24, s0, $0xb8;
	[tilespmem:$0x1D080] =	vst v63  }
0xce: {  	_ =	swait.ge [sflag:s28], $0x4000  }
0xcf: {  	[sflag:s28] =	ssyncset.done $0x0  }
0xd0: {  	[sflag:s28] =	ssyncadd.s32 $0xFFFFC000  }
0xd1: {  	_ =	swait.ge [sflag:s30], $0x4000  }
0xd2: {  	[sflag:s30] =	ssyncset.done $0x0  }
0xd3: {  	s7 =	rddreg [dreg:$0xb];
	[sflag:s30] =	ssyncadd.s32 $0xFFFFC000  }
0xd4: {  	[tilespmem:s26], [sflag:$0x1] =	stream.indirect.gather [hbm4b:s4+s0], $0x80, s7, s0, $0xb8;
	[tilespmem:$0x1D080] =	vst v63  }
0xd5: {  	s24 =	rddreg [dreg:$0xc]  }
0xd6: {  	[spmem:s1] =	stream.indirect.scatter.add.f32 [tilespmem:s3], [sflag:$0x2], $0x80, s24, s0, $0xb8;
	[tilespmem:$0x1D080] =	vst v63  }
0xd7: {  	_ =	swait.ge [sflag:s28], $0x4000  }
0xd8: {  	[sflag:s28] =	ssyncset.done $0x0  }
0xd9: {  	[sflag:s28] =	ssyncadd.s32 $0xFFFFC000  }
0xda: {  	_ =	swait.ge [sflag:s30], $0x4000  }
0xdb: {  	[sflag:s30] =	ssyncset.done $0x0  }
0xdc: {  	s7 =	rddreg [dreg:$0xd];
	[sflag:s30] =	ssyncadd.s32 $0xFFFFC000  }
0xdd: {  	[tilespmem:s3], [sflag:$0x1] =	stream.indirect.gather [hbm4b:s4+s0], $0x80, s7, s0, $0xb8;
	[tilespmem:$0x1D080] =	vst v63  }
0xde: {  	s24 =	rddreg [dreg:$0xe]  }
0xdf: {  	[spmem:s1] =	stream.indirect.scatter.add.f32 [tilespmem:s26], [sflag:$0x2], $0x80, s24, s0, $0xb8;
	[tilespmem:$0x1D080] =	vst v63  }
0xe0: {  	_ =	swait.ge [sflag:s28], $0x4000  }
0xe1: {  	[sflag:s28] =	ssyncset.done $0x0  }
0xe2: {  	[sflag:s28] =	ssyncadd.s32 $0xFFFFC000  }
0xe3: {  	_ =	swait.ge [sflag:s30], $0x4000  }
0xe4: {  	[sflag:s30] =	ssyncset.done $0x0  }
0xe5: {  	s24 =	rddreg [dreg:$0xf];
	[sflag:s30] =	ssyncadd.s32 $0xFFFFC000  }
0xe6: {  	[tilespmem:s26], [sflag:$0x1] =	stream.indirect.gather [hbm4b:s4+s0], $0x80, s24, s0, $0xb8;
	[tilespmem:$0x1D080] =	vst v63  }
0xe7: {  	_ = 	snop  }
0xe8: {  	[spmem:s1] =	stream.indirect.scatter.add.f32 [tilespmem:s3], [sflag:$0x2], $0x80, s29, s0, $0xb8;
	[tilespmem:$0x1D080] =	vst v63  }
0xe9: {  	_ =	swait.ge [sflag:s28], $0x4000  }
0xea: {  	[sflag:s28] =	ssyncset.done $0x0  }
0xeb: {  	[sflag:s28] =	ssyncadd.s32 $0xFFFFC000  }
0xec: {  	_ =	swait.ge [sflag:s30], $0x4000  }
0xed: {  	[sflag:s30] =	ssyncset.done $0x0  }
0xee: {  	[sflag:s30] =	ssyncadd.s32 $0xFFFFC000  }
0xef: {  	[tilespmem:s3], [sflag:$0x1] =	stream.indirect.gather [hbm4b:s4+s0], $0x80, s5, s0, $0xb8;
	[tilespmem:$0x1D080] =	vst v63  }
0xf0: {  	_ = 	snop  }
0xf1: {  	[spmem:s1] =	stream.indirect.scatter.add.f32 [tilespmem:s26], [sflag:$0x2], $0x80, s6, s0, $0xb8;
	[tilespmem:$0x1D080] =	vst v63  }
0xf2: {  	_ =	swait.ge [sflag:s28], $0x4000  }
0xf3: {  	[sflag:s28] =	ssyncset.done $0x0  }
0xf4: {  	[sflag:s28] =	ssyncadd.s32 $0xFFFFC000  }
0xf5: {  	_ =	swait.ge [sflag:s30], $0x4000  }
0xf6: {  	[sflag:s30] =	ssyncset.done $0x0  }
0xf7: {  	[sflag:s30] =	ssyncadd.s32 $0xFFFFC000  }
0xf8: {  	[tilespmem:s26], [sflag:$0x1] =	stream.indirect.gather [hbm4b:s4+s0], $0x80, s9, s0, $0xb8;
	[tilespmem:$0x1D080] =	vst v63  }
0xf9: {  	_ = 	snop  }
0xfa: {  	[spmem:s1] =	stream.indirect.scatter.add.f32 [tilespmem:s3], [sflag:$0x2], $0x80, s8, s0, $0xb8;
	[tilespmem:$0x1D080] =	vst v63  }
0xfb: {  	_ =	swait.ge [sflag:s28], $0x4000  }
0xfc: {  	[sflag:s28] =	ssyncset.done $0x0  }
0xfd: {  	[sflag:s28] =	ssyncadd.s32 $0xFFFFC000  }
0xfe: {  	_ =	swait.ge [sflag:s30], $0x4000  }
0xff: {  	[sflag:s30] =	ssyncset.done $0x0  }
0x100: {  	[sflag:s30] =	ssyncadd.s32 $0xFFFFC000  }
0x101: {  	[tilespmem:s3], [sflag:$0x1] =	stream.indirect.gather [hbm4b:s4+s0], $0x80, s10, s0, $0xb8;
	[tilespmem:$0x1D080] =	vst v63  }
0x102: {  	_ = 	snop  }
0x103: {  	[spmem:s1] =	stream.indirect.scatter.add.f32 [tilespmem:s26], [sflag:$0x2], $0x80, s11, s0, $0xb8;
	[tilespmem:$0x1D080] =	vst v63  }
0x104: {  	_ =	swait.ge [sflag:s28], $0x4000  }
0x105: {  	[sflag:s28] =	ssyncset.done $0x0  }
0x106: {  	[sflag:s28] =	ssyncadd.s32 $0xFFFFC000  }
0x107: {  	_ =	swait.ge [sflag:s30], $0x4000  }
0x108: {  	[sflag:s30] =	ssyncset.done $0x0  }
0x109: {  	[sflag:s30] =	ssyncadd.s32 $0xFFFFC000  }
0x10a: {  	[tilespmem:s26], [sflag:$0x1] =	stream.indirect.gather [hbm4b:s4+s0], $0x80, s12, s0, $0xb8;
	[tilespmem:$0x1D080] =	vst v63  }
0x10b: {  	_ = 	snop  }
0x10c: {  	[spmem:s1] =	stream.indirect.scatter.add.f32 [tilespmem:s3], [sflag:$0x2], $0x80, s13, s0, $0xb8;
	[tilespmem:$0x1D080] =	vst v63  }
0x10d: {  	_ =	swait.ge [sflag:s28], $0x4000  }
0x10e: {  	[sflag:s28] =	ssyncset.done $0x0  }
0x10f: {  	[sflag:s28] =	ssyncadd.s32 $0xFFFFC000  }
0x110: {  	_ =	swait.ge [sflag:s30], $0x4000  }
0x111: {  	[sflag:s30] =	ssyncset.done $0x0  }
0x112: {  	[sflag:s30] =	ssyncadd.s32 $0xFFFFC000  }
0x113: {  	[tilespmem:s3], [sflag:$0x1] =	stream.indirect.gather [hbm4b:s4+s0], $0x80, s14, s0, $0xb8;
	[tilespmem:$0x1D080] =	vst v63  }
0x114: {  	_ = 	snop  }
0x115: {  	[spmem:s1] =	stream.indirect.scatter.add.f32 [tilespmem:s26], [sflag:$0x2], $0x80, s15, s0, $0xb8;
	[tilespmem:$0x1D080] =	vst v63  }
0x116: {  	_ =	swait.ge [sflag:s28], $0x4000  }
0x117: {  	[sflag:s28] =	ssyncset.done $0x0  }
0x118: {  	[sflag:s28] =	ssyncadd.s32 $0xFFFFC000  }
0x119: {  	_ =	swait.ge [sflag:s30], $0x4000  }
0x11a: {  	[sflag:s30] =	ssyncset.done $0x0  }
0x11b: {  	[sflag:s30] =	ssyncadd.s32 $0xFFFFC000  }
0x11c: {  	[tilespmem:s26], [sflag:$0x1] =	stream.indirect.gather [hbm4b:s4+s0], $0x80, s16, s0, $0xb8;
	[tilespmem:$0x1D080] =	vst v63  }
0x11d: {  	_ = 	snop  }
0x11e: {  	[spmem:s1] =	stream.indirect.scatter.add.f32 [tilespmem:s3], [sflag:$0x2], $0x80, s17, s0, $0xb8;
	[tilespmem:$0x1D080] =	vst v63  }
0x11f: {  	_ =	swait.ge [sflag:s28], $0x4000  }
0x120: {  	[sflag:s28] =	ssyncset.done $0x0  }
0x121: {  	[sflag:s28] =	ssyncadd.s32 $0xFFFFC000  }
0x122: {  	_ =	swait.ge [sflag:s30], $0x4000  }
0x123: {  	[sflag:s30] =	ssyncset.done $0x0  }
0x124: {  	[sflag:s30] =	ssyncadd.s32 $0xFFFFC000  }
0x125: {  	[tilespmem:s3], [sflag:$0x1] =	stream.indirect.gather [hbm4b:s4+s0], $0x80, s18, s0, $0xb8;
	[tilespmem:$0x1D080] =	vst v63  }
0x126: {  	_ = 	snop  }
0x127: {  	[spmem:s1] =	stream.indirect.scatter.add.f32 [tilespmem:s26], [sflag:$0x2], $0x80, s19, s0, $0xb8;
	[tilespmem:$0x1D080] =	vst v63  }
0x128: {  	_ =	swait.ge [sflag:s28], $0x4000  }
0x129: {  	[sflag:s28] =	ssyncset.done $0x0  }
0x12a: {  	[sflag:s28] =	ssyncadd.s32 $0xFFFFC000  }
0x12b: {  	_ =	swait.ge [sflag:s30], $0x4000  }
0x12c: {  	[sflag:s30] =	ssyncset.done $0x0  }
0x12d: {  	[sflag:s30] =	ssyncadd.s32 $0xFFFFC000  }
0x12e: {  	[tilespmem:s26], [sflag:$0x1] =	stream.indirect.gather [hbm4b:s4+s0], $0x80, s18, s0, $0xb8;
	[tilespmem:$0x1D080] =	vst v63  }
0x12f: {  	p0 =	sne.s32 s23, $0x1  }
0x130: {  	[spmem:s1] =	stream.indirect.scatter.add.f32 [tilespmem:s3], [sflag:$0x2], $0x80, s20, s0, $0xb8;
	[tilespmem:$0x1D080] =	vst v63  }
.Ltmp4:
0x131: {  	_ =	swait.ge [sflag:s28], $0x4000;
	(pc) =	sbr.rel @!p0 .LBB2_6-.Ltmp4, $4  }
0x132: {  	[sflag:s28] =	ssyncset.done $0x0  }
0x133: {  	[sflag:s28] =	ssyncadd.s32 $0xFFFFC000  }
0x134: {  	s7 =	smov.u32 s22;
	_ =	swait.ge [sflag:s30], $0x4000  }
0x135: {  	s24 =	sadd.s32 $0xFFFFFFFF, s23;
	[smem:$0x7F8] =	sst s23;
	[sflag:s30] =	ssyncset.done $0x0  }
.LBB2_5:
0x136: {  	[sflag:s30] =	ssyncadd.s32 $0xFFFFC000;
	s7 =	sadd.s32 $0x100, s7  }
0x137: {  	[tilespmem:s2], [sflag:$0x2] =	stream.linear.gather [hbm4b:s7+s2], $0x800, $0x38;
	[tilespmem:$0x1D080] =	vst v63  }
0x138: {  	_ =	swait.ge [sflag:s28], $0x800  }
0x139: {  	[sflag:s28] =	ssyncset.done $0x0  }
0x13a: {  	s25 =	sadd.s32 $0x100, s25;
	[sflag:s28] =	ssyncadd.s32 $0xFFFFF800  }
0x13b: {  	[tilespmem:s31], [sflag:$0x2] =	stream.linear.gather [hbm4b:s25+s2], $0x800, $0x38;
	[tilespmem:$0x1D080] =	vst v63  }
0x13c: {  	_ =	swait.ge [sflag:s28], $0x800  }
0x13d: {  	[sflag:s28] =	ssyncset.done $0x0  }
0x13e: {  	[sflag:s28] =	ssyncadd.s32 $0xFFFFF800  }
0x13f: {  	[tilespmem:s26], [sflag:$0x1] =	stream.indirect.gather [hbm4b:s4+s0], $0x80, s2, s0, $0xb8;
	[tilespmem:$0x1D080] =	vst v63  }
0x140: {  	_ =	swait.ge [sflag:s30], $0x4000  }
0x141: {  	[sflag:s30] =	ssyncset.done $0x0  }
0x142: {  	[sflag:s30] =	ssyncadd.s32 $0xFFFFC000  }
0x143: {  	[tilespmem:s3], [sflag:$0x1] =	stream.indirect.gather [hbm4b:s4+s0], $0x80, s0, s0, $0xb8;
	[tilespmem:$0x1D080] =	vst v63  }
0x144: {  	_ = 	snop  }
0x145: {  	[spmem:s1] =	stream.indirect.scatter.add.f32 [tilespmem:s26], [sflag:$0x2], $0x80, s31, s0, $0xb8;
	[tilespmem:$0x1D080] =	vst v63  }
0x146: {  	_ =	swait.ge [sflag:s28], $0x4000  }
0x147: {  	[sflag:s28] =	ssyncset.done $0x0  }
0x148: {  	[sflag:s28] =	ssyncadd.s32 $0xFFFFC000  }
0x149: {  	_ =	swait.ge [sflag:s30], $0x4000  }
0x14a: {  	[sflag:s30] =	ssyncset.done $0x0  }
0x14b: {  	s23 =	rddreg [dreg:$0x3];
	[sflag:s30] =	ssyncadd.s32 $0xFFFFC000  }
0x14c: {  	[tilespmem:s26], [sflag:$0x1] =	stream.indirect.gather [hbm4b:s4+s0], $0x80, s23, s0, $0xb8;
	[tilespmem:$0x1D080] =	vst v63  }
0x14d: {  	s22 =	rddreg [dreg:$0x4]  }
0x14e: {  	[spmem:s1] =	stream.indirect.scatter.add.f32 [tilespmem:s3], [sflag:$0x2], $0x80, s22, s0, $0xb8;
	[tilespmem:$0x1D080] =	vst v63  }
0x14f: {  	_ =	swait.ge [sflag:s28], $0x4000  }
0x150: {  	[sflag:s28] =	ssyncset.done $0x0  }
0x151: {  	[sflag:s28] =	ssyncadd.s32 $0xFFFFC000  }
0x152: {  	_ =	swait.ge [sflag:s30], $0x4000  }
0x153: {  	[sflag:s30] =	ssyncset.done $0x0  }
0x154: {  	s22 =	rddreg [dreg:$0x5];
	[sflag:s30] =	ssyncadd.s32 $0xFFFFC000  }
0x155: {  	[tilespmem:s3], [sflag:$0x1] =	stream.indirect.gather [hbm4b:s4+s0], $0x80, s22, s0, $0xb8;
	[tilespmem:$0x1D080] =	vst v63  }
0x156: {  	s23 =	rddreg [dreg:$0x6]  }
0x157: {  	[spmem:s1] =	stream.indirect.scatter.add.f32 [tilespmem:s26], [sflag:$0x2], $0x80, s23, s0, $0xb8;
	[tilespmem:$0x1D080] =	vst v63  }
0x158: {  	_ =	swait.ge [sflag:s28], $0x4000  }
0x159: {  	[sflag:s28] =	ssyncset.done $0x0  }
0x15a: {  	[sflag:s28] =	ssyncadd.s32 $0xFFFFC000  }
0x15b: {  	_ =	swait.ge [sflag:s30], $0x4000  }
0x15c: {  	[sflag:s30] =	ssyncset.done $0x0  }
0x15d: {  	s22 =	rddreg [dreg:$0x7];
	[sflag:s30] =	ssyncadd.s32 $0xFFFFC000  }
0x15e: {  	[tilespmem:s26], [sflag:$0x1] =	stream.indirect.gather [hbm4b:s4+s0], $0x80, s22, s0, $0xb8;
	[tilespmem:$0x1D080] =	vst v63  }
0x15f: {  	s23 =	rddreg [dreg:$0x8]  }
0x160: {  	[spmem:s1] =	stream.indirect.scatter.add.f32 [tilespmem:s3], [sflag:$0x2], $0x80, s23, s0, $0xb8;
	[tilespmem:$0x1D080] =	vst v63  }
0x161: {  	_ =	swait.ge [sflag:s28], $0x4000  }
0x162: {  	[sflag:s28] =	ssyncset.done $0x0  }
0x163: {  	[sflag:s28] =	ssyncadd.s32 $0xFFFFC000  }
0x164: {  	_ =	swait.ge [sflag:s30], $0x4000  }
0x165: {  	[sflag:s30] =	ssyncset.done $0x0  }
0x166: {  	s22 =	rddreg [dreg:$0x9];
	[sflag:s30] =	ssyncadd.s32 $0xFFFFC000  }
0x167: {  	[tilespmem:s3], [sflag:$0x1] =	stream.indirect.gather [hbm4b:s4+s0], $0x80, s22, s0, $0xb8;
	[tilespmem:$0x1D080] =	vst v63  }
0x168: {  	s23 =	rddreg [dreg:$0xa]  }
0x169: {  	[spmem:s1] =	stream.indirect.scatter.add.f32 [tilespmem:s26], [sflag:$0x2], $0x80, s23, s0, $0xb8;
	[tilespmem:$0x1D080] =	vst v63  }
0x16a: {  	_ =	swait.ge [sflag:s28], $0x4000  }
0x16b: {  	[sflag:s28] =	ssyncset.done $0x0  }
0x16c: {  	[sflag:s28] =	ssyncadd.s32 $0xFFFFC000  }
0x16d: {  	_ =	swait.ge [sflag:s30], $0x4000  }
0x16e: {  	[sflag:s30] =	ssyncset.done $0x0  }
0x16f: {  	s22 =	rddreg [dreg:$0xb];
	[sflag:s30] =	ssyncadd.s32 $0xFFFFC000  }
0x170: {  	[tilespmem:s26], [sflag:$0x1] =	stream.indirect.gather [hbm4b:s4+s0], $0x80, s22, s0, $0xb8;
	[tilespmem:$0x1D080] =	vst v63  }
0x171: {  	s23 =	rddreg [dreg:$0xc]  }
0x172: {  	[spmem:s1] =	stream.indirect.scatter.add.f32 [tilespmem:s3], [sflag:$0x2], $0x80, s23, s0, $0xb8;
	[tilespmem:$0x1D080] =	vst v63  }
0x173: {  	_ =	swait.ge [sflag:s28], $0x4000  }
0x174: {  	[sflag:s28] =	ssyncset.done $0x0  }
0x175: {  	[sflag:s28] =	ssyncadd.s32 $0xFFFFC000  }
0x176: {  	_ =	swait.ge [sflag:s30], $0x4000  }
0x177: {  	[sflag:s30] =	ssyncset.done $0x0  }
0x178: {  	s22 =	rddreg [dreg:$0xd];
	[sflag:s30] =	ssyncadd.s32 $0xFFFFC000  }
0x179: {  	[tilespmem:s3], [sflag:$0x1] =	stream.indirect.gather [hbm4b:s4+s0], $0x80, s22, s0, $0xb8;
	[tilespmem:$0x1D080] =	vst v63  }
0x17a: {  	s23 =	rddreg [dreg:$0xe]  }
0x17b: {  	[spmem:s1] =	stream.indirect.scatter.add.f32 [tilespmem:s26], [sflag:$0x2], $0x80, s23, s0, $0xb8;
	[tilespmem:$0x1D080] =	vst v63  }
0x17c: {  	_ =	swait.ge [sflag:s28], $0x4000  }
0x17d: {  	[sflag:s28] =	ssyncset.done $0x0  }
0x17e: {  	[sflag:s28] =	ssyncadd.s32 $0xFFFFC000  }
0x17f: {  	_ =	swait.ge [sflag:s30], $0x4000  }
0x180: {  	[sflag:s30] =	ssyncset.done $0x0  }
0x181: {  	s23 =	rddreg [dreg:$0xf];
	[sflag:s30] =	ssyncadd.s32 $0xFFFFC000  }
0x182: {  	[tilespmem:s26], [sflag:$0x1] =	stream.indirect.gather [hbm4b:s4+s0], $0x80, s23, s0, $0xb8;
	[tilespmem:$0x1D080] =	vst v63  }
0x183: {  	_ = 	snop  }
0x184: {  	[spmem:s1] =	stream.indirect.scatter.add.f32 [tilespmem:s3], [sflag:$0x2], $0x80, s29, s0, $0xb8;
	[tilespmem:$0x1D080] =	vst v63  }
0x185: {  	_ =	swait.ge [sflag:s28], $0x4000  }
0x186: {  	[sflag:s28] =	ssyncset.done $0x0  }
0x187: {  	[sflag:s28] =	ssyncadd.s32 $0xFFFFC000  }
0x188: {  	_ =	swait.ge [sflag:s30], $0x4000  }
0x189: {  	[sflag:s30] =	ssyncset.done $0x0  }
0x18a: {  	[sflag:s30] =	ssyncadd.s32 $0xFFFFC000  }
0x18b: {  	[tilespmem:s3], [sflag:$0x1] =	stream.indirect.gather [hbm4b:s4+s0], $0x80, s5, s0, $0xb8;
	[tilespmem:$0x1D080] =	vst v63  }
0x18c: {  	_ = 	snop  }
0x18d: {  	[spmem:s1] =	stream.indirect.scatter.add.f32 [tilespmem:s26], [sflag:$0x2], $0x80, s6, s0, $0xb8;
	[tilespmem:$0x1D080] =	vst v63  }
0x18e: {  	_ =	swait.ge [sflag:s28], $0x4000  }
0x18f: {  	[sflag:s28] =	ssyncset.done $0x0  }
0x190: {  	[sflag:s28] =	ssyncadd.s32 $0xFFFFC000  }
0x191: {  	_ =	swait.ge [sflag:s30], $0x4000  }
0x192: {  	[sflag:s30] =	ssyncset.done $0x0  }
0x193: {  	[sflag:s30] =	ssyncadd.s32 $0xFFFFC000  }
0x194: {  	[tilespmem:s26], [sflag:$0x1] =	stream.indirect.gather [hbm4b:s4+s0], $0x80, s9, s0, $0xb8;
	[tilespmem:$0x1D080] =	vst v63  }
0x195: {  	_ = 	snop  }
0x196: {  	[spmem:s1] =	stream.indirect.scatter.add.f32 [tilespmem:s3], [sflag:$0x2], $0x80, s8, s0, $0xb8;
	[tilespmem:$0x1D080] =	vst v63  }
0x197: {  	_ =	swait.ge [sflag:s28], $0x4000  }
0x198: {  	[sflag:s28] =	ssyncset.done $0x0  }
0x199: {  	[sflag:s28] =	ssyncadd.s32 $0xFFFFC000  }
0x19a: {  	_ =	swait.ge [sflag:s30], $0x4000  }
0x19b: {  	[sflag:s30] =	ssyncset.done $0x0  }
0x19c: {  	[sflag:s30] =	ssyncadd.s32 $0xFFFFC000  }
0x19d: {  	[tilespmem:s3], [sflag:$0x1] =	stream.indirect.gather [hbm4b:s4+s0], $0x80, s10, s0, $0xb8;
	[tilespmem:$0x1D080] =	vst v63  }
0x19e: {  	_ = 	snop  }
0x19f: {  	[spmem:s1] =	stream.indirect.scatter.add.f32 [tilespmem:s26], [sflag:$0x2], $0x80, s11, s0, $0xb8;
	[tilespmem:$0x1D080] =	vst v63  }
0x1a0: {  	_ =	swait.ge [sflag:s28], $0x4000  }
0x1a1: {  	[sflag:s28] =	ssyncset.done $0x0  }
0x1a2: {  	[sflag:s28] =	ssyncadd.s32 $0xFFFFC000  }
0x1a3: {  	_ =	swait.ge [sflag:s30], $0x4000  }
0x1a4: {  	[sflag:s30] =	ssyncset.done $0x0  }
0x1a5: {  	[sflag:s30] =	ssyncadd.s32 $0xFFFFC000  }
0x1a6: {  	[tilespmem:s26], [sflag:$0x1] =	stream.indirect.gather [hbm4b:s4+s0], $0x80, s12, s0, $0xb8;
	[tilespmem:$0x1D080] =	vst v63  }
0x1a7: {  	_ = 	snop  }
0x1a8: {  	[spmem:s1] =	stream.indirect.scatter.add.f32 [tilespmem:s3], [sflag:$0x2], $0x80, s13, s0, $0xb8;
	[tilespmem:$0x1D080] =	vst v63  }
0x1a9: {  	_ =	swait.ge [sflag:s28], $0x4000  }
0x1aa: {  	[sflag:s28] =	ssyncset.done $0x0  }
0x1ab: {  	[sflag:s28] =	ssyncadd.s32 $0xFFFFC000  }
0x1ac: {  	_ =	swait.ge [sflag:s30], $0x4000  }
0x1ad: {  	[sflag:s30] =	ssyncset.done $0x0  }
0x1ae: {  	[sflag:s30] =	ssyncadd.s32 $0xFFFFC000  }
0x1af: {  	[tilespmem:s3], [sflag:$0x1] =	stream.indirect.gather [hbm4b:s4+s0], $0x80, s14, s0, $0xb8;
	[tilespmem:$0x1D080] =	vst v63  }
0x1b0: {  	_ = 	snop  }
0x1b1: {  	[spmem:s1] =	stream.indirect.scatter.add.f32 [tilespmem:s26], [sflag:$0x2], $0x80, s15, s0, $0xb8;
	[tilespmem:$0x1D080] =	vst v63  }
0x1b2: {  	_ =	swait.ge [sflag:s28], $0x4000  }
0x1b3: {  	[sflag:s28] =	ssyncset.done $0x0  }
0x1b4: {  	[sflag:s28] =	ssyncadd.s32 $0xFFFFC000  }
0x1b5: {  	_ =	swait.ge [sflag:s30], $0x4000  }
0x1b6: {  	[sflag:s30] =	ssyncset.done $0x0  }
0x1b7: {  	[sflag:s30] =	ssyncadd.s32 $0xFFFFC000  }
0x1b8: {  	[tilespmem:s26], [sflag:$0x1] =	stream.indirect.gather [hbm4b:s4+s0], $0x80, s16, s0, $0xb8;
	[tilespmem:$0x1D080] =	vst v63  }
0x1b9: {  	_ = 	snop  }
0x1ba: {  	[spmem:s1] =	stream.indirect.scatter.add.f32 [tilespmem:s3], [sflag:$0x2], $0x80, s17, s0, $0xb8;
	[tilespmem:$0x1D080] =	vst v63  }
0x1bb: {  	_ =	swait.ge [sflag:s28], $0x4000  }
0x1bc: {  	[sflag:s28] =	ssyncset.done $0x0  }
0x1bd: {  	[sflag:s28] =	ssyncadd.s32 $0xFFFFC000  }
0x1be: {  	_ =	swait.ge [sflag:s30], $0x4000  }
0x1bf: {  	[sflag:s30] =	ssyncset.done $0x0  }
0x1c0: {  	[sflag:s30] =	ssyncadd.s32 $0xFFFFC000  }
0x1c1: {  	[tilespmem:s3], [sflag:$0x1] =	stream.indirect.gather [hbm4b:s4+s0], $0x80, s18, s0, $0xb8;
	[tilespmem:$0x1D080] =	vst v63  }
0x1c2: {  	_ = 	snop  }
0x1c3: {  	[spmem:s1] =	stream.indirect.scatter.add.f32 [tilespmem:s26], [sflag:$0x2], $0x80, s19, s0, $0xb8;
	[tilespmem:$0x1D080] =	vst v63  }
0x1c4: {  	_ =	swait.ge [sflag:s28], $0x4000  }
0x1c5: {  	[sflag:s28] =	ssyncset.done $0x0  }
0x1c6: {  	[sflag:s28] =	ssyncadd.s32 $0xFFFFC000  }
0x1c7: {  	_ =	swait.ge [sflag:s30], $0x4000  }
0x1c8: {  	[sflag:s30] =	ssyncset.done $0x0  }
0x1c9: {  	[sflag:s30] =	ssyncadd.s32 $0xFFFFC000  }
0x1ca: {  	[tilespmem:s26], [sflag:$0x1] =	stream.indirect.gather [hbm4b:s4+s0], $0x80, s18, s0, $0xb8;
	[tilespmem:$0x1D080] =	vst v63  }
0x1cb: {  	p0 =	sne.s32 s24, $0x1  }
0x1cc: {  	[spmem:s1] =	stream.indirect.scatter.add.f32 [tilespmem:s3], [sflag:$0x2], $0x80, s20, s0, $0xb8;
	[tilespmem:$0x1D080] =	vst v63  }
.Ltmp5:
0x1cd: {  	_ =	swait.ge [sflag:s28], $0x4000;
	(pc) =	sbr.rel @p0 .LBB2_5-.Ltmp5, $4  }
0x1ce: {  	[sflag:s28] =	ssyncset.done $0x0  }
0x1cf: {  	[sflag:s28] =	ssyncadd.s32 $0xFFFFC000  }
0x1d0: {  	_ =	swait.ge [sflag:s30], $0x4000  }
0x1d1: {  	s24 =	sadd.s32 $0xFFFFFFFF, s24;
	[sflag:s30] =	ssyncset.done $0x0  }
.LBB2_6:
0x1d2: {  	s25 =	rddreg [dreg:$0x12]  }
0x1d3: {  	s22 =	sld [smem:$0x7F7]  }
0x1d4: {  	[sflag:s30] =	ssyncadd.s32 $0xFFFFC000;
	s23 =	sld [smem:$0x7F8]  }
.LBB2_7:
0x1d5: {  	_ =	sdelay $0x1  }
0x1d6: {  	s7 =	sshll.u32 s23, $0xB  }
0x1d7: {  	s22 =	ssub.s32 s22, s7  }
0x1d8: {  	s22 =	sadd.s32 $0x7F, s22  }
0x1d9: {  	s24 =	sand.u32 $0x7F, s22  }
0x1da: {  	p1 =	slt.s32 s22, $0x1;
	p0 =	sne.s32 s24, $0x0;
	s24 =	sshra.s32 s22, $0x1F  }
0x1db: {  	s23 =	sshrl.u32 s24, $0x19;
	p0 =	por !p1, !p0  }
0x1dc: {  	s22 =	sadd.s32 s23, s22;
	p0 =	por !p0, !p0;
	s23 =	simm.s32 $0x1  }
0x1dd: {  	s22 =	sshra.s32 s22, $0x7;
	s23 =	simm.s32 @!p0 $0x0  }
0x1de: {  	s23 =	ssub.s32 s22, s23  }
0x1df: {  	p0 =	slt.s32 s23, $0x1  }
.Ltmp6:
0x1e0: {  	_ = 	snop;
	(pc) =	sbr.rel @p0 .LBB2_11-.Ltmp6, $1  }
0x1e1: {  	_ =	sdelay $0x3  }
0x1e2: {  	s22 =	rddreg [dreg:$0x14]  }
0x1e3: {  	s7 =	sadd.s32 s7, s22  }
0x1e4: {  	s24 =	rddreg [dreg:$0x10];
	s22 =	sshrl.u32 s7, $0x3  }
0x1e5: {  	s7 =	simm.s32 $0x0;
	s24 =	sadd.s32 s24, s22  }
0x1e6: {  	[tilespmem:s7], [sflag:$0x2] =	stream.linear.gather [hbm4b:s24+s7], $0x800, $0x38;
	[tilespmem:$0x1D080] =	vst v63  }
0x1e7: {  	_ =	swait.ge [sflag:s28], $0x800  }
0x1e8: {  	[sflag:s28] =	ssyncset.done $0x0;
	s24 =	rddreg [dreg:$0x11]  }
0x1e9: {  	[sflag:s28] =	ssyncadd.s32 $0xFFFFF800;
	s24 =	sadd.s32 s24, s22;
	s22 =	simm.s32 $0x800  }
0x1ea: {  	[tilespmem:s22], [sflag:$0x2] =	stream.linear.gather [hbm4b:s24+s7], $0x800, $0x38;
	[tilespmem:$0x1D080] =	vst v63  }
0x1eb: {  	_ =	swait.ge [sflag:s28], $0x800  }
0x1ec: {  	[sflag:s28] =	ssyncset.done $0x0  }
0x1ed: {  	[sflag:s28] =	ssyncadd.s32 $0xFFFFF800  }
0x1ee: {  	[tilespmem:s26], [sflag:$0x1] =	stream.indirect.gather [hbm4b:s4+s0], $0x80, s7, s0, $0xb8;
	[tilespmem:$0x1D080] =	vst v63  }
0x1ef: {  	p0 =	sne.s32 s23, $0x1;
	_ =	swait.ge [sflag:s30], $0x4000  }
.Ltmp7:
0x1f0: {  	[sflag:s30] =	ssyncset.done $0x0;
	(pc) =	sbr.rel @!p0 .LBB2_10-.Ltmp7, $4  }
0x1f1: {  	[sflag:s30] =	ssyncadd.s32 $0xFFFFC000  }
0x1f2: {  	[spmem:s1] =	stream.indirect.scatter.add.f32 [tilespmem:s26], [sflag:$0x2], $0x80, s22, s0, $0xb8;
	[tilespmem:$0x1D080] =	vst v63  }
0x1f3: {  	_ =	swait.ge [sflag:s28], $0x4000  }
0x1f4: {  	s23 =	sadd.s32 $0xFFFFFFFF, s23;
	[sflag:s28] =	ssyncset.done $0x0  }
.LBB2_9:
0x1f5: {  	[sflag:s28] =	ssyncadd.s32 $0xFFFFC000;
	s7 =	sadd.s32 $0x80, s7;
	s22 =	sadd.s32 $0x80, s22  }
0x1f6: {  	[tilespmem:s26], [sflag:$0x1] =	stream.indirect.gather [hbm4b:s4+s0], $0x80, s7, s0, $0xb8;
	[tilespmem:$0x1D080] =	vst v63  }
0x1f7: {  	p0 =	sne.s32 s23, $0x1;
	s23 =	sadd.s32 $0xFFFFFFFF, s23;
	_ =	swait.ge [sflag:s30], $0x4000  }
.Ltmp8:
0x1f8: {  	[sflag:s30] =	ssyncset.done $0x0;
	(pc) =	sbr.rel @p0 .LBB2_9-.Ltmp8, $4  }
0x1f9: {  	[sflag:s30] =	ssyncadd.s32 $0xFFFFC000  }
0x1fa: {  	[spmem:s1] =	stream.indirect.scatter.add.f32 [tilespmem:s26], [sflag:$0x2], $0x80, s22, s0, $0xb8;
	[tilespmem:$0x1D080] =	vst v63  }
0x1fb: {  	_ =	swait.ge [sflag:s28], $0x4000  }
0x1fc: {  	[sflag:s28] =	ssyncset.done $0x0  }
.Ltmp9:
0x1fd: {  	_ = 	snop;
	(pc) =	sbr.rel .LBB2_10-.Ltmp9, $1  }
0x1fe: {  	_ =	sdelay $0x3  }
.LBB2_12:
0x1ff: {  	_ =	sfence.sel $0x180000  }
0x200: {  	[bflag:$0x0] =	sbarrier.arrive $0xFFFF  }
0x201: {  	_ =	strace $0x9000004D  }
0x202: {  	s0 =	stileid.u32;
	[bflag:$0x2] =	sbarrier.arrive $0xFFFF  }
0x203: {  	p0 =	sne.s32 s0, $0x0;
	s0 =	rddreg [dreg:$0x2]  }
0x204: {  	s0 =	sadd.s32 @!p0 $0x100000, s0  }
0x205: {  	[sflag:s0] =	ssyncadd.tile.s32 @!p0 $0x1;
	_ =	shalt  }
.Lfunc_end2:
_tile_overlayer_lowered:
.L_overlay_start_2:
0x206: {  	(tag) =	ssettag $0x2  }
0x207: {  	s0 =	rddreg [dreg:$0x0];
	s2 =	stileid.u32  }
0x208: {  	s1 =	rddreg [dreg:$0x1];
	p0 =	sne.s32 s2, $0x0  }
0x209: {  	s3 =	rddreg [dreg:$0x2];
	[bflag:$0x3] =	sbarrier.arrive $0xFFFF;
	s2 =	simm.s32 @!p0 $0x1C02  }
0x20a: {  	[timem:s3], [sflag:s2] =	dma.local @!p0 [hbm:s0], s1  }
0x20b: {  	s0 =	simm.s32 @!p0 $0x2  }
0x20c: {  	_ =	swait.ge @!p0 [sflag:s0], s1  }
0x20d: {  	s1 =	ssub.s32 @!p0 $0x0, s1;
	[sflag:s0] =	ssyncset.done @!p0 $0x0  }
0x20e: {  	[sflag:s0] =	ssyncadd.s32 @!p0 s1  }
0x20f: {  	[bflag:$0x3] =	sbarrier.arrive $0xFFFF  }
0x210: {  	_ =	shalt  }

// kernel: kernel.9.cloned.1.call-start
scs
__scs_entry_jumppad:
0x0: {  	(pc) =	sbr.rel $0x88, $3  }
0x1: {  	(tag) =	ssettag $0x0;
	lr =	simm.s32 $0x1  }
0x2: {  	[smem:$0x3F8B] =	sst lr;
	_ =	strace $0xD0000000  }
0x3: {  	_ = 	snop  }
0x4: {  	_ = 	snop  }
0x5: {  	_ = 	snop  }
0x6: {  	_ = 	snop  }
0x7: {  	_ = 	snop  }
__scs_overlays_trampoline_lowered:
0x8: {  	[smem:$0x3F9A] =	sst s0  }
0x9: {  	[smem:$0x3F9B] =	sst s1  }
0xa: {  	[smem:$0x3F9C] =	sst s2  }
0xb: {  	[smem:$0x3F9D] =	sst s3  }
0xc: {  	[smem:$0x3F9E] =	sst s4  }
0xd: {  	[smem:$0x3F9F] =	sst s5  }
0xe: {  	[smem:$0x3FA0] =	sst s6  }
0xf: {  	[smem:$0x3FA1] =	sst s7  }
0x10: {  	[smem:$0x3FA2] =	sst s8  }
0x11: {  	[smem:$0x3FA3] =	sst s9;
	s0 =	simm.s32 @!p0 $0x0  }
0x12: {  	s1 =	sld [smem:$0x3F89];
	s0 =	simm.s32 @p0 $0x1  }
0x13: {  	[smem:$0x3FA4] =	sst s0;
	s0 =	simm.s32 @!p1 $0x0  }
0x14: {  	s2 =	sld [smem:$0x3F88];
	s0 =	simm.s32 @p1 $0x1  }
0x15: {  	[smem:$0x3FA5] =	sst s0;
	s0 =	simm.s32 @!p2 $0x0  }
0x16: {  	s3 =	sld [smem:$0x3FDB];
	s0 =	simm.s32 @p2 $0x1  }
0x17: {  	s4 =	simm.s32 $0x1BF5;
	[smem:$0x3FA7] =	sst s0  }
0x18: {  	s0 =	sld [smem:$0x3F8A];
	_ =	swait.ge [sflag:s4], $0x0  }
0x19: {  	s7 =	sld [smem:$0x3F8B]  }
0x1a: {  	s8 =	sadd.s32 $0xFFFFE003, lr  }
0x1b: {  	s9 =	sadd.s32 $0xFFFFFEF7, lr;
	s5 =	simm.s32 $0xFFFFFFFF;
	p2 =	slt.u32 s8, $0xFFFFF086  }
0x1c: {  	p1 =	slt.u32 s9, $0xF7A;
	s5 =	simm.s32 @!p2 $0x0  }
0x1d: {  	s5 =	simm.s32 @p1 $0x1;
	p0 =	seq.s32 s7, s2  }
0x1e: {  	s7 =	smul.u32 @!p0 $0xF7A, s2;
	p2 =	seq.s32 @!p0 s5, $0x0  }
0x1f: {  	s9 =	smul.u32 $0xF7A, s1;
	s8 =	simm.s32 @!p0 $0x1BF5;
	p2 =	por !p2, p0  }
0x20: {  	[sflag:s8] =	ssyncset.s32 @!p0 $0xFFFFF086;
	s6 =	sadd.s32 @!p0 s3, s7;
	s7 =	simm.s32 @!p0 $0x108  }
0x21: {  	s3 =	sadd.s32 s3, s9;
	s6 =	sadd.s32 @!p0 $0x88, s6;
	s7 =	simm.s32 @p2 $0x1082  }
0x22: {  	[simem:s7], [sflag:s8] =	dma.local @!p0 [hbm:s6], $0xF7A  }
0x23: {  	s9 =	sor.u32 $0xD0000000, s2;
	s6 =	simm.s32 $0x108;
	_ =	swait.ge @!p0 [sflag:s8], $0x0  }
0x24: {  	s3 =	sadd.s32 $0x88, s3;
	s6 =	simm.s32 @!p1 $0x1082;
	[sflag:s4] =	ssyncset.s32 $0xFFFFF086  }
0x25: {  	[simem:s6], [sflag:s4] =	dma.local [hbm:s3], $0xF7A  }
0x26: {  	[smem:$0x3F8B] =	sst s1;
	(tag) =	ssettag s2;
	_ =	strace s9  }
0x27: {  	s1 =	sld [smem:$0x3F9B]  }
0x28: {  	s2 =	sld [smem:$0x3F9C]  }
0x29: {  	s4 =	sld [smem:$0x3F9E]  }
0x2a: {  	p0 =	seq.s32 s5, $0x0;
	s5 =	sld [smem:$0x3F9F]  }
0x2b: {  	s6 =	sld [smem:$0x3FA0]  }
0x2c: {  	s7 =	sld [smem:$0x3FA1]  }
0x2d: {  	s3 =	simm.s32 $0x108;
	s8 =	sld [smem:$0x3FA2]  }
0x2e: {  	s3 =	simm.s32 @!p0 $0x1082;
	s9 =	sld [smem:$0x3FA3]  }
0x2f: {  	lr =	sadd.s32 s0, s3;
	s0 =	sld [smem:$0x3F9A]  }
0x30: {  	s3 =	sld [smem:$0x3F9D]  }
0x31: {  	[smem:$0x3FA6] =	sst s10  }
0x32: {  	s10 =	sld [smem:$0x3FA4];
	_ =	sdelay $0x3  }
0x33: {  	p0 =	seq.s32 s10, $0x1;
	s10 =	sld [smem:$0x3FA6];
	_ =	sdelay $0x3  }
0x34: {  	[smem:$0x3FA6] =	sst s10  }
0x35: {  	s10 =	sld [smem:$0x3FA5];
	_ =	sdelay $0x3  }
0x36: {  	p1 =	seq.s32 s10, $0x1;
	s10 =	sld [smem:$0x3FA6];
	_ =	sdelay $0x3  }
0x37: {  	[smem:$0x3FA6] =	sst s10  }
0x38: {  	s10 =	sld [smem:$0x3FA7]  }
0x39: {  	_ = 	snop;
	(pc) =	sbr.ind lr, $3  }
0x3a: {  	_ = 	snop  }
0x3b: {  	_ = 	snop  }
0x3c: {  	p2 =	seq.s32 s10, $0x1;
	s10 =	sld [smem:$0x3FA6]  }
0x3d: {  	_ =	shalt  }
0x3e: {  	_ =	shalt  }
0x3f: {  	_ =	shalt  }
0x40: {  	_ =	shalt  }
0x41: {  	_ =	shalt  }
0x42: {  	_ =	shalt  }
0x43: {  	_ =	shalt  }
0x44: {  	_ =	shalt  }
0x45: {  	_ =	shalt  }
0x46: {  	_ =	shalt  }
0x47: {  	_ =	shalt  }
0x48: {  	_ =	shalt  }
0x49: {  	_ =	shalt  }
0x4a: {  	_ =	shalt  }
0x4b: {  	_ =	shalt  }
0x4c: {  	_ =	shalt  }
0x4d: {  	_ =	shalt  }
0x4e: {  	_ =	shalt  }
0x4f: {  	_ =	shalt  }
0x50: {  	_ =	shalt  }
0x51: {  	_ =	shalt  }
0x52: {  	_ =	shalt  }
0x53: {  	_ =	shalt  }
0x54: {  	_ =	shalt  }
0x55: {  	_ =	shalt  }
0x56: {  	_ =	shalt  }
0x57: {  	_ =	shalt  }
0x58: {  	_ =	shalt  }
0x59: {  	_ =	shalt  }
0x5a: {  	_ =	shalt  }
0x5b: {  	_ =	shalt  }
0x5c: {  	_ =	shalt  }
0x5d: {  	_ =	shalt  }
0x5e: {  	_ =	shalt  }
0x5f: {  	_ =	shalt  }
0x60: {  	_ =	shalt  }
0x61: {  	_ =	shalt  }
0x62: {  	_ =	shalt  }
0x63: {  	_ =	shalt  }
0x64: {  	_ =	shalt  }
0x65: {  	_ =	shalt  }
0x66: {  	_ =	shalt  }
0x67: {  	_ =	shalt  }
0x68: {  	_ =	shalt  }
0x69: {  	_ =	shalt  }
0x6a: {  	_ =	shalt  }
0x6b: {  	_ =	shalt  }
0x6c: {  	_ =	shalt  }
0x6d: {  	_ =	shalt  }
0x6e: {  	_ =	shalt  }
0x6f: {  	_ =	shalt  }
0x70: {  	_ =	shalt  }
0x71: {  	_ =	shalt  }
0x72: {  	_ =	shalt  }
0x73: {  	_ =	shalt  }
0x74: {  	_ =	shalt  }
0x75: {  	_ =	shalt  }
0x76: {  	_ =	shalt  }
0x77: {  	_ =	shalt  }
0x78: {  	_ =	shalt  }
0x79: {  	_ =	shalt  }
0x7a: {  	_ =	shalt  }
0x7b: {  	_ =	shalt  }
0x7c: {  	_ =	shalt  }
0x7d: {  	_ =	shalt  }
0x7e: {  	_ =	shalt  }
0x7f: {  	_ =	shalt  }
0x80: {  	_ =	shalt  }
0x81: {  	_ =	shalt  }
0x82: {  	_ =	shalt  }
0x83: {  	_ =	shalt  }
0x84: {  	_ =	shalt  }
0x85: {  	_ =	shalt  }
0x86: {  	_ =	shalt  }
0x87: {  	_ =	shalt  }
.Lfunc_end0:
.L_simem_size_0:
called_computation_lowered:
.L_overlay_start_0:
0x88: {  	s2 =	sld [smem:$0x3FD9]  }
0x89: {  	s3 =	sld [smem:$0x3FFE];
	_ =	sdelay $0x1  }
0x8a: {  	s1 =	srdreg.scid  }
0x8b: {  	s0 =	sand.u32 $0x1, s1  }
0x8c: {  	s17 =	sshll.u32 s0, $0xA;
	s2 =	sadd.s32 s3, s2  }
0x8d: {  	s2 =	sadd.s32 s2, s17  }
0x8e: {  	[smem:$0x3FB2] =	sst s2  }
0x8f: {  	_ = 	snop  }
0x90: {  	s2 =	sld [smem:$0x3FD0];
	(tm) =	ssettm $0x1  }
0x91: {  	s18 =	sld [smem:$0x3FFB];
	_ =	sdelay $0x3  }
0x92: {  	_ =	strace s18  }
0x93: {  	s3 =	sld [smem:$0x3FFC];
	_ =	sdelay $0x3  }
0x94: {  	_ =	strace s3  }
0x95: {  	s3 =	sld [smem:$0x3FFD];
	_ =	sdelay $0x3  }
0x96: {  	_ =	strace s3  }
0x97: {  	_ =	strace $0x8FFFFFFF  }
0x98: {  	s19 =	sld [smem:$0x3FDB];
	_ =	sdelay $0x1  }
0x99: {  	s4 =	simm.s32 $_scs_section_size  }
0x9a: {  	s5 =	simm.s32 $_size__tile_overlayer_lowered;
	s6 =	simm.s32 $_tile_overlayer_lowered  }
0x9b: {  	s22 =	simm.s32 $0x1BFF;
	s21 =	sshll.u32 s6, $0x1;
	s3 =	sadd.s32 s4, s19  }
0x9c: {  	s7 =	simm.s32 $0x0;
	s20 =	sshll.u32 s5, $0x1;
	s5 =	sadd.s32 s21, s3  }
0x9d: {  	[timem:s7], [sflag:s22] =	dma.local [hbm:s5], s20  }
0x9e: {  	_ =	swait.ge [sflag:s22], s20  }
0x9f: {  	s4 =	ssub.s32 $0x0, s20;
	[sflag:s22] =	ssyncset.done $0x0  }
0xa0: {  	[sflag:s22] =	ssyncadd.s32 s4;
	_ =	sdelay $0x1  }
0xa1: {  	s23 =	simm.s32 $0x1B8B  }
0xa2: {  	_ =	swait.ge [sflag:s23], $0x1  }
0xa3: {  	[sflag:s23] =	ssyncset.done $0x0  }
0xa4: {  	s25 =	simm.s32 $0x1B8E;
	s24 =	sld [smem:$0x3FFE];
	[sflag:s23] =	ssyncadd.s32 $0xFFFFFFFF  }
0xa5: {  	s26 =	simm.s32 $execute0_lowered;
	[smem:$0x3FD2] =	sst s25  }
0xa6: {  	s5 =	sshll.u32 s26, $0x1;
	_ =	strace $0x80000046;
	[dreg:$0x1] =	wrdreg $0xFFFFFFFF  }
0xa7: {  	s28 =	simm.s32 $_size_execute0_lowered;
	s3 =	sadd.s32 s3, s5;
	[dreg:$0x0] =	wrdreg $0x0  }
0xa8: {  	s5 =	sshll.u32 s28, $0x1;
	[dreg:$0x2] =	wrdreg s3  }
0xa9: {  	[dreg:$0x3] =	wrdreg s5  }
0xaa: {  	[dreg:$0x4] =	wrdreg $0xC0  }
0xab: {  	_ =	task [dreg:s7], $0x5FFFF  }
0xac: {  	[dreg:$0x1] =	wrdreg $0xFFFFFFFF  }
0xad: {  	[dreg:$0x0] =	wrdreg $0x60  }
0xae: {  	[dreg:$0x2] =	wrdreg s24  }
0xaf: {  	[dreg:$0x3] =	wrdreg s2  }
0xb0: {  	[dreg:$0x4] =	wrdreg $0xA9000  }
0xb1: {  	[dreg:$0x5] =	wrdreg $0x9  }
0xb2: {  	_ =	task.clear_ibuf [dreg:s7], $0x6FFFF;
	_ =	strace $0x90000046  }
0xb3: {  	s29 =	simm.s32 $0x9;
	_ =	strace $0x80000048  }
0xb4: {  	_ =	swait.ge [sflag:s29], $0x1  }
0xb5: {  	[sflag:s29] =	ssyncadd.s32 $0xFFFFFFFF  }
0xb6: {  	_ =	strace $0x90000048  }
0xb7: {  	_ =	sfence  }
0xb8: {  	s30 =	sld [smem:$0x0];
	_ =	sdelay $0x2  }
0xb9: {  	s31 =	sshll.u32 s1, $0xD;
	s1 =	sshrl.u32 s1, $0x2  }
0xba: {  	s3 =	sand.u32 $0x4000, s31;
	s1 =	sadd.s32 s1, s30  }
0xbb: {  	s0 =	sor.u32 s3, s0;
	s1 =	sshll.u32 s1, $0x11  }
0xbc: {  	s0 =	sor.u32 s1, s0  }
0xbd: {  	s0 =	sadd.s32 $0x8F2B, s0  }
0xbe: {  	[sflag:s0] =	ssyncadd.remote.s32 $0x1  }
0xbf: {  	_ =	sfence.sel $0xFFFF  }
0xc0: {  	[dreg:$0x0] =	wrdreg $0xFFFFFFFF;
	(pc) =	sbr.abs _section_cstart, $3  }
0xc1: {  	[dreg:$0x1] =	wrdreg $0xFFFFFFFF  }
0xc2: {  	_ =	task.clear_ibuf [dreg:s7], $0x2FFFF;
	_ =	strace $0x9FFFFFFF  }
0xc3: {  	(tm) =	ssettm $0x7FFFFFFF  }
tec
execute0_lowered:
.L_overlay_start_1:
0x0: {  	(tag) =	ssettag $0x1  }
0x1: {  	s8 =	rddreg [dreg:$0x0]  }
0x2: {  	s2 =	rddreg [dreg:$0x1]  }
0x3: {  	s0 =	srdreg.scid;
	s3 =	rddreg [dreg:$0x2]  }
0x4: {  	s4 =	simm.s32 $0x0;
	s17 =	simm.s32 $0x800;
	s10 =	sand.u32 $0x1, s0  }
0x5: {  	s18 =	simm.s32 $0x1000;
	s0 =	stileid.u32;
	s5 =	smul.u32 $0x140000, s10  }
0x6: {  	s19 =	simm.s32 $0xA880;
	s20 =	simm.s32 $0x0;
	s6 =	smul.u32 $0x14000, s0  }
0x7: {  	[smem:$0x7FF] =	sst s4;
	s7 =	sadd.s32 $0x72800, s8;
	s11 =	smul.u32 $0x50000, s0  }
0x8: {  	_ =	strace $0x80000047;
	s9 =	ssub.s32 $0x2, s10;
	s15 =	smul.u32 $0xF, s0  }
0x9: {  	s12 =	sshll.u32 s0, $0x4;
	s29 =	sshll.u32 s10, $0x8;
	s16 =	smul.u32 $0x2800, s10  }
0xa: {  	s10 =	smul.u32 $0x50000, s10;
	s13 =	sshrl.u32 s9, $0x1;
	s12 =	sadd.s32 s12, s8  }
0xb: {  	s5 =	sadd.s32 s6, s5;
	s13 =	ssub.s32 s9, s13;
	s28 =	sshrl.u32 s11, $0x2  }
0xc: {  	s11 =	sadd.s32 s29, s12;
	s30 =	sadd.s32 $0x2710, s15;
	s31 =	sadd.s32 $0x2800, s16  }
0xd: {  	s15 =	simm.s32 $0xA080;
	s6 =	sshrl.u32 s5, $0x3;
	s5 =	sadd.s32 $0x4800, s8  }
0xe: {  	v2 =	vimm.f32 $0.0e+00;
	vm0 =	vcmask $0x300;
	s14 =	sadd.s32 s6, s8;
	s6 =	sadd.s32 $0x5E800, s8;
	s8 =	smul.u32 $0x5000, s0  }
0xf: {  	v3 =	vlaneseq.u32;
	v5 =	vimm.s32 $0x0;
	v4 =	vsel vm0, $0x3F800000, v2;
	s16 =	simm.s32 $0x1;
	s9 =	sadd.s32 s28, s3;
	s11 =	sadd.s32 $0x86800, s11  }
0x10: {  	v6 =	vor.u32 $0x5000, v3;
	v0 =	vmov s30;
	v1 =	vmov s31;
	s13 =	smax.u32 s13, $0x1;
	s14 =	sadd.s32 $0xE800, s14;
	s12 =	sadd.s32 s8, s10  }
.LBB2_1:
0x11: {  	s21 =	simm.s32 $0x0;
	s22 =	simm.s32 $0x200  }
.LBB2_2:
0x12: {  	p0 =	sne.s32 s22, $0x1E00;
	[tilespmem:s21+$0xA0F0] =	vst v2  }
0x13: {  	[tilespmem:s21+$0xA080] =	vst v2  }
0x14: {  	[tilespmem:s21+$0xA090] =	vst v2  }
.Ltmp0:
0x15: {  	[tilespmem:s21+$0xA0A0] =	vst v2;
	(pc) =	sbr.rel @p0 .LBB2_2-.Ltmp0, $4  }
0x16: {  	[tilespmem:s21+$0xA0B0] =	vst v2  }
0x17: {  	[tilespmem:s21+$0xA0C0] =	vst v2  }
0x18: {  	[tilespmem:s21+$0xA0D0] =	vst v2  }
0x19: {  	[tilespmem:s21+$0xA0E0] =	vst v2;
	s21 =	sshra.s32 s22, $0x2;
	s22 =	sadd.s32 $0x200, s22  }
0x1a: {  	[tilespmem:s21+$0xA0F0] =	vst v2  }
0x1b: {  	[tilespmem:s21+$0xA080] =	vst v2  }
0x1c: {  	[tilespmem:s21+$0xA090] =	vst v2  }
0x1d: {  	[tilespmem:s21+$0xA0A0] =	vst v2  }
0x1e: {  	[tilespmem:s21+$0xA0B0] =	vst v2  }
0x1f: {  	[tilespmem:s21+$0xA0C0] =	vst v2  }
0x20: {  	[tilespmem:s21+$0xA0D0] =	vst v2  }
0x21: {  	[tilespmem:s21+$0xA0E0] =	vst v2;
	s21 =	simm.s32 $0x0;
	s22 =	simm.s32 $0x200  }
.LBB2_4:
0x22: {  	p0 =	sne.s32 s22, $0xFE00;
	[tilespmem:s21+$0x60F0] =	vst v2  }
0x23: {  	[tilespmem:s21+$0x6080] =	vst v4  }
0x24: {  	[tilespmem:s21+$0x6090] =	vst v2  }
.Ltmp1:
0x25: {  	[tilespmem:s21+$0x60A0] =	vst v2;
	(pc) =	sbr.rel @p0 .LBB2_4-.Ltmp1, $4  }
0x26: {  	[tilespmem:s21+$0x60B0] =	vst v2  }
0x27: {  	[tilespmem:s21+$0x60C0] =	vst v2  }
0x28: {  	[tilespmem:s21+$0x60D0] =	vst v2  }
0x29: {  	[tilespmem:s21+$0x60E0] =	vst v2;
	s21 =	sshra.s32 s22, $0x2;
	s22 =	sadd.s32 $0x200, s22  }
0x2a: {  	[tilespmem:s21+$0x60F0] =	vst v2  }
0x2b: {  	[tilespmem:s21+$0x6080] =	vst v4  }
0x2c: {  	[tilespmem:s21+$0x6090] =	vst v2  }
0x2d: {  	[tilespmem:s21+$0x60A0] =	vst v2  }
0x2e: {  	[tilespmem:s21+$0x60B0] =	vst v2  }
0x2f: {  	[tilespmem:s21+$0x60C0] =	vst v2  }
0x30: {  	[tilespmem:s21+$0x60D0] =	vst v2  }
0x31: {  	[tilespmem:s21+$0x60E0] =	vst v2;
	s31 =	sadd.s32 $0x0, s9  }
0x32: {  	[spmem:s31] =	stream.linear.scatter [tilespmem:s15], [sflag:$0x1], $0x800, $0x38;
	[tilespmem:$0x1E900] =	vst v63  }
0x33: {  	s21 =	simm.s32 $0x2000;
	_ =	swait.ge [sflag:s16], $0x800  }
.LBB2_6:
0x34: {  	s22 =	sshra.s32 s21, $0x2;
	[sflag:s16] =	ssyncset.done $0x0;
	p0 =	sne.s32 s21, $0x4E000  }
.Ltmp2:
0x35: {  	s22 =	sadd.s32 s22, s9;
	[sflag:s16] =	ssyncadd.s32 $0xFFFFF800;
	(pc) =	sbr.rel @p0 .LBB2_6-.Ltmp2, $3  }
0x36: {  	[spmem:s22] =	stream.linear.scatter [tilespmem:s15], [sflag:$0x1], $0x800, $0x38;
	[tilespmem:$0x1E900] =	vst v63  }
0x37: {  	s21 =	sadd.s32 $0x2000, s21;
	_ =	sdelay $0x1  }
0x38: {  	_ =	swait.ge [sflag:s16], $0x800  }
0x39: {  	s21 =	simm.s32 $0x0  }
0x3a: {  	v8 =	vor.u32 s21, v3  }
0x3b: {  	v7 =	vmulhi.u32 $0x88888889, v8;
	_ =	sdelay $0x1  }
0x3c: {  	v7 =	vshrl.u32 v7, $0x3  }
0x3d: {  	s31 =	simm.s32 $0x10;
	v9 =	vmul.u32 $0xF, v7  }
0x3e: {  	v7 =	vor.u32 s31, v3  }
0x3f: {  	v8 =	vsub.s32 v8, v9;
	v9 =	vmulhi.u32 $0x88888889, v7  }
0x40: {  	[sflag:s16] =	ssyncset.done $0x0;
	v8 =	vadd.s32 v0, v8  }
0x41: {  	[sflag:s16] =	ssyncadd.s32 $0xFFFFF800;
	s21 =	simm.s32 $0x1000;
	v8 =	vshll.u32 v8, $0xE;
	v9 =	vshrl.u32 v9, $0x3  }
0x42: {  	s22 =	simm.s32 $0x20;
	[tilespmem:s21+$0x0] =	vst v8;
	v8 =	vmul.u32 $0xF, v9  }
.LBB2_8:
0x43: {  	p0 =	sne.s32 s22, $0x4FF0  }
.Ltmp3:
0x44: {  	v8 =	vsub.s32 v7, v8;
	v7 =	vor.u32 s22, v3;
	s22 =	sadd.s32 $0x10, s22;
	(pc) =	sbr.rel @p0 .LBB2_8-.Ltmp3, $4  }
0x45: {  	v9 =	vmulhi.u32 $0x88888889, v7;
	v8 =	vadd.s32 v0, v8  }
0x46: {  	s21 =	sadd.s32 $0x10, s21;
	v8 =	vshll.u32 v8, $0xE  }
0x47: {  	v9 =	vshrl.u32 v9, $0x3;
	[tilespmem:s21+$0x0] =	vst v8  }
0x48: {  	v8 =	vmul.u32 $0xF, v9  }
0x49: {  	_ = 	snop  }
0x4a: {  	v7 =	vsub.s32 v7, v8  }
0x4b: {  	v7 =	vadd.s32 v0, v7  }
0x4c: {  	s21 =	sadd.s32 $0x10, s21;
	v7 =	vshll.u32 v7, $0xE  }
0x4d: {  	[tilespmem:s21+$0x0] =	vst v7  }
0x4e: {  	s22 =	simm.s32 $0x0;
	s21 =	simm.s32 $0x0;
	v7 =	vimm.s32 $0x0;
	[bflag:$0x0] =	sbarrier.arrive $0xFFFF  }
.LBB2_10:
0x4f: {  	s23 =	sshll.u32 s22, $0xB  }
0x50: {  	s23 =	sadd.s32 s8, s23  }
0x51: {  	s24 =	sadd.s32 s10, s23  }
0x52: {  	s24 =	sshrl.u32 s24, $0x3  }
0x53: {  	s24 =	sadd.s32 s2, s24  }
0x54: {  	[tilespmem:s21], [sflag:$0x1] =	stream.linear.gather [hbm4b:s24+s21], $0x800, $0x38;
	[tilespmem:$0x1E900] =	vst v63  }
0x55: {  	_ =	swait.ge [sflag:s16], $0x800  }
0x56: {  	s23 =	sshrl.u32 s23, $0x3;
	[sflag:s16] =	ssyncset.done $0x0  }
0x57: {  	s23 =	sadd.s32 s5, s23;
	[sflag:s16] =	ssyncadd.s32 $0xFFFFF800  }
0x58: {  	[tilespmem:s17], [sflag:$0x1] =	stream.linear.gather [hbm4b:s23+s21], $0x800, $0x38;
	[tilespmem:$0x1E900] =	vst v63  }
0x59: {  	_ =	swait.ge [sflag:s16], $0x800  }
0x5a: {  	[sflag:s16] =	ssyncset.done $0x0  }
0x5b: {  	s23 =	simm.s32 $0x0;
	[sflag:s16] =	ssyncadd.s32 $0xFFFFF800  }
.LBB2_11:
0x5c: {  	s24 =	sshra.s32 s23, $0x2  }
0x5d: {  	v8 =	vld [tilespmem:s24+$0x0];
	_ =	sdelay $0x4  }
0x5e: {  	vm0 =	vlt.s32 v8, $0x2710  }
0x5f: {  	v8 =	vsel vm0, $0x1, v5  }
0x60: {  	(xrf0) =	vadd.scan.msk.s32 $0xffff, v8;
	_ =	sdelay $0x5  }
0x61: {  	v8, _, _ =	vpop (xrf0)  }
0x62: {  	v8 =	vadd.s32 v8, v7  }
0x63: {  	v8 =	vadd.s32 $0xFFFFFFFF, v8  }
0x64: {  	v9 =	vld [tilespmem:s24+$0x800];
	v8 =	vsel vm0, v8, v6;
	_ =	sdelay $0x4  }
0x65: {  	[tilespmem:v8+s18+$0x0] =	vst.idx.msk $0xffff, v9  }
0x66: {  	v8 =	vld [tilespmem:s24+$0x10];
	_ =	sdelay $0x4  }
0x67: {  	vm1 =	vlt.s32 v8, $0x2710  }
0x68: {  	v8 =	vsel vm1, $0x1, v5  }
0x69: {  	(xrf0) =	vadd.scan.msk.s32 $0xffff, v8;
	_ =	sdelay $0x1  }
0x6a: {  	v8 =	vmpcnt.ones.xlane vm0;
	_ =	sdelay $0x3  }
0x6b: {  	v7 =	vadd.s32 v7, v8;
	v8, _, _ =	vpop (xrf0)  }
0x6c: {  	v8 =	vadd.s32 v8, v7  }
0x6d: {  	v8 =	vadd.s32 $0xFFFFFFFF, v8  }
0x6e: {  	v9 =	vld [tilespmem:s24+$0x810];
	v8 =	vsel vm1, v8, v6;
	_ =	sdelay $0x4  }
0x6f: {  	[tilespmem:v8+s18+$0x0] =	vst.idx.msk $0xffff, v9  }
0x70: {  	v8 =	vld [tilespmem:s24+$0x20];
	_ =	sdelay $0x4  }
0x71: {  	vm10 =	vlt.s32 v8, $0x2710  }
0x72: {  	v8 =	vsel vm10, $0x1, v5  }
0x73: {  	(xrf0) =	vadd.scan.msk.s32 $0xffff, v8;
	_ =	sdelay $0x1  }
0x74: {  	v8 =	vmpcnt.ones.xlane vm1;
	_ =	sdelay $0x3  }
0x75: {  	v7 =	vadd.s32 v7, v8;
	v8, _, _ =	vpop (xrf0)  }
0x76: {  	v8 =	vadd.s32 v8, v7  }
0x77: {  	v8 =	vadd.s32 $0xFFFFFFFF, v8  }
0x78: {  	v9 =	vld [tilespmem:s24+$0x820];
	v8 =	vsel vm10, v8, v6;
	_ =	sdelay $0x4  }
0x79: {  	[tilespmem:v8+s18+$0x0] =	vst.idx.msk $0xffff, v9  }
0x7a: {  	v8 =	vld [tilespmem:s24+$0x30];
	_ =	sdelay $0x4  }
0x7b: {  	vm11 =	vlt.s32 v8, $0x2710  }
0x7c: {  	v8 =	vsel vm11, $0x1, v5  }
0x7d: {  	(xrf0) =	vadd.scan.msk.s32 $0xffff, v8;
	_ =	sdelay $0x1  }
0x7e: {  	v8 =	vmpcnt.ones.xlane vm10;
	_ =	sdelay $0x3  }
0x7f: {  	v7 =	vadd.s32 v7, v8;
	v8, _, _ =	vpop (xrf0)  }
0x80: {  	v8 =	vadd.s32 v8, v7  }
0x81: {  	v8 =	vadd.s32 $0xFFFFFFFF, v8  }
0x82: {  	v9 =	vld [tilespmem:s24+$0x830];
	v8 =	vsel vm11, v8, v6;
	_ =	sdelay $0x4  }
0x83: {  	[tilespmem:v8+s18+$0x0] =	vst.idx.msk $0xffff, v9  }
0x84: {  	v8 =	vld [tilespmem:s24+$0x40];
	_ =	sdelay $0x4  }
0x85: {  	vm12 =	vlt.s32 v8, $0x2710  }
0x86: {  	v8 =	vsel vm12, $0x1, v5  }
0x87: {  	(xrf0) =	vadd.scan.msk.s32 $0xffff, v8;
	_ =	sdelay $0x1  }
0x88: {  	v8 =	vmpcnt.ones.xlane vm11;
	_ =	sdelay $0x3  }
0x89: {  	v7 =	vadd.s32 v7, v8;
	v8, _, _ =	vpop (xrf0)  }
0x8a: {  	v8 =	vadd.s32 v8, v7  }
0x8b: {  	v8 =	vadd.s32 $0xFFFFFFFF, v8  }
0x8c: {  	v9 =	vld [tilespmem:s24+$0x840];
	v8 =	vsel vm12, v8, v6;
	_ =	sdelay $0x4  }
0x8d: {  	[tilespmem:v8+s18+$0x0] =	vst.idx.msk $0xffff, v9  }
0x8e: {  	v8 =	vld [tilespmem:s24+$0x50];
	_ =	sdelay $0x4  }
0x8f: {  	vm13 =	vlt.s32 v8, $0x2710  }
0x90: {  	v8 =	vsel vm13, $0x1, v5  }
0x91: {  	(xrf0) =	vadd.scan.msk.s32 $0xffff, v8;
	_ =	sdelay $0x1  }
0x92: {  	v8 =	vmpcnt.ones.xlane vm12;
	_ =	sdelay $0x3  }
0x93: {  	v7 =	vadd.s32 v7, v8;
	v8, _, _ =	vpop (xrf0)  }
0x94: {  	v8 =	vadd.s32 v8, v7  }
0x95: {  	v8 =	vadd.s32 $0xFFFFFFFF, v8  }
0x96: {  	v9 =	vld [tilespmem:s24+$0x850];
	v8 =	vsel vm13, v8, v6;
	_ =	sdelay $0x4  }
0x97: {  	[tilespmem:v8+s18+$0x0] =	vst.idx.msk $0xffff, v9  }
0x98: {  	v8 =	vld [tilespmem:s24+$0x60];
	_ =	sdelay $0x4  }
0x99: {  	vm14 =	vlt.s32 v8, $0x2710  }
0x9a: {  	v8 =	vsel vm14, $0x1, v5  }
0x9b: {  	(xrf0) =	vadd.scan.msk.s32 $0xffff, v8;
	_ =	sdelay $0x1  }
0x9c: {  	v8 =	vmpcnt.ones.xlane vm13;
	_ =	sdelay $0x3  }
0x9d: {  	v7 =	vadd.s32 v7, v8;
	v8, _, _ =	vpop (xrf0)  }
0x9e: {  	v8 =	vadd.s32 v8, v7  }
0x9f: {  	v8 =	vadd.s32 $0xFFFFFFFF, v8  }
0xa0: {  	v9 =	vld [tilespmem:s24+$0x860];
	v8 =	vsel vm14, v8, v6;
	_ =	sdelay $0x4  }
0xa1: {  	[tilespmem:v8+s18+$0x0] =	vst.idx.msk $0xffff, v9  }
0xa2: {  	v8 =	vld [tilespmem:s24+$0x70];
	_ =	sdelay $0x4  }
0xa3: {  	vm15 =	vlt.s32 v8, $0x2710  }
0xa4: {  	v8 =	vsel vm15, $0x1, v5  }
0xa5: {  	(xrf0) =	vadd.scan.msk.s32 $0xffff, v8;
	_ =	sdelay $0x1  }
0xa6: {  	v8 =	vmpcnt.ones.xlane vm14;
	_ =	sdelay $0x3  }
0xa7: {  	v7 =	vadd.s32 v7, v8;
	v8, _, _ =	vpop (xrf0)  }
0xa8: {  	v8 =	vadd.s32 v8, v7  }
0xa9: {  	v8 =	vadd.s32 $0xFFFFFFFF, v8  }
0xaa: {  	p0 =	sne.s32 s23, $0x1E00;
	v9 =	vld [tilespmem:s24+$0x870];
	v8 =	vsel vm15, v8, v6  }
.Ltmp4:
0xab: {  	_ = 	snop;
	(pc) =	sbr.rel @p0 .LBB2_11-.Ltmp4, $3  }
0xac: {  	_ = 	snop  }
0xad: {  	v10 =	vmpcnt.ones.xlane vm15;
	_ =	sdelay $0x1  }
0xae: {  	s23 =	sadd.s32 $0x200, s23;
	v7 =	vadd.s32 v7, v10;
	[tilespmem:v8+s18+$0x0] =	vst.idx.msk $0xffff, v9  }
0xaf: {  	s22 =	sadd.s32 $0x1, s22  }
0xb0: {  	p0 =	sne.s32 s22, $0xA  }
.Ltmp5:
0xb1: {  	_ = 	snop;
	(pc) =	sbr.rel @p0 .LBB2_10-.Ltmp5, $1  }
0xb2: {  	_ =	sdelay $0x3  }
0xb3: {  	[bflag:$0x0] =	sbarrier.arrive $0xFFFF  }
0xb4: {  	s21 =	simm.s32 $0x0;
	[tilespmem:$0xA880] =	vst v7  }
0xb5: {  	[hbm4b:s11+s21] =	stream.linear.scatter [tilespmem:s19], [sflag:$0x1], $0x80, $0x38;
	[tilespmem:$0x1E900] =	vst v63  }
0xb6: {  	_ =	swait.ge [sflag:s16], $0x80  }
0xb7: {  	[sflag:s16] =	ssyncset.done $0x0  }
0xb8: {  	[sflag:s16] =	ssyncadd.s32 $0xFFFFFF80  }
0xb9: {  	v7 =	vld [tilespmem:$0xA880];
	_ =	sdelay $0x4  }
0xba: {  	v7 =	vxor.u32 $0x80000000, v7  }
0xbb: {  	(xrf0) =	vmax.scan.msk.u32 $0xffff, v7;
	_ =	sdelay $0x5  }
0xbc: {  	v7, _, _ =	vpop (xrf0)  }
0xbd: {  	(v2sf) =	vpush v7, $0xF;
	_ =	sdelay $0xe  }
0xbe: {  	s22 =	spop (v2sf)  }
0xbf: {  	s22 =	sadd.s32 $0x8000007F, s22  }
0xc0: {  	s23 =	sand.u32 $0x7F, s22  }
0xc1: {  	s24 =	sshra.s32 s22, $0x1F;
	p0 =	slt.s32 s22, $0x1;
	p1 =	sne.s32 s23, $0x0  }
0xc2: {  	s29 =	sshrl.u32 s24, $0x19;
	p0 =	por !p0, !p1  }
0xc3: {  	s23 =	simm.s32 $0x1;
	s22 =	sadd.s32 s29, s22;
	p0 =	por !p0, !p0  }
0xc4: {  	s22 =	sshra.s32 s22, $0x7;
	s23 =	simm.s32 @!p0 $0x0  }
0xc5: {  	s22 =	ssub.s32 s22, s23  }
0xc6: {  	s23 =	sadd.s32 $0xF, s22  }
0xc7: {  	s30 =	sand.u32 $0xF, s23  }
0xc8: {  	p5 =	slt.s32 s22, $0xFFFFFFF2;
	p6 =	sne.s32 s30, $0x0  }
0xc9: {  	s31 =	sshrl.u32 s23, $0x1C;
	p0 =	por !p5, !p6  }
0xca: {  	s24 =	simm.s32 $0x1;
	s23 =	sadd.s32 s31, s23;
	p0 =	por !p0, !p0  }
0xcb: {  	s23 =	sshra.s32 s23, $0x4;
	s24 =	simm.s32 @!p0 $0x0  }
0xcc: {  	s23 =	ssub.s32 s23, s24  }
0xcd: {  	p0 =	slt.s32 s23, $0x1  }
.Ltmp6:
0xce: {  	_ = 	snop;
	(pc) =	sbr.rel @p0 .LBB2_19-.Ltmp6, $2  }
0xcf: {  	_ =	sdelay $0x2  }
0xd0: {  	s25 =	simm.s32 $0x0;
	s24 =	simm.s32 $0x1040  }
.LBB2_14:
0xd1: {  	v7 =	vmov s24;
	_ =	sdelay $0x3  }
0xd2: {  	s26 =	simm.s32 $0x0  }
0xd3: {  	v8 =	vld.idx.msk [tilespmem:v7+s26+$0xFFFFFFC0 ss:$0x1], $0xffff;
	_ =	sdelay $0x4  }
0xd4: {  	v9 =	vshrl.u32 v8, $0xE;
	v8 =	vand.u32 $0x3FFF, v8  }
0xd5: {  	v8 =	vadd.s32 v1, v8;
	[tilespmem:s26+$0x0] =	vst v9  }
0xd6: {  	[tilespmem:s26+$0x800] =	vst v8  }
0xd7: {  	v8 =	vld.idx.msk [tilespmem:v7+s26+$0xFFFFFFD0 ss:$0x1], $0xffff;
	_ =	sdelay $0x4  }
0xd8: {  	v9 =	vshrl.u32 v8, $0xE;
	v8 =	vand.u32 $0x3FFF, v8  }
0xd9: {  	v8 =	vadd.s32 v1, v8;
	[tilespmem:s26+$0x10] =	vst v9  }
0xda: {  	[tilespmem:s26+$0x810] =	vst v8  }
0xdb: {  	v8 =	vld.idx.msk [tilespmem:v7+s26+$0xFFFFFFE0 ss:$0x1], $0xffff;
	_ =	sdelay $0x4  }
0xdc: {  	v9 =	vshrl.u32 v8, $0xE;
	v8 =	vand.u32 $0x3FFF, v8  }
0xdd: {  	v8 =	vadd.s32 v1, v8;
	[tilespmem:s26+$0x20] =	vst v9  }
0xde: {  	[tilespmem:s26+$0x820] =	vst v8  }
0xdf: {  	v8 =	vld.idx.msk [tilespmem:v7+s26+$0xFFFFFFF0 ss:$0x1], $0xffff;
	_ =	sdelay $0x4  }
0xe0: {  	v9 =	vshrl.u32 v8, $0xE;
	v8 =	vand.u32 $0x3FFF, v8  }
0xe1: {  	v8 =	vadd.s32 v1, v8;
	[tilespmem:s26+$0x30] =	vst v9  }
0xe2: {  	[tilespmem:s26+$0x830] =	vst v8  }
0xe3: {  	v8 =	vld.idx.msk [tilespmem:v7+s26+$0x0 ss:$0x1], $0xffff;
	_ =	sdelay $0x4  }
0xe4: {  	v9 =	vshrl.u32 v8, $0xE;
	v8 =	vand.u32 $0x3FFF, v8  }
0xe5: {  	v8 =	vadd.s32 v1, v8;
	[tilespmem:s26+$0x40] =	vst v9  }
0xe6: {  	[tilespmem:s26+$0x840] =	vst v8  }
0xe7: {  	v8 =	vld.idx.msk [tilespmem:v7+s26+$0x10 ss:$0x1], $0xffff;
	_ =	sdelay $0x4  }
0xe8: {  	v9 =	vshrl.u32 v8, $0xE;
	v8 =	vand.u32 $0x3FFF, v8  }
0xe9: {  	v8 =	vadd.s32 v1, v8;
	[tilespmem:s26+$0x50] =	vst v9  }
0xea: {  	[tilespmem:s26+$0x850] =	vst v8  }
0xeb: {  	v8 =	vld.idx.msk [tilespmem:v7+s26+$0x20 ss:$0x1], $0xffff;
	_ =	sdelay $0x4  }
0xec: {  	v9 =	vshrl.u32 v8, $0xE;
	v8 =	vand.u32 $0x3FFF, v8  }
0xed: {  	v8 =	vadd.s32 v1, v8;
	[tilespmem:s26+$0x60] =	vst v9  }
0xee: {  	[tilespmem:s26+$0x860] =	vst v8  }
0xef: {  	v8 =	vld.idx.msk [tilespmem:v7+s26+$0x30 ss:$0x1], $0xffff;
	_ =	sdelay $0x4  }
0xf0: {  	v9 =	vshrl.u32 v8, $0xE;
	v8 =	vand.u32 $0x3FFF, v8  }
0xf1: {  	s28 =	simm.s32 $0x200;
	s29 =	simm.s32 $0x400;
	v8 =	vadd.s32 v1, v8;
	[tilespmem:s26+$0x70] =	vst v9  }
.LBB2_15:
0xf2: {  	p0 =	sne.s32 s29, $0x1E00  }
0xf3: {  	[tilespmem:s26+$0x870] =	vst v8;
	s26 =	sshra.s32 s28, $0x2;
	s28 =	smov.u32 s29;
	s29 =	sadd.s32 $0x200, s29  }
0xf4: {  	v8 =	vld.idx.msk [tilespmem:v7+s26+$0xFFFFFFC0 ss:$0x1], $0xffff;
	_ =	sdelay $0x5  }
0xf5: {  	v9 =	vshrl.u32 v8, $0xE;
	v8 =	vand.u32 $0x3FFF, v8  }
0xf6: {  	v8 =	vadd.s32 v1, v8;
	[tilespmem:s26+$0x0] =	vst v9  }
0xf7: {  	[tilespmem:s26+$0x800] =	vst v8  }
0xf8: {  	v8 =	vld.idx.msk [tilespmem:v7+s26+$0xFFFFFFD0 ss:$0x1], $0xffff;
	_ =	sdelay $0x5  }
0xf9: {  	v9 =	vshrl.u32 v8, $0xE;
	v8 =	vand.u32 $0x3FFF, v8  }
0xfa: {  	v8 =	vadd.s32 v1, v8;
	[tilespmem:s26+$0x10] =	vst v9  }
0xfb: {  	[tilespmem:s26+$0x810] =	vst v8  }
0xfc: {  	v8 =	vld.idx.msk [tilespmem:v7+s26+$0xFFFFFFE0 ss:$0x1], $0xffff;
	_ =	sdelay $0x5  }
0xfd: {  	v9 =	vshrl.u32 v8, $0xE;
	v8 =	vand.u32 $0x3FFF, v8  }
0xfe: {  	v8 =	vadd.s32 v1, v8;
	[tilespmem:s26+$0x20] =	vst v9  }
0xff: {  	[tilespmem:s26+$0x820] =	vst v8  }
0x100: {  	v8 =	vld.idx.msk [tilespmem:v7+s26+$0xFFFFFFF0 ss:$0x1], $0xffff;
	_ =	sdelay $0x5  }
0x101: {  	v9 =	vshrl.u32 v8, $0xE;
	v8 =	vand.u32 $0x3FFF, v8  }
0x102: {  	v8 =	vadd.s32 v1, v8;
	[tilespmem:s26+$0x30] =	vst v9  }
0x103: {  	[tilespmem:s26+$0x830] =	vst v8  }
0x104: {  	v8 =	vld.idx.msk [tilespmem:v7+s26+$0x0 ss:$0x1], $0xffff;
	_ =	sdelay $0x5  }
0x105: {  	v9 =	vshrl.u32 v8, $0xE;
	v8 =	vand.u32 $0x3FFF, v8  }
0x106: {  	v8 =	vadd.s32 v1, v8;
	[tilespmem:s26+$0x40] =	vst v9  }
0x107: {  	[tilespmem:s26+$0x840] =	vst v8  }
0x108: {  	v8 =	vld.idx.msk [tilespmem:v7+s26+$0x10 ss:$0x1], $0xffff;
	_ =	sdelay $0x5  }
0x109: {  	v9 =	vshrl.u32 v8, $0xE;
	v8 =	vand.u32 $0x3FFF, v8  }
0x10a: {  	v8 =	vadd.s32 v1, v8;
	[tilespmem:s26+$0x50] =	vst v9  }
0x10b: {  	[tilespmem:s26+$0x850] =	vst v8  }
0x10c: {  	v8 =	vld.idx.msk [tilespmem:v7+s26+$0x20 ss:$0x1], $0xffff;
	_ =	sdelay $0x5  }
0x10d: {  	v9 =	vshrl.u32 v8, $0xE;
	v8 =	vand.u32 $0x3FFF, v8  }
0x10e: {  	v8 =	vadd.s32 v1, v8;
	[tilespmem:s26+$0x60] =	vst v9  }
0x10f: {  	[tilespmem:s26+$0x860] =	vst v8  }
0x110: {  	v8 =	vld.idx.msk [tilespmem:v7+s26+$0x30 ss:$0x1], $0xffff;
	_ =	sdelay $0x2  }
.Ltmp7:
0x111: {  	(pc) =	sbr.rel @p0 .LBB2_15-.Ltmp7, $3  }
0x112: {  	_ =	sdelay $0x1  }
0x113: {  	v9 =	vshrl.u32 v8, $0xE;
	v8 =	vand.u32 $0x3FFF, v8  }
0x114: {  	v8 =	vadd.s32 v1, v8;
	[tilespmem:s26+$0x70] =	vst v9  }
0x115: {  	_ =	sdelay $0x2  }
0x116: {  	s28 =	sshra.s32 s28, $0x2;
	[tilespmem:s26+$0x870] =	vst v8  }
0x117: {  	v8 =	vld.idx.msk [tilespmem:v7+s28+$0xFFFFFFC0 ss:$0x1], $0xffff;
	_ =	sdelay $0x4  }
0x118: {  	v9 =	vshrl.u32 v8, $0xE;
	v8 =	vand.u32 $0x3FFF, v8  }
0x119: {  	v8 =	vadd.s32 v1, v8;
	[tilespmem:s28+$0x0] =	vst v9  }
0x11a: {  	[tilespmem:s28+$0x800] =	vst v8  }
0x11b: {  	v8 =	vld.idx.msk [tilespmem:v7+s28+$0xFFFFFFD0 ss:$0x1], $0xffff;
	_ =	sdelay $0x4  }
0x11c: {  	v58 =	vshrl.u32 v8, $0xE;
	v8 =	vand.u32 $0x3FFF, v8  }
0x11d: {  	v8 =	vadd.s32 v1, v8;
	[tilespmem:s28+$0x10] =	vst v58  }
0x11e: {  	[tilespmem:s28+$0x810] =	vst v8  }
0x11f: {  	v8 =	vld.idx.msk [tilespmem:v7+s28+$0xFFFFFFE0 ss:$0x1], $0xffff;
	_ =	sdelay $0x4  }
0x120: {  	v59 =	vshrl.u32 v8, $0xE;
	v8 =	vand.u32 $0x3FFF, v8  }
0x121: {  	v8 =	vadd.s32 v1, v8;
	[tilespmem:s28+$0x20] =	vst v59  }
0x122: {  	[tilespmem:s28+$0x820] =	vst v8  }
0x123: {  	v8 =	vld.idx.msk [tilespmem:v7+s28+$0xFFFFFFF0 ss:$0x1], $0xffff;
	_ =	sdelay $0x4  }
0x124: {  	v60 =	vshrl.u32 v8, $0xE;
	v8 =	vand.u32 $0x3FFF, v8  }
0x125: {  	v8 =	vadd.s32 v1, v8;
	[tilespmem:s28+$0x30] =	vst v60  }
0x126: {  	[tilespmem:s28+$0x830] =	vst v8  }
0x127: {  	v8 =	vld.idx.msk [tilespmem:v7+s28+$0x0 ss:$0x1], $0xffff;
	_ =	sdelay $0x4  }
0x128: {  	v61 =	vshrl.u32 v8, $0xE;
	v8 =	vand.u32 $0x3FFF, v8  }
0x129: {  	v8 =	vadd.s32 v1, v8;
	[tilespmem:s28+$0x40] =	vst v61  }
0x12a: {  	[tilespmem:s28+$0x840] =	vst v8  }
0x12b: {  	v8 =	vld.idx.msk [tilespmem:v7+s28+$0x10 ss:$0x1], $0xffff;
	_ =	sdelay $0x4  }
0x12c: {  	v62 =	vshrl.u32 v8, $0xE;
	v8 =	vand.u32 $0x3FFF, v8  }
0x12d: {  	v8 =	vadd.s32 v1, v8;
	[tilespmem:s28+$0x50] =	vst v62  }
0x12e: {  	[tilespmem:s28+$0x850] =	vst v8  }
0x12f: {  	v8 =	vld.idx.msk [tilespmem:v7+s28+$0x20 ss:$0x1], $0xffff;
	_ =	sdelay $0x4  }
0x130: {  	v63 =	vshrl.u32 v8, $0xE;
	v8 =	vand.u32 $0x3FFF, v8  }
0x131: {  	v8 =	vadd.s32 v1, v8;
	[tilespmem:s28+$0x60] =	vst v63  }
0x132: {  	[tilespmem:s28+$0x860] =	vst v8  }
0x133: {  	v7 =	vld.idx.msk [tilespmem:v7+s28+$0x30 ss:$0x1], $0xffff;
	_ =	sdelay $0x3  }
0x134: {  	s1 =	sshll.u32 s25, $0xB  }
0x135: {  	s26 =	sadd.s32 s1, s12;
	v8 =	vshrl.u32 v7, $0xE;
	v7 =	vand.u32 $0x3FFF, v7  }
0x136: {  	s26 =	sshrl.u32 s26, $0x3;
	v7 =	vadd.s32 v1, v7;
	[tilespmem:s28+$0x70] =	vst v8  }
0x137: {  	s29 =	simm.s32 $0x0;
	[tilespmem:s28+$0x870] =	vst v7;
	s28 =	sadd.s32 s6, s26  }
0x138: {  	[hbm4b:s28+s29] =	stream.linear.scatter [tilespmem:s17], [sflag:$0x1], $0x800, $0x38;
	[tilespmem:$0x1E900] =	vst v63  }
0x139: {  	_ =	swait.ge [sflag:s16], $0x800  }
0x13a: {  	[sflag:s16] =	ssyncset.done $0x0  }
0x13b: {  	s31 =	sadd.s32 $0x0, s21;
	s26 =	sadd.s32 s7, s26;
	[sflag:s16] =	ssyncadd.s32 $0xFFFFF800  }
0x13c: {  	[hbm4b:s26+s29] =	stream.linear.scatter [tilespmem:s29], [sflag:$0x1], $0x800, $0x38;
	[tilespmem:$0x1E900] =	vst v63  }
0x13d: {  	p0 =	sge.s32 s31, s22;
	_ =	swait.ge [sflag:s16], $0x800  }
0x13e: {  	s30 =	simm.s32 @!p0 $0x1;
	[sflag:s16] =	ssyncset.done $0x0  }
0x13f: {  	s28 =	simm.s32 @!p0 $0x6080;
	s26 =	simm.s32 @!p0 $0x80;
	[sflag:s16] =	ssyncadd.s32 $0xFFFFF800  }
0x140: {  	[spmem:s3] =	stream.indirect.scatter.add.f32 @!p0 [tilespmem:s28], [sflag:$0x1], $0x80, s29, s26, $0xb8;
	[tilespmem:$0x1E900] =	vst v63  }
0x141: {  	s28 =	simm.s32 $0x1;
	_ =	swait.ge @!p0 [sflag:s30], $0x4000  }
0x142: {  	s29 =	simm.s32 $0x2;
	s26 =	simm.s32 $0x80;
	[sflag:s30] =	ssyncset.done @!p0 $0x0  }
.LBB2_17:
0x143: {  	s31 =	sadd.s32 s28, s21;
	s28 =	smov.u32 s29;
	s29 =	sadd.s32 $0x1, s29  }
0x144: {  	[sflag:s30] =	ssyncadd.s32 @!p0 $0xFFFFC000;
	p1 =	sne.s32 s29, $0x10  }
.Ltmp8:
0x145: {  	p0 =	sge.s32 s31, s22;
	(pc) =	sbr.rel @p1 .LBB2_17-.Ltmp8, $4  }
0x146: {  	s31 =	simm.s32 @!p0 $0x80;
	s1 =	simm.s32 @!p0 $0x6080;
	s30 =	simm.s32 @!p0 $0x1  }
0x147: {  	[spmem:s3] =	stream.indirect.scatter.add.f32 @!p0 [tilespmem:s1], [sflag:$0x1], $0x80, s26, s31, $0xb8;
	[tilespmem:$0x1E900] =	vst v63  }
0x148: {  	_ =	swait.ge @!p0 [sflag:s30], $0x4000  }
0x149: {  	s26 =	sadd.s32 $0x80, s26;
	[sflag:s30] =	ssyncset.done @!p0 $0x0  }
0x14a: {  	s1 =	sadd.s32 s28, s21  }
0x14b: {  	[sflag:s30] =	ssyncadd.s32 @!p0 $0xFFFFC000;
	s25 =	sadd.s32 $0x1, s25;
	p0 =	sge.s32 s1, s22  }
0x14c: {  	p1 =	sne.s32 s25, s23;
	s1 =	simm.s32 @!p0 $0x80  }
.Ltmp9:
0x14d: {  	s28 =	simm.s32 @!p0 $0x6080;
	s29 =	simm.s32 @!p0 $0x1;
	(pc) =	sbr.rel @p1 .LBB2_14-.Ltmp9, $4  }
0x14e: {  	[spmem:s3] =	stream.indirect.scatter.add.f32 @!p0 [tilespmem:s28], [sflag:$0x1], $0x80, s26, s1, $0xb8;
	[tilespmem:$0x1E900] =	vst v63  }
0x14f: {  	_ =	swait.ge @!p0 [sflag:s29], $0x4000  }
0x150: {  	[sflag:s29] =	ssyncset.done @!p0 $0x0  }
0x151: {  	s24 =	sadd.s32 $0x800, s24;
	s21 =	sadd.s32 $0x10, s21;
	[sflag:s29] =	ssyncadd.s32 @!p0 $0xFFFFC000  }
.LBB2_19:
0x152: {  	[bflag:$0x0] =	sbarrier.arrive $0xFFFF  }
0x153: {  	[tilespmem:s15], [sflag:$0x1] =	stream.linear.gather [spmem:s9], $0x800, $0x38;
	[tilespmem:$0x1E900] =	vst v63  }
0x154: {  	_ =	swait.ge [sflag:s16], $0x800  }
0x155: {  	[sflag:s16] =	ssyncset.done $0x0  }
0x156: {  	s1 =	sadd.s32 $0x0, s14;
	[sflag:s16] =	ssyncadd.s32 $0xFFFFF800  }
0x157: {  	[hbm4b:s1+s4] =	stream.linear.scatter [tilespmem:s15], [sflag:$0x1], $0x800, $0x38;
	[tilespmem:$0x1E900] =	vst v63  }
0x158: {  	_ =	swait.ge [sflag:s16], $0x800  }
0x159: {  	s21 =	simm.s32 $0x100;
	s22 =	smov.u32 s9;
	[sflag:s16] =	ssyncset.done $0x0  }
.LBB2_20:
0x15a: {  	p0 =	sne.s32 s21, $0x2700;
	[sflag:s16] =	ssyncadd.s32 $0xFFFFF800;
	s22 =	sadd.s32 $0x800, s22  }
0x15b: {  	[tilespmem:s15], [sflag:$0x1] =	stream.linear.gather [spmem:s22], $0x800, $0x38;
	[tilespmem:$0x1E900] =	vst v63  }
0x15c: {  	s1 =	smov.u32 s21;
	s21 =	sadd.s32 $0x100, s21;
	_ =	swait.ge [sflag:s16], $0x800  }
.Ltmp10:
0x15d: {  	[sflag:s16] =	ssyncset.done $0x0;
	(pc) =	sbr.rel @p0 .LBB2_20-.Ltmp10, $4  }
0x15e: {  	s1 =	sadd.s32 s1, s14;
	[sflag:s16] =	ssyncadd.s32 $0xFFFFF800  }
0x15f: {  	[hbm4b:s1+s4] =	stream.linear.scatter [tilespmem:s15], [sflag:$0x1], $0x800, $0x38;
	[tilespmem:$0x1E900] =	vst v63  }
0x160: {  	_ =	swait.ge [sflag:s16], $0x800  }
0x161: {  	[sflag:s16] =	ssyncset.done $0x0  }
0x162: {  	s20 =	sadd.s32 $0x1, s20  }
0x163: {  	p0 =	sne.s32 s20, s13  }
.Ltmp11:
0x164: {  	_ = 	snop;
	(pc) =	sbr.rel @p0 .LBB2_1-.Ltmp11, $2  }
0x165: {  	_ =	sdelay $0x2  }
0x166: {  	[sflag:s16] =	ssyncadd.s32 $0xFFFFF800  }
0x167: {  	_ =	sfence.sel $0x180000  }
0x168: {  	[bflag:$0x0] =	sbarrier.arrive $0xFFFF  }
0x169: {  	_ =	strace $0x90000047  }
0x16a: {  	[bflag:$0x2] =	sbarrier.arrive $0xFFFF  }
0x16b: {  	p0 =	sne.s32 s0, $0x0;
	s0 =	rddreg [dreg:$0x3]  }
0x16c: {  	s0 =	sadd.s32 @!p0 $0x100000, s0  }
0x16d: {  	[sflag:s0] =	ssyncadd.tile.s32 @!p0 $0x1;
	_ =	shalt  }
.Lfunc_end2:
_tile_overlayer_lowered:
.L_overlay_start_2:
0x16e: {  	(tag) =	ssettag $0x2  }
0x16f: {  	s0 =	rddreg [dreg:$0x0];
	s2 =	stileid.u32  }
0x170: {  	s1 =	rddreg [dreg:$0x1];
	p0 =	sne.s32 s2, $0x0  }
0x171: {  	s3 =	rddreg [dreg:$0x2];
	[bflag:$0x3] =	sbarrier.arrive $0xFFFF;
	s2 =	simm.s32 @!p0 $0x1C01  }
0x172: {  	[timem:s3], [sflag:s2] =	dma.local @!p0 [hbm:s0], s1  }
0x173: {  	s0 =	simm.s32 @!p0 $0x1  }
0x174: {  	_ =	swait.ge @!p0 [sflag:s0], s1  }
0x175: {  	s1 =	ssub.s32 @!p0 $0x0, s1;
	[sflag:s0] =	ssyncset.done @!p0 $0x0  }
0x176: {  	[sflag:s0] =	ssyncadd.s32 @!p0 s1  }
0x177: {  	[bflag:$0x3] =	sbarrier.arrive $0xFFFF  }
0x178: {  	_ =	shalt  }

</sc_bundles>
